<compile_context>
chip_gen: v7x
topology: tpu7x:2x2x1
jax: 0.10.2.dev20260603
libtpu: 0.0.44.dev20260713+nightly
codegen_flags: <defaults>
</compile_context>

<pallas_src>
import functools

import jax
import jax.numpy as jnp
from jax import lax
from jax.experimental import pallas as pl
from jax.experimental.pallas import tpu as pltpu
from jax.experimental.pallas import tpu_sc as plsc

B = 16384
D = 64
PATHS = 100
NODES = 1000000
NC = 2
NS = 16
L = 16
NW = NC * NS
BPW = B // NW

PIECE = 1024
NP = 32
OWN = NP * PIECE
CAP = 1536
SCAP = 64
SCH = 4096
NROUND = B // SCH
DUMP = B
EXR = B + SCAP
TAIL0 = (NODES // 128) * 128
TMAXA = TAIL0 - 128

_mesh = plsc.VectorSubcoreMesh(core_axis_name="c", subcore_axis_name="s")


def _wid():
    return lax.axis_index("s") * NC + lax.axis_index("c")


def _scalar(v, h):
    lanes = lax.iota(jnp.int32, L)
    return jnp.sum(jnp.where(lanes == h, v, 0))


def _count(m):
    n16 = plsc.all_reduce_population_count(m)
    return lax.squeeze(lax.slice(n16, (0,), (1,)), (0,))


@functools.partial(
    pl.kernel,
    mesh=_mesh,
    out_type=(
        jax.ShapeDtypeStruct((EXR, 128), jnp.float32),
        jax.ShapeDtypeStruct((EXR, 128), jnp.float32),
    ),
    scratch_types=[
        pltpu.VMEM((SCH,), jnp.int32),
        pltpu.VMEM((SCH,), jnp.int32),
        pltpu.VMEM((CAP,), jnp.int32),
        pltpu.VMEM((CAP,), jnp.int32),
        pltpu.VMEM((CAP,), jnp.int32),
        pltpu.VMEM((CAP,), jnp.int32),
        pltpu.VMEM((9, D, 128), jnp.float32),
        pltpu.VMEM((SCAP, 128), jnp.float32),
        pltpu.VMEM((SCAP, 128), jnp.float32),
        pltpu.VMEM((SCAP, 128), jnp.float32),
        pltpu.VMEM((SCAP, 128), jnp.float32),
        pltpu.VMEM((SCAP,), jnp.int32),
        pltpu.VMEM((SCAP,), jnp.int32),
        pltpu.VMEM((SCAP,), jnp.int32),
        pltpu.VMEM((SCAP,), jnp.int32),
        pltpu.VMEM((L,), jnp.int32),
        pltpu.VMEM((L,), jnp.int32),
        pltpu.SemaphoreType.DMA,
        pltpu.SemaphoreType.DMA,
    ],
    compiler_params=pltpu.CompilerParams(
        needs_layout_passes=False, use_tc_tiling_on_sc=True),
)
def _extract_sc(sn_hbm, en_hbm, ntT_hbm, ntail_hbm, sex_hbm, eex_hbm,
                sbuf, ebuf, sil, sql, eil, eql, slab,
                sstA, estA, sstB, estB, sdsA, edsA, sdsB, edsB,
                tmpi, tmpq, sem, sem2):
    w = _wid()
    lo = w * OWN
    hi = lo + OWN
    lanes = lax.iota(jnp.int32, L)

    pltpu.sync_copy(ntail_hbm, slab.at[8])

    def round_body(r, tails):
        ca = pltpu.async_copy(sn_hbm.at[pl.ds(r * SCH, SCH)], sbuf, sem)
        cb = pltpu.async_copy(en_hbm.at[pl.ds(r * SCH, SCH)], ebuf, sem)
        ca.wait()
        cb.wait()

        def chunk_body(t, tails):
            st, et = tails
            qv = r * SCH + t * L + lanes
            sv = sbuf[pl.ds(t * L, L)]
            m = jnp.logical_and(sv >= lo, sv < hi)
            n = _count(m)
            plsc.store_compressed(sil.at[pl.ds(st, L)], sv, mask=m)
            plsc.store_compressed(sql.at[pl.ds(st, L)], qv, mask=m)
            st = jnp.minimum(st + n, CAP - L)
            ev = ebuf[pl.ds(t * L, L)]
            m = jnp.logical_and(ev >= lo, ev < hi)
            n = _count(m)
            plsc.store_compressed(eil.at[pl.ds(et, L)], ev, mask=m)
            plsc.store_compressed(eql.at[pl.ds(et, L)], qv, mask=m)
            et = jnp.minimum(et + n, CAP - L)
            return st, et

        return lax.fori_loop(0, SCH // L, chunk_body, tails)

    stail, etail = lax.fori_loop(0, NROUND, round_body, (0, 0))

    def do_piece(t, sstage, estage, sdst, edst):
        bp0 = lo + t * PIECE
        copies = []
        for k in range(8):
            bk = pl.multiple_of(jnp.minimum(bp0 + k * 128, TMAXA), 128)
            copies.append(pltpu.async_copy(
                ntT_hbm.at[:, pl.ds(bk, 128)], slab.at[k], sem))
        for c in copies:
            c.wait()

        for j in range(SCAP // L):
            dump16 = DUMP + j * L + lanes
            sdst[pl.ds(j * L, L)] = dump16
            edst[pl.ds(j * L, L)] = dump16

        def drain(ilist, qlist, tail, stage, dst):
            def chunk(ch, ptail):
                iv = ilist[pl.ds(ch * L, L)]
                qv = qlist[pl.ds(ch * L, L)]
                valid = (ch * L + lanes) < tail
                m = jnp.logical_and(valid, jnp.logical_and(
                    iv >= bp0, iv < bp0 + PIECE))
                n = _count(m)
                packv = (iv - bp0) * 16384 + qv
                plsc.store_compressed(tmpi.at[pl.ds(0, L)], packv, mask=m)
                plsc.store_compressed(dst.at[pl.ds(ptail, L)], qv, mask=m)
                tiv = tmpi[...]

                def hit(h, slot):
                    p_s = _scalar(tiv, h)
                    off = lax.shift_right_logical(p_s, 14)
                    i_s = bp0 + off
                    k = lax.shift_right_logical(off, 7)
                    bkc = jnp.minimum(bp0 + k * 128, TMAXA)
                    is_tail = i_s >= TAIL0
                    k = jnp.where(is_tail, 8, k)
                    lane = jnp.where(is_tail, i_s - TAIL0, i_s - bkc)
                    kf = jnp.full((L,), k, jnp.int32)
                    lf = jnp.full((L,), lane, jnp.int32)
                    for c in range(D // L):
                        g = plsc.load_gather(
                            slab, [kf, lanes + c * L, lf])
                        stage[slot, pl.ds(c * L, L)] = g
                    return slot + 1

                ptail = lax.fori_loop(0, n, hit, ptail)
                return jnp.minimum(ptail, SCAP - L)

            nch = lax.div(tail + (L - 1), L)
            return lax.fori_loop(0, nch, chunk, 0)

        ps = drain(sil, sql, stail, sstage, sdst)
        pe = drain(eil, eql, etail, estage, edst)
        for c in range(SCAP // L):
            csl = pl.ds(c * L, L)

            @pl.when(ps > c * L)
            def _():
                pltpu.async_copy(
                    sstage.at[csl], sex_hbm.at[sdst.at[csl]], sem2)

            @pl.when(pe > c * L)
            def _():
                pltpu.async_copy(
                    estage.at[csl], eex_hbm.at[edst.at[csl]], sem2)

        return lax.div(ps + (L - 1), L) + lax.div(pe + (L - 1), L)

    def drain_pending(n):
        def one(i, c):
            pltpu.make_async_copy(
                sex_hbm.at[pl.ds(0, L)], sstA.at[pl.ds(0, L)], sem2).wait()
            return c

        lax.fori_loop(0, n, one, 0)

    def pair_body(j, pends):
        pA, pB = pends
        drain_pending(pA)
        pA = do_piece(2 * j, sstA, estA, sdsA, edsA)
        drain_pending(pB)
        pB = do_piece(2 * j + 1, sstB, estB, sdsB, edsB)
        return pA, pB

    pA, pB = lax.fori_loop(0, NP // 2, pair_body, (0, 0))
    drain_pending(pA + pB)


@functools.partial(
    pl.kernel,
    mesh=_mesh,
    out_type=jax.ShapeDtypeStruct((B,), jnp.float32),
    scratch_types=[
        pltpu.VMEM((BPW,), jnp.int32),
        pltpu.VMEM((PATHS, 128), jnp.float32),
        pltpu.VMEM((128, 128), jnp.float32),
        pltpu.VMEM((128, 128), jnp.float32),
        pltpu.VMEM((BPW,), jnp.float32),
        pltpu.SemaphoreType.DMA,
    ],
    compiler_params=pltpu.CompilerParams(
        needs_layout_passes=False, use_tc_tiling_on_sc=True),
)
def _pair_sc(sex_hbm, eex_hbm, pt_hbm, ptab_hbm, out_hbm,
             pidx, ptab, srows, erows, outv, sem):
    w = _wid()
    base = w * BPW
    lanes = lax.iota(jnp.int32, L)

    pltpu.sync_copy(pt_hbm.at[pl.ds(base, BPW)], pidx)
    pltpu.sync_copy(ptab_hbm, ptab)

    def sub_body(sb, carry):
        qb = base + sb * 128
        ca = pltpu.async_copy(sex_hbm.at[pl.ds(qb, 128)], srows, sem)
        cb = pltpu.async_copy(eex_hbm.at[pl.ds(qb, 128)], erows, sem)
        ca.wait()
        cb.wait()

        def group_body(g, carry):
            pvec = pidx[pl.ds(sb * 128 + g * L, L)]
            out16 = jnp.zeros((L,), jnp.float32)
            for k in range(L):
                pid = lax.squeeze(lax.slice(pvec, (k,), (k + 1,)), (0,))
                row = g * L + k
                acc = jnp.zeros((L,), jnp.float32)
                for c in range(D // L):
                    sl = pl.ds(c * L, L)
                    pvv = ptab[pid, sl]
                    svv = srows[row, sl]
                    evv = erows[row, sl]
                    acc = acc + jnp.where(pvv > 0.0, svv * evv, 0.0)
                tot = jnp.sum(acc)
                out16 = jnp.where(lanes == k, tot, out16)
            z = jnp.exp(-jnp.abs(out16))
            sig = jnp.where(out16 >= 0.0, 1.0 / (1.0 + z), z / (1.0 + z))
            outv[pl.ds(sb * 128 + g * L, L)] = sig
            return carry

        return lax.fori_loop(0, 128 // L, group_body, carry)

    lax.fori_loop(0, BPW // 128, sub_body, 0)

    pltpu.sync_copy(outv, out_hbm.at[pl.ds(base, BPW)])


def kernel(start_node, end_node, path, node_table, path_table):
    sn = start_node.astype(jnp.int32)
    en = end_node.astype(jnp.int32)
    pt = path.astype(jnp.int32)
    nt_tail = jnp.pad(node_table[TAIL0:].T, ((0, 0), (0, 128 - (NODES - TAIL0))))
    sex, eex = _extract_sc(sn, en, node_table.T, nt_tail)
    ptab_pad = jnp.pad(path_table, ((0, 0), (0, 128 - D)))
    return _pair_sc(sex, eex, pt, ptab_pad)

# --- scband reference (transcript-rebuilt; emitter-appended) ---
"""Pipeline reference for scband-hin2-vec-13030930776320 (READ-ONLY COPY).

The authoritative reference and input builder live on the scoring server;
editing this copy changes nothing except your own understanding.
"""

import jax, jax.numpy as jnp
import numpy as np

NODE_SIZE = 1000000
PATH_SIZE = 100
EMB_DIM = 64
BATCH = 16384


def binary_reg(x):
    a = jax.nn.sigmoid(x)
    b = jax.lax.stop_gradient(a)
    c = (jax.lax.stop_gradient(x) > 0).astype(x.dtype)
    return a - b + c


def setup_inputs(seed: int = 0) -> dict:
    key = jax.random.key(seed)
    k1, k2, k3, k4, k5 = jax.random.split(key, 5)
    start_node = jax.random.randint(k1, (BATCH,), 0, NODE_SIZE, dtype=jnp.int64 if jax.config.jax_enable_x64 else jnp.int32)
    end_node = jax.random.randint(k2, (BATCH,), 0, NODE_SIZE, dtype=jnp.int64 if jax.config.jax_enable_x64 else jnp.int32)
    path = jax.random.randint(k3, (BATCH,), 0, PATH_SIZE, dtype=jnp.int64 if jax.config.jax_enable_x64 else jnp.int32)
    node_table = jax.random.normal(k4, (NODE_SIZE, EMB_DIM), dtype=jnp.float32)
    path_table = jax.random.normal(k5, (PATH_SIZE, EMB_DIM), dtype=jnp.float32)
    return {"start_node": start_node, "end_node": end_node, "path": path, "node_table": node_table, "path_table": path_table}


def reference(start_node, end_node, path, node_table, path_table):
    # directed=False -> start and end share the same embedding table
    _s = jnp.take(node_table, start_node, axis=0)
    _e = jnp.take(node_table, end_node, axis=0)
    _p = jnp.take(path_table, path, axis=0)
    _p = binary_reg(_p)  # sigmoid_reg=False -> binary_reg
    _nodes_pair = _s * _e
    _r = _nodes_pair * _p
    output = jax.nn.sigmoid(jnp.sum(_r, axis=1))
    return output

if __name__ == "__main__":
    import jax
    _d = setup_inputs()
    print(jax.jit(kernel)(*tuple(_d.values())))

</pallas_src>

<mosaic_0001>
#map = affine_map<(d0, d1) -> (0)>
#map1 = affine_map<(d0, d1) -> (0, 0)>
module attributes {stable_mosaic.version = 14 : i64} {
  func.func @_extract_sc(%arg0: i32, %arg1: i32, %arg2: memref<16384xi32, #tpu.memory_space<hbm>>, %arg3: memref<16384xi32, #tpu.memory_space<hbm>>, %arg4: memref<64x1000000xf32, #tpu.memory_space<hbm>>, %arg5: memref<64x128xf32, #tpu.memory_space<hbm>>, %arg6: memref<16448x128xf32, #tpu.memory_space<hbm>>, %arg7: memref<16448x128xf32, #tpu.memory_space<hbm>>, %arg8: memref<4096xi32, #tpu.memory_space<vmem>>, %arg9: memref<4096xi32, #tpu.memory_space<vmem>>, %arg10: memref<1536xi32, #tpu.memory_space<vmem>>, %arg11: memref<1536xi32, #tpu.memory_space<vmem>>, %arg12: memref<1536xi32, #tpu.memory_space<vmem>>, %arg13: memref<1536xi32, #tpu.memory_space<vmem>>, %arg14: memref<9x64x128xf32, #tpu.memory_space<vmem>>, %arg15: memref<64x128xf32, #tpu.memory_space<vmem>>, %arg16: memref<64x128xf32, #tpu.memory_space<vmem>>, %arg17: memref<64x128xf32, #tpu.memory_space<vmem>>, %arg18: memref<64x128xf32, #tpu.memory_space<vmem>>, %arg19: memref<64xi32, #tpu.memory_space<vmem>>, %arg20: memref<64xi32, #tpu.memory_space<vmem>>, %arg21: memref<64xi32, #tpu.memory_space<vmem>>, %arg22: memref<64xi32, #tpu.memory_space<vmem>>, %arg23: memref<16xi32, #tpu.memory_space<vmem>>, %arg24: memref<16xi32, #tpu.memory_space<vmem>>, %arg25: memref<!tpu.dma_semaphore, #tpu.memory_space<semaphore_mem>>, %arg26: memref<!tpu.dma_semaphore, #tpu.memory_space<semaphore_mem>>) attributes {dimension_semantics = [#tpu.dimension_semantics<core_parallel>, #tpu.dimension_semantics<subcore_parallel>], iteration_bounds = array<i64: 2, 16>, scalar_prefetch = 0 : i64, scratch_operands = 19 : i64, tpu.core_type = #tpu.core_type<sc_vector_subcore>, window_params = [{transform_indices = #map}, {transform_indices = #map}, {transform_indices = #map1}, {transform_indices = #map1}, {transform_indices = #map1}, {transform_indices = #map1}]} {
    %mul3A = arith.constant 2 : i32
    %mul3A_0 = arith.muli %arg1, %mul3A : i32
    %add3A = arith.addi %mul3A_0, %arg0 : i32
    %mul3A_1 = arith.constant 32768 : i32
    %mul3A_2 = arith.muli %add3A, %mul3A_1 : i32
    %add3A_3 = arith.constant 32768 : i32
    %add3A_4 = arith.addi %mul3A_2, %add3A_3 : i32
    %iota3A = tpu.iota {dimensions = array<i32: 0>} : vector<16xi32>
    %run_scoped3A = arith.constant 8 : i32
    "tpu.region"() ({
      %run_scoped3A_30 = tpu.sem_alloc : memref<!tpu.dma_semaphore, #tpu.memory_space<semaphore_mem>>
      %dma_start3A = arith.constant 0 : i32
      %dma_start3A_31 = arith.constant 0 : i32
      %dma_start3A_32 = tpu.memref_slice %arg14[%run_scoped3A, %dma_start3A, %dma_start3A_31] : memref<9x64x128xf32, #tpu.memory_space<vmem>> -> memref<1x64x128xf32, #tpu.memory_space<vmem>>
      %dma_start3A_33 = tpu.memref_squeeze %dma_start3A_32 : memref<1x64x128xf32, #tpu.memory_space<vmem>> -> memref<64x128xf32, #tpu.memory_space<vmem>>
      %dma_start3A_34 = arith.constant 0 : i32
      %dma_start3A_35 = arith.constant 0 : i32
      %dma_start3A_36 = tpu.memref_slice %arg14[%run_scoped3A, %dma_start3A_34, %dma_start3A_35] : memref<9x64x128xf32, #tpu.memory_space<vmem>> -> memref<1x64x128xf32, #tpu.memory_space<vmem>>
      %dma_start3A_37 = tpu.memref_squeeze %dma_start3A_36 : memref<1x64x128xf32, #tpu.memory_space<vmem>> -> memref<64x128xf32, #tpu.memory_space<vmem>>
      tpu.enqueue_dma source(%arg5 : memref<64x128xf32, #tpu.memory_space<hbm>>) target(%dma_start3A_37 : memref<64x128xf32, #tpu.memory_space<vmem>>) target_semaphore(%run_scoped3A_30 : memref<!tpu.dma_semaphore, #tpu.memory_space<semaphore_mem>>)
      %dma_wait3A = arith.constant 0 : i32
      %dma_wait3A_38 = arith.constant 0 : i32
      %dma_wait3A_39 = tpu.memref_slice %arg14[%run_scoped3A, %dma_wait3A, %dma_wait3A_38] : memref<9x64x128xf32, #tpu.memory_space<vmem>> -> memref<1x64x128xf32, #tpu.memory_space<vmem>>
      %dma_wait3A_40 = tpu.memref_squeeze %dma_wait3A_39 : memref<1x64x128xf32, #tpu.memory_space<vmem>> -> memref<64x128xf32, #tpu.memory_space<vmem>>
      %dma_wait3A_41 = arith.constant 0 : i32
      %dma_wait3A_42 = arith.constant 0 : i32
      %dma_wait3A_43 = tpu.memref_slice %arg14[%run_scoped3A, %dma_wait3A_41, %dma_wait3A_42] : memref<9x64x128xf32, #tpu.memory_space<vmem>> -> memref<1x64x128xf32, #tpu.memory_space<vmem>>
      %dma_wait3A_44 = tpu.memref_squeeze %dma_wait3A_43 : memref<1x64x128xf32, #tpu.memory_space<vmem>> -> memref<64x128xf32, #tpu.memory_space<vmem>>
      tpu.wait_dma2 semaphore(%run_scoped3A_30 : memref<!tpu.dma_semaphore, #tpu.memory_space<semaphore_mem>>) src(%arg5 : memref<64x128xf32, #tpu.memory_space<hbm>>) dst(%dma_wait3A_44 : memref<64x128xf32, #tpu.memory_space<vmem>>)
      tpu.yield
    }) : () -> ()
    %scan3A = arith.constant 0 : i32
    %scan3A_5 = arith.constant 0 : i32
    %scan3A_6 = arith.constant 0 : i32
    %scan3A_7 = arith.constant 4 : i32
    %scan3A_8 = arith.addi %scan3A_6, %scan3A_7 : i32
    %scan3A_9 = arith.constant 1 : i32
    %scan3A_10:2 = scf.for %scan3A_30 = %scan3A_6 to %scan3A_8 step %scan3A_9 iter_args(%scan3A_31 = %scan3A, %scan3A_32 = %scan3A_5) -> (i32, i32)  : i32 {
      %mul3A_33 = arith.constant 4096 : i32
      %mul3A_34 = arith.muli %scan3A_30, %mul3A_33 : i32
      %dma_start3A = tpu.memref_slice %arg2[%mul3A_34] : memref<16384xi32, #tpu.memory_space<hbm>> -> memref<4096xi32, #tpu.memory_space<hbm>>
      %dma_start3A_35 = tpu.memref_slice %arg2[%mul3A_34] : memref<16384xi32, #tpu.memory_space<hbm>> -> memref<4096xi32, #tpu.memory_space<hbm>>
      tpu.enqueue_dma source(%dma_start3A_35 : memref<4096xi32, #tpu.memory_space<hbm>>) target(%arg8 : memref<4096xi32, #tpu.memory_space<vmem>>) target_semaphore(%arg25 : memref<!tpu.dma_semaphore, #tpu.memory_space<semaphore_mem>>)
      %mul3A_36 = arith.constant 4096 : i32
      %mul3A_37 = arith.muli %scan3A_30, %mul3A_36 : i32
      %dma_start3A_38 = tpu.memref_slice %arg3[%mul3A_37] : memref<16384xi32, #tpu.memory_space<hbm>> -> memref<4096xi32, #tpu.memory_space<hbm>>
      %dma_start3A_39 = tpu.memref_slice %arg3[%mul3A_37] : memref<16384xi32, #tpu.memory_space<hbm>> -> memref<4096xi32, #tpu.memory_space<hbm>>
      tpu.enqueue_dma source(%dma_start3A_39 : memref<4096xi32, #tpu.memory_space<hbm>>) target(%arg9 : memref<4096xi32, #tpu.memory_space<vmem>>) target_semaphore(%arg25 : memref<!tpu.dma_semaphore, #tpu.memory_space<semaphore_mem>>)
      %dma_wait3A = tpu.memref_slice %arg2[%mul3A_34] : memref<16384xi32, #tpu.memory_space<hbm>> -> memref<4096xi32, #tpu.memory_space<hbm>>
      %dma_wait3A_40 = tpu.memref_slice %arg2[%mul3A_34] : memref<16384xi32, #tpu.memory_space<hbm>> -> memref<4096xi32, #tpu.memory_space<hbm>>
      tpu.wait_dma2 semaphore(%arg25 : memref<!tpu.dma_semaphore, #tpu.memory_space<semaphore_mem>>) src(%dma_wait3A_40 : memref<4096xi32, #tpu.memory_space<hbm>>) dst(%arg8 : memref<4096xi32, #tpu.memory_space<vmem>>)
      %dma_wait3A_41 = tpu.memref_slice %arg3[%mul3A_37] : memref<16384xi32, #tpu.memory_space<hbm>> -> memref<4096xi32, #tpu.memory_space<hbm>>
      %dma_wait3A_42 = tpu.memref_slice %arg3[%mul3A_37] : memref<16384xi32, #tpu.memory_space<hbm>> -> memref<4096xi32, #tpu.memory_space<hbm>>
      tpu.wait_dma2 semaphore(%arg25 : memref<!tpu.dma_semaphore, #tpu.memory_space<semaphore_mem>>) src(%dma_wait3A_42 : memref<4096xi32, #tpu.memory_space<hbm>>) dst(%arg9 : memref<4096xi32, #tpu.memory_space<vmem>>)
      %scan3A_43 = arith.constant 0 : i32
      %scan3A_44 = arith.constant 256 : i32
      %scan3A_45 = arith.addi %scan3A_43, %scan3A_44 : i32
      %scan3A_46 = arith.constant 1 : i32
      %scan3A_47:2 = scf.for %scan3A_49 = %scan3A_43 to %scan3A_45 step %scan3A_46 iter_args(%scan3A_50 = %scan3A_31, %scan3A_51 = %scan3A_32) -> (i32, i32)  : i32 {
        %mul3A_52 = arith.constant 4096 : i32
        %mul3A_53 = arith.muli %scan3A_30, %mul3A_52 : i32
        %mul3A_54 = arith.constant 16 : i32
        %mul3A_55 = arith.muli %scan3A_49, %mul3A_54 : i32
        %add3A_56 = arith.addi %mul3A_53, %mul3A_55 : i32
        %add3A_57 = vector.broadcast %add3A_56 : i32 to vector<16xi32>
        %add3A_58 = arith.addi %add3A_57, %iota3A : vector<16xi32>
        %mul3A_59 = arith.constant 16 : i32
        %mul3A_60 = arith.muli %scan3A_49, %mul3A_59 : i32
        %get3A = arith.index_cast %mul3A_60 : i32 to index
        %get3A_61 = tpu.vector_load %arg8[%get3A] {strides = array<i32>} : memref<4096xi32, #tpu.memory_space<vmem>>, vector<16xi32>,
        %ge3A = vector.broadcast %mul3A_2 : i32 to vector<16xi32>
        %ge3A_62 = arith.cmpi sge, %get3A_61, %ge3A : vector<16xi32>
        %lt3A = vector.broadcast %add3A_4 : i32 to vector<16xi32>
        %lt3A_63 = arith.cmpi slt, %get3A_61, %lt3A : vector<16xi32>
        %and3A = arith.andi %ge3A_62, %lt3A_63 : vector<16xi1>
        %all_reduce_population_count3A = tpu.all_reduce %and3A {dim = 0 : i64, kind = #tpu.reduction_kind<sum>} : vector<16xi1> -> vector<16xi32>
        %slice3A = vector.extract_strided_slice %all_reduce_population_count3A {offsets = [0], sizes = [1], strides = [1]} : vector<16xi32> to vector<1xi32>
        %squeeze3A = vector.extract %slice3A[0] : i32 from vector<1xi32>
        %swap3A = arith.index_cast %scan3A_50 : i32 to index
        %swap3A_64 = tpu.vector_load %arg10[%swap3A] masked %and3A {strides = array<i32>} : memref<1536xi32, #tpu.memory_space<vmem>>, vector<16xi32>, vector<16xi1>
        tpu.vector_store %arg10[%swap3A], %get3A_61 masked %and3A {strides = array<i32>} : memref<1536xi32, #tpu.memory_space<vmem>>, vector<16xi32>, vector<16xi1>
        %swap3A_65 = arith.index_cast %scan3A_50 : i32 to index
        %swap3A_66 = tpu.vector_load %arg11[%swap3A_65] masked %and3A {strides = array<i32>} : memref<1536xi32, #tpu.memory_space<vmem>>, vector<16xi32>, vector<16xi1>
        tpu.vector_store %arg11[%swap3A_65], %add3A_58 masked %and3A {strides = array<i32>} : memref<1536xi32, #tpu.memory_space<vmem>>, vector<16xi32>, vector<16xi1>
        %add3A_67 = arith.addi %scan3A_50, %squeeze3A : i32
        %min3A = arith.constant 1520 : i32
        %min3A_68 = arith.minsi %add3A_67, %min3A : i32
        %mul3A_69 = arith.constant 16 : i32
        %mul3A_70 = arith.muli %scan3A_49, %mul3A_69 : i32
        %get3A_71 = arith.index_cast %mul3A_70 : i32 to index
        %get3A_72 = tpu.vector_load %arg9[%get3A_71] {strides = array<i32>} : memref<4096xi32, #tpu.memory_space<vmem>>, vector<16xi32>,
        %ge3A_73 = vector.broadcast %mul3A_2 : i32 to vector<16xi32>
        %ge3A_74 = arith.cmpi sge, %get3A_72, %ge3A_73 : vector<16xi32>
        %lt3A_75 = vector.broadcast %add3A_4 : i32 to vector<16xi32>
        %lt3A_76 = arith.cmpi slt, %get3A_72, %lt3A_75 : vector<16xi32>
        %and3A_77 = arith.andi %ge3A_74, %lt3A_76 : vector<16xi1>
        %all_reduce_population_count3A_78 = tpu.all_reduce %and3A_77 {dim = 0 : i64, kind = #tpu.reduction_kind<sum>} : vector<16xi1> -> vector<16xi32>
        %slice3A_79 = vector.extract_strided_slice %all_reduce_population_count3A_78 {offsets = [0], sizes = [1], strides = [1]} : vector<16xi32> to vector<1xi32>
        %squeeze3A_80 = vector.extract %slice3A_79[0] : i32 from vector<1xi32>
        %swap3A_81 = arith.index_cast %scan3A_51 : i32 to index
        %swap3A_82 = tpu.vector_load %arg12[%swap3A_81] masked %and3A_77 {strides = array<i32>} : memref<1536xi32, #tpu.memory_space<vmem>>, vector<16xi32>, vector<16xi1>
        tpu.vector_store %arg12[%swap3A_81], %get3A_72 masked %and3A_77 {strides = array<i32>} : memref<1536xi32, #tpu.memory_space<vmem>>, vector<16xi32>, vector<16xi1>
        %swap3A_83 = arith.index_cast %scan3A_51 : i32 to index
        %swap3A_84 = tpu.vector_load %arg13[%swap3A_83] masked %and3A_77 {strides = array<i32>} : memref<1536xi32, #tpu.memory_space<vmem>>, vector<16xi32>, vector<16xi1>
        tpu.vector_store %arg13[%swap3A_83], %add3A_58 masked %and3A_77 {strides = array<i32>} : memref<1536xi32, #tpu.memory_space<vmem>>, vector<16xi32>, vector<16xi1>
        %add3A_85 = arith.addi %scan3A_51, %squeeze3A_80 : i32
        %min3A_86 = arith.constant 1520 : i32
        %min3A_87 = arith.minsi %add3A_85, %min3A_86 : i32
        scf.yield %min3A_68, %min3A_87 : i32, i32
      }
      %scan3A_48 = arith.constant 256 : i32
      scf.yield %scan3A_47#0, %scan3A_47#1 : i32, i32
    }
    %scan3A_11 = arith.constant 4 : i32
    %scan3A_12 = arith.constant 0 : i32
    %scan3A_13 = arith.constant 0 : i32
    %scan3A_14 = arith.constant 0 : i32
    %scan3A_15 = arith.constant 16 : i32
    %scan3A_16 = arith.addi %scan3A_14, %scan3A_15 : i32
    %scan3A_17 = arith.constant 1 : i32
    %scan3A_18:2 = scf.for %scan3A_30 = %scan3A_14 to %scan3A_16 step %scan3A_17 iter_args(%scan3A_31 = %scan3A_12, %scan3A_32 = %scan3A_13) -> (i32, i32)  : i32 {
      %while3A_33 = arith.constant 0 : i32
      %while3A_34 = arith.constant 0 : i32
      %while3A_35 = arith.subi %scan3A_31, %while3A_34 : i32
      %while3A_36 = arith.addi %while3A_34, %while3A_35 : i32
      %while3A_37 = arith.constant 1 : i32
      %while3A_38 = arith.divsi %while3A_35, %while3A_37 : i32
      %while3A_39 = arith.muli %while3A_38, %while3A_37 : i32
      %while3A_40 = arith.addi %while3A_34, %while3A_39 : i32
      %while3A_41 = arith.constant 1 : i32
      scf.for %while3A_770 = %while3A_34 to %while3A_40 step %while3A_41  : i32 {
        %dma_wait3A_771 = arith.constant 0 : i32
        %dma_wait3A_772 = arith.constant 0 : i32
        %dma_wait3A_773 = tpu.memref_slice %arg15[%dma_wait3A_771, %dma_wait3A_772] : memref<64x128xf32, #tpu.memory_space<vmem>> -> memref<16x128xf32, #tpu.memory_space<vmem>>
        %dma_wait3A_774 = arith.constant 0 : i32
        %dma_wait3A_775 = arith.constant 0 : i32
        %dma_wait3A_776 = tpu.memref_slice %arg6[%dma_wait3A_774, %dma_wait3A_775] : memref<16448x128xf32, #tpu.memory_space<hbm>> -> memref<16x128xf32, #tpu.memory_space<hbm>>
        %dma_wait3A_777 = arith.constant 0 : i32
        %dma_wait3A_778 = arith.constant 0 : i32
        %dma_wait3A_779 = tpu.memref_slice %arg15[%dma_wait3A_777, %dma_wait3A_778] : memref<64x128xf32, #tpu.memory_space<vmem>> -> memref<16x128xf32, #tpu.memory_space<vmem>>
        %dma_wait3A_780 = arith.constant 0 : i32
        %dma_wait3A_781 = arith.constant 0 : i32
        %dma_wait3A_782 = tpu.memref_slice %arg6[%dma_wait3A_780, %dma_wait3A_781] : memref<16448x128xf32, #tpu.memory_space<hbm>> -> memref<16x128xf32, #tpu.memory_space<hbm>>
        tpu.wait_dma2 semaphore(%arg26 : memref<!tpu.dma_semaphore, #tpu.memory_space<semaphore_mem>>) src(%dma_wait3A_782 : memref<16x128xf32, #tpu.memory_space<hbm>>) dst(%dma_wait3A_779 : memref<16x128xf32, #tpu.memory_space<vmem>>)
      }
      %while3A_42 = arith.constant 1 : i32
      scf.for %while3A_770 = %while3A_40 to %while3A_36 step %while3A_42  : i32 {
        %dma_wait3A_771 = arith.constant 0 : i32
        %dma_wait3A_772 = arith.constant 0 : i32
        %dma_wait3A_773 = tpu.memref_slice %arg15[%dma_wait3A_771, %dma_wait3A_772] : memref<64x128xf32, #tpu.memory_space<vmem>> -> memref<16x128xf32, #tpu.memory_space<vmem>>
        %dma_wait3A_774 = arith.constant 0 : i32
        %dma_wait3A_775 = arith.constant 0 : i32
        %dma_wait3A_776 = tpu.memref_slice %arg6[%dma_wait3A_774, %dma_wait3A_775] : memref<16448x128xf32, #tpu.memory_space<hbm>> -> memref<16x128xf32, #tpu.memory_space<hbm>>
        %dma_wait3A_777 = arith.constant 0 : i32
        %dma_wait3A_778 = arith.constant 0 : i32
        %dma_wait3A_779 = tpu.memref_slice %arg15[%dma_wait3A_777, %dma_wait3A_778] : memref<64x128xf32, #tpu.memory_space<vmem>> -> memref<16x128xf32, #tpu.memory_space<vmem>>
        %dma_wait3A_780 = arith.constant 0 : i32
        %dma_wait3A_781 = arith.constant 0 : i32
        %dma_wait3A_782 = tpu.memref_slice %arg6[%dma_wait3A_780, %dma_wait3A_781] : memref<16448x128xf32, #tpu.memory_space<hbm>> -> memref<16x128xf32, #tpu.memory_space<hbm>>
        tpu.wait_dma2 semaphore(%arg26 : memref<!tpu.dma_semaphore, #tpu.memory_space<semaphore_mem>>) src(%dma_wait3A_782 : memref<16x128xf32, #tpu.memory_space<hbm>>) dst(%dma_wait3A_779 : memref<16x128xf32, #tpu.memory_space<vmem>>)
      }
      %mul3A_43 = arith.constant 2 : i32
      %mul3A_44 = arith.muli %mul3A_43, %scan3A_30 : i32
      %mul3A_45 = arith.constant 1024 : i32
      %mul3A_46 = arith.muli %mul3A_44, %mul3A_45 : i32
      %add3A_47 = arith.addi %mul3A_2, %mul3A_46 : i32
      %add3A_48 = arith.constant 0 : i32
      %add3A_49 = arith.addi %add3A_47, %add3A_48 : i32
      %min3A = arith.constant 999808 : i32
      %min3A_50 = arith.minsi %add3A_49, %min3A : i32
      %multiple_of3A = tpu.assume_multiple %min3A_50, 128 : i32
      %dma_start3A = arith.constant 0 : i32
      %dma_start3A_51 = arith.constant 0 : i32
      %dma_start3A_52 = arith.constant 0 : i32
      %dma_start3A_53 = tpu.memref_slice %arg14[%dma_start3A, %dma_start3A_51, %dma_start3A_52] : memref<9x64x128xf32, #tpu.memory_space<vmem>> -> memref<1x64x128xf32, #tpu.memory_space<vmem>>
      %dma_start3A_54 = tpu.memref_squeeze %dma_start3A_53 : memref<1x64x128xf32, #tpu.memory_space<vmem>> -> memref<64x128xf32, #tpu.memory_space<vmem>>
      %dma_start3A_55 = arith.constant 0 : i32
      %dma_start3A_56 = tpu.memref_slice %arg4[%dma_start3A_55, %multiple_of3A] : memref<64x1000000xf32, #tpu.memory_space<hbm>> -> memref<64x128xf32, #tpu.memory_space<hbm>>
      %dma_start3A_57 = arith.constant 0 : i32
      %dma_start3A_58 = arith.constant 0 : i32
      %dma_start3A_59 = tpu.memref_slice %arg14[%dma_start3A, %dma_start3A_57, %dma_start3A_58] : memref<9x64x128xf32, #tpu.memory_space<vmem>> -> memref<1x64x128xf32, #tpu.memory_space<vmem>>
      %dma_start3A_60 = tpu.memref_squeeze %dma_start3A_59 : memref<1x64x128xf32, #tpu.memory_space<vmem>> -> memref<64x128xf32, #tpu.memory_space<vmem>>
      %dma_start3A_61 = arith.constant 0 : i32
      %dma_start3A_62 = tpu.memref_slice %arg4[%dma_start3A_61, %multiple_of3A] : memref<64x1000000xf32, #tpu.memory_space<hbm>> -> memref<64x128xf32, #tpu.memory_space<hbm>>
      tpu.enqueue_dma source(%dma_start3A_62 : memref<64x128xf32, #tpu.memory_space<hbm>>) target(%dma_start3A_60 : memref<64x128xf32, #tpu.memory_space<vmem>>) target_semaphore(%arg25 : memref<!tpu.dma_semaphore, #tpu.memory_space<semaphore_mem>>)
      %add3A_63 = arith.constant 128 : i32
      %add3A_64 = arith.addi %add3A_47, %add3A_63 : i32
      %min3A_65 = arith.constant 999808 : i32
      %min3A_66 = arith.minsi %add3A_64, %min3A_65 : i32
      %multiple_of3A_67 = tpu.assume_multiple %min3A_66, 128 : i32
      %dma_start3A_68 = arith.constant 1 : i32
      %dma_start3A_69 = arith.constant 0 : i32
      %dma_start3A_70 = arith.constant 0 : i32
      %dma_start3A_71 = tpu.memref_slice %arg14[%dma_start3A_68, %dma_start3A_69, %dma_start3A_70] : memref<9x64x128xf32, #tpu.memory_space<vmem>> -> memref<1x64x128xf32, #tpu.memory_space<vmem>>
      %dma_start3A_72 = tpu.memref_squeeze %dma_start3A_71 : memref<1x64x128xf32, #tpu.memory_space<vmem>> -> memref<64x128xf32, #tpu.memory_space<vmem>>
      %dma_start3A_73 = arith.constant 0 : i32
      %dma_start3A_74 = tpu.memref_slice %arg4[%dma_start3A_73, %multiple_of3A_67] : memref<64x1000000xf32, #tpu.memory_space<hbm>> -> memref<64x128xf32, #tpu.memory_space<hbm>>
      %dma_start3A_75 = arith.constant 0 : i32
      %dma_start3A_76 = arith.constant 0 : i32
      %dma_start3A_77 = tpu.memref_slice %arg14[%dma_start3A_68, %dma_start3A_75, %dma_start3A_76] : memref<9x64x128xf32, #tpu.memory_space<vmem>> -> memref<1x64x128xf32, #tpu.memory_space<vmem>>
      %dma_start3A_78 = tpu.memref_squeeze %dma_start3A_77 : memref<1x64x128xf32, #tpu.memory_space<vmem>> -> memref<64x128xf32, #tpu.memory_space<vmem>>
      %dma_start3A_79 = arith.constant 0 : i32
      %dma_start3A_80 = tpu.memref_slice %arg4[%dma_start3A_79, %multiple_of3A_67] : memref<64x1000000xf32, #tpu.memory_space<hbm>> -> memref<64x128xf32, #tpu.memory_space<hbm>>
      tpu.enqueue_dma source(%dma_start3A_80 : memref<64x128xf32, #tpu.memory_space<hbm>>) target(%dma_start3A_78 : memref<64x128xf32, #tpu.memory_space<vmem>>) target_semaphore(%arg25 : memref<!tpu.dma_semaphore, #tpu.memory_space<semaphore_mem>>)
      %add3A_81 = arith.constant 256 : i32
      %add3A_82 = arith.addi %add3A_47, %add3A_81 : i32
      %min3A_83 = arith.constant 999808 : i32
      %min3A_84 = arith.minsi %add3A_82, %min3A_83 : i32
      %multiple_of3A_85 = tpu.assume_multiple %min3A_84, 128 : i32
      %dma_start3A_86 = arith.constant 2 : i32
      %dma_start3A_87 = arith.constant 0 : i32
      %dma_start3A_88 = arith.constant 0 : i32
      %dma_start3A_89 = tpu.memref_slice %arg14[%dma_start3A_86, %dma_start3A_87, %dma_start3A_88] : memref<9x64x128xf32, #tpu.memory_space<vmem>> -> memref<1x64x128xf32, #tpu.memory_space<vmem>>
      %dma_start3A_90 = tpu.memref_squeeze %dma_start3A_89 : memref<1x64x128xf32, #tpu.memory_space<vmem>> -> memref<64x128xf32, #tpu.memory_space<vmem>>
      %dma_start3A_91 = arith.constant 0 : i32
      %dma_start3A_92 = tpu.memref_slice %arg4[%dma_start3A_91, %multiple_of3A_85] : memref<64x1000000xf32, #tpu.memory_space<hbm>> -> memref<64x128xf32, #tpu.memory_space<hbm>>
      %dma_start3A_93 = arith.constant 0 : i32
      %dma_start3A_94 = arith.constant 0 : i32
      %dma_start3A_95 = tpu.memref_slice %arg14[%dma_start3A_86, %dma_start3A_93, %dma_start3A_94] : memref<9x64x128xf32, #tpu.memory_space<vmem>> -> memref<1x64x128xf32, #tpu.memory_space<vmem>>
      %dma_start3A_96 = tpu.memref_squeeze %dma_start3A_95 : memref<1x64x128xf32, #tpu.memory_space<vmem>> -> memref<64x128xf32, #tpu.memory_space<vmem>>
      %dma_start3A_97 = arith.constant 0 : i32
      %dma_start3A_98 = tpu.memref_slice %arg4[%dma_start3A_97, %multiple_of3A_85] : memref<64x1000000xf32, #tpu.memory_space<hbm>> -> memref<64x128xf32, #tpu.memory_space<hbm>>
      tpu.enqueue_dma source(%dma_start3A_98 : memref<64x128xf32, #tpu.memory_space<hbm>>) target(%dma_start3A_96 : memref<64x128xf32, #tpu.memory_space<vmem>>) target_semaphore(%arg25 : memref<!tpu.dma_semaphore, #tpu.memory_space<semaphore_mem>>)
      %add3A_99 = arith.constant 384 : i32
      %add3A_100 = arith.addi %add3A_47, %add3A_99 : i32
      %min3A_101 = arith.constant 999808 : i32
      %min3A_102 = arith.minsi %add3A_100, %min3A_101 : i32
      %multiple_of3A_103 = tpu.assume_multiple %min3A_102, 128 : i32
      %dma_start3A_104 = arith.constant 3 : i32
      %dma_start3A_105 = arith.constant 0 : i32
      %dma_start3A_106 = arith.constant 0 : i32
      %dma_start3A_107 = tpu.memref_slice %arg14[%dma_start3A_104, %dma_start3A_105, %dma_start3A_106] : memref<9x64x128xf32, #tpu.memory_space<vmem>> -> memref<1x64x128xf32, #tpu.memory_space<vmem>>
      %dma_start3A_108 = tpu.memref_squeeze %dma_start3A_107 : memref<1x64x128xf32, #tpu.memory_space<vmem>> -> memref<64x128xf32, #tpu.memory_space<vmem>>
      %dma_start3A_109 = arith.constant 0 : i32
      %dma_start3A_110 = tpu.memref_slice %arg4[%dma_start3A_109, %multiple_of3A_103] : memref<64x1000000xf32, #tpu.memory_space<hbm>> -> memref<64x128xf32, #tpu.memory_space<hbm>>
      %dma_start3A_111 = arith.constant 0 : i32
      %dma_start3A_112 = arith.constant 0 : i32
      %dma_start3A_113 = tpu.memref_slice %arg14[%dma_start3A_104, %dma_start3A_111, %dma_start3A_112] : memref<9x64x128xf32, #tpu.memory_space<vmem>> -> memref<1x64x128xf32, #tpu.memory_space<vmem>>
      %dma_start3A_114 = tpu.memref_squeeze %dma_start3A_113 : memref<1x64x128xf32, #tpu.memory_space<vmem>> -> memref<64x128xf32, #tpu.memory_space<vmem>>
      %dma_start3A_115 = arith.constant 0 : i32
      %dma_start3A_116 = tpu.memref_slice %arg4[%dma_start3A_115, %multiple_of3A_103] : memref<64x1000000xf32, #tpu.memory_space<hbm>> -> memref<64x128xf32, #tpu.memory_space<hbm>>
      tpu.enqueue_dma source(%dma_start3A_116 : memref<64x128xf32, #tpu.memory_space<hbm>>) target(%dma_start3A_114 : memref<64x128xf32, #tpu.memory_space<vmem>>) target_semaphore(%arg25 : memref<!tpu.dma_semaphore, #tpu.memory_space<semaphore_mem>>)
      %add3A_117 = arith.constant 512 : i32
      %add3A_118 = arith.addi %add3A_47, %add3A_117 : i32
      %min3A_119 = arith.constant 999808 : i32
      %min3A_120 = arith.minsi %add3A_118, %min3A_119 : i32
      %multiple_of3A_121 = tpu.assume_multiple %min3A_120, 128 : i32
      %dma_start3A_122 = arith.constant 4 : i32
      %dma_start3A_123 = arith.constant 0 : i32
      %dma_start3A_124 = arith.constant 0 : i32
      %dma_start3A_125 = tpu.memref_slice %arg14[%dma_start3A_122, %dma_start3A_123, %dma_start3A_124] : memref<9x64x128xf32, #tpu.memory_space<vmem>> -> memref<1x64x128xf32, #tpu.memory_space<vmem>>
      %dma_start3A_126 = tpu.memref_squeeze %dma_start3A_125 : memref<1x64x128xf32, #tpu.memory_space<vmem>> -> memref<64x128xf32, #tpu.memory_space<vmem>>
      %dma_start3A_127 = arith.constant 0 : i32
      %dma_start3A_128 = tpu.memref_slice %arg4[%dma_start3A_127, %multiple_of3A_121] : memref<64x1000000xf32, #tpu.memory_space<hbm>> -> memref<64x128xf32, #tpu.memory_space<hbm>>
      %dma_start3A_129 = arith.constant 0 : i32
      %dma_start3A_130 = arith.constant 0 : i32
      %dma_start3A_131 = tpu.memref_slice %arg14[%dma_start3A_122, %dma_start3A_129, %dma_start3A_130] : memref<9x64x128xf32, #tpu.memory_space<vmem>> -> memref<1x64x128xf32, #tpu.memory_space<vmem>>
      %dma_start3A_132 = tpu.memref_squeeze %dma_start3A_131 : memref<1x64x128xf32, #tpu.memory_space<vmem>> -> memref<64x128xf32, #tpu.memory_space<vmem>>
      %dma_start3A_133 = arith.constant 0 : i32
      %dma_start3A_134 = tpu.memref_slice %arg4[%dma_start3A_133, %multiple_of3A_121] : memref<64x1000000xf32, #tpu.memory_space<hbm>> -> memref<64x128xf32, #tpu.memory_space<hbm>>
      tpu.enqueue_dma source(%dma_start3A_134 : memref<64x128xf32, #tpu.memory_space<hbm>>) target(%dma_start3A_132 : memref<64x128xf32, #tpu.memory_space<vmem>>) target_semaphore(%arg25 : memref<!tpu.dma_semaphore, #tpu.memory_space<semaphore_mem>>)
      %add3A_135 = arith.constant 640 : i32
      %add3A_136 = arith.addi %add3A_47, %add3A_135 : i32
      %min3A_137 = arith.constant 999808 : i32
      %min3A_138 = arith.minsi %add3A_136, %min3A_137 : i32
      %multiple_of3A_139 = tpu.assume_multiple %min3A_138, 128 : i32
      %dma_start3A_140 = arith.constant 5 : i32
      %dma_start3A_141 = arith.constant 0 : i32
      %dma_start3A_142 = arith.constant 0 : i32
      %dma_start3A_143 = tpu.memref_slice %arg14[%dma_start3A_140, %dma_start3A_141, %dma_start3A_142] : memref<9x64x128xf32, #tpu.memory_space<vmem>> -> memref<1x64x128xf32, #tpu.memory_space<vmem>>
      %dma_start3A_144 = tpu.memref_squeeze %dma_start3A_143 : memref<1x64x128xf32, #tpu.memory_space<vmem>> -> memref<64x128xf32, #tpu.memory_space<vmem>>
      %dma_start3A_145 = arith.constant 0 : i32
      %dma_start3A_146 = tpu.memref_slice %arg4[%dma_start3A_145, %multiple_of3A_139] : memref<64x1000000xf32, #tpu.memory_space<hbm>> -> memref<64x128xf32, #tpu.memory_space<hbm>>
      %dma_start3A_147 = arith.constant 0 : i32
      %dma_start3A_148 = arith.constant 0 : i32
      %dma_start3A_149 = tpu.memref_slice %arg14[%dma_start3A_140, %dma_start3A_147, %dma_start3A_148] : memref<9x64x128xf32, #tpu.memory_space<vmem>> -> memref<1x64x128xf32, #tpu.memory_space<vmem>>
      %dma_start3A_150 = tpu.memref_squeeze %dma_start3A_149 : memref<1x64x128xf32, #tpu.memory_space<vmem>> -> memref<64x128xf32, #tpu.memory_space<vmem>>
      %dma_start3A_151 = arith.constant 0 : i32
      %dma_start3A_152 = tpu.memref_slice %arg4[%dma_start3A_151, %multiple_of3A_139] : memref<64x1000000xf32, #tpu.memory_space<hbm>> -> memref<64x128xf32, #tpu.memory_space<hbm>>
      tpu.enqueue_dma source(%dma_start3A_152 : memref<64x128xf32, #tpu.memory_space<hbm>>) target(%dma_start3A_150 : memref<64x128xf32, #tpu.memory_space<vmem>>) target_semaphore(%arg25 : memref<!tpu.dma_semaphore, #tpu.memory_space<semaphore_mem>>)
      %add3A_153 = arith.constant 768 : i32
      %add3A_154 = arith.addi %add3A_47, %add3A_153 : i32
      %min3A_155 = arith.constant 999808 : i32
      %min3A_156 = arith.minsi %add3A_154, %min3A_155 : i32
      %multiple_of3A_157 = tpu.assume_multiple %min3A_156, 128 : i32
      %dma_start3A_158 = arith.constant 6 : i32
      %dma_start3A_159 = arith.constant 0 : i32
      %dma_start3A_160 = arith.constant 0 : i32
      %dma_start3A_161 = tpu.memref_slice %arg14[%dma_start3A_158, %dma_start3A_159, %dma_start3A_160] : memref<9x64x128xf32, #tpu.memory_space<vmem>> -> memref<1x64x128xf32, #tpu.memory_space<vmem>>
      %dma_start3A_162 = tpu.memref_squeeze %dma_start3A_161 : memref<1x64x128xf32, #tpu.memory_space<vmem>> -> memref<64x128xf32, #tpu.memory_space<vmem>>
      %dma_start3A_163 = arith.constant 0 : i32
      %dma_start3A_164 = tpu.memref_slice %arg4[%dma_start3A_163, %multiple_of3A_157] : memref<64x1000000xf32, #tpu.memory_space<hbm>> -> memref<64x128xf32, #tpu.memory_space<hbm>>
      %dma_start3A_165 = arith.constant 0 : i32
      %dma_start3A_166 = arith.constant 0 : i32
      %dma_start3A_167 = tpu.memref_slice %arg14[%dma_start3A_158, %dma_start3A_165, %dma_start3A_166] : memref<9x64x128xf32, #tpu.memory_space<vmem>> -> memref<1x64x128xf32, #tpu.memory_space<vmem>>
      %dma_start3A_168 = tpu.memref_squeeze %dma_start3A_167 : memref<1x64x128xf32, #tpu.memory_space<vmem>> -> memref<64x128xf32, #tpu.memory_space<vmem>>
      %dma_start3A_169 = arith.constant 0 : i32
      %dma_start3A_170 = tpu.memref_slice %arg4[%dma_start3A_169, %multiple_of3A_157] : memref<64x1000000xf32, #tpu.memory_space<hbm>> -> memref<64x128xf32, #tpu.memory_space<hbm>>
      tpu.enqueue_dma source(%dma_start3A_170 : memref<64x128xf32, #tpu.memory_space<hbm>>) target(%dma_start3A_168 : memref<64x128xf32, #tpu.memory_space<vmem>>) target_semaphore(%arg25 : memref<!tpu.dma_semaphore, #tpu.memory_space<semaphore_mem>>)
      %add3A_171 = arith.constant 896 : i32
      %add3A_172 = arith.addi %add3A_47, %add3A_171 : i32
      %min3A_173 = arith.constant 999808 : i32
      %min3A_174 = arith.minsi %add3A_172, %min3A_173 : i32
      %multiple_of3A_175 = tpu.assume_multiple %min3A_174, 128 : i32
      %dma_start3A_176 = arith.constant 7 : i32
      %dma_start3A_177 = arith.constant 0 : i32
      %dma_start3A_178 = arith.constant 0 : i32
      %dma_start3A_179 = tpu.memref_slice %arg14[%dma_start3A_176, %dma_start3A_177, %dma_start3A_178] : memref<9x64x128xf32, #tpu.memory_space<vmem>> -> memref<1x64x128xf32, #tpu.memory_space<vmem>>
      %dma_start3A_180 = tpu.memref_squeeze %dma_start3A_179 : memref<1x64x128xf32, #tpu.memory_space<vmem>> -> memref<64x128xf32, #tpu.memory_space<vmem>>
      %dma_start3A_181 = arith.constant 0 : i32
      %dma_start3A_182 = tpu.memref_slice %arg4[%dma_start3A_181, %multiple_of3A_175] : memref<64x1000000xf32, #tpu.memory_space<hbm>> -> memref<64x128xf32, #tpu.memory_space<hbm>>
      %dma_start3A_183 = arith.constant 0 : i32
      %dma_start3A_184 = arith.constant 0 : i32
      %dma_start3A_185 = tpu.memref_slice %arg14[%dma_start3A_176, %dma_start3A_183, %dma_start3A_184] : memref<9x64x128xf32, #tpu.memory_space<vmem>> -> memref<1x64x128xf32, #tpu.memory_space<vmem>>
      %dma_start3A_186 = tpu.memref_squeeze %dma_start3A_185 : memref<1x64x128xf32, #tpu.memory_space<vmem>> -> memref<64x128xf32, #tpu.memory_space<vmem>>
      %dma_start3A_187 = arith.constant 0 : i32
      %dma_start3A_188 = tpu.memref_slice %arg4[%dma_start3A_187, %multiple_of3A_175] : memref<64x1000000xf32, #tpu.memory_space<hbm>> -> memref<64x128xf32, #tpu.memory_space<hbm>>
      tpu.enqueue_dma source(%dma_start3A_188 : memref<64x128xf32, #tpu.memory_space<hbm>>) target(%dma_start3A_186 : memref<64x128xf32, #tpu.memory_space<vmem>>) target_semaphore(%arg25 : memref<!tpu.dma_semaphore, #tpu.memory_space<semaphore_mem>>)
      %dma_wait3A = arith.constant 0 : i32
      %dma_wait3A_189 = arith.constant 0 : i32
      %dma_wait3A_190 = arith.constant 0 : i32
      %dma_wait3A_191 = tpu.memref_slice %arg14[%dma_wait3A, %dma_wait3A_189, %dma_wait3A_190] : memref<9x64x128xf32, #tpu.memory_space<vmem>> -> memref<1x64x128xf32, #tpu.memory_space<vmem>>
      %dma_wait3A_192 = tpu.memref_squeeze %dma_wait3A_191 : memref<1x64x128xf32, #tpu.memory_space<vmem>> -> memref<64x128xf32, #tpu.memory_space<vmem>>
      %dma_wait3A_193 = arith.constant 0 : i32
      %dma_wait3A_194 = tpu.memref_slice %arg4[%dma_wait3A_193, %multiple_of3A] : memref<64x1000000xf32, #tpu.memory_space<hbm>> -> memref<64x128xf32, #tpu.memory_space<hbm>>
      %dma_wait3A_195 = arith.constant 0 : i32
      %dma_wait3A_196 = arith.constant 0 : i32
      %dma_wait3A_197 = tpu.memref_slice %arg14[%dma_wait3A, %dma_wait3A_195, %dma_wait3A_196] : memref<9x64x128xf32, #tpu.memory_space<vmem>> -> memref<1x64x128xf32, #tpu.memory_space<vmem>>
      %dma_wait3A_198 = tpu.memref_squeeze %dma_wait3A_197 : memref<1x64x128xf32, #tpu.memory_space<vmem>> -> memref<64x128xf32, #tpu.memory_space<vmem>>
      %dma_wait3A_199 = arith.constant 0 : i32
      %dma_wait3A_200 = tpu.memref_slice %arg4[%dma_wait3A_199, %multiple_of3A] : memref<64x1000000xf32, #tpu.memory_space<hbm>> -> memref<64x128xf32, #tpu.memory_space<hbm>>
      tpu.wait_dma2 semaphore(%arg25 : memref<!tpu.dma_semaphore, #tpu.memory_space<semaphore_mem>>) src(%dma_wait3A_200 : memref<64x128xf32, #tpu.memory_space<hbm>>) dst(%dma_wait3A_198 : memref<64x128xf32, #tpu.memory_space<vmem>>)
      %dma_wait3A_201 = arith.constant 1 : i32
      %dma_wait3A_202 = arith.constant 0 : i32
      %dma_wait3A_203 = arith.constant 0 : i32
      %dma_wait3A_204 = tpu.memref_slice %arg14[%dma_wait3A_201, %dma_wait3A_202, %dma_wait3A_203] : memref<9x64x128xf32, #tpu.memory_space<vmem>> -> memref<1x64x128xf32, #tpu.memory_space<vmem>>
      %dma_wait3A_205 = tpu.memref_squeeze %dma_wait3A_204 : memref<1x64x128xf32, #tpu.memory_space<vmem>> -> memref<64x128xf32, #tpu.memory_space<vmem>>
      %dma_wait3A_206 = arith.constant 0 : i32
      %dma_wait3A_207 = tpu.memref_slice %arg4[%dma_wait3A_206, %multiple_of3A_67] : memref<64x1000000xf32, #tpu.memory_space<hbm>> -> memref<64x128xf32, #tpu.memory_space<hbm>>
      %dma_wait3A_208 = arith.constant 0 : i32
      %dma_wait3A_209 = arith.constant 0 : i32
      %dma_wait3A_210 = tpu.memref_slice %arg14[%dma_wait3A_201, %dma_wait3A_208, %dma_wait3A_209] : memref<9x64x128xf32, #tpu.memory_space<vmem>> -> memref<1x64x128xf32, #tpu.memory_space<vmem>>
      %dma_wait3A_211 = tpu.memref_squeeze %dma_wait3A_210 : memref<1x64x128xf32, #tpu.memory_space<vmem>> -> memref<64x128xf32, #tpu.memory_space<vmem>>
      %dma_wait3A_212 = arith.constant 0 : i32
      %dma_wait3A_213 = tpu.memref_slice %arg4[%dma_wait3A_212, %multiple_of3A_67] : memref<64x1000000xf32, #tpu.memory_space<hbm>> -> memref<64x128xf32, #tpu.memory_space<hbm>>
      tpu.wait_dma2 semaphore(%arg25 : memref<!tpu.dma_semaphore, #tpu.memory_space<semaphore_mem>>) src(%dma_wait3A_213 : memref<64x128xf32, #tpu.memory_space<hbm>>) dst(%dma_wait3A_211 : memref<64x128xf32, #tpu.memory_space<vmem>>)
      %dma_wait3A_214 = arith.constant 2 : i32
      %dma_wait3A_215 = arith.constant 0 : i32
      %dma_wait3A_216 = arith.constant 0 : i32
      %dma_wait3A_217 = tpu.memref_slice %arg14[%dma_wait3A_214, %dma_wait3A_215, %dma_wait3A_216] : memref<9x64x128xf32, #tpu.memory_space<vmem>> -> memref<1x64x128xf32, #tpu.memory_space<vmem>>
      %dma_wait3A_218 = tpu.memref_squeeze %dma_wait3A_217 : memref<1x64x128xf32, #tpu.memory_space<vmem>> -> memref<64x128xf32, #tpu.memory_space<vmem>>
      %dma_wait3A_219 = arith.constant 0 : i32
      %dma_wait3A_220 = tpu.memref_slice %arg4[%dma_wait3A_219, %multiple_of3A_85] : memref<64x1000000xf32, #tpu.memory_space<hbm>> -> memref<64x128xf32, #tpu.memory_space<hbm>>
      %dma_wait3A_221 = arith.constant 0 : i32
      %dma_wait3A_222 = arith.constant 0 : i32
      %dma_wait3A_223 = tpu.memref_slice %arg14[%dma_wait3A_214, %dma_wait3A_221, %dma_wait3A_222] : memref<9x64x128xf32, #tpu.memory_space<vmem>> -> memref<1x64x128xf32, #tpu.memory_space<vmem>>
      %dma_wait3A_224 = tpu.memref_squeeze %dma_wait3A_223 : memref<1x64x128xf32, #tpu.memory_space<vmem>> -> memref<64x128xf32, #tpu.memory_space<vmem>>
      %dma_wait3A_225 = arith.constant 0 : i32
      %dma_wait3A_226 = tpu.memref_slice %arg4[%dma_wait3A_225, %multiple_of3A_85] : memref<64x1000000xf32, #tpu.memory_space<hbm>> -> memref<64x128xf32, #tpu.memory_space<hbm>>
      tpu.wait_dma2 semaphore(%arg25 : memref<!tpu.dma_semaphore, #tpu.memory_space<semaphore_mem>>) src(%dma_wait3A_226 : memref<64x128xf32, #tpu.memory_space<hbm>>) dst(%dma_wait3A_224 : memref<64x128xf32, #tpu.memory_space<vmem>>)
      %dma_wait3A_227 = arith.constant 3 : i32
      %dma_wait3A_228 = arith.constant 0 : i32
      %dma_wait3A_229 = arith.constant 0 : i32
      %dma_wait3A_230 = tpu.memref_slice %arg14[%dma_wait3A_227, %dma_wait3A_228, %dma_wait3A_229] : memref<9x64x128xf32, #tpu.memory_space<vmem>> -> memref<1x64x128xf32, #tpu.memory_space<vmem>>
      %dma_wait3A_231 = tpu.memref_squeeze %dma_wait3A_230 : memref<1x64x128xf32, #tpu.memory_space<vmem>> -> memref<64x128xf32, #tpu.memory_space<vmem>>
      %dma_wait3A_232 = arith.constant 0 : i32
      %dma_wait3A_233 = tpu.memref_slice %arg4[%dma_wait3A_232, %multiple_of3A_103] : memref<64x1000000xf32, #tpu.memory_space<hbm>> -> memref<64x128xf32, #tpu.memory_space<hbm>>
      %dma_wait3A_234 = arith.constant 0 : i32
      %dma_wait3A_235 = arith.constant 0 : i32
      %dma_wait3A_236 = tpu.memref_slice %arg14[%dma_wait3A_227, %dma_wait3A_234, %dma_wait3A_235] : memref<9x64x128xf32, #tpu.memory_space<vmem>> -> memref<1x64x128xf32, #tpu.memory_space<vmem>>
      %dma_wait3A_237 = tpu.memref_squeeze %dma_wait3A_236 : memref<1x64x128xf32, #tpu.memory_space<vmem>> -> memref<64x128xf32, #tpu.memory_space<vmem>>
      %dma_wait3A_238 = arith.constant 0 : i32
      %dma_wait3A_239 = tpu.memref_slice %arg4[%dma_wait3A_238, %multiple_of3A_103] : memref<64x1000000xf32, #tpu.memory_space<hbm>> -> memref<64x128xf32, #tpu.memory_space<hbm>>
      tpu.wait_dma2 semaphore(%arg25 : memref<!tpu.dma_semaphore, #tpu.memory_space<semaphore_mem>>) src(%dma_wait3A_239 : memref<64x128xf32, #tpu.memory_space<hbm>>) dst(%dma_wait3A_237 : memref<64x128xf32, #tpu.memory_space<vmem>>)
      %dma_wait3A_240 = arith.constant 4 : i32
      %dma_wait3A_241 = arith.constant 0 : i32
      %dma_wait3A_242 = arith.constant 0 : i32
      %dma_wait3A_243 = tpu.memref_slice %arg14[%dma_wait3A_240, %dma_wait3A_241, %dma_wait3A_242] : memref<9x64x128xf32, #tpu.memory_space<vmem>> -> memref<1x64x128xf32, #tpu.memory_space<vmem>>
      %dma_wait3A_244 = tpu.memref_squeeze %dma_wait3A_243 : memref<1x64x128xf32, #tpu.memory_space<vmem>> -> memref<64x128xf32, #tpu.memory_space<vmem>>
      %dma_wait3A_245 = arith.constant 0 : i32
      %dma_wait3A_246 = tpu.memref_slice %arg4[%dma_wait3A_245, %multiple_of3A_121] : memref<64x1000000xf32, #tpu.memory_space<hbm>> -> memref<64x128xf32, #tpu.memory_space<hbm>>
      %dma_wait3A_247 = arith.constant 0 : i32
      %dma_wait3A_248 = arith.constant 0 : i32
      %dma_wait3A_249 = tpu.memref_slice %arg14[%dma_wait3A_240, %dma_wait3A_247, %dma_wait3A_248] : memref<9x64x128xf32, #tpu.memory_space<vmem>> -> memref<1x64x128xf32, #tpu.memory_space<vmem>>
      %dma_wait3A_250 = tpu.memref_squeeze %dma_wait3A_249 : memref<1x64x128xf32, #tpu.memory_space<vmem>> -> memref<64x128xf32, #tpu.memory_space<vmem>>
      %dma_wait3A_251 = arith.constant 0 : i32
      %dma_wait3A_252 = tpu.memref_slice %arg4[%dma_wait3A_251, %multiple_of3A_121] : memref<64x1000000xf32, #tpu.memory_space<hbm>> -> memref<64x128xf32, #tpu.memory_space<hbm>>
      tpu.wait_dma2 semaphore(%arg25 : memref<!tpu.dma_semaphore, #tpu.memory_space<semaphore_mem>>) src(%dma_wait3A_252 : memref<64x128xf32, #tpu.memory_space<hbm>>) dst(%dma_wait3A_250 : memref<64x128xf32, #tpu.memory_space<vmem>>)
      %dma_wait3A_253 = arith.constant 5 : i32
      %dma_wait3A_254 = arith.constant 0 : i32
      %dma_wait3A_255 = arith.constant 0 : i32
      %dma_wait3A_256 = tpu.memref_slice %arg14[%dma_wait3A_253, %dma_wait3A_254, %dma_wait3A_255] : memref<9x64x128xf32, #tpu.memory_space<vmem>> -> memref<1x64x128xf32, #tpu.memory_space<vmem>>
      %dma_wait3A_257 = tpu.memref_squeeze %dma_wait3A_256 : memref<1x64x128xf32, #tpu.memory_space<vmem>> -> memref<64x128xf32, #tpu.memory_space<vmem>>
      %dma_wait3A_258 = arith.constant 0 : i32
      %dma_wait3A_259 = tpu.memref_slice %arg4[%dma_wait3A_258, %multiple_of3A_139] : memref<64x1000000xf32, #tpu.memory_space<hbm>> -> memref<64x128xf32, #tpu.memory_space<hbm>>
      %dma_wait3A_260 = arith.constant 0 : i32
      %dma_wait3A_261 = arith.constant 0 : i32
      %dma_wait3A_262 = tpu.memref_slice %arg14[%dma_wait3A_253, %dma_wait3A_260, %dma_wait3A_261] : memref<9x64x128xf32, #tpu.memory_space<vmem>> -> memref<1x64x128xf32, #tpu.memory_space<vmem>>
      %dma_wait3A_263 = tpu.memref_squeeze %dma_wait3A_262 : memref<1x64x128xf32, #tpu.memory_space<vmem>> -> memref<64x128xf32, #tpu.memory_space<vmem>>
      %dma_wait3A_264 = arith.constant 0 : i32
      %dma_wait3A_265 = tpu.memref_slice %arg4[%dma_wait3A_264, %multiple_of3A_139] : memref<64x1000000xf32, #tpu.memory_space<hbm>> -> memref<64x128xf32, #tpu.memory_space<hbm>>
      tpu.wait_dma2 semaphore(%arg25 : memref<!tpu.dma_semaphore, #tpu.memory_space<semaphore_mem>>) src(%dma_wait3A_265 : memref<64x128xf32, #tpu.memory_space<hbm>>) dst(%dma_wait3A_263 : memref<64x128xf32, #tpu.memory_space<vmem>>)
      %dma_wait3A_266 = arith.constant 6 : i32
      %dma_wait3A_267 = arith.constant 0 : i32
      %dma_wait3A_268 = arith.constant 0 : i32
      %dma_wait3A_269 = tpu.memref_slice %arg14[%dma_wait3A_266, %dma_wait3A_267, %dma_wait3A_268] : memref<9x64x128xf32, #tpu.memory_space<vmem>> -> memref<1x64x128xf32, #tpu.memory_space<vmem>>
      %dma_wait3A_270 = tpu.memref_squeeze %dma_wait3A_269 : memref<1x64x128xf32, #tpu.memory_space<vmem>> -> memref<64x128xf32, #tpu.memory_space<vmem>>
      %dma_wait3A_271 = arith.constant 0 : i32
      %dma_wait3A_272 = tpu.memref_slice %arg4[%dma_wait3A_271, %multiple_of3A_157] : memref<64x1000000xf32, #tpu.memory_space<hbm>> -> memref<64x128xf32, #tpu.memory_space<hbm>>
      %dma_wait3A_273 = arith.constant 0 : i32
      %dma_wait3A_274 = arith.constant 0 : i32
      %dma_wait3A_275 = tpu.memref_slice %arg14[%dma_wait3A_266, %dma_wait3A_273, %dma_wait3A_274] : memref<9x64x128xf32, #tpu.memory_space<vmem>> -> memref<1x64x128xf32, #tpu.memory_space<vmem>>
      %dma_wait3A_276 = tpu.memref_squeeze %dma_wait3A_275 : memref<1x64x128xf32, #tpu.memory_space<vmem>> -> memref<64x128xf32, #tpu.memory_space<vmem>>
      %dma_wait3A_277 = arith.constant 0 : i32
      %dma_wait3A_278 = tpu.memref_slice %arg4[%dma_wait3A_277, %multiple_of3A_157] : memref<64x1000000xf32, #tpu.memory_space<hbm>> -> memref<64x128xf32, #tpu.memory_space<hbm>>
      tpu.wait_dma2 semaphore(%arg25 : memref<!tpu.dma_semaphore, #tpu.memory_space<semaphore_mem>>) src(%dma_wait3A_278 : memref<64x128xf32, #tpu.memory_space<hbm>>) dst(%dma_wait3A_276 : memref<64x128xf32, #tpu.memory_space<vmem>>)
      %dma_wait3A_279 = arith.constant 7 : i32
      %dma_wait3A_280 = arith.constant 0 : i32
      %dma_wait3A_281 = arith.constant 0 : i32
      %dma_wait3A_282 = tpu.memref_slice %arg14[%dma_wait3A_279, %dma_wait3A_280, %dma_wait3A_281] : memref<9x64x128xf32, #tpu.memory_space<vmem>> -> memref<1x64x128xf32, #tpu.memory_space<vmem>>
      %dma_wait3A_283 = tpu.memref_squeeze %dma_wait3A_282 : memref<1x64x128xf32, #tpu.memory_space<vmem>> -> memref<64x128xf32, #tpu.memory_space<vmem>>
      %dma_wait3A_284 = arith.constant 0 : i32
      %dma_wait3A_285 = tpu.memref_slice %arg4[%dma_wait3A_284, %multiple_of3A_175] : memref<64x1000000xf32, #tpu.memory_space<hbm>> -> memref<64x128xf32, #tpu.memory_space<hbm>>
      %dma_wait3A_286 = arith.constant 0 : i32
      %dma_wait3A_287 = arith.constant 0 : i32
      %dma_wait3A_288 = tpu.memref_slice %arg14[%dma_wait3A_279, %dma_wait3A_286, %dma_wait3A_287] : memref<9x64x128xf32, #tpu.memory_space<vmem>> -> memref<1x64x128xf32, #tpu.memory_space<vmem>>
      %dma_wait3A_289 = tpu.memref_squeeze %dma_wait3A_288 : memref<1x64x128xf32, #tpu.memory_space<vmem>> -> memref<64x128xf32, #tpu.memory_space<vmem>>
      %dma_wait3A_290 = arith.constant 0 : i32
      %dma_wait3A_291 = tpu.memref_slice %arg4[%dma_wait3A_290, %multiple_of3A_175] : memref<64x1000000xf32, #tpu.memory_space<hbm>> -> memref<64x128xf32, #tpu.memory_space<hbm>>
      tpu.wait_dma2 semaphore(%arg25 : memref<!tpu.dma_semaphore, #tpu.memory_space<semaphore_mem>>) src(%dma_wait3A_291 : memref<64x128xf32, #tpu.memory_space<hbm>>) dst(%dma_wait3A_289 : memref<64x128xf32, #tpu.memory_space<vmem>>)
      %add3A_292 = arith.constant 16384 : i32
      %add3A_293 = vector.broadcast %add3A_292 : i32 to vector<16xi32>
      %add3A_294 = arith.addi %add3A_293, %iota3A : vector<16xi32>
      %swap3A = arith.constant 0 : index
      %swap3A_295 = tpu.vector_load %arg19[%swap3A] {strides = array<i32>} : memref<64xi32, #tpu.memory_space<vmem>>, vector<16xi32>,
      tpu.vector_store %arg19[%swap3A], %add3A_294 {strides = array<i32>} : memref<64xi32, #tpu.memory_space<vmem>>, vector<16xi32>,
      %swap3A_296 = arith.constant 0 : index
      %swap3A_297 = tpu.vector_load %arg20[%swap3A_296] {strides = array<i32>} : memref<64xi32, #tpu.memory_space<vmem>>, vector<16xi32>,
      tpu.vector_store %arg20[%swap3A_296], %add3A_294 {strides = array<i32>} : memref<64xi32, #tpu.memory_space<vmem>>, vector<16xi32>,
      %add3A_298 = arith.constant 16400 : i32
      %add3A_299 = vector.broadcast %add3A_298 : i32 to vector<16xi32>
      %add3A_300 = arith.addi %add3A_299, %iota3A : vector<16xi32>
      %swap3A_301 = arith.constant 16 : index
      %swap3A_302 = tpu.vector_load %arg19[%swap3A_301] {strides = array<i32>} : memref<64xi32, #tpu.memory_space<vmem>>, vector<16xi32>,
      tpu.vector_store %arg19[%swap3A_301], %add3A_300 {strides = array<i32>} : memref<64xi32, #tpu.memory_space<vmem>>, vector<16xi32>,
      %swap3A_303 = arith.constant 16 : index
      %swap3A_304 = tpu.vector_load %arg20[%swap3A_303] {strides = array<i32>} : memref<64xi32, #tpu.memory_space<vmem>>, vector<16xi32>,
      tpu.vector_store %arg20[%swap3A_303], %add3A_300 {strides = array<i32>} : memref<64xi32, #tpu.memory_space<vmem>>, vector<16xi32>,
      %add3A_305 = arith.constant 16416 : i32
      %add3A_306 = vector.broadcast %add3A_305 : i32 to vector<16xi32>
      %add3A_307 = arith.addi %add3A_306, %iota3A : vector<16xi32>
      %swap3A_308 = arith.constant 32 : index
      %swap3A_309 = tpu.vector_load %arg19[%swap3A_308] {strides = array<i32>} : memref<64xi32, #tpu.memory_space<vmem>>, vector<16xi32>,
      tpu.vector_store %arg19[%swap3A_308], %add3A_307 {strides = array<i32>} : memref<64xi32, #tpu.memory_space<vmem>>, vector<16xi32>,
      %swap3A_310 = arith.constant 32 : index
      %swap3A_311 = tpu.vector_load %arg20[%swap3A_310] {strides = array<i32>} : memref<64xi32, #tpu.memory_space<vmem>>, vector<16xi32>,
      tpu.vector_store %arg20[%swap3A_310], %add3A_307 {strides = array<i32>} : memref<64xi32, #tpu.memory_space<vmem>>, vector<16xi32>,
      %add3A_312 = arith.constant 16432 : i32
      %add3A_313 = vector.broadcast %add3A_312 : i32 to vector<16xi32>
      %add3A_314 = arith.addi %add3A_313, %iota3A : vector<16xi32>
      %swap3A_315 = arith.constant 48 : index
      %swap3A_316 = tpu.vector_load %arg19[%swap3A_315] {strides = array<i32>} : memref<64xi32, #tpu.memory_space<vmem>>, vector<16xi32>,
      tpu.vector_store %arg19[%swap3A_315], %add3A_314 {strides = array<i32>} : memref<64xi32, #tpu.memory_space<vmem>>, vector<16xi32>,
      %swap3A_317 = arith.constant 48 : index
      %swap3A_318 = tpu.vector_load %arg20[%swap3A_317] {strides = array<i32>} : memref<64xi32, #tpu.memory_space<vmem>>, vector<16xi32>,
      tpu.vector_store %arg20[%swap3A_317], %add3A_314 {strides = array<i32>} : memref<64xi32, #tpu.memory_space<vmem>>, vector<16xi32>,
      %add3A_319 = arith.constant 15 : i32
      %add3A_320 = arith.addi %scan3A_10#0, %add3A_319 : i32
      %div3A = arith.constant 16 : i32
      %div3A_321 = arith.divsi %add3A_320, %div3A : i32
      %while3A_322 = arith.constant 0 : i32
      %while3A_323 = arith.constant 0 : i32
      %while3A_324 = arith.subi %div3A_321, %while3A_322 : i32
      %while3A_325 = arith.addi %while3A_322, %while3A_324 : i32
      %while3A_326 = arith.constant 1 : i32
      %while3A_327 = arith.divsi %while3A_324, %while3A_326 : i32
      %while3A_328 = arith.muli %while3A_327, %while3A_326 : i32
      %while3A_329 = arith.addi %while3A_322, %while3A_328 : i32
      %while3A_330 = arith.constant 1 : i32
      %while3A_331 = scf.for %while3A_770 = %while3A_322 to %while3A_329 step %while3A_330 iter_args(%while3A_771 = %while3A_323) -> (i32)  : i32 {
        %mul3A_772 = arith.constant 16 : i32
        %mul3A_773 = arith.muli %while3A_770, %mul3A_772 : i32
        %get3A = arith.index_cast %mul3A_773 : i32 to index
        %get3A_774 = tpu.vector_load %arg10[%get3A] {strides = array<i32>} : memref<1536xi32, #tpu.memory_space<vmem>>, vector<16xi32>,
        %mul3A_775 = arith.constant 16 : i32
        %mul3A_776 = arith.muli %while3A_770, %mul3A_775 : i32
        %get3A_777 = arith.index_cast %mul3A_776 : i32 to index
        %get3A_778 = tpu.vector_load %arg11[%get3A_777] {strides = array<i32>} : memref<1536xi32, #tpu.memory_space<vmem>>, vector<16xi32>,
        %mul3A_779 = arith.constant 16 : i32
        %mul3A_780 = arith.muli %while3A_770, %mul3A_779 : i32
        %add3A_781 = vector.broadcast %mul3A_780 : i32 to vector<16xi32>
        %add3A_782 = arith.addi %add3A_781, %iota3A : vector<16xi32>
        %lt3A = vector.broadcast %scan3A_10#0 : i32 to vector<16xi32>
        %lt3A_783 = arith.cmpi slt, %add3A_782, %lt3A : vector<16xi32>
        %ge3A = vector.broadcast %add3A_47 : i32 to vector<16xi32>
        %ge3A_784 = arith.cmpi sge, %get3A_774, %ge3A : vector<16xi32>
        %add3A_785 = arith.constant 1024 : i32
        %add3A_786 = arith.addi %add3A_47, %add3A_785 : i32
        %lt3A_787 = vector.broadcast %add3A_786 : i32 to vector<16xi32>
        %lt3A_788 = arith.cmpi slt, %get3A_774, %lt3A_787 : vector<16xi32>
        %and3A = arith.andi %ge3A_784, %lt3A_788 : vector<16xi1>
        %and3A_789 = arith.andi %lt3A_783, %and3A : vector<16xi1>
        %all_reduce_population_count3A = tpu.all_reduce %and3A_789 {dim = 0 : i64, kind = #tpu.reduction_kind<sum>} : vector<16xi1> -> vector<16xi32>
        %slice3A = vector.extract_strided_slice %all_reduce_population_count3A {offsets = [0], sizes = [1], strides = [1]} : vector<16xi32> to vector<1xi32>
        %squeeze3A = vector.extract %slice3A[0] : i32 from vector<1xi32>
        %sub3A = vector.broadcast %add3A_47 : i32 to vector<16xi32>
        %sub3A_790 = arith.subi %get3A_774, %sub3A : vector<16xi32>
        %mul3A_791 = arith.constant 16384 : i32
        %mul3A_792 = vector.broadcast %mul3A_791 : i32 to vector<16xi32>
        %mul3A_793 = arith.muli %sub3A_790, %mul3A_792 : vector<16xi32>
        %add3A_794 = arith.addi %mul3A_793, %get3A_778 : vector<16xi32>
        %swap3A_795 = arith.constant 0 : index
        %swap3A_796 = tpu.vector_load %arg23[%swap3A_795] masked %and3A_789 {strides = array<i32>} : memref<16xi32, #tpu.memory_space<vmem>>, vector<16xi32>, vector<16xi1>
        tpu.vector_store %arg23[%swap3A_795], %add3A_794 masked %and3A_789 {strides = array<i32>} : memref<16xi32, #tpu.memory_space<vmem>>, vector<16xi32>, vector<16xi1>
        %swap3A_797 = arith.index_cast %while3A_771 : i32 to index
        %swap3A_798 = tpu.vector_load %arg19[%swap3A_797] masked %and3A_789 {strides = array<i32>} : memref<64xi32, #tpu.memory_space<vmem>>, vector<16xi32>, vector<16xi1>
        tpu.vector_store %arg19[%swap3A_797], %get3A_778 masked %and3A_789 {strides = array<i32>} : memref<64xi32, #tpu.memory_space<vmem>>, vector<16xi32>, vector<16xi1>
        %get3A_799 = arith.constant 0 : index
        %get3A_800 = tpu.vector_load %arg23[%get3A_799] {strides = array<i32>} : memref<16xi32, #tpu.memory_space<vmem>>, vector<16xi32>,
        %while3A_801 = arith.constant 0 : i32
        %while3A_802 = arith.subi %squeeze3A, %while3A_801 : i32
        %while3A_803 = arith.addi %while3A_801, %while3A_802 : i32
        %while3A_804 = arith.constant 1 : i32
        %while3A_805 = arith.divsi %while3A_802, %while3A_804 : i32
        %while3A_806 = arith.muli %while3A_805, %while3A_804 : i32
        %while3A_807 = arith.addi %while3A_801, %while3A_806 : i32
        %while3A_808 = arith.constant 1 : i32
        %while3A_809 = scf.for %while3A_814 = %while3A_801 to %while3A_807 step %while3A_808 iter_args(%while3A_815 = %while3A_771) -> (i32)  : i32 {
          %iota3A_816 = tpu.iota {dimensions = array<i32: 0>} : vector<16xi32>
          %eq3A = vector.broadcast %while3A_814 : i32 to vector<16xi32>
          %eq3A_817 = arith.cmpi eq, %iota3A_816, %eq3A : vector<16xi32>
          %jit3A = arith.constant 0 : i32
          %broadcast_in_dim3A = vector.broadcast %jit3A : i32 to vector<16xi32>
          %select_n3A = arith.select %eq3A_817, %get3A_800, %broadcast_in_dim3A : vector<16xi1>, vector<16xi32>
          %reduce_sum3A = arith.constant true
          %reduce_sum3A_818 = vector.broadcast %reduce_sum3A : i1 to vector<16xi1>
          %reduce_sum3A_819 = tpu.scan <sum>, %select_n3A masked %reduce_sum3A_818 : vector<16xi32>, vector<16xi1> -> vector<16xi32>
          %reduce_sum3A_820 = vector.extract %reduce_sum3A_819[15] : i32 from vector<16xi32>
          %shift_right_logical3A = arith.constant 14 : i32
          %shift_right_logical3A_821 = arith.shrui %reduce_sum3A_820, %shift_right_logical3A : i32
          %add3A_822 = arith.addi %add3A_47, %shift_right_logical3A_821 : i32
          %shift_right_logical3A_823 = arith.constant 7 : i32
          %shift_right_logical3A_824 = arith.shrui %shift_right_logical3A_821, %shift_right_logical3A_823 : i32
          %mul3A_825 = arith.constant 128 : i32
          %mul3A_826 = arith.muli %shift_right_logical3A_824, %mul3A_825 : i32
          %add3A_827 = arith.addi %add3A_47, %mul3A_826 : i32
          %min3A_828 = arith.constant 999808 : i32
          %min3A_829 = arith.minsi %add3A_827, %min3A_828 : i32
          %ge3A_830 = arith.constant 999936 : i32
          %ge3A_831 = arith.cmpi sge, %add3A_822, %ge3A_830 : i32
          %jit3A_832 = arith.constant 8 : i32
          %select_n3A_833 = arith.select %ge3A_831, %jit3A_832, %shift_right_logical3A_824 : i32
          %sub3A_834 = arith.constant 999936 : i32
          %sub3A_835 = arith.subi %add3A_822, %sub3A_834 : i32
          %sub3A_836 = arith.subi %add3A_822, %min3A_829 : i32
          %select_n3A_837 = arith.select %ge3A_831, %sub3A_835, %sub3A_836 : i32
          %broadcast_in_dim3A_838 = vector.broadcast %select_n3A_833 : i32 to vector<16xi32>
          %broadcast_in_dim3A_839 = vector.broadcast %select_n3A_837 : i32 to vector<16xi32>
          %add3A_840 = arith.constant 0 : i32
          %add3A_841 = vector.broadcast %add3A_840 : i32 to vector<16xi32>
          %add3A_842 = arith.addi %iota3A, %add3A_841 : vector<16xi32>
          %gather3A = tpu.vector_load_idx %arg14[%broadcast_in_dim3A_838, %add3A_842, %broadcast_in_dim3A_839] : memref<9x64x128xf32, #tpu.memory_space<vmem>>[vector<16xi32>, vector<16xi32>, vector<16xi32>], vector<16xf32>,
          %swap3A_843 = arith.index_cast %while3A_815 : i32 to index
          %swap3A_844 = arith.constant 0 : index
          %swap3A_845 = tpu.vector_load %arg15[%swap3A_843, %swap3A_844] {strides = array<i32>} : memref<64x128xf32, #tpu.memory_space<vmem>>, vector<16xf32>,
          tpu.vector_store %arg15[%swap3A_843, %swap3A_844], %gather3A {strides = array<i32>} : memref<64x128xf32, #tpu.memory_space<vmem>>, vector<16xf32>,
          %add3A_846 = arith.constant 16 : i32
          %add3A_847 = vector.broadcast %add3A_846 : i32 to vector<16xi32>
          %add3A_848 = arith.addi %iota3A, %add3A_847 : vector<16xi32>
          %gather3A_849 = tpu.vector_load_idx %arg14[%broadcast_in_dim3A_838, %add3A_848, %broadcast_in_dim3A_839] : memref<9x64x128xf32, #tpu.memory_space<vmem>>[vector<16xi32>, vector<16xi32>, vector<16xi32>], vector<16xf32>,
          %swap3A_850 = arith.index_cast %while3A_815 : i32 to index
          %swap3A_851 = arith.constant 16 : index
          %swap3A_852 = tpu.vector_load %arg15[%swap3A_850, %swap3A_851] {strides = array<i32>} : memref<64x128xf32, #tpu.memory_space<vmem>>, vector<16xf32>,
          tpu.vector_store %arg15[%swap3A_850, %swap3A_851], %gather3A_849 {strides = array<i32>} : memref<64x128xf32, #tpu.memory_space<vmem>>, vector<16xf32>,
          %add3A_853 = arith.constant 32 : i32
          %add3A_854 = vector.broadcast %add3A_853 : i32 to vector<16xi32>
          %add3A_855 = arith.addi %iota3A, %add3A_854 : vector<16xi32>
          %gather3A_856 = tpu.vector_load_idx %arg14[%broadcast_in_dim3A_838, %add3A_855, %broadcast_in_dim3A_839] : memref<9x64x128xf32, #tpu.memory_space<vmem>>[vector<16xi32>, vector<16xi32>, vector<16xi32>], vector<16xf32>,
          %swap3A_857 = arith.index_cast %while3A_815 : i32 to index
          %swap3A_858 = arith.constant 32 : index
          %swap3A_859 = tpu.vector_load %arg15[%swap3A_857, %swap3A_858] {strides = array<i32>} : memref<64x128xf32, #tpu.memory_space<vmem>>, vector<16xf32>,
          tpu.vector_store %arg15[%swap3A_857, %swap3A_858], %gather3A_856 {strides = array<i32>} : memref<64x128xf32, #tpu.memory_space<vmem>>, vector<16xf32>,
          %add3A_860 = arith.constant 48 : i32
          %add3A_861 = vector.broadcast %add3A_860 : i32 to vector<16xi32>
          %add3A_862 = arith.addi %iota3A, %add3A_861 : vector<16xi32>
          %gather3A_863 = tpu.vector_load_idx %arg14[%broadcast_in_dim3A_838, %add3A_862, %broadcast_in_dim3A_839] : memref<9x64x128xf32, #tpu.memory_space<vmem>>[vector<16xi32>, vector<16xi32>, vector<16xi32>], vector<16xf32>,
          %swap3A_864 = arith.index_cast %while3A_815 : i32 to index
          %swap3A_865 = arith.constant 48 : index
          %swap3A_866 = tpu.vector_load %arg15[%swap3A_864, %swap3A_865] {strides = array<i32>} : memref<64x128xf32, #tpu.memory_space<vmem>>, vector<16xf32>,
          tpu.vector_store %arg15[%swap3A_864, %swap3A_865], %gather3A_863 {strides = array<i32>} : memref<64x128xf32, #tpu.memory_space<vmem>>, vector<16xf32>,
          %add3A_867 = arith.constant 1 : i32
          %add3A_868 = arith.addi %while3A_815, %add3A_867 : i32
          scf.yield %add3A_868 : i32
        }
        %while3A_810 = arith.constant 1 : i32
        %while3A_811 = scf.for %while3A_814 = %while3A_807 to %while3A_803 step %while3A_810 iter_args(%while3A_815 = %while3A_809) -> (i32)  : i32 {
          %iota3A_816 = tpu.iota {dimensions = array<i32: 0>} : vector<16xi32>
          %eq3A = vector.broadcast %while3A_814 : i32 to vector<16xi32>
          %eq3A_817 = arith.cmpi eq, %iota3A_816, %eq3A : vector<16xi32>
          %jit3A = arith.constant 0 : i32
          %broadcast_in_dim3A = vector.broadcast %jit3A : i32 to vector<16xi32>
          %select_n3A = arith.select %eq3A_817, %get3A_800, %broadcast_in_dim3A : vector<16xi1>, vector<16xi32>
          %reduce_sum3A = arith.constant true
          %reduce_sum3A_818 = vector.broadcast %reduce_sum3A : i1 to vector<16xi1>
          %reduce_sum3A_819 = tpu.scan <sum>, %select_n3A masked %reduce_sum3A_818 : vector<16xi32>, vector<16xi1> -> vector<16xi32>
          %reduce_sum3A_820 = vector.extract %reduce_sum3A_819[15] : i32 from vector<16xi32>
          %shift_right_logical3A = arith.constant 14 : i32
          %shift_right_logical3A_821 = arith.shrui %reduce_sum3A_820, %shift_right_logical3A : i32
          %add3A_822 = arith.addi %add3A_47, %shift_right_logical3A_821 : i32
          %shift_right_logical3A_823 = arith.constant 7 : i32
          %shift_right_logical3A_824 = arith.shrui %shift_right_logical3A_821, %shift_right_logical3A_823 : i32
          %mul3A_825 = arith.constant 128 : i32
          %mul3A_826 = arith.muli %shift_right_logical3A_824, %mul3A_825 : i32
          %add3A_827 = arith.addi %add3A_47, %mul3A_826 : i32
          %min3A_828 = arith.constant 999808 : i32
          %min3A_829 = arith.minsi %add3A_827, %min3A_828 : i32
          %ge3A_830 = arith.constant 999936 : i32
          %ge3A_831 = arith.cmpi sge, %add3A_822, %ge3A_830 : i32
          %jit3A_832 = arith.constant 8 : i32
          %select_n3A_833 = arith.select %ge3A_831, %jit3A_832, %shift_right_logical3A_824 : i32
          %sub3A_834 = arith.constant 999936 : i32
          %sub3A_835 = arith.subi %add3A_822, %sub3A_834 : i32
          %sub3A_836 = arith.subi %add3A_822, %min3A_829 : i32
          %select_n3A_837 = arith.select %ge3A_831, %sub3A_835, %sub3A_836 : i32
          %broadcast_in_dim3A_838 = vector.broadcast %select_n3A_833 : i32 to vector<16xi32>
          %broadcast_in_dim3A_839 = vector.broadcast %select_n3A_837 : i32 to vector<16xi32>
          %add3A_840 = arith.constant 0 : i32
          %add3A_841 = vector.broadcast %add3A_840 : i32 to vector<16xi32>
          %add3A_842 = arith.addi %iota3A, %add3A_841 : vector<16xi32>
          %gather3A = tpu.vector_load_idx %arg14[%broadcast_in_dim3A_838, %add3A_842, %broadcast_in_dim3A_839] : memref<9x64x128xf32, #tpu.memory_space<vmem>>[vector<16xi32>, vector<16xi32>, vector<16xi32>], vector<16xf32>,
          %swap3A_843 = arith.index_cast %while3A_815 : i32 to index
          %swap3A_844 = arith.constant 0 : index
          %swap3A_845 = tpu.vector_load %arg15[%swap3A_843, %swap3A_844] {strides = array<i32>} : memref<64x128xf32, #tpu.memory_space<vmem>>, vector<16xf32>,
          tpu.vector_store %arg15[%swap3A_843, %swap3A_844], %gather3A {strides = array<i32>} : memref<64x128xf32, #tpu.memory_space<vmem>>, vector<16xf32>,
          %add3A_846 = arith.constant 16 : i32
          %add3A_847 = vector.broadcast %add3A_846 : i32 to vector<16xi32>
          %add3A_848 = arith.addi %iota3A, %add3A_847 : vector<16xi32>
          %gather3A_849 = tpu.vector_load_idx %arg14[%broadcast_in_dim3A_838, %add3A_848, %broadcast_in_dim3A_839] : memref<9x64x128xf32, #tpu.memory_space<vmem>>[vector<16xi32>, vector<16xi32>, vector<16xi32>], vector<16xf32>,
          %swap3A_850 = arith.index_cast %while3A_815 : i32 to index
          %swap3A_851 = arith.constant 16 : index
          %swap3A_852 = tpu.vector_load %arg15[%swap3A_850, %swap3A_851] {strides = array<i32>} : memref<64x128xf32, #tpu.memory_space<vmem>>, vector<16xf32>,
          tpu.vector_store %arg15[%swap3A_850, %swap3A_851], %gather3A_849 {strides = array<i32>} : memref<64x128xf32, #tpu.memory_space<vmem>>, vector<16xf32>,
          %add3A_853 = arith.constant 32 : i32
          %add3A_854 = vector.broadcast %add3A_853 : i32 to vector<16xi32>
          %add3A_855 = arith.addi %iota3A, %add3A_854 : vector<16xi32>
          %gather3A_856 = tpu.vector_load_idx %arg14[%broadcast_in_dim3A_838, %add3A_855, %broadcast_in_dim3A_839] : memref<9x64x128xf32, #tpu.memory_space<vmem>>[vector<16xi32>, vector<16xi32>, vector<16xi32>], vector<16xf32>,
          %swap3A_857 = arith.index_cast %while3A_815 : i32 to index
          %swap3A_858 = arith.constant 32 : index
          %swap3A_859 = tpu.vector_load %arg15[%swap3A_857, %swap3A_858] {strides = array<i32>} : memref<64x128xf32, #tpu.memory_space<vmem>>, vector<16xf32>,
          tpu.vector_store %arg15[%swap3A_857, %swap3A_858], %gather3A_856 {strides = array<i32>} : memref<64x128xf32, #tpu.memory_space<vmem>>, vector<16xf32>,
          %add3A_860 = arith.constant 48 : i32
          %add3A_861 = vector.broadcast %add3A_860 : i32 to vector<16xi32>
          %add3A_862 = arith.addi %iota3A, %add3A_861 : vector<16xi32>
          %gather3A_863 = tpu.vector_load_idx %arg14[%broadcast_in_dim3A_838, %add3A_862, %broadcast_in_dim3A_839] : memref<9x64x128xf32, #tpu.memory_space<vmem>>[vector<16xi32>, vector<16xi32>, vector<16xi32>], vector<16xf32>,
          %swap3A_864 = arith.index_cast %while3A_815 : i32 to index
          %swap3A_865 = arith.constant 48 : index
          %swap3A_866 = tpu.vector_load %arg15[%swap3A_864, %swap3A_865] {strides = array<i32>} : memref<64x128xf32, #tpu.memory_space<vmem>>, vector<16xf32>,
          tpu.vector_store %arg15[%swap3A_864, %swap3A_865], %gather3A_863 {strides = array<i32>} : memref<64x128xf32, #tpu.memory_space<vmem>>, vector<16xf32>,
          %add3A_867 = arith.constant 1 : i32
          %add3A_868 = arith.addi %while3A_815, %add3A_867 : i32
          scf.yield %add3A_868 : i32
        }
        %min3A_812 = arith.constant 48 : i32
        %min3A_813 = arith.minsi %while3A_811, %min3A_812 : i32
        scf.yield %min3A_813 : i32
      }
      %while3A_332 = arith.constant 1 : i32
      %while3A_333 = scf.for %while3A_770 = %while3A_329 to %while3A_325 step %while3A_332 iter_args(%while3A_771 = %while3A_331) -> (i32)  : i32 {
        %mul3A_772 = arith.constant 16 : i32
        %mul3A_773 = arith.muli %while3A_770, %mul3A_772 : i32
        %get3A = arith.index_cast %mul3A_773 : i32 to index
        %get3A_774 = tpu.vector_load %arg10[%get3A] {strides = array<i32>} : memref<1536xi32, #tpu.memory_space<vmem>>, vector<16xi32>,
        %mul3A_775 = arith.constant 16 : i32
        %mul3A_776 = arith.muli %while3A_770, %mul3A_775 : i32
        %get3A_777 = arith.index_cast %mul3A_776 : i32 to index
        %get3A_778 = tpu.vector_load %arg11[%get3A_777] {strides = array<i32>} : memref<1536xi32, #tpu.memory_space<vmem>>, vector<16xi32>,
        %mul3A_779 = arith.constant 16 : i32
        %mul3A_780 = arith.muli %while3A_770, %mul3A_779 : i32
        %add3A_781 = vector.broadcast %mul3A_780 : i32 to vector<16xi32>
        %add3A_782 = arith.addi %add3A_781, %iota3A : vector<16xi32>
        %lt3A = vector.broadcast %scan3A_10#0 : i32 to vector<16xi32>
        %lt3A_783 = arith.cmpi slt, %add3A_782, %lt3A : vector<16xi32>
        %ge3A = vector.broadcast %add3A_47 : i32 to vector<16xi32>
        %ge3A_784 = arith.cmpi sge, %get3A_774, %ge3A : vector<16xi32>
        %add3A_785 = arith.constant 1024 : i32
        %add3A_786 = arith.addi %add3A_47, %add3A_785 : i32
        %lt3A_787 = vector.broadcast %add3A_786 : i32 to vector<16xi32>
        %lt3A_788 = arith.cmpi slt, %get3A_774, %lt3A_787 : vector<16xi32>
        %and3A = arith.andi %ge3A_784, %lt3A_788 : vector<16xi1>
        %and3A_789 = arith.andi %lt3A_783, %and3A : vector<16xi1>
        %all_reduce_population_count3A = tpu.all_reduce %and3A_789 {dim = 0 : i64, kind = #tpu.reduction_kind<sum>} : vector<16xi1> -> vector<16xi32>
        %slice3A = vector.extract_strided_slice %all_reduce_population_count3A {offsets = [0], sizes = [1], strides = [1]} : vector<16xi32> to vector<1xi32>
        %squeeze3A = vector.extract %slice3A[0] : i32 from vector<1xi32>
        %sub3A = vector.broadcast %add3A_47 : i32 to vector<16xi32>
        %sub3A_790 = arith.subi %get3A_774, %sub3A : vector<16xi32>
        %mul3A_791 = arith.constant 16384 : i32
        %mul3A_792 = vector.broadcast %mul3A_791 : i32 to vector<16xi32>
        %mul3A_793 = arith.muli %sub3A_790, %mul3A_792 : vector<16xi32>
        %add3A_794 = arith.addi %mul3A_793, %get3A_778 : vector<16xi32>
        %swap3A_795 = arith.constant 0 : index
        %swap3A_796 = tpu.vector_load %arg23[%swap3A_795] masked %and3A_789 {strides = array<i32>} : memref<16xi32, #tpu.memory_space<vmem>>, vector<16xi32>, vector<16xi1>
        tpu.vector_store %arg23[%swap3A_795], %add3A_794 masked %and3A_789 {strides = array<i32>} : memref<16xi32, #tpu.memory_space<vmem>>, vector<16xi32>, vector<16xi1>
        %swap3A_797 = arith.index_cast %while3A_771 : i32 to index
        %swap3A_798 = tpu.vector_load %arg19[%swap3A_797] masked %and3A_789 {strides = array<i32>} : memref<64xi32, #tpu.memory_space<vmem>>, vector<16xi32>, vector<16xi1>
        tpu.vector_store %arg19[%swap3A_797], %get3A_778 masked %and3A_789 {strides = array<i32>} : memref<64xi32, #tpu.memory_space<vmem>>, vector<16xi32>, vector<16xi1>
        %get3A_799 = arith.constant 0 : index
        %get3A_800 = tpu.vector_load %arg23[%get3A_799] {strides = array<i32>} : memref<16xi32, #tpu.memory_space<vmem>>, vector<16xi32>,
        %while3A_801 = arith.constant 0 : i32
        %while3A_802 = arith.subi %squeeze3A, %while3A_801 : i32
        %while3A_803 = arith.addi %while3A_801, %while3A_802 : i32
        %while3A_804 = arith.constant 1 : i32
        %while3A_805 = arith.divsi %while3A_802, %while3A_804 : i32
        %while3A_806 = arith.muli %while3A_805, %while3A_804 : i32
        %while3A_807 = arith.addi %while3A_801, %while3A_806 : i32
        %while3A_808 = arith.constant 1 : i32
        %while3A_809 = scf.for %while3A_814 = %while3A_801 to %while3A_807 step %while3A_808 iter_args(%while3A_815 = %while3A_771) -> (i32)  : i32 {
          %iota3A_816 = tpu.iota {dimensions = array<i32: 0>} : vector<16xi32>
          %eq3A = vector.broadcast %while3A_814 : i32 to vector<16xi32>
          %eq3A_817 = arith.cmpi eq, %iota3A_816, %eq3A : vector<16xi32>
          %jit3A = arith.constant 0 : i32
          %broadcast_in_dim3A = vector.broadcast %jit3A : i32 to vector<16xi32>
          %select_n3A = arith.select %eq3A_817, %get3A_800, %broadcast_in_dim3A : vector<16xi1>, vector<16xi32>
          %reduce_sum3A = arith.constant true
          %reduce_sum3A_818 = vector.broadcast %reduce_sum3A : i1 to vector<16xi1>
          %reduce_sum3A_819 = tpu.scan <sum>, %select_n3A masked %reduce_sum3A_818 : vector<16xi32>, vector<16xi1> -> vector<16xi32>
          %reduce_sum3A_820 = vector.extract %reduce_sum3A_819[15] : i32 from vector<16xi32>
          %shift_right_logical3A = arith.constant 14 : i32
          %shift_right_logical3A_821 = arith.shrui %reduce_sum3A_820, %shift_right_logical3A : i32
          %add3A_822 = arith.addi %add3A_47, %shift_right_logical3A_821 : i32
          %shift_right_logical3A_823 = arith.constant 7 : i32
          %shift_right_logical3A_824 = arith.shrui %shift_right_logical3A_821, %shift_right_logical3A_823 : i32
          %mul3A_825 = arith.constant 128 : i32
          %mul3A_826 = arith.muli %shift_right_logical3A_824, %mul3A_825 : i32
          %add3A_827 = arith.addi %add3A_47, %mul3A_826 : i32
          %min3A_828 = arith.constant 999808 : i32
          %min3A_829 = arith.minsi %add3A_827, %min3A_828 : i32
          %ge3A_830 = arith.constant 999936 : i32
          %ge3A_831 = arith.cmpi sge, %add3A_822, %ge3A_830 : i32
          %jit3A_832 = arith.constant 8 : i32
          %select_n3A_833 = arith.select %ge3A_831, %jit3A_832, %shift_right_logical3A_824 : i32
          %sub3A_834 = arith.constant 999936 : i32
          %sub3A_835 = arith.subi %add3A_822, %sub3A_834 : i32
          %sub3A_836 = arith.subi %add3A_822, %min3A_829 : i32
          %select_n3A_837 = arith.select %ge3A_831, %sub3A_835, %sub3A_836 : i32
          %broadcast_in_dim3A_838 = vector.broadcast %select_n3A_833 : i32 to vector<16xi32>
          %broadcast_in_dim3A_839 = vector.broadcast %select_n3A_837 : i32 to vector<16xi32>
          %add3A_840 = arith.constant 0 : i32
          %add3A_841 = vector.broadcast %add3A_840 : i32 to vector<16xi32>
          %add3A_842 = arith.addi %iota3A, %add3A_841 : vector<16xi32>
          %gather3A = tpu.vector_load_idx %arg14[%broadcast_in_dim3A_838, %add3A_842, %broadcast_in_dim3A_839] : memref<9x64x128xf32, #tpu.memory_space<vmem>>[vector<16xi32>, vector<16xi32>, vector<16xi32>], vector<16xf32>,
          %swap3A_843 = arith.index_cast %while3A_815 : i32 to index
          %swap3A_844 = arith.constant 0 : index
          %swap3A_845 = tpu.vector_load %arg15[%swap3A_843, %swap3A_844] {strides = array<i32>} : memref<64x128xf32, #tpu.memory_space<vmem>>, vector<16xf32>,
          tpu.vector_store %arg15[%swap3A_843, %swap3A_844], %gather3A {strides = array<i32>} : memref<64x128xf32, #tpu.memory_space<vmem>>, vector<16xf32>,
          %add3A_846 = arith.constant 16 : i32
          %add3A_847 = vector.broadcast %add3A_846 : i32 to vector<16xi32>
          %add3A_848 = arith.addi %iota3A, %add3A_847 : vector<16xi32>
          %gather3A_849 = tpu.vector_load_idx %arg14[%broadcast_in_dim3A_838, %add3A_848, %broadcast_in_dim3A_839] : memref<9x64x128xf32, #tpu.memory_space<vmem>>[vector<16xi32>, vector<16xi32>, vector<16xi32>], vector<16xf32>,
          %swap3A_850 = arith.index_cast %while3A_815 : i32 to index
          %swap3A_851 = arith.constant 16 : index
          %swap3A_852 = tpu.vector_load %arg15[%swap3A_850, %swap3A_851] {strides = array<i32>} : memref<64x128xf32, #tpu.memory_space<vmem>>, vector<16xf32>,
          tpu.vector_store %arg15[%swap3A_850, %swap3A_851], %gather3A_849 {strides = array<i32>} : memref<64x128xf32, #tpu.memory_space<vmem>>, vector<16xf32>,
          %add3A_853 = arith.constant 32 : i32
          %add3A_854 = vector.broadcast %add3A_853 : i32 to vector<16xi32>
          %add3A_855 = arith.addi %iota3A, %add3A_854 : vector<16xi32>
          %gather3A_856 = tpu.vector_load_idx %arg14[%broadcast_in_dim3A_838, %add3A_855, %broadcast_in_dim3A_839] : memref<9x64x128xf32, #tpu.memory_space<vmem>>[vector<16xi32>, vector<16xi32>, vector<16xi32>], vector<16xf32>,
          %swap3A_857 = arith.index_cast %while3A_815 : i32 to index
          %swap3A_858 = arith.constant 32 : index
          %swap3A_859 = tpu.vector_load %arg15[%swap3A_857, %swap3A_858] {strides = array<i32>} : memref<64x128xf32, #tpu.memory_space<vmem>>, vector<16xf32>,
          tpu.vector_store %arg15[%swap3A_857, %swap3A_858], %gather3A_856 {strides = array<i32>} : memref<64x128xf32, #tpu.memory_space<vmem>>, vector<16xf32>,
          %add3A_860 = arith.constant 48 : i32
          %add3A_861 = vector.broadcast %add3A_860 : i32 to vector<16xi32>
          %add3A_862 = arith.addi %iota3A, %add3A_861 : vector<16xi32>
          %gather3A_863 = tpu.vector_load_idx %arg14[%broadcast_in_dim3A_838, %add3A_862, %broadcast_in_dim3A_839] : memref<9x64x128xf32, #tpu.memory_space<vmem>>[vector<16xi32>, vector<16xi32>, vector<16xi32>], vector<16xf32>,
          %swap3A_864 = arith.index_cast %while3A_815 : i32 to index
          %swap3A_865 = arith.constant 48 : index
          %swap3A_866 = tpu.vector_load %arg15[%swap3A_864, %swap3A_865] {strides = array<i32>} : memref<64x128xf32, #tpu.memory_space<vmem>>, vector<16xf32>,
          tpu.vector_store %arg15[%swap3A_864, %swap3A_865], %gather3A_863 {strides = array<i32>} : memref<64x128xf32, #tpu.memory_space<vmem>>, vector<16xf32>,
          %add3A_867 = arith.constant 1 : i32
          %add3A_868 = arith.addi %while3A_815, %add3A_867 : i32
          scf.yield %add3A_868 : i32
        }
        %while3A_810 = arith.constant 1 : i32
        %while3A_811 = scf.for %while3A_814 = %while3A_807 to %while3A_803 step %while3A_810 iter_args(%while3A_815 = %while3A_809) -> (i32)  : i32 {
          %iota3A_816 = tpu.iota {dimensions = array<i32: 0>} : vector<16xi32>
          %eq3A = vector.broadcast %while3A_814 : i32 to vector<16xi32>
          %eq3A_817 = arith.cmpi eq, %iota3A_816, %eq3A : vector<16xi32>
          %jit3A = arith.constant 0 : i32
          %broadcast_in_dim3A = vector.broadcast %jit3A : i32 to vector<16xi32>
          %select_n3A = arith.select %eq3A_817, %get3A_800, %broadcast_in_dim3A : vector<16xi1>, vector<16xi32>
          %reduce_sum3A = arith.constant true
          %reduce_sum3A_818 = vector.broadcast %reduce_sum3A : i1 to vector<16xi1>
          %reduce_sum3A_819 = tpu.scan <sum>, %select_n3A masked %reduce_sum3A_818 : vector<16xi32>, vector<16xi1> -> vector<16xi32>
          %reduce_sum3A_820 = vector.extract %reduce_sum3A_819[15] : i32 from vector<16xi32>
          %shift_right_logical3A = arith.constant 14 : i32
          %shift_right_logical3A_821 = arith.shrui %reduce_sum3A_820, %shift_right_logical3A : i32
          %add3A_822 = arith.addi %add3A_47, %shift_right_logical3A_821 : i32
          %shift_right_logical3A_823 = arith.constant 7 : i32
          %shift_right_logical3A_824 = arith.shrui %shift_right_logical3A_821, %shift_right_logical3A_823 : i32
          %mul3A_825 = arith.constant 128 : i32
          %mul3A_826 = arith.muli %shift_right_logical3A_824, %mul3A_825 : i32
          %add3A_827 = arith.addi %add3A_47, %mul3A_826 : i32
          %min3A_828 = arith.constant 999808 : i32
          %min3A_829 = arith.minsi %add3A_827, %min3A_828 : i32
          %ge3A_830 = arith.constant 999936 : i32
          %ge3A_831 = arith.cmpi sge, %add3A_822, %ge3A_830 : i32
          %jit3A_832 = arith.constant 8 : i32
          %select_n3A_833 = arith.select %ge3A_831, %jit3A_832, %shift_right_logical3A_824 : i32
          %sub3A_834 = arith.constant 999936 : i32
          %sub3A_835 = arith.subi %add3A_822, %sub3A_834 : i32
          %sub3A_836 = arith.subi %add3A_822, %min3A_829 : i32
          %select_n3A_837 = arith.select %ge3A_831, %sub3A_835, %sub3A_836 : i32
          %broadcast_in_dim3A_838 = vector.broadcast %select_n3A_833 : i32 to vector<16xi32>
          %broadcast_in_dim3A_839 = vector.broadcast %select_n3A_837 : i32 to vector<16xi32>
          %add3A_840 = arith.constant 0 : i32
          %add3A_841 = vector.broadcast %add3A_840 : i32 to vector<16xi32>
          %add3A_842 = arith.addi %iota3A, %add3A_841 : vector<16xi32>
          %gather3A = tpu.vector_load_idx %arg14[%broadcast_in_dim3A_838, %add3A_842, %broadcast_in_dim3A_839] : memref<9x64x128xf32, #tpu.memory_space<vmem>>[vector<16xi32>, vector<16xi32>, vector<16xi32>], vector<16xf32>,
          %swap3A_843 = arith.index_cast %while3A_815 : i32 to index
          %swap3A_844 = arith.constant 0 : index
          %swap3A_845 = tpu.vector_load %arg15[%swap3A_843, %swap3A_844] {strides = array<i32>} : memref<64x128xf32, #tpu.memory_space<vmem>>, vector<16xf32>,
          tpu.vector_store %arg15[%swap3A_843, %swap3A_844], %gather3A {strides = array<i32>} : memref<64x128xf32, #tpu.memory_space<vmem>>, vector<16xf32>,
          %add3A_846 = arith.constant 16 : i32
          %add3A_847 = vector.broadcast %add3A_846 : i32 to vector<16xi32>
          %add3A_848 = arith.addi %iota3A, %add3A_847 : vector<16xi32>
          %gather3A_849 = tpu.vector_load_idx %arg14[%broadcast_in_dim3A_838, %add3A_848, %broadcast_in_dim3A_839] : memref<9x64x128xf32, #tpu.memory_space<vmem>>[vector<16xi32>, vector<16xi32>, vector<16xi32>], vector<16xf32>,
          %swap3A_850 = arith.index_cast %while3A_815 : i32 to index
          %swap3A_851 = arith.constant 16 : index
          %swap3A_852 = tpu.vector_load %arg15[%swap3A_850, %swap3A_851] {strides = array<i32>} : memref<64x128xf32, #tpu.memory_space<vmem>>, vector<16xf32>,
          tpu.vector_store %arg15[%swap3A_850, %swap3A_851], %gather3A_849 {strides = array<i32>} : memref<64x128xf32, #tpu.memory_space<vmem>>, vector<16xf32>,
          %add3A_853 = arith.constant 32 : i32
          %add3A_854 = vector.broadcast %add3A_853 : i32 to vector<16xi32>
          %add3A_855 = arith.addi %iota3A, %add3A_854 : vector<16xi32>
          %gather3A_856 = tpu.vector_load_idx %arg14[%broadcast_in_dim3A_838, %add3A_855, %broadcast_in_dim3A_839] : memref<9x64x128xf32, #tpu.memory_space<vmem>>[vector<16xi32>, vector<16xi32>, vector<16xi32>], vector<16xf32>,
          %swap3A_857 = arith.index_cast %while3A_815 : i32 to index
          %swap3A_858 = arith.constant 32 : index
          %swap3A_859 = tpu.vector_load %arg15[%swap3A_857, %swap3A_858] {strides = array<i32>} : memref<64x128xf32, #tpu.memory_space<vmem>>, vector<16xf32>,
          tpu.vector_store %arg15[%swap3A_857, %swap3A_858], %gather3A_856 {strides = array<i32>} : memref<64x128xf32, #tpu.memory_space<vmem>>, vector<16xf32>,
          %add3A_860 = arith.constant 48 : i32
          %add3A_861 = vector.broadcast %add3A_860 : i32 to vector<16xi32>
          %add3A_862 = arith.addi %iota3A, %add3A_861 : vector<16xi32>
          %gather3A_863 = tpu.vector_load_idx %arg14[%broadcast_in_dim3A_838, %add3A_862, %broadcast_in_dim3A_839] : memref<9x64x128xf32, #tpu.memory_space<vmem>>[vector<16xi32>, vector<16xi32>, vector<16xi32>], vector<16xf32>,
          %swap3A_864 = arith.index_cast %while3A_815 : i32 to index
          %swap3A_865 = arith.constant 48 : index
          %swap3A_866 = tpu.vector_load %arg15[%swap3A_864, %swap3A_865] {strides = array<i32>} : memref<64x128xf32, #tpu.memory_space<vmem>>, vector<16xf32>,
          tpu.vector_store %arg15[%swap3A_864, %swap3A_865], %gather3A_863 {strides = array<i32>} : memref<64x128xf32, #tpu.memory_space<vmem>>, vector<16xf32>,
          %add3A_867 = arith.constant 1 : i32
          %add3A_868 = arith.addi %while3A_815, %add3A_867 : i32
          scf.yield %add3A_868 : i32
        }
        %min3A_812 = arith.constant 48 : i32
        %min3A_813 = arith.minsi %while3A_811, %min3A_812 : i32
        scf.yield %min3A_813 : i32
      }
      %add3A_334 = arith.constant 15 : i32
      %add3A_335 = arith.addi %scan3A_10#1, %add3A_334 : i32
      %div3A_336 = arith.constant 16 : i32
      %div3A_337 = arith.divsi %add3A_335, %div3A_336 : i32
      %while3A_338 = arith.constant 0 : i32
      %while3A_339 = arith.constant 0 : i32
      %while3A_340 = arith.subi %div3A_337, %while3A_338 : i32
      %while3A_341 = arith.addi %while3A_338, %while3A_340 : i32
      %while3A_342 = arith.constant 1 : i32
      %while3A_343 = arith.divsi %while3A_340, %while3A_342 : i32
      %while3A_344 = arith.muli %while3A_343, %while3A_342 : i32
      %while3A_345 = arith.addi %while3A_338, %while3A_344 : i32
      %while3A_346 = arith.constant 1 : i32
      %while3A_347 = scf.for %while3A_770 = %while3A_338 to %while3A_345 step %while3A_346 iter_args(%while3A_771 = %while3A_339) -> (i32)  : i32 {
        %mul3A_772 = arith.constant 16 : i32
        %mul3A_773 = arith.muli %while3A_770, %mul3A_772 : i32
        %get3A = arith.index_cast %mul3A_773 : i32 to index
        %get3A_774 = tpu.vector_load %arg12[%get3A] {strides = array<i32>} : memref<1536xi32, #tpu.memory_space<vmem>>, vector<16xi32>,
        %mul3A_775 = arith.constant 16 : i32
        %mul3A_776 = arith.muli %while3A_770, %mul3A_775 : i32
        %get3A_777 = arith.index_cast %mul3A_776 : i32 to index
        %get3A_778 = tpu.vector_load %arg13[%get3A_777] {strides = array<i32>} : memref<1536xi32, #tpu.memory_space<vmem>>, vector<16xi32>,
        %mul3A_779 = arith.constant 16 : i32
        %mul3A_780 = arith.muli %while3A_770, %mul3A_779 : i32
        %add3A_781 = vector.broadcast %mul3A_780 : i32 to vector<16xi32>
        %add3A_782 = arith.addi %add3A_781, %iota3A : vector<16xi32>
        %lt3A = vector.broadcast %scan3A_10#1 : i32 to vector<16xi32>
        %lt3A_783 = arith.cmpi slt, %add3A_782, %lt3A : vector<16xi32>
        %ge3A = vector.broadcast %add3A_47 : i32 to vector<16xi32>
        %ge3A_784 = arith.cmpi sge, %get3A_774, %ge3A : vector<16xi32>
        %add3A_785 = arith.constant 1024 : i32
        %add3A_786 = arith.addi %add3A_47, %add3A_785 : i32
        %lt3A_787 = vector.broadcast %add3A_786 : i32 to vector<16xi32>
        %lt3A_788 = arith.cmpi slt, %get3A_774, %lt3A_787 : vector<16xi32>
        %and3A = arith.andi %ge3A_784, %lt3A_788 : vector<16xi1>
        %and3A_789 = arith.andi %lt3A_783, %and3A : vector<16xi1>
        %all_reduce_population_count3A = tpu.all_reduce %and3A_789 {dim = 0 : i64, kind = #tpu.reduction_kind<sum>} : vector<16xi1> -> vector<16xi32>
        %slice3A = vector.extract_strided_slice %all_reduce_population_count3A {offsets = [0], sizes = [1], strides = [1]} : vector<16xi32> to vector<1xi32>
        %squeeze3A = vector.extract %slice3A[0] : i32 from vector<1xi32>
        %sub3A = vector.broadcast %add3A_47 : i32 to vector<16xi32>
        %sub3A_790 = arith.subi %get3A_774, %sub3A : vector<16xi32>
        %mul3A_791 = arith.constant 16384 : i32
        %mul3A_792 = vector.broadcast %mul3A_791 : i32 to vector<16xi32>
        %mul3A_793 = arith.muli %sub3A_790, %mul3A_792 : vector<16xi32>
        %add3A_794 = arith.addi %mul3A_793, %get3A_778 : vector<16xi32>
        %swap3A_795 = arith.constant 0 : index
        %swap3A_796 = tpu.vector_load %arg23[%swap3A_795] masked %and3A_789 {strides = array<i32>} : memref<16xi32, #tpu.memory_space<vmem>>, vector<16xi32>, vector<16xi1>
        tpu.vector_store %arg23[%swap3A_795], %add3A_794 masked %and3A_789 {strides = array<i32>} : memref<16xi32, #tpu.memory_space<vmem>>, vector<16xi32>, vector<16xi1>
        %swap3A_797 = arith.index_cast %while3A_771 : i32 to index
        %swap3A_798 = tpu.vector_load %arg20[%swap3A_797] masked %and3A_789 {strides = array<i32>} : memref<64xi32, #tpu.memory_space<vmem>>, vector<16xi32>, vector<16xi1>
        tpu.vector_store %arg20[%swap3A_797], %get3A_778 masked %and3A_789 {strides = array<i32>} : memref<64xi32, #tpu.memory_space<vmem>>, vector<16xi32>, vector<16xi1>
        %get3A_799 = arith.constant 0 : index
        %get3A_800 = tpu.vector_load %arg23[%get3A_799] {strides = array<i32>} : memref<16xi32, #tpu.memory_space<vmem>>, vector<16xi32>,
        %while3A_801 = arith.constant 0 : i32
        %while3A_802 = arith.subi %squeeze3A, %while3A_801 : i32
        %while3A_803 = arith.addi %while3A_801, %while3A_802 : i32
        %while3A_804 = arith.constant 1 : i32
        %while3A_805 = arith.divsi %while3A_802, %while3A_804 : i32
        %while3A_806 = arith.muli %while3A_805, %while3A_804 : i32
        %while3A_807 = arith.addi %while3A_801, %while3A_806 : i32
        %while3A_808 = arith.constant 1 : i32
        %while3A_809 = scf.for %while3A_814 = %while3A_801 to %while3A_807 step %while3A_808 iter_args(%while3A_815 = %while3A_771) -> (i32)  : i32 {
          %iota3A_816 = tpu.iota {dimensions = array<i32: 0>} : vector<16xi32>
          %eq3A = vector.broadcast %while3A_814 : i32 to vector<16xi32>
          %eq3A_817 = arith.cmpi eq, %iota3A_816, %eq3A : vector<16xi32>
          %jit3A = arith.constant 0 : i32
          %broadcast_in_dim3A = vector.broadcast %jit3A : i32 to vector<16xi32>
          %select_n3A = arith.select %eq3A_817, %get3A_800, %broadcast_in_dim3A : vector<16xi1>, vector<16xi32>
          %reduce_sum3A = arith.constant true
          %reduce_sum3A_818 = vector.broadcast %reduce_sum3A : i1 to vector<16xi1>
          %reduce_sum3A_819 = tpu.scan <sum>, %select_n3A masked %reduce_sum3A_818 : vector<16xi32>, vector<16xi1> -> vector<16xi32>
          %reduce_sum3A_820 = vector.extract %reduce_sum3A_819[15] : i32 from vector<16xi32>
          %shift_right_logical3A = arith.constant 14 : i32
          %shift_right_logical3A_821 = arith.shrui %reduce_sum3A_820, %shift_right_logical3A : i32
          %add3A_822 = arith.addi %add3A_47, %shift_right_logical3A_821 : i32
          %shift_right_logical3A_823 = arith.constant 7 : i32
          %shift_right_logical3A_824 = arith.shrui %shift_right_logical3A_821, %shift_right_logical3A_823 : i32
          %mul3A_825 = arith.constant 128 : i32
          %mul3A_826 = arith.muli %shift_right_logical3A_824, %mul3A_825 : i32
          %add3A_827 = arith.addi %add3A_47, %mul3A_826 : i32
          %min3A_828 = arith.constant 999808 : i32
          %min3A_829 = arith.minsi %add3A_827, %min3A_828 : i32
          %ge3A_830 = arith.constant 999936 : i32
          %ge3A_831 = arith.cmpi sge, %add3A_822, %ge3A_830 : i32
          %jit3A_832 = arith.constant 8 : i32
          %select_n3A_833 = arith.select %ge3A_831, %jit3A_832, %shift_right_logical3A_824 : i32
          %sub3A_834 = arith.constant 999936 : i32
          %sub3A_835 = arith.subi %add3A_822, %sub3A_834 : i32
          %sub3A_836 = arith.subi %add3A_822, %min3A_829 : i32
          %select_n3A_837 = arith.select %ge3A_831, %sub3A_835, %sub3A_836 : i32
          %broadcast_in_dim3A_838 = vector.broadcast %select_n3A_833 : i32 to vector<16xi32>
          %broadcast_in_dim3A_839 = vector.broadcast %select_n3A_837 : i32 to vector<16xi32>
          %add3A_840 = arith.constant 0 : i32
          %add3A_841 = vector.broadcast %add3A_840 : i32 to vector<16xi32>
          %add3A_842 = arith.addi %iota3A, %add3A_841 : vector<16xi32>
          %gather3A = tpu.vector_load_idx %arg14[%broadcast_in_dim3A_838, %add3A_842, %broadcast_in_dim3A_839] : memref<9x64x128xf32, #tpu.memory_space<vmem>>[vector<16xi32>, vector<16xi32>, vector<16xi32>], vector<16xf32>,
          %swap3A_843 = arith.index_cast %while3A_815 : i32 to index
          %swap3A_844 = arith.constant 0 : index
          %swap3A_845 = tpu.vector_load %arg16[%swap3A_843, %swap3A_844] {strides = array<i32>} : memref<64x128xf32, #tpu.memory_space<vmem>>, vector<16xf32>,
          tpu.vector_store %arg16[%swap3A_843, %swap3A_844], %gather3A {strides = array<i32>} : memref<64x128xf32, #tpu.memory_space<vmem>>, vector<16xf32>,
          %add3A_846 = arith.constant 16 : i32
          %add3A_847 = vector.broadcast %add3A_846 : i32 to vector<16xi32>
          %add3A_848 = arith.addi %iota3A, %add3A_847 : vector<16xi32>
          %gather3A_849 = tpu.vector_load_idx %arg14[%broadcast_in_dim3A_838, %add3A_848, %broadcast_in_dim3A_839] : memref<9x64x128xf32, #tpu.memory_space<vmem>>[vector<16xi32>, vector<16xi32>, vector<16xi32>], vector<16xf32>,
          %swap3A_850 = arith.index_cast %while3A_815 : i32 to index
          %swap3A_851 = arith.constant 16 : index
          %swap3A_852 = tpu.vector_load %arg16[%swap3A_850, %swap3A_851] {strides = array<i32>} : memref<64x128xf32, #tpu.memory_space<vmem>>, vector<16xf32>,
          tpu.vector_store %arg16[%swap3A_850, %swap3A_851], %gather3A_849 {strides = array<i32>} : memref<64x128xf32, #tpu.memory_space<vmem>>, vector<16xf32>,
          %add3A_853 = arith.constant 32 : i32
          %add3A_854 = vector.broadcast %add3A_853 : i32 to vector<16xi32>
          %add3A_855 = arith.addi %iota3A, %add3A_854 : vector<16xi32>
          %gather3A_856 = tpu.vector_load_idx %arg14[%broadcast_in_dim3A_838, %add3A_855, %broadcast_in_dim3A_839] : memref<9x64x128xf32, #tpu.memory_space<vmem>>[vector<16xi32>, vector<16xi32>, vector<16xi32>], vector<16xf32>,
          %swap3A_857 = arith.index_cast %while3A_815 : i32 to index
          %swap3A_858 = arith.constant 32 : index
          %swap3A_859 = tpu.vector_load %arg16[%swap3A_857, %swap3A_858] {strides = array<i32>} : memref<64x128xf32, #tpu.memory_space<vmem>>, vector<16xf32>,
          tpu.vector_store %arg16[%swap3A_857, %swap3A_858], %gather3A_856 {strides = array<i32>} : memref<64x128xf32, #tpu.memory_space<vmem>>, vector<16xf32>,
          %add3A_860 = arith.constant 48 : i32
          %add3A_861 = vector.broadcast %add3A_860 : i32 to vector<16xi32>
          %add3A_862 = arith.addi %iota3A, %add3A_861 : vector<16xi32>
          %gather3A_863 = tpu.vector_load_idx %arg14[%broadcast_in_dim3A_838, %add3A_862, %broadcast_in_dim3A_839] : memref<9x64x128xf32, #tpu.memory_space<vmem>>[vector<16xi32>, vector<16xi32>, vector<16xi32>], vector<16xf32>,
          %swap3A_864 = arith.index_cast %while3A_815 : i32 to index
          %swap3A_865 = arith.constant 48 : index
          %swap3A_866 = tpu.vector_load %arg16[%swap3A_864, %swap3A_865] {strides = array<i32>} : memref<64x128xf32, #tpu.memory_space<vmem>>, vector<16xf32>,
          tpu.vector_store %arg16[%swap3A_864, %swap3A_865], %gather3A_863 {strides = array<i32>} : memref<64x128xf32, #tpu.memory_space<vmem>>, vector<16xf32>,
          %add3A_867 = arith.constant 1 : i32
          %add3A_868 = arith.addi %while3A_815, %add3A_867 : i32
          scf.yield %add3A_868 : i32
        }
        %while3A_810 = arith.constant 1 : i32
        %while3A_811 = scf.for %while3A_814 = %while3A_807 to %while3A_803 step %while3A_810 iter_args(%while3A_815 = %while3A_809) -> (i32)  : i32 {
          %iota3A_816 = tpu.iota {dimensions = array<i32: 0>} : vector<16xi32>
          %eq3A = vector.broadcast %while3A_814 : i32 to vector<16xi32>
          %eq3A_817 = arith.cmpi eq, %iota3A_816, %eq3A : vector<16xi32>
          %jit3A = arith.constant 0 : i32
          %broadcast_in_dim3A = vector.broadcast %jit3A : i32 to vector<16xi32>
          %select_n3A = arith.select %eq3A_817, %get3A_800, %broadcast_in_dim3A : vector<16xi1>, vector<16xi32>
          %reduce_sum3A = arith.constant true
          %reduce_sum3A_818 = vector.broadcast %reduce_sum3A : i1 to vector<16xi1>
          %reduce_sum3A_819 = tpu.scan <sum>, %select_n3A masked %reduce_sum3A_818 : vector<16xi32>, vector<16xi1> -> vector<16xi32>
          %reduce_sum3A_820 = vector.extract %reduce_sum3A_819[15] : i32 from vector<16xi32>
          %shift_right_logical3A = arith.constant 14 : i32
          %shift_right_logical3A_821 = arith.shrui %reduce_sum3A_820, %shift_right_logical3A : i32
          %add3A_822 = arith.addi %add3A_47, %shift_right_logical3A_821 : i32
          %shift_right_logical3A_823 = arith.constant 7 : i32
          %shift_right_logical3A_824 = arith.shrui %shift_right_logical3A_821, %shift_right_logical3A_823 : i32
          %mul3A_825 = arith.constant 128 : i32
          %mul3A_826 = arith.muli %shift_right_logical3A_824, %mul3A_825 : i32
          %add3A_827 = arith.addi %add3A_47, %mul3A_826 : i32
          %min3A_828 = arith.constant 999808 : i32
          %min3A_829 = arith.minsi %add3A_827, %min3A_828 : i32
          %ge3A_830 = arith.constant 999936 : i32
          %ge3A_831 = arith.cmpi sge, %add3A_822, %ge3A_830 : i32
          %jit3A_832 = arith.constant 8 : i32
          %select_n3A_833 = arith.select %ge3A_831, %jit3A_832, %shift_right_logical3A_824 : i32
          %sub3A_834 = arith.constant 999936 : i32
          %sub3A_835 = arith.subi %add3A_822, %sub3A_834 : i32
          %sub3A_836 = arith.subi %add3A_822, %min3A_829 : i32
          %select_n3A_837 = arith.select %ge3A_831, %sub3A_835, %sub3A_836 : i32
          %broadcast_in_dim3A_838 = vector.broadcast %select_n3A_833 : i32 to vector<16xi32>
          %broadcast_in_dim3A_839 = vector.broadcast %select_n3A_837 : i32 to vector<16xi32>
          %add3A_840 = arith.constant 0 : i32
          %add3A_841 = vector.broadcast %add3A_840 : i32 to vector<16xi32>
          %add3A_842 = arith.addi %iota3A, %add3A_841 : vector<16xi32>
          %gather3A = tpu.vector_load_idx %arg14[%broadcast_in_dim3A_838, %add3A_842, %broadcast_in_dim3A_839] : memref<9x64x128xf32, #tpu.memory_space<vmem>>[vector<16xi32>, vector<16xi32>, vector<16xi32>], vector<16xf32>,
          %swap3A_843 = arith.index_cast %while3A_815 : i32 to index
          %swap3A_844 = arith.constant 0 : index
          %swap3A_845 = tpu.vector_load %arg16[%swap3A_843, %swap3A_844] {strides = array<i32>} : memref<64x128xf32, #tpu.memory_space<vmem>>, vector<16xf32>,
          tpu.vector_store %arg16[%swap3A_843, %swap3A_844], %gather3A {strides = array<i32>} : memref<64x128xf32, #tpu.memory_space<vmem>>, vector<16xf32>,
          %add3A_846 = arith.constant 16 : i32
          %add3A_847 = vector.broadcast %add3A_846 : i32 to vector<16xi32>
          %add3A_848 = arith.addi %iota3A, %add3A_847 : vector<16xi32>
          %gather3A_849 = tpu.vector_load_idx %arg14[%broadcast_in_dim3A_838, %add3A_848, %broadcast_in_dim3A_839] : memref<9x64x128xf32, #tpu.memory_space<vmem>>[vector<16xi32>, vector<16xi32>, vector<16xi32>], vector<16xf32>,
          %swap3A_850 = arith.index_cast %while3A_815 : i32 to index
          %swap3A_851 = arith.constant 16 : index
          %swap3A_852 = tpu.vector_load %arg16[%swap3A_850, %swap3A_851] {strides = array<i32>} : memref<64x128xf32, #tpu.memory_space<vmem>>, vector<16xf32>,
          tpu.vector_store %arg16[%swap3A_850, %swap3A_851], %gather3A_849 {strides = array<i32>} : memref<64x128xf32, #tpu.memory_space<vmem>>, vector<16xf32>,
          %add3A_853 = arith.constant 32 : i32
          %add3A_854 = vector.broadcast %add3A_853 : i32 to vector<16xi32>
          %add3A_855 = arith.addi %iota3A, %add3A_854 : vector<16xi32>
          %gather3A_856 = tpu.vector_load_idx %arg14[%broadcast_in_dim3A_838, %add3A_855, %broadcast_in_dim3A_839] : memref<9x64x128xf32, #tpu.memory_space<vmem>>[vector<16xi32>, vector<16xi32>, vector<16xi32>], vector<16xf32>,
          %swap3A_857 = arith.index_cast %while3A_815 : i32 to index
          %swap3A_858 = arith.constant 32 : index
          %swap3A_859 = tpu.vector_load %arg16[%swap3A_857, %swap3A_858] {strides = array<i32>} : memref<64x128xf32, #tpu.memory_space<vmem>>, vector<16xf32>,
          tpu.vector_store %arg16[%swap3A_857, %swap3A_858], %gather3A_856 {strides = array<i32>} : memref<64x128xf32, #tpu.memory_space<vmem>>, vector<16xf32>,
          %add3A_860 = arith.constant 48 : i32
          %add3A_861 = vector.broadcast %add3A_860 : i32 to vector<16xi32>
          %add3A_862 = arith.addi %iota3A, %add3A_861 : vector<16xi32>
          %gather3A_863 = tpu.vector_load_idx %arg14[%broadcast_in_dim3A_838, %add3A_862, %broadcast_in_dim3A_839] : memref<9x64x128xf32, #tpu.memory_space<vmem>>[vector<16xi32>, vector<16xi32>, vector<16xi32>], vector<16xf32>,
          %swap3A_864 = arith.index_cast %while3A_815 : i32 to index
          %swap3A_865 = arith.constant 48 : index
          %swap3A_866 = tpu.vector_load %arg16[%swap3A_864, %swap3A_865] {strides = array<i32>} : memref<64x128xf32, #tpu.memory_space<vmem>>, vector<16xf32>,
          tpu.vector_store %arg16[%swap3A_864, %swap3A_865], %gather3A_863 {strides = array<i32>} : memref<64x128xf32, #tpu.memory_space<vmem>>, vector<16xf32>,
          %add3A_867 = arith.constant 1 : i32
          %add3A_868 = arith.addi %while3A_815, %add3A_867 : i32
          scf.yield %add3A_868 : i32
        }
        %min3A_812 = arith.constant 48 : i32
        %min3A_813 = arith.minsi %while3A_811, %min3A_812 : i32
        scf.yield %min3A_813 : i32
      }
      %while3A_348 = arith.constant 1 : i32
      %while3A_349 = scf.for %while3A_770 = %while3A_345 to %while3A_341 step %while3A_348 iter_args(%while3A_771 = %while3A_347) -> (i32)  : i32 {
        %mul3A_772 = arith.constant 16 : i32
        %mul3A_773 = arith.muli %while3A_770, %mul3A_772 : i32
        %get3A = arith.index_cast %mul3A_773 : i32 to index
        %get3A_774 = tpu.vector_load %arg12[%get3A] {strides = array<i32>} : memref<1536xi32, #tpu.memory_space<vmem>>, vector<16xi32>,
        %mul3A_775 = arith.constant 16 : i32
        %mul3A_776 = arith.muli %while3A_770, %mul3A_775 : i32
        %get3A_777 = arith.index_cast %mul3A_776 : i32 to index
        %get3A_778 = tpu.vector_load %arg13[%get3A_777] {strides = array<i32>} : memref<1536xi32, #tpu.memory_space<vmem>>, vector<16xi32>,
        %mul3A_779 = arith.constant 16 : i32
        %mul3A_780 = arith.muli %while3A_770, %mul3A_779 : i32
        %add3A_781 = vector.broadcast %mul3A_780 : i32 to vector<16xi32>
        %add3A_782 = arith.addi %add3A_781, %iota3A : vector<16xi32>
        %lt3A = vector.broadcast %scan3A_10#1 : i32 to vector<16xi32>
        %lt3A_783 = arith.cmpi slt, %add3A_782, %lt3A : vector<16xi32>
        %ge3A = vector.broadcast %add3A_47 : i32 to vector<16xi32>
        %ge3A_784 = arith.cmpi sge, %get3A_774, %ge3A : vector<16xi32>
        %add3A_785 = arith.constant 1024 : i32
        %add3A_786 = arith.addi %add3A_47, %add3A_785 : i32
        %lt3A_787 = vector.broadcast %add3A_786 : i32 to vector<16xi32>
        %lt3A_788 = arith.cmpi slt, %get3A_774, %lt3A_787 : vector<16xi32>
        %and3A = arith.andi %ge3A_784, %lt3A_788 : vector<16xi1>
        %and3A_789 = arith.andi %lt3A_783, %and3A : vector<16xi1>
        %all_reduce_population_count3A = tpu.all_reduce %and3A_789 {dim = 0 : i64, kind = #tpu.reduction_kind<sum>} : vector<16xi1> -> vector<16xi32>
        %slice3A = vector.extract_strided_slice %all_reduce_population_count3A {offsets = [0], sizes = [1], strides = [1]} : vector<16xi32> to vector<1xi32>
        %squeeze3A = vector.extract %slice3A[0] : i32 from vector<1xi32>
        %sub3A = vector.broadcast %add3A_47 : i32 to vector<16xi32>
        %sub3A_790 = arith.subi %get3A_774, %sub3A : vector<16xi32>
        %mul3A_791 = arith.constant 16384 : i32
        %mul3A_792 = vector.broadcast %mul3A_791 : i32 to vector<16xi32>
        %mul3A_793 = arith.muli %sub3A_790, %mul3A_792 : vector<16xi32>
        %add3A_794 = arith.addi %mul3A_793, %get3A_778 : vector<16xi32>
        %swap3A_795 = arith.constant 0 : index
        %swap3A_796 = tpu.vector_load %arg23[%swap3A_795] masked %and3A_789 {strides = array<i32>} : memref<16xi32, #tpu.memory_space<vmem>>, vector<16xi32>, vector<16xi1>
        tpu.vector_store %arg23[%swap3A_795], %add3A_794 masked %and3A_789 {strides = array<i32>} : memref<16xi32, #tpu.memory_space<vmem>>, vector<16xi32>, vector<16xi1>
        %swap3A_797 = arith.index_cast %while3A_771 : i32 to index
        %swap3A_798 = tpu.vector_load %arg20[%swap3A_797] masked %and3A_789 {strides = array<i32>} : memref<64xi32, #tpu.memory_space<vmem>>, vector<16xi32>, vector<16xi1>
        tpu.vector_store %arg20[%swap3A_797], %get3A_778 masked %and3A_789 {strides = array<i32>} : memref<64xi32, #tpu.memory_space<vmem>>, vector<16xi32>, vector<16xi1>
        %get3A_799 = arith.constant 0 : index
        %get3A_800 = tpu.vector_load %arg23[%get3A_799] {strides = array<i32>} : memref<16xi32, #tpu.memory_space<vmem>>, vector<16xi32>,
        %while3A_801 = arith.constant 0 : i32
        %while3A_802 = arith.subi %squeeze3A, %while3A_801 : i32
        %while3A_803 = arith.addi %while3A_801, %while3A_802 : i32
        %while3A_804 = arith.constant 1 : i32
        %while3A_805 = arith.divsi %while3A_802, %while3A_804 : i32
        %while3A_806 = arith.muli %while3A_805, %while3A_804 : i32
        %while3A_807 = arith.addi %while3A_801, %while3A_806 : i32
        %while3A_808 = arith.constant 1 : i32
        %while3A_809 = scf.for %while3A_814 = %while3A_801 to %while3A_807 step %while3A_808 iter_args(%while3A_815 = %while3A_771) -> (i32)  : i32 {
          %iota3A_816 = tpu.iota {dimensions = array<i32: 0>} : vector<16xi32>
          %eq3A = vector.broadcast %while3A_814 : i32 to vector<16xi32>
          %eq3A_817 = arith.cmpi eq, %iota3A_816, %eq3A : vector<16xi32>
          %jit3A = arith.constant 0 : i32
          %broadcast_in_dim3A = vector.broadcast %jit3A : i32 to vector<16xi32>
          %select_n3A = arith.select %eq3A_817, %get3A_800, %broadcast_in_dim3A : vector<16xi1>, vector<16xi32>
          %reduce_sum3A = arith.constant true
          %reduce_sum3A_818 = vector.broadcast %reduce_sum3A : i1 to vector<16xi1>
          %reduce_sum3A_819 = tpu.scan <sum>, %select_n3A masked %reduce_sum3A_818 : vector<16xi32>, vector<16xi1> -> vector<16xi32>
          %reduce_sum3A_820 = vector.extract %reduce_sum3A_819[15] : i32 from vector<16xi32>
          %shift_right_logical3A = arith.constant 14 : i32
          %shift_right_logical3A_821 = arith.shrui %reduce_sum3A_820, %shift_right_logical3A : i32
          %add3A_822 = arith.addi %add3A_47, %shift_right_logical3A_821 : i32
          %shift_right_logical3A_823 = arith.constant 7 : i32
          %shift_right_logical3A_824 = arith.shrui %shift_right_logical3A_821, %shift_right_logical3A_823 : i32
          %mul3A_825 = arith.constant 128 : i32
          %mul3A_826 = arith.muli %shift_right_logical3A_824, %mul3A_825 : i32
          %add3A_827 = arith.addi %add3A_47, %mul3A_826 : i32
          %min3A_828 = arith.constant 999808 : i32
          %min3A_829 = arith.minsi %add3A_827, %min3A_828 : i32
          %ge3A_830 = arith.constant 999936 : i32
          %ge3A_831 = arith.cmpi sge, %add3A_822, %ge3A_830 : i32
          %jit3A_832 = arith.constant 8 : i32
          %select_n3A_833 = arith.select %ge3A_831, %jit3A_832, %shift_right_logical3A_824 : i32
          %sub3A_834 = arith.constant 999936 : i32
          %sub3A_835 = arith.subi %add3A_822, %sub3A_834 : i32
          %sub3A_836 = arith.subi %add3A_822, %min3A_829 : i32
          %select_n3A_837 = arith.select %ge3A_831, %sub3A_835, %sub3A_836 : i32
          %broadcast_in_dim3A_838 = vector.broadcast %select_n3A_833 : i32 to vector<16xi32>
          %broadcast_in_dim3A_839 = vector.broadcast %select_n3A_837 : i32 to vector<16xi32>
          %add3A_840 = arith.constant 0 : i32
          %add3A_841 = vector.broadcast %add3A_840 : i32 to vector<16xi32>
          %add3A_842 = arith.addi %iota3A, %add3A_841 : vector<16xi32>
          %gather3A = tpu.vector_load_idx %arg14[%broadcast_in_dim3A_838, %add3A_842, %broadcast_in_dim3A_839] : memref<9x64x128xf32, #tpu.memory_space<vmem>>[vector<16xi32>, vector<16xi32>, vector<16xi32>], vector<16xf32>,
          %swap3A_843 = arith.index_cast %while3A_815 : i32 to index
          %swap3A_844 = arith.constant 0 : index
          %swap3A_845 = tpu.vector_load %arg16[%swap3A_843, %swap3A_844] {strides = array<i32>} : memref<64x128xf32, #tpu.memory_space<vmem>>, vector<16xf32>,
          tpu.vector_store %arg16[%swap3A_843, %swap3A_844], %gather3A {strides = array<i32>} : memref<64x128xf32, #tpu.memory_space<vmem>>, vector<16xf32>,
          %add3A_846 = arith.constant 16 : i32
          %add3A_847 = vector.broadcast %add3A_846 : i32 to vector<16xi32>
          %add3A_848 = arith.addi %iota3A, %add3A_847 : vector<16xi32>
          %gather3A_849 = tpu.vector_load_idx %arg14[%broadcast_in_dim3A_838, %add3A_848, %broadcast_in_dim3A_839] : memref<9x64x128xf32, #tpu.memory_space<vmem>>[vector<16xi32>, vector<16xi32>, vector<16xi32>], vector<16xf32>,
          %swap3A_850 = arith.index_cast %while3A_815 : i32 to index
          %swap3A_851 = arith.constant 16 : index
          %swap3A_852 = tpu.vector_load %arg16[%swap3A_850, %swap3A_851] {strides = array<i32>} : memref<64x128xf32, #tpu.memory_space<vmem>>, vector<16xf32>,
          tpu.vector_store %arg16[%swap3A_850, %swap3A_851], %gather3A_849 {strides = array<i32>} : memref<64x128xf32, #tpu.memory_space<vmem>>, vector<16xf32>,
          %add3A_853 = arith.constant 32 : i32
          %add3A_854 = vector.broadcast %add3A_853 : i32 to vector<16xi32>
          %add3A_855 = arith.addi %iota3A, %add3A_854 : vector<16xi32>
          %gather3A_856 = tpu.vector_load_idx %arg14[%broadcast_in_dim3A_838, %add3A_855, %broadcast_in_dim3A_839] : memref<9x64x128xf32, #tpu.memory_space<vmem>>[vector<16xi32>, vector<16xi32>, vector<16xi32>], vector<16xf32>,
          %swap3A_857 = arith.index_cast %while3A_815 : i32 to index
          %swap3A_858 = arith.constant 32 : index
          %swap3A_859 = tpu.vector_load %arg16[%swap3A_857, %swap3A_858] {strides = array<i32>} : memref<64x128xf32, #tpu.memory_space<vmem>>, vector<16xf32>,
          tpu.vector_store %arg16[%swap3A_857, %swap3A_858], %gather3A_856 {strides = array<i32>} : memref<64x128xf32, #tpu.memory_space<vmem>>, vector<16xf32>,
          %add3A_860 = arith.constant 48 : i32
          %add3A_861 = vector.broadcast %add3A_860 : i32 to vector<16xi32>
          %add3A_862 = arith.addi %iota3A, %add3A_861 : vector<16xi32>
          %gather3A_863 = tpu.vector_load_idx %arg14[%broadcast_in_dim3A_838, %add3A_862, %broadcast_in_dim3A_839] : memref<9x64x128xf32, #tpu.memory_space<vmem>>[vector<16xi32>, vector<16xi32>, vector<16xi32>], vector<16xf32>,
          %swap3A_864 = arith.index_cast %while3A_815 : i32 to index
          %swap3A_865 = arith.constant 48 : index
          %swap3A_866 = tpu.vector_load %arg16[%swap3A_864, %swap3A_865] {strides = array<i32>} : memref<64x128xf32, #tpu.memory_space<vmem>>, vector<16xf32>,
          tpu.vector_store %arg16[%swap3A_864, %swap3A_865], %gather3A_863 {strides = array<i32>} : memref<64x128xf32, #tpu.memory_space<vmem>>, vector<16xf32>,
          %add3A_867 = arith.constant 1 : i32
          %add3A_868 = arith.addi %while3A_815, %add3A_867 : i32
          scf.yield %add3A_868 : i32
        }
        %while3A_810 = arith.constant 1 : i32
        %while3A_811 = scf.for %while3A_814 = %while3A_807 to %while3A_803 step %while3A_810 iter_args(%while3A_815 = %while3A_809) -> (i32)  : i32 {
          %iota3A_816 = tpu.iota {dimensions = array<i32: 0>} : vector<16xi32>
          %eq3A = vector.broadcast %while3A_814 : i32 to vector<16xi32>
          %eq3A_817 = arith.cmpi eq, %iota3A_816, %eq3A : vector<16xi32>
          %jit3A = arith.constant 0 : i32
          %broadcast_in_dim3A = vector.broadcast %jit3A : i32 to vector<16xi32>
          %select_n3A = arith.select %eq3A_817, %get3A_800, %broadcast_in_dim3A : vector<16xi1>, vector<16xi32>
          %reduce_sum3A = arith.constant true
          %reduce_sum3A_818 = vector.broadcast %reduce_sum3A : i1 to vector<16xi1>
          %reduce_sum3A_819 = tpu.scan <sum>, %select_n3A masked %reduce_sum3A_818 : vector<16xi32>, vector<16xi1> -> vector<16xi32>
          %reduce_sum3A_820 = vector.extract %reduce_sum3A_819[15] : i32 from vector<16xi32>
          %shift_right_logical3A = arith.constant 14 : i32
          %shift_right_logical3A_821 = arith.shrui %reduce_sum3A_820, %shift_right_logical3A : i32
          %add3A_822 = arith.addi %add3A_47, %shift_right_logical3A_821 : i32
          %shift_right_logical3A_823 = arith.constant 7 : i32
          %shift_right_logical3A_824 = arith.shrui %shift_right_logical3A_821, %shift_right_logical3A_823 : i32
          %mul3A_825 = arith.constant 128 : i32
          %mul3A_826 = arith.muli %shift_right_logical3A_824, %mul3A_825 : i32
          %add3A_827 = arith.addi %add3A_47, %mul3A_826 : i32
          %min3A_828 = arith.constant 999808 : i32
          %min3A_829 = arith.minsi %add3A_827, %min3A_828 : i32
          %ge3A_830 = arith.constant 999936 : i32
          %ge3A_831 = arith.cmpi sge, %add3A_822, %ge3A_830 : i32
          %jit3A_832 = arith.constant 8 : i32
          %select_n3A_833 = arith.select %ge3A_831, %jit3A_832, %shift_right_logical3A_824 : i32
          %sub3A_834 = arith.constant 999936 : i32
          %sub3A_835 = arith.subi %add3A_822, %sub3A_834 : i32
          %sub3A_836 = arith.subi %add3A_822, %min3A_829 : i32
          %select_n3A_837 = arith.select %ge3A_831, %sub3A_835, %sub3A_836 : i32
          %broadcast_in_dim3A_838 = vector.broadcast %select_n3A_833 : i32 to vector<16xi32>
          %broadcast_in_dim3A_839 = vector.broadcast %select_n3A_837 : i32 to vector<16xi32>
          %add3A_840 = arith.constant 0 : i32
          %add3A_841 = vector.broadcast %add3A_840 : i32 to vector<16xi32>
          %add3A_842 = arith.addi %iota3A, %add3A_841 : vector<16xi32>
          %gather3A = tpu.vector_load_idx %arg14[%broadcast_in_dim3A_838, %add3A_842, %broadcast_in_dim3A_839] : memref<9x64x128xf32, #tpu.memory_space<vmem>>[vector<16xi32>, vector<16xi32>, vector<16xi32>], vector<16xf32>,
          %swap3A_843 = arith.index_cast %while3A_815 : i32 to index
          %swap3A_844 = arith.constant 0 : index
          %swap3A_845 = tpu.vector_load %arg16[%swap3A_843, %swap3A_844] {strides = array<i32>} : memref<64x128xf32, #tpu.memory_space<vmem>>, vector<16xf32>,
          tpu.vector_store %arg16[%swap3A_843, %swap3A_844], %gather3A {strides = array<i32>} : memref<64x128xf32, #tpu.memory_space<vmem>>, vector<16xf32>,
          %add3A_846 = arith.constant 16 : i32
          %add3A_847 = vector.broadcast %add3A_846 : i32 to vector<16xi32>
          %add3A_848 = arith.addi %iota3A, %add3A_847 : vector<16xi32>
          %gather3A_849 = tpu.vector_load_idx %arg14[%broadcast_in_dim3A_838, %add3A_848, %broadcast_in_dim3A_839] : memref<9x64x128xf32, #tpu.memory_space<vmem>>[vector<16xi32>, vector<16xi32>, vector<16xi32>], vector<16xf32>,
          %swap3A_850 = arith.index_cast %while3A_815 : i32 to index
          %swap3A_851 = arith.constant 16 : index
          %swap3A_852 = tpu.vector_load %arg16[%swap3A_850, %swap3A_851] {strides = array<i32>} : memref<64x128xf32, #tpu.memory_space<vmem>>, vector<16xf32>,
          tpu.vector_store %arg16[%swap3A_850, %swap3A_851], %gather3A_849 {strides = array<i32>} : memref<64x128xf32, #tpu.memory_space<vmem>>, vector<16xf32>,
          %add3A_853 = arith.constant 32 : i32
          %add3A_854 = vector.broadcast %add3A_853 : i32 to vector<16xi32>
          %add3A_855 = arith.addi %iota3A, %add3A_854 : vector<16xi32>
          %gather3A_856 = tpu.vector_load_idx %arg14[%broadcast_in_dim3A_838, %add3A_855, %broadcast_in_dim3A_839] : memref<9x64x128xf32, #tpu.memory_space<vmem>>[vector<16xi32>, vector<16xi32>, vector<16xi32>], vector<16xf32>,
          %swap3A_857 = arith.index_cast %while3A_815 : i32 to index
          %swap3A_858 = arith.constant 32 : index
          %swap3A_859 = tpu.vector_load %arg16[%swap3A_857, %swap3A_858] {strides = array<i32>} : memref<64x128xf32, #tpu.memory_space<vmem>>, vector<16xf32>,
          tpu.vector_store %arg16[%swap3A_857, %swap3A_858], %gather3A_856 {strides = array<i32>} : memref<64x128xf32, #tpu.memory_space<vmem>>, vector<16xf32>,
          %add3A_860 = arith.constant 48 : i32
          %add3A_861 = vector.broadcast %add3A_860 : i32 to vector<16xi32>
          %add3A_862 = arith.addi %iota3A, %add3A_861 : vector<16xi32>
          %gather3A_863 = tpu.vector_load_idx %arg14[%broadcast_in_dim3A_838, %add3A_862, %broadcast_in_dim3A_839] : memref<9x64x128xf32, #tpu.memory_space<vmem>>[vector<16xi32>, vector<16xi32>, vector<16xi32>], vector<16xf32>,
          %swap3A_864 = arith.index_cast %while3A_815 : i32 to index
          %swap3A_865 = arith.constant 48 : index
          %swap3A_866 = tpu.vector_load %arg16[%swap3A_864, %swap3A_865] {strides = array<i32>} : memref<64x128xf32, #tpu.memory_space<vmem>>, vector<16xf32>,
          tpu.vector_store %arg16[%swap3A_864, %swap3A_865], %gather3A_863 {strides = array<i32>} : memref<64x128xf32, #tpu.memory_space<vmem>>, vector<16xf32>,
          %add3A_867 = arith.constant 1 : i32
          %add3A_868 = arith.addi %while3A_815, %add3A_867 : i32
          scf.yield %add3A_868 : i32
        }
        %min3A_812 = arith.constant 48 : i32
        %min3A_813 = arith.minsi %while3A_811, %min3A_812 : i32
        scf.yield %min3A_813 : i32
      }
      %gt3A = arith.constant 0 : i32
      %gt3A_350 = arith.cmpi sgt, %while3A_333, %gt3A : i32
      %convert_element_type3A = arith.extui %gt3A_350 : i1 to i32
      %cond3A = arith.constant 0 : i32
      %cond3A_351 = arith.cmpi ne, %convert_element_type3A, %cond3A : i32
      scf.if %cond3A_351 {
        %dma_start3A_770 = arith.constant 0 : i32
        %dma_start3A_771 = arith.constant 0 : i32
        %dma_start3A_772 = tpu.memref_slice %arg15[%dma_start3A_770, %dma_start3A_771] : memref<64x128xf32, #tpu.memory_space<vmem>> -> memref<16x128xf32, #tpu.memory_space<vmem>>
        %dma_start3A_773 = arith.constant 0 : i32
        %dma_start3A_774 = tpu.memref_slice %arg19[%dma_start3A_773] : memref<64xi32, #tpu.memory_space<vmem>> -> memref<16xi32, #tpu.memory_space<vmem>>
        %dma_start3A_775 = arith.constant 0 : i32
        %dma_start3A_776 = arith.constant 0 : i32
        %dma_start3A_777 = tpu.memref_slice %arg6[%dma_start3A_775, %dma_start3A_776] : memref<16448x128xf32, #tpu.memory_space<hbm>> -> memref<16448x128xf32, #tpu.memory_space<hbm>>
        tpu.enqueue_indirect_dma source(%dma_start3A_772 : memref<16x128xf32, #tpu.memory_space<vmem>>) target(%dma_start3A_777 : memref<16448x128xf32, #tpu.memory_space<hbm>>) offsets(%dma_start3A_774 : memref<16xi32, #tpu.memory_space<vmem>>) semaphore(%arg26 : memref<!tpu.dma_semaphore, #tpu.memory_space<semaphore_mem>>)
      } else {
      }
      %gt3A_352 = arith.constant 0 : i32
      %gt3A_353 = arith.cmpi sgt, %while3A_349, %gt3A_352 : i32
      %convert_element_type3A_354 = arith.extui %gt3A_353 : i1 to i32
      %cond3A_355 = arith.constant 0 : i32
      %cond3A_356 = arith.cmpi ne, %convert_element_type3A_354, %cond3A_355 : i32
      scf.if %cond3A_356 {
        %dma_start3A_770 = arith.constant 0 : i32
        %dma_start3A_771 = arith.constant 0 : i32
        %dma_start3A_772 = tpu.memref_slice %arg16[%dma_start3A_770, %dma_start3A_771] : memref<64x128xf32, #tpu.memory_space<vmem>> -> memref<16x128xf32, #tpu.memory_space<vmem>>
        %dma_start3A_773 = arith.constant 0 : i32
        %dma_start3A_774 = tpu.memref_slice %arg20[%dma_start3A_773] : memref<64xi32, #tpu.memory_space<vmem>> -> memref<16xi32, #tpu.memory_space<vmem>>
        %dma_start3A_775 = arith.constant 0 : i32
        %dma_start3A_776 = arith.constant 0 : i32
        %dma_start3A_777 = tpu.memref_slice %arg7[%dma_start3A_775, %dma_start3A_776] : memref<16448x128xf32, #tpu.memory_space<hbm>> -> memref<16448x128xf32, #tpu.memory_space<hbm>>
        tpu.enqueue_indirect_dma source(%dma_start3A_772 : memref<16x128xf32, #tpu.memory_space<vmem>>) target(%dma_start3A_777 : memref<16448x128xf32, #tpu.memory_space<hbm>>) offsets(%dma_start3A_774 : memref<16xi32, #tpu.memory_space<vmem>>) semaphore(%arg26 : memref<!tpu.dma_semaphore, #tpu.memory_space<semaphore_mem>>)
      } else {
      }
      %gt3A_357 = arith.constant 16 : i32
      %gt3A_358 = arith.cmpi sgt, %while3A_333, %gt3A_357 : i32
      %convert_element_type3A_359 = arith.extui %gt3A_358 : i1 to i32
      %cond3A_360 = arith.constant 0 : i32
      %cond3A_361 = arith.cmpi ne, %convert_element_type3A_359, %cond3A_360 : i32
      scf.if %cond3A_361 {
        %dma_start3A_770 = arith.constant 16 : i32
        %dma_start3A_771 = arith.constant 0 : i32
        %dma_start3A_772 = tpu.memref_slice %arg15[%dma_start3A_770, %dma_start3A_771] : memref<64x128xf32, #tpu.memory_space<vmem>> -> memref<16x128xf32, #tpu.memory_space<vmem>>
        %dma_start3A_773 = arith.constant 16 : i32
        %dma_start3A_774 = tpu.memref_slice %arg19[%dma_start3A_773] : memref<64xi32, #tpu.memory_space<vmem>> -> memref<16xi32, #tpu.memory_space<vmem>>
        %dma_start3A_775 = arith.constant 0 : i32
        %dma_start3A_776 = arith.constant 0 : i32
        %dma_start3A_777 = tpu.memref_slice %arg6[%dma_start3A_775, %dma_start3A_776] : memref<16448x128xf32, #tpu.memory_space<hbm>> -> memref<16448x128xf32, #tpu.memory_space<hbm>>
        tpu.enqueue_indirect_dma source(%dma_start3A_772 : memref<16x128xf32, #tpu.memory_space<vmem>>) target(%dma_start3A_777 : memref<16448x128xf32, #tpu.memory_space<hbm>>) offsets(%dma_start3A_774 : memref<16xi32, #tpu.memory_space<vmem>>) semaphore(%arg26 : memref<!tpu.dma_semaphore, #tpu.memory_space<semaphore_mem>>)
      } else {
      }
      %gt3A_362 = arith.constant 16 : i32
      %gt3A_363 = arith.cmpi sgt, %while3A_349, %gt3A_362 : i32
      %convert_element_type3A_364 = arith.extui %gt3A_363 : i1 to i32
      %cond3A_365 = arith.constant 0 : i32
      %cond3A_366 = arith.cmpi ne, %convert_element_type3A_364, %cond3A_365 : i32
      scf.if %cond3A_366 {
        %dma_start3A_770 = arith.constant 16 : i32
        %dma_start3A_771 = arith.constant 0 : i32
        %dma_start3A_772 = tpu.memref_slice %arg16[%dma_start3A_770, %dma_start3A_771] : memref<64x128xf32, #tpu.memory_space<vmem>> -> memref<16x128xf32, #tpu.memory_space<vmem>>
        %dma_start3A_773 = arith.constant 16 : i32
        %dma_start3A_774 = tpu.memref_slice %arg20[%dma_start3A_773] : memref<64xi32, #tpu.memory_space<vmem>> -> memref<16xi32, #tpu.memory_space<vmem>>
        %dma_start3A_775 = arith.constant 0 : i32
        %dma_start3A_776 = arith.constant 0 : i32
        %dma_start3A_777 = tpu.memref_slice %arg7[%dma_start3A_775, %dma_start3A_776] : memref<16448x128xf32, #tpu.memory_space<hbm>> -> memref<16448x128xf32, #tpu.memory_space<hbm>>
        tpu.enqueue_indirect_dma source(%dma_start3A_772 : memref<16x128xf32, #tpu.memory_space<vmem>>) target(%dma_start3A_777 : memref<16448x128xf32, #tpu.memory_space<hbm>>) offsets(%dma_start3A_774 : memref<16xi32, #tpu.memory_space<vmem>>) semaphore(%arg26 : memref<!tpu.dma_semaphore, #tpu.memory_space<semaphore_mem>>)
      } else {
      }
      %gt3A_367 = arith.constant 32 : i32
      %gt3A_368 = arith.cmpi sgt, %while3A_333, %gt3A_367 : i32
      %convert_element_type3A_369 = arith.extui %gt3A_368 : i1 to i32
      %cond3A_370 = arith.constant 0 : i32
      %cond3A_371 = arith.cmpi ne, %convert_element_type3A_369, %cond3A_370 : i32
      scf.if %cond3A_371 {
        %dma_start3A_770 = arith.constant 32 : i32
        %dma_start3A_771 = arith.constant 0 : i32
        %dma_start3A_772 = tpu.memref_slice %arg15[%dma_start3A_770, %dma_start3A_771] : memref<64x128xf32, #tpu.memory_space<vmem>> -> memref<16x128xf32, #tpu.memory_space<vmem>>
        %dma_start3A_773 = arith.constant 32 : i32
        %dma_start3A_774 = tpu.memref_slice %arg19[%dma_start3A_773] : memref<64xi32, #tpu.memory_space<vmem>> -> memref<16xi32, #tpu.memory_space<vmem>>
        %dma_start3A_775 = arith.constant 0 : i32
        %dma_start3A_776 = arith.constant 0 : i32
        %dma_start3A_777 = tpu.memref_slice %arg6[%dma_start3A_775, %dma_start3A_776] : memref<16448x128xf32, #tpu.memory_space<hbm>> -> memref<16448x128xf32, #tpu.memory_space<hbm>>
        tpu.enqueue_indirect_dma source(%dma_start3A_772 : memref<16x128xf32, #tpu.memory_space<vmem>>) target(%dma_start3A_777 : memref<16448x128xf32, #tpu.memory_space<hbm>>) offsets(%dma_start3A_774 : memref<16xi32, #tpu.memory_space<vmem>>) semaphore(%arg26 : memref<!tpu.dma_semaphore, #tpu.memory_space<semaphore_mem>>)
      } else {
      }
      %gt3A_372 = arith.constant 32 : i32
      %gt3A_373 = arith.cmpi sgt, %while3A_349, %gt3A_372 : i32
      %convert_element_type3A_374 = arith.extui %gt3A_373 : i1 to i32
      %cond3A_375 = arith.constant 0 : i32
      %cond3A_376 = arith.cmpi ne, %convert_element_type3A_374, %cond3A_375 : i32
      scf.if %cond3A_376 {
        %dma_start3A_770 = arith.constant 32 : i32
        %dma_start3A_771 = arith.constant 0 : i32
        %dma_start3A_772 = tpu.memref_slice %arg16[%dma_start3A_770, %dma_start3A_771] : memref<64x128xf32, #tpu.memory_space<vmem>> -> memref<16x128xf32, #tpu.memory_space<vmem>>
        %dma_start3A_773 = arith.constant 32 : i32
        %dma_start3A_774 = tpu.memref_slice %arg20[%dma_start3A_773] : memref<64xi32, #tpu.memory_space<vmem>> -> memref<16xi32, #tpu.memory_space<vmem>>
        %dma_start3A_775 = arith.constant 0 : i32
        %dma_start3A_776 = arith.constant 0 : i32
        %dma_start3A_777 = tpu.memref_slice %arg7[%dma_start3A_775, %dma_start3A_776] : memref<16448x128xf32, #tpu.memory_space<hbm>> -> memref<16448x128xf32, #tpu.memory_space<hbm>>
        tpu.enqueue_indirect_dma source(%dma_start3A_772 : memref<16x128xf32, #tpu.memory_space<vmem>>) target(%dma_start3A_777 : memref<16448x128xf32, #tpu.memory_space<hbm>>) offsets(%dma_start3A_774 : memref<16xi32, #tpu.memory_space<vmem>>) semaphore(%arg26 : memref<!tpu.dma_semaphore, #tpu.memory_space<semaphore_mem>>)
      } else {
      }
      %gt3A_377 = arith.constant 48 : i32
      %gt3A_378 = arith.cmpi sgt, %while3A_333, %gt3A_377 : i32
      %convert_element_type3A_379 = arith.extui %gt3A_378 : i1 to i32
      %cond3A_380 = arith.constant 0 : i32
      %cond3A_381 = arith.cmpi ne, %convert_element_type3A_379, %cond3A_380 : i32
      scf.if %cond3A_381 {
        %dma_start3A_770 = arith.constant 48 : i32
        %dma_start3A_771 = arith.constant 0 : i32
        %dma_start3A_772 = tpu.memref_slice %arg15[%dma_start3A_770, %dma_start3A_771] : memref<64x128xf32, #tpu.memory_space<vmem>> -> memref<16x128xf32, #tpu.memory_space<vmem>>
        %dma_start3A_773 = arith.constant 48 : i32
        %dma_start3A_774 = tpu.memref_slice %arg19[%dma_start3A_773] : memref<64xi32, #tpu.memory_space<vmem>> -> memref<16xi32, #tpu.memory_space<vmem>>
        %dma_start3A_775 = arith.constant 0 : i32
        %dma_start3A_776 = arith.constant 0 : i32
        %dma_start3A_777 = tpu.memref_slice %arg6[%dma_start3A_775, %dma_start3A_776] : memref<16448x128xf32, #tpu.memory_space<hbm>> -> memref<16448x128xf32, #tpu.memory_space<hbm>>
        tpu.enqueue_indirect_dma source(%dma_start3A_772 : memref<16x128xf32, #tpu.memory_space<vmem>>) target(%dma_start3A_777 : memref<16448x128xf32, #tpu.memory_space<hbm>>) offsets(%dma_start3A_774 : memref<16xi32, #tpu.memory_space<vmem>>) semaphore(%arg26 : memref<!tpu.dma_semaphore, #tpu.memory_space<semaphore_mem>>)
      } else {
      }
      %gt3A_382 = arith.constant 48 : i32
      %gt3A_383 = arith.cmpi sgt, %while3A_349, %gt3A_382 : i32
      %convert_element_type3A_384 = arith.extui %gt3A_383 : i1 to i32
      %cond3A_385 = arith.constant 0 : i32
      %cond3A_386 = arith.cmpi ne, %convert_element_type3A_384, %cond3A_385 : i32
      scf.if %cond3A_386 {
        %dma_start3A_770 = arith.constant 48 : i32
        %dma_start3A_771 = arith.constant 0 : i32
        %dma_start3A_772 = tpu.memref_slice %arg16[%dma_start3A_770, %dma_start3A_771] : memref<64x128xf32, #tpu.memory_space<vmem>> -> memref<16x128xf32, #tpu.memory_space<vmem>>
        %dma_start3A_773 = arith.constant 48 : i32
        %dma_start3A_774 = tpu.memref_slice %arg20[%dma_start3A_773] : memref<64xi32, #tpu.memory_space<vmem>> -> memref<16xi32, #tpu.memory_space<vmem>>
        %dma_start3A_775 = arith.constant 0 : i32
        %dma_start3A_776 = arith.constant 0 : i32
        %dma_start3A_777 = tpu.memref_slice %arg7[%dma_start3A_775, %dma_start3A_776] : memref<16448x128xf32, #tpu.memory_space<hbm>> -> memref<16448x128xf32, #tpu.memory_space<hbm>>
        tpu.enqueue_indirect_dma source(%dma_start3A_772 : memref<16x128xf32, #tpu.memory_space<vmem>>) target(%dma_start3A_777 : memref<16448x128xf32, #tpu.memory_space<hbm>>) offsets(%dma_start3A_774 : memref<16xi32, #tpu.memory_space<vmem>>) semaphore(%arg26 : memref<!tpu.dma_semaphore, #tpu.memory_space<semaphore_mem>>)
      } else {
      }
      %add3A_387 = arith.constant 15 : i32
      %add3A_388 = arith.addi %while3A_333, %add3A_387 : i32
      %div3A_389 = arith.constant 16 : i32
      %div3A_390 = arith.divsi %add3A_388, %div3A_389 : i32
      %add3A_391 = arith.constant 15 : i32
      %add3A_392 = arith.addi %while3A_349, %add3A_391 : i32
      %div3A_393 = arith.constant 16 : i32
      %div3A_394 = arith.divsi %add3A_392, %div3A_393 : i32
      %add3A_395 = arith.addi %div3A_390, %div3A_394 : i32
      %while3A_396 = arith.constant 0 : i32
      %while3A_397 = arith.constant 0 : i32
      %while3A_398 = arith.subi %scan3A_32, %while3A_397 : i32
      %while3A_399 = arith.addi %while3A_397, %while3A_398 : i32
      %while3A_400 = arith.constant 1 : i32
      %while3A_401 = arith.divsi %while3A_398, %while3A_400 : i32
      %while3A_402 = arith.muli %while3A_401, %while3A_400 : i32
      %while3A_403 = arith.addi %while3A_397, %while3A_402 : i32
      %while3A_404 = arith.constant 1 : i32
      scf.for %while3A_770 = %while3A_397 to %while3A_403 step %while3A_404  : i32 {
        %dma_wait3A_771 = arith.constant 0 : i32
        %dma_wait3A_772 = arith.constant 0 : i32
        %dma_wait3A_773 = tpu.memref_slice %arg15[%dma_wait3A_771, %dma_wait3A_772] : memref<64x128xf32, #tpu.memory_space<vmem>> -> memref<16x128xf32, #tpu.memory_space<vmem>>
        %dma_wait3A_774 = arith.constant 0 : i32
        %dma_wait3A_775 = arith.constant 0 : i32
        %dma_wait3A_776 = tpu.memref_slice %arg6[%dma_wait3A_774, %dma_wait3A_775] : memref<16448x128xf32, #tpu.memory_space<hbm>> -> memref<16x128xf32, #tpu.memory_space<hbm>>
        %dma_wait3A_777 = arith.constant 0 : i32
        %dma_wait3A_778 = arith.constant 0 : i32
        %dma_wait3A_779 = tpu.memref_slice %arg15[%dma_wait3A_777, %dma_wait3A_778] : memref<64x128xf32, #tpu.memory_space<vmem>> -> memref<16x128xf32, #tpu.memory_space<vmem>>
        %dma_wait3A_780 = arith.constant 0 : i32
        %dma_wait3A_781 = arith.constant 0 : i32
        %dma_wait3A_782 = tpu.memref_slice %arg6[%dma_wait3A_780, %dma_wait3A_781] : memref<16448x128xf32, #tpu.memory_space<hbm>> -> memref<16x128xf32, #tpu.memory_space<hbm>>
        tpu.wait_dma2 semaphore(%arg26 : memref<!tpu.dma_semaphore, #tpu.memory_space<semaphore_mem>>) src(%dma_wait3A_782 : memref<16x128xf32, #tpu.memory_space<hbm>>) dst(%dma_wait3A_779 : memref<16x128xf32, #tpu.memory_space<vmem>>)
      }
      %while3A_405 = arith.constant 1 : i32
      scf.for %while3A_770 = %while3A_403 to %while3A_399 step %while3A_405  : i32 {
        %dma_wait3A_771 = arith.constant 0 : i32
        %dma_wait3A_772 = arith.constant 0 : i32
        %dma_wait3A_773 = tpu.memref_slice %arg15[%dma_wait3A_771, %dma_wait3A_772] : memref<64x128xf32, #tpu.memory_space<vmem>> -> memref<16x128xf32, #tpu.memory_space<vmem>>
        %dma_wait3A_774 = arith.constant 0 : i32
        %dma_wait3A_775 = arith.constant 0 : i32
        %dma_wait3A_776 = tpu.memref_slice %arg6[%dma_wait3A_774, %dma_wait3A_775] : memref<16448x128xf32, #tpu.memory_space<hbm>> -> memref<16x128xf32, #tpu.memory_space<hbm>>
        %dma_wait3A_777 = arith.constant 0 : i32
        %dma_wait3A_778 = arith.constant 0 : i32
        %dma_wait3A_779 = tpu.memref_slice %arg15[%dma_wait3A_777, %dma_wait3A_778] : memref<64x128xf32, #tpu.memory_space<vmem>> -> memref<16x128xf32, #tpu.memory_space<vmem>>
        %dma_wait3A_780 = arith.constant 0 : i32
        %dma_wait3A_781 = arith.constant 0 : i32
        %dma_wait3A_782 = tpu.memref_slice %arg6[%dma_wait3A_780, %dma_wait3A_781] : memref<16448x128xf32, #tpu.memory_space<hbm>> -> memref<16x128xf32, #tpu.memory_space<hbm>>
        tpu.wait_dma2 semaphore(%arg26 : memref<!tpu.dma_semaphore, #tpu.memory_space<semaphore_mem>>) src(%dma_wait3A_782 : memref<16x128xf32, #tpu.memory_space<hbm>>) dst(%dma_wait3A_779 : memref<16x128xf32, #tpu.memory_space<vmem>>)
      }
      %mul3A_406 = arith.constant 2 : i32
      %mul3A_407 = arith.muli %mul3A_406, %scan3A_30 : i32
      %add3A_408 = arith.constant 1 : i32
      %add3A_409 = arith.addi %mul3A_407, %add3A_408 : i32
      %mul3A_410 = arith.constant 1024 : i32
      %mul3A_411 = arith.muli %add3A_409, %mul3A_410 : i32
      %add3A_412 = arith.addi %mul3A_2, %mul3A_411 : i32
      %add3A_413 = arith.constant 0 : i32
      %add3A_414 = arith.addi %add3A_412, %add3A_413 : i32
      %min3A_415 = arith.constant 999808 : i32
      %min3A_416 = arith.minsi %add3A_414, %min3A_415 : i32
      %multiple_of3A_417 = tpu.assume_multiple %min3A_416, 128 : i32
      %dma_start3A_418 = arith.constant 0 : i32
      %dma_start3A_419 = arith.constant 0 : i32
      %dma_start3A_420 = arith.constant 0 : i32
      %dma_start3A_421 = tpu.memref_slice %arg14[%dma_start3A_418, %dma_start3A_419, %dma_start3A_420] : memref<9x64x128xf32, #tpu.memory_space<vmem>> -> memref<1x64x128xf32, #tpu.memory_space<vmem>>
      %dma_start3A_422 = tpu.memref_squeeze %dma_start3A_421 : memref<1x64x128xf32, #tpu.memory_space<vmem>> -> memref<64x128xf32, #tpu.memory_space<vmem>>
      %dma_start3A_423 = arith.constant 0 : i32
      %dma_start3A_424 = tpu.memref_slice %arg4[%dma_start3A_423, %multiple_of3A_417] : memref<64x1000000xf32, #tpu.memory_space<hbm>> -> memref<64x128xf32, #tpu.memory_space<hbm>>
      %dma_start3A_425 = arith.constant 0 : i32
      %dma_start3A_426 = arith.constant 0 : i32
      %dma_start3A_427 = tpu.memref_slice %arg14[%dma_start3A_418, %dma_start3A_425, %dma_start3A_426] : memref<9x64x128xf32, #tpu.memory_space<vmem>> -> memref<1x64x128xf32, #tpu.memory_space<vmem>>
      %dma_start3A_428 = tpu.memref_squeeze %dma_start3A_427 : memref<1x64x128xf32, #tpu.memory_space<vmem>> -> memref<64x128xf32, #tpu.memory_space<vmem>>
      %dma_start3A_429 = arith.constant 0 : i32
      %dma_start3A_430 = tpu.memref_slice %arg4[%dma_start3A_429, %multiple_of3A_417] : memref<64x1000000xf32, #tpu.memory_space<hbm>> -> memref<64x128xf32, #tpu.memory_space<hbm>>
      tpu.enqueue_dma source(%dma_start3A_430 : memref<64x128xf32, #tpu.memory_space<hbm>>) target(%dma_start3A_428 : memref<64x128xf32, #tpu.memory_space<vmem>>) target_semaphore(%arg25 : memref<!tpu.dma_semaphore, #tpu.memory_space<semaphore_mem>>)
      %add3A_431 = arith.constant 128 : i32
      %add3A_432 = arith.addi %add3A_412, %add3A_431 : i32
      %min3A_433 = arith.constant 999808 : i32
      %min3A_434 = arith.minsi %add3A_432, %min3A_433 : i32
      %multiple_of3A_435 = tpu.assume_multiple %min3A_434, 128 : i32
      %dma_start3A_436 = arith.constant 1 : i32
      %dma_start3A_437 = arith.constant 0 : i32
      %dma_start3A_438 = arith.constant 0 : i32
      %dma_start3A_439 = tpu.memref_slice %arg14[%dma_start3A_436, %dma_start3A_437, %dma_start3A_438] : memref<9x64x128xf32, #tpu.memory_space<vmem>> -> memref<1x64x128xf32, #tpu.memory_space<vmem>>
      %dma_start3A_440 = tpu.memref_squeeze %dma_start3A_439 : memref<1x64x128xf32, #tpu.memory_space<vmem>> -> memref<64x128xf32, #tpu.memory_space<vmem>>
      %dma_start3A_441 = arith.constant 0 : i32
      %dma_start3A_442 = tpu.memref_slice %arg4[%dma_start3A_441, %multiple_of3A_435] : memref<64x1000000xf32, #tpu.memory_space<hbm>> -> memref<64x128xf32, #tpu.memory_space<hbm>>
      %dma_start3A_443 = arith.constant 0 : i32
      %dma_start3A_444 = arith.constant 0 : i32
      %dma_start3A_445 = tpu.memref_slice %arg14[%dma_start3A_436, %dma_start3A_443, %dma_start3A_444] : memref<9x64x128xf32, #tpu.memory_space<vmem>> -> memref<1x64x128xf32, #tpu.memory_space<vmem>>
      %dma_start3A_446 = tpu.memref_squeeze %dma_start3A_445 : memref<1x64x128xf32, #tpu.memory_space<vmem>> -> memref<64x128xf32, #tpu.memory_space<vmem>>
      %dma_start3A_447 = arith.constant 0 : i32
      %dma_start3A_448 = tpu.memref_slice %arg4[%dma_start3A_447, %multiple_of3A_435] : memref<64x1000000xf32, #tpu.memory_space<hbm>> -> memref<64x128xf32, #tpu.memory_space<hbm>>
      tpu.enqueue_dma source(%dma_start3A_448 : memref<64x128xf32, #tpu.memory_space<hbm>>) target(%dma_start3A_446 : memref<64x128xf32, #tpu.memory_space<vmem>>) target_semaphore(%arg25 : memref<!tpu.dma_semaphore, #tpu.memory_space<semaphore_mem>>)
      %add3A_449 = arith.constant 256 : i32
      %add3A_450 = arith.addi %add3A_412, %add3A_449 : i32
      %min3A_451 = arith.constant 999808 : i32
      %min3A_452 = arith.minsi %add3A_450, %min3A_451 : i32
      %multiple_of3A_453 = tpu.assume_multiple %min3A_452, 128 : i32
      %dma_start3A_454 = arith.constant 2 : i32
      %dma_start3A_455 = arith.constant 0 : i32
      %dma_start3A_456 = arith.constant 0 : i32
      %dma_start3A_457 = tpu.memref_slice %arg14[%dma_start3A_454, %dma_start3A_455, %dma_start3A_456] : memref<9x64x128xf32, #tpu.memory_space<vmem>> -> memref<1x64x128xf32, #tpu.memory_space<vmem>>
      %dma_start3A_458 = tpu.memref_squeeze %dma_start3A_457 : memref<1x64x128xf32, #tpu.memory_space<vmem>> -> memref<64x128xf32, #tpu.memory_space<vmem>>
      %dma_start3A_459 = arith.constant 0 : i32
      %dma_start3A_460 = tpu.memref_slice %arg4[%dma_start3A_459, %multiple_of3A_453] : memref<64x1000000xf32, #tpu.memory_space<hbm>> -> memref<64x128xf32, #tpu.memory_space<hbm>>
      %dma_start3A_461 = arith.constant 0 : i32
      %dma_start3A_462 = arith.constant 0 : i32
      %dma_start3A_463 = tpu.memref_slice %arg14[%dma_start3A_454, %dma_start3A_461, %dma_start3A_462] : memref<9x64x128xf32, #tpu.memory_space<vmem>> -> memref<1x64x128xf32, #tpu.memory_space<vmem>>
      %dma_start3A_464 = tpu.memref_squeeze %dma_start3A_463 : memref<1x64x128xf32, #tpu.memory_space<vmem>> -> memref<64x128xf32, #tpu.memory_space<vmem>>
      %dma_start3A_465 = arith.constant 0 : i32
      %dma_start3A_466 = tpu.memref_slice %arg4[%dma_start3A_465, %multiple_of3A_453] : memref<64x1000000xf32, #tpu.memory_space<hbm>> -> memref<64x128xf32, #tpu.memory_space<hbm>>
      tpu.enqueue_dma source(%dma_start3A_466 : memref<64x128xf32, #tpu.memory_space<hbm>>) target(%dma_start3A_464 : memref<64x128xf32, #tpu.memory_space<vmem>>) target_semaphore(%arg25 : memref<!tpu.dma_semaphore, #tpu.memory_space<semaphore_mem>>)
      %add3A_467 = arith.constant 384 : i32
      %add3A_468 = arith.addi %add3A_412, %add3A_467 : i32
      %min3A_469 = arith.constant 999808 : i32
      %min3A_470 = arith.minsi %add3A_468, %min3A_469 : i32
      %multiple_of3A_471 = tpu.assume_multiple %min3A_470, 128 : i32
      %dma_start3A_472 = arith.constant 3 : i32
      %dma_start3A_473 = arith.constant 0 : i32
      %dma_start3A_474 = arith.constant 0 : i32
      %dma_start3A_475 = tpu.memref_slice %arg14[%dma_start3A_472, %dma_start3A_473, %dma_start3A_474] : memref<9x64x128xf32, #tpu.memory_space<vmem>> -> memref<1x64x128xf32, #tpu.memory_space<vmem>>
      %dma_start3A_476 = tpu.memref_squeeze %dma_start3A_475 : memref<1x64x128xf32, #tpu.memory_space<vmem>> -> memref<64x128xf32, #tpu.memory_space<vmem>>
      %dma_start3A_477 = arith.constant 0 : i32
      %dma_start3A_478 = tpu.memref_slice %arg4[%dma_start3A_477, %multiple_of3A_471] : memref<64x1000000xf32, #tpu.memory_space<hbm>> -> memref<64x128xf32, #tpu.memory_space<hbm>>
      %dma_start3A_479 = arith.constant 0 : i32
      %dma_start3A_480 = arith.constant 0 : i32
      %dma_start3A_481 = tpu.memref_slice %arg14[%dma_start3A_472, %dma_start3A_479, %dma_start3A_480] : memref<9x64x128xf32, #tpu.memory_space<vmem>> -> memref<1x64x128xf32, #tpu.memory_space<vmem>>
      %dma_start3A_482 = tpu.memref_squeeze %dma_start3A_481 : memref<1x64x128xf32, #tpu.memory_space<vmem>> -> memref<64x128xf32, #tpu.memory_space<vmem>>
      %dma_start3A_483 = arith.constant 0 : i32
      %dma_start3A_484 = tpu.memref_slice %arg4[%dma_start3A_483, %multiple_of3A_471] : memref<64x1000000xf32, #tpu.memory_space<hbm>> -> memref<64x128xf32, #tpu.memory_space<hbm>>
      tpu.enqueue_dma source(%dma_start3A_484 : memref<64x128xf32, #tpu.memory_space<hbm>>) target(%dma_start3A_482 : memref<64x128xf32, #tpu.memory_space<vmem>>) target_semaphore(%arg25 : memref<!tpu.dma_semaphore, #tpu.memory_space<semaphore_mem>>)
      %add3A_485 = arith.constant 512 : i32
      %add3A_486 = arith.addi %add3A_412, %add3A_485 : i32
      %min3A_487 = arith.constant 999808 : i32
      %min3A_488 = arith.minsi %add3A_486, %min3A_487 : i32
      %multiple_of3A_489 = tpu.assume_multiple %min3A_488, 128 : i32
      %dma_start3A_490 = arith.constant 4 : i32
      %dma_start3A_491 = arith.constant 0 : i32
      %dma_start3A_492 = arith.constant 0 : i32
      %dma_start3A_493 = tpu.memref_slice %arg14[%dma_start3A_490, %dma_start3A_491, %dma_start3A_492] : memref<9x64x128xf32, #tpu.memory_space<vmem>> -> memref<1x64x128xf32, #tpu.memory_space<vmem>>
      %dma_start3A_494 = tpu.memref_squeeze %dma_start3A_493 : memref<1x64x128xf32, #tpu.memory_space<vmem>> -> memref<64x128xf32, #tpu.memory_space<vmem>>
      %dma_start3A_495 = arith.constant 0 : i32
      %dma_start3A_496 = tpu.memref_slice %arg4[%dma_start3A_495, %multiple_of3A_489] : memref<64x1000000xf32, #tpu.memory_space<hbm>> -> memref<64x128xf32, #tpu.memory_space<hbm>>
      %dma_start3A_497 = arith.constant 0 : i32
      %dma_start3A_498 = arith.constant 0 : i32
      %dma_start3A_499 = tpu.memref_slice %arg14[%dma_start3A_490, %dma_start3A_497, %dma_start3A_498] : memref<9x64x128xf32, #tpu.memory_space<vmem>> -> memref<1x64x128xf32, #tpu.memory_space<vmem>>
      %dma_start3A_500 = tpu.memref_squeeze %dma_start3A_499 : memref<1x64x128xf32, #tpu.memory_space<vmem>> -> memref<64x128xf32, #tpu.memory_space<vmem>>
      %dma_start3A_501 = arith.constant 0 : i32
      %dma_start3A_502 = tpu.memref_slice %arg4[%dma_start3A_501, %multiple_of3A_489] : memref<64x1000000xf32, #tpu.memory_space<hbm>> -> memref<64x128xf32, #tpu.memory_space<hbm>>
      tpu.enqueue_dma source(%dma_start3A_502 : memref<64x128xf32, #tpu.memory_space<hbm>>) target(%dma_start3A_500 : memref<64x128xf32, #tpu.memory_space<vmem>>) target_semaphore(%arg25 : memref<!tpu.dma_semaphore, #tpu.memory_space<semaphore_mem>>)
      %add3A_503 = arith.constant 640 : i32
      %add3A_504 = arith.addi %add3A_412, %add3A_503 : i32
      %min3A_505 = arith.constant 999808 : i32
      %min3A_506 = arith.minsi %add3A_504, %min3A_505 : i32
      %multiple_of3A_507 = tpu.assume_multiple %min3A_506, 128 : i32
      %dma_start3A_508 = arith.constant 5 : i32
      %dma_start3A_509 = arith.constant 0 : i32
      %dma_start3A_510 = arith.constant 0 : i32
      %dma_start3A_511 = tpu.memref_slice %arg14[%dma_start3A_508, %dma_start3A_509, %dma_start3A_510] : memref<9x64x128xf32, #tpu.memory_space<vmem>> -> memref<1x64x128xf32, #tpu.memory_space<vmem>>
      %dma_start3A_512 = tpu.memref_squeeze %dma_start3A_511 : memref<1x64x128xf32, #tpu.memory_space<vmem>> -> memref<64x128xf32, #tpu.memory_space<vmem>>
      %dma_start3A_513 = arith.constant 0 : i32
      %dma_start3A_514 = tpu.memref_slice %arg4[%dma_start3A_513, %multiple_of3A_507] : memref<64x1000000xf32, #tpu.memory_space<hbm>> -> memref<64x128xf32, #tpu.memory_space<hbm>>
      %dma_start3A_515 = arith.constant 0 : i32
      %dma_start3A_516 = arith.constant 0 : i32
      %dma_start3A_517 = tpu.memref_slice %arg14[%dma_start3A_508, %dma_start3A_515, %dma_start3A_516] : memref<9x64x128xf32, #tpu.memory_space<vmem>> -> memref<1x64x128xf32, #tpu.memory_space<vmem>>
      %dma_start3A_518 = tpu.memref_squeeze %dma_start3A_517 : memref<1x64x128xf32, #tpu.memory_space<vmem>> -> memref<64x128xf32, #tpu.memory_space<vmem>>
      %dma_start3A_519 = arith.constant 0 : i32
      %dma_start3A_520 = tpu.memref_slice %arg4[%dma_start3A_519, %multiple_of3A_507] : memref<64x1000000xf32, #tpu.memory_space<hbm>> -> memref<64x128xf32, #tpu.memory_space<hbm>>
      tpu.enqueue_dma source(%dma_start3A_520 : memref<64x128xf32, #tpu.memory_space<hbm>>) target(%dma_start3A_518 : memref<64x128xf32, #tpu.memory_space<vmem>>) target_semaphore(%arg25 : memref<!tpu.dma_semaphore, #tpu.memory_space<semaphore_mem>>)
      %add3A_521 = arith.constant 768 : i32
      %add3A_522 = arith.addi %add3A_412, %add3A_521 : i32
      %min3A_523 = arith.constant 999808 : i32
      %min3A_524 = arith.minsi %add3A_522, %min3A_523 : i32
      %multiple_of3A_525 = tpu.assume_multiple %min3A_524, 128 : i32
      %dma_start3A_526 = arith.constant 6 : i32
      %dma_start3A_527 = arith.constant 0 : i32
      %dma_start3A_528 = arith.constant 0 : i32
      %dma_start3A_529 = tpu.memref_slice %arg14[%dma_start3A_526, %dma_start3A_527, %dma_start3A_528] : memref<9x64x128xf32, #tpu.memory_space<vmem>> -> memref<1x64x128xf32, #tpu.memory_space<vmem>>
      %dma_start3A_530 = tpu.memref_squeeze %dma_start3A_529 : memref<1x64x128xf32, #tpu.memory_space<vmem>> -> memref<64x128xf32, #tpu.memory_space<vmem>>
      %dma_start3A_531 = arith.constant 0 : i32
      %dma_start3A_532 = tpu.memref_slice %arg4[%dma_start3A_531, %multiple_of3A_525] : memref<64x1000000xf32, #tpu.memory_space<hbm>> -> memref<64x128xf32, #tpu.memory_space<hbm>>
      %dma_start3A_533 = arith.constant 0 : i32
      %dma_start3A_534 = arith.constant 0 : i32
      %dma_start3A_535 = tpu.memref_slice %arg14[%dma_start3A_526, %dma_start3A_533, %dma_start3A_534] : memref<9x64x128xf32, #tpu.memory_space<vmem>> -> memref<1x64x128xf32, #tpu.memory_space<vmem>>
      %dma_start3A_536 = tpu.memref_squeeze %dma_start3A_535 : memref<1x64x128xf32, #tpu.memory_space<vmem>> -> memref<64x128xf32, #tpu.memory_space<vmem>>
      %dma_start3A_537 = arith.constant 0 : i32
      %dma_start3A_538 = tpu.memref_slice %arg4[%dma_start3A_537, %multiple_of3A_525] : memref<64x1000000xf32, #tpu.memory_space<hbm>> -> memref<64x128xf32, #tpu.memory_space<hbm>>
      tpu.enqueue_dma source(%dma_start3A_538 : memref<64x128xf32, #tpu.memory_space<hbm>>) target(%dma_start3A_536 : memref<64x128xf32, #tpu.memory_space<vmem>>) target_semaphore(%arg25 : memref<!tpu.dma_semaphore, #tpu.memory_space<semaphore_mem>>)
      %add3A_539 = arith.constant 896 : i32
      %add3A_540 = arith.addi %add3A_412, %add3A_539 : i32
      %min3A_541 = arith.constant 999808 : i32
      %min3A_542 = arith.minsi %add3A_540, %min3A_541 : i32
      %multiple_of3A_543 = tpu.assume_multiple %min3A_542, 128 : i32
      %dma_start3A_544 = arith.constant 7 : i32
      %dma_start3A_545 = arith.constant 0 : i32
      %dma_start3A_546 = arith.constant 0 : i32
      %dma_start3A_547 = tpu.memref_slice %arg14[%dma_start3A_544, %dma_start3A_545, %dma_start3A_546] : memref<9x64x128xf32, #tpu.memory_space<vmem>> -> memref<1x64x128xf32, #tpu.memory_space<vmem>>
      %dma_start3A_548 = tpu.memref_squeeze %dma_start3A_547 : memref<1x64x128xf32, #tpu.memory_space<vmem>> -> memref<64x128xf32, #tpu.memory_space<vmem>>
      %dma_start3A_549 = arith.constant 0 : i32
      %dma_start3A_550 = tpu.memref_slice %arg4[%dma_start3A_549, %multiple_of3A_543] : memref<64x1000000xf32, #tpu.memory_space<hbm>> -> memref<64x128xf32, #tpu.memory_space<hbm>>
      %dma_start3A_551 = arith.constant 0 : i32
      %dma_start3A_552 = arith.constant 0 : i32
      %dma_start3A_553 = tpu.memref_slice %arg14[%dma_start3A_544, %dma_start3A_551, %dma_start3A_552] : memref<9x64x128xf32, #tpu.memory_space<vmem>> -> memref<1x64x128xf32, #tpu.memory_space<vmem>>
      %dma_start3A_554 = tpu.memref_squeeze %dma_start3A_553 : memref<1x64x128xf32, #tpu.memory_space<vmem>> -> memref<64x128xf32, #tpu.memory_space<vmem>>
      %dma_start3A_555 = arith.constant 0 : i32
      %dma_start3A_556 = tpu.memref_slice %arg4[%dma_start3A_555, %multiple_of3A_543] : memref<64x1000000xf32, #tpu.memory_space<hbm>> -> memref<64x128xf32, #tpu.memory_space<hbm>>
      tpu.enqueue_dma source(%dma_start3A_556 : memref<64x128xf32, #tpu.memory_space<hbm>>) target(%dma_start3A_554 : memref<64x128xf32, #tpu.memory_space<vmem>>) target_semaphore(%arg25 : memref<!tpu.dma_semaphore, #tpu.memory_space<semaphore_mem>>)
      %dma_wait3A_557 = arith.constant 0 : i32
      %dma_wait3A_558 = arith.constant 0 : i32
      %dma_wait3A_559 = arith.constant 0 : i32
      %dma_wait3A_560 = tpu.memref_slice %arg14[%dma_wait3A_557, %dma_wait3A_558, %dma_wait3A_559] : memref<9x64x128xf32, #tpu.memory_space<vmem>> -> memref<1x64x128xf32, #tpu.memory_space<vmem>>
      %dma_wait3A_561 = tpu.memref_squeeze %dma_wait3A_560 : memref<1x64x128xf32, #tpu.memory_space<vmem>> -> memref<64x128xf32, #tpu.memory_space<vmem>>
      %dma_wait3A_562 = arith.constant 0 : i32
      %dma_wait3A_563 = tpu.memref_slice %arg4[%dma_wait3A_562, %multiple_of3A_417] : memref<64x1000000xf32, #tpu.memory_space<hbm>> -> memref<64x128xf32, #tpu.memory_space<hbm>>
      %dma_wait3A_564 = arith.constant 0 : i32
      %dma_wait3A_565 = arith.constant 0 : i32
      %dma_wait3A_566 = tpu.memref_slice %arg14[%dma_wait3A_557, %dma_wait3A_564, %dma_wait3A_565] : memref<9x64x128xf32, #tpu.memory_space<vmem>> -> memref<1x64x128xf32, #tpu.memory_space<vmem>>
      %dma_wait3A_567 = tpu.memref_squeeze %dma_wait3A_566 : memref<1x64x128xf32, #tpu.memory_space<vmem>> -> memref<64x128xf32, #tpu.memory_space<vmem>>
      %dma_wait3A_568 = arith.constant 0 : i32
      %dma_wait3A_569 = tpu.memref_slice %arg4[%dma_wait3A_568, %multiple_of3A_417] : memref<64x1000000xf32, #tpu.memory_space<hbm>> -> memref<64x128xf32, #tpu.memory_space<hbm>>
      tpu.wait_dma2 semaphore(%arg25 : memref<!tpu.dma_semaphore, #tpu.memory_space<semaphore_mem>>) src(%dma_wait3A_569 : memref<64x128xf32, #tpu.memory_space<hbm>>) dst(%dma_wait3A_567 : memref<64x128xf32, #tpu.memory_space<vmem>>)
      %dma_wait3A_570 = arith.constant 1 : i32
      %dma_wait3A_571 = arith.constant 0 : i32
      %dma_wait3A_572 = arith.constant 0 : i32
      %dma_wait3A_573 = tpu.memref_slice %arg14[%dma_wait3A_570, %dma_wait3A_571, %dma_wait3A_572] : memref<9x64x128xf32, #tpu.memory_space<vmem>> -> memref<1x64x128xf32, #tpu.memory_space<vmem>>
      %dma_wait3A_574 = tpu.memref_squeeze %dma_wait3A_573 : memref<1x64x128xf32, #tpu.memory_space<vmem>> -> memref<64x128xf32, #tpu.memory_space<vmem>>
      %dma_wait3A_575 = arith.constant 0 : i32
      %dma_wait3A_576 = tpu.memref_slice %arg4[%dma_wait3A_575, %multiple_of3A_435] : memref<64x1000000xf32, #tpu.memory_space<hbm>> -> memref<64x128xf32, #tpu.memory_space<hbm>>
      %dma_wait3A_577 = arith.constant 0 : i32
      %dma_wait3A_578 = arith.constant 0 : i32
      %dma_wait3A_579 = tpu.memref_slice %arg14[%dma_wait3A_570, %dma_wait3A_577, %dma_wait3A_578] : memref<9x64x128xf32, #tpu.memory_space<vmem>> -> memref<1x64x128xf32, #tpu.memory_space<vmem>>
      %dma_wait3A_580 = tpu.memref_squeeze %dma_wait3A_579 : memref<1x64x128xf32, #tpu.memory_space<vmem>> -> memref<64x128xf32, #tpu.memory_space<vmem>>
      %dma_wait3A_581 = arith.constant 0 : i32
      %dma_wait3A_582 = tpu.memref_slice %arg4[%dma_wait3A_581, %multiple_of3A_435] : memref<64x1000000xf32, #tpu.memory_space<hbm>> -> memref<64x128xf32, #tpu.memory_space<hbm>>
      tpu.wait_dma2 semaphore(%arg25 : memref<!tpu.dma_semaphore, #tpu.memory_space<semaphore_mem>>) src(%dma_wait3A_582 : memref<64x128xf32, #tpu.memory_space<hbm>>) dst(%dma_wait3A_580 : memref<64x128xf32, #tpu.memory_space<vmem>>)
      %dma_wait3A_583 = arith.constant 2 : i32
      %dma_wait3A_584 = arith.constant 0 : i32
      %dma_wait3A_585 = arith.constant 0 : i32
      %dma_wait3A_586 = tpu.memref_slice %arg14[%dma_wait3A_583, %dma_wait3A_584, %dma_wait3A_585] : memref<9x64x128xf32, #tpu.memory_space<vmem>> -> memref<1x64x128xf32, #tpu.memory_space<vmem>>
      %dma_wait3A_587 = tpu.memref_squeeze %dma_wait3A_586 : memref<1x64x128xf32, #tpu.memory_space<vmem>> -> memref<64x128xf32, #tpu.memory_space<vmem>>
      %dma_wait3A_588 = arith.constant 0 : i32
      %dma_wait3A_589 = tpu.memref_slice %arg4[%dma_wait3A_588, %multiple_of3A_453] : memref<64x1000000xf32, #tpu.memory_space<hbm>> -> memref<64x128xf32, #tpu.memory_space<hbm>>
      %dma_wait3A_590 = arith.constant 0 : i32
      %dma_wait3A_591 = arith.constant 0 : i32
      %dma_wait3A_592 = tpu.memref_slice %arg14[%dma_wait3A_583, %dma_wait3A_590, %dma_wait3A_591] : memref<9x64x128xf32, #tpu.memory_space<vmem>> -> memref<1x64x128xf32, #tpu.memory_space<vmem>>
      %dma_wait3A_593 = tpu.memref_squeeze %dma_wait3A_592 : memref<1x64x128xf32, #tpu.memory_space<vmem>> -> memref<64x128xf32, #tpu.memory_space<vmem>>
      %dma_wait3A_594 = arith.constant 0 : i32
      %dma_wait3A_595 = tpu.memref_slice %arg4[%dma_wait3A_594, %multiple_of3A_453] : memref<64x1000000xf32, #tpu.memory_space<hbm>> -> memref<64x128xf32, #tpu.memory_space<hbm>>
      tpu.wait_dma2 semaphore(%arg25 : memref<!tpu.dma_semaphore, #tpu.memory_space<semaphore_mem>>) src(%dma_wait3A_595 : memref<64x128xf32, #tpu.memory_space<hbm>>) dst(%dma_wait3A_593 : memref<64x128xf32, #tpu.memory_space<vmem>>)
      %dma_wait3A_596 = arith.constant 3 : i32
      %dma_wait3A_597 = arith.constant 0 : i32
      %dma_wait3A_598 = arith.constant 0 : i32
      %dma_wait3A_599 = tpu.memref_slice %arg14[%dma_wait3A_596, %dma_wait3A_597, %dma_wait3A_598] : memref<9x64x128xf32, #tpu.memory_space<vmem>> -> memref<1x64x128xf32, #tpu.memory_space<vmem>>
      %dma_wait3A_600 = tpu.memref_squeeze %dma_wait3A_599 : memref<1x64x128xf32, #tpu.memory_space<vmem>> -> memref<64x128xf32, #tpu.memory_space<vmem>>
      %dma_wait3A_601 = arith.constant 0 : i32
      %dma_wait3A_602 = tpu.memref_slice %arg4[%dma_wait3A_601, %multiple_of3A_471] : memref<64x1000000xf32, #tpu.memory_space<hbm>> -> memref<64x128xf32, #tpu.memory_space<hbm>>
      %dma_wait3A_603 = arith.constant 0 : i32
      %dma_wait3A_604 = arith.constant 0 : i32
      %dma_wait3A_605 = tpu.memref_slice %arg14[%dma_wait3A_596, %dma_wait3A_603, %dma_wait3A_604] : memref<9x64x128xf32, #tpu.memory_space<vmem>> -> memref<1x64x128xf32, #tpu.memory_space<vmem>>
      %dma_wait3A_606 = tpu.memref_squeeze %dma_wait3A_605 : memref<1x64x128xf32, #tpu.memory_space<vmem>> -> memref<64x128xf32, #tpu.memory_space<vmem>>
      %dma_wait3A_607 = arith.constant 0 : i32
      %dma_wait3A_608 = tpu.memref_slice %arg4[%dma_wait3A_607, %multiple_of3A_471] : memref<64x1000000xf32, #tpu.memory_space<hbm>> -> memref<64x128xf32, #tpu.memory_space<hbm>>
      tpu.wait_dma2 semaphore(%arg25 : memref<!tpu.dma_semaphore, #tpu.memory_space<semaphore_mem>>) src(%dma_wait3A_608 : memref<64x128xf32, #tpu.memory_space<hbm>>) dst(%dma_wait3A_606 : memref<64x128xf32, #tpu.memory_space<vmem>>)
      %dma_wait3A_609 = arith.constant 4 : i32
      %dma_wait3A_610 = arith.constant 0 : i32
      %dma_wait3A_611 = arith.constant 0 : i32
      %dma_wait3A_612 = tpu.memref_slice %arg14[%dma_wait3A_609, %dma_wait3A_610, %dma_wait3A_611] : memref<9x64x128xf32, #tpu.memory_space<vmem>> -> memref<1x64x128xf32, #tpu.memory_space<vmem>>
      %dma_wait3A_613 = tpu.memref_squeeze %dma_wait3A_612 : memref<1x64x128xf32, #tpu.memory_space<vmem>> -> memref<64x128xf32, #tpu.memory_space<vmem>>
      %dma_wait3A_614 = arith.constant 0 : i32
      %dma_wait3A_615 = tpu.memref_slice %arg4[%dma_wait3A_614, %multiple_of3A_489] : memref<64x1000000xf32, #tpu.memory_space<hbm>> -> memref<64x128xf32, #tpu.memory_space<hbm>>
      %dma_wait3A_616 = arith.constant 0 : i32
      %dma_wait3A_617 = arith.constant 0 : i32
      %dma_wait3A_618 = tpu.memref_slice %arg14[%dma_wait3A_609, %dma_wait3A_616, %dma_wait3A_617] : memref<9x64x128xf32, #tpu.memory_space<vmem>> -> memref<1x64x128xf32, #tpu.memory_space<vmem>>
      %dma_wait3A_619 = tpu.memref_squeeze %dma_wait3A_618 : memref<1x64x128xf32, #tpu.memory_space<vmem>> -> memref<64x128xf32, #tpu.memory_space<vmem>>
      %dma_wait3A_620 = arith.constant 0 : i32
      %dma_wait3A_621 = tpu.memref_slice %arg4[%dma_wait3A_620, %multiple_of3A_489] : memref<64x1000000xf32, #tpu.memory_space<hbm>> -> memref<64x128xf32, #tpu.memory_space<hbm>>
      tpu.wait_dma2 semaphore(%arg25 : memref<!tpu.dma_semaphore, #tpu.memory_space<semaphore_mem>>) src(%dma_wait3A_621 : memref<64x128xf32, #tpu.memory_space<hbm>>) dst(%dma_wait3A_619 : memref<64x128xf32, #tpu.memory_space<vmem>>)
      %dma_wait3A_622 = arith.constant 5 : i32
      %dma_wait3A_623 = arith.constant 0 : i32
      %dma_wait3A_624 = arith.constant 0 : i32
      %dma_wait3A_625 = tpu.memref_slice %arg14[%dma_wait3A_622, %dma_wait3A_623, %dma_wait3A_624] : memref<9x64x128xf32, #tpu.memory_space<vmem>> -> memref<1x64x128xf32, #tpu.memory_space<vmem>>
      %dma_wait3A_626 = tpu.memref_squeeze %dma_wait3A_625 : memref<1x64x128xf32, #tpu.memory_space<vmem>> -> memref<64x128xf32, #tpu.memory_space<vmem>>
      %dma_wait3A_627 = arith.constant 0 : i32
      %dma_wait3A_628 = tpu.memref_slice %arg4[%dma_wait3A_627, %multiple_of3A_507] : memref<64x1000000xf32, #tpu.memory_space<hbm>> -> memref<64x128xf32, #tpu.memory_space<hbm>>
      %dma_wait3A_629 = arith.constant 0 : i32
      %dma_wait3A_630 = arith.constant 0 : i32
      %dma_wait3A_631 = tpu.memref_slice %arg14[%dma_wait3A_622, %dma_wait3A_629, %dma_wait3A_630] : memref<9x64x128xf32, #tpu.memory_space<vmem>> -> memref<1x64x128xf32, #tpu.memory_space<vmem>>
      %dma_wait3A_632 = tpu.memref_squeeze %dma_wait3A_631 : memref<1x64x128xf32, #tpu.memory_space<vmem>> -> memref<64x128xf32, #tpu.memory_space<vmem>>
      %dma_wait3A_633 = arith.constant 0 : i32
      %dma_wait3A_634 = tpu.memref_slice %arg4[%dma_wait3A_633, %multiple_of3A_507] : memref<64x1000000xf32, #tpu.memory_space<hbm>> -> memref<64x128xf32, #tpu.memory_space<hbm>>
      tpu.wait_dma2 semaphore(%arg25 : memref<!tpu.dma_semaphore, #tpu.memory_space<semaphore_mem>>) src(%dma_wait3A_634 : memref<64x128xf32, #tpu.memory_space<hbm>>) dst(%dma_wait3A_632 : memref<64x128xf32, #tpu.memory_space<vmem>>)
      %dma_wait3A_635 = arith.constant 6 : i32
      %dma_wait3A_636 = arith.constant 0 : i32
      %dma_wait3A_637 = arith.constant 0 : i32
      %dma_wait3A_638 = tpu.memref_slice %arg14[%dma_wait3A_635, %dma_wait3A_636, %dma_wait3A_637] : memref<9x64x128xf32, #tpu.memory_space<vmem>> -> memref<1x64x128xf32, #tpu.memory_space<vmem>>
      %dma_wait3A_639 = tpu.memref_squeeze %dma_wait3A_638 : memref<1x64x128xf32, #tpu.memory_space<vmem>> -> memref<64x128xf32, #tpu.memory_space<vmem>>
      %dma_wait3A_640 = arith.constant 0 : i32
      %dma_wait3A_641 = tpu.memref_slice %arg4[%dma_wait3A_640, %multiple_of3A_525] : memref<64x1000000xf32, #tpu.memory_space<hbm>> -> memref<64x128xf32, #tpu.memory_space<hbm>>
      %dma_wait3A_642 = arith.constant 0 : i32
      %dma_wait3A_643 = arith.constant 0 : i32
      %dma_wait3A_644 = tpu.memref_slice %arg14[%dma_wait3A_635, %dma_wait3A_642, %dma_wait3A_643] : memref<9x64x128xf32, #tpu.memory_space<vmem>> -> memref<1x64x128xf32, #tpu.memory_space<vmem>>
      %dma_wait3A_645 = tpu.memref_squeeze %dma_wait3A_644 : memref<1x64x128xf32, #tpu.memory_space<vmem>> -> memref<64x128xf32, #tpu.memory_space<vmem>>
      %dma_wait3A_646 = arith.constant 0 : i32
      %dma_wait3A_647 = tpu.memref_slice %arg4[%dma_wait3A_646, %multiple_of3A_525] : memref<64x1000000xf32, #tpu.memory_space<hbm>> -> memref<64x128xf32, #tpu.memory_space<hbm>>
      tpu.wait_dma2 semaphore(%arg25 : memref<!tpu.dma_semaphore, #tpu.memory_space<semaphore_mem>>) src(%dma_wait3A_647 : memref<64x128xf32, #tpu.memory_space<hbm>>) dst(%dma_wait3A_645 : memref<64x128xf32, #tpu.memory_space<vmem>>)
      %dma_wait3A_648 = arith.constant 7 : i32
      %dma_wait3A_649 = arith.constant 0 : i32
      %dma_wait3A_650 = arith.constant 0 : i32
      %dma_wait3A_651 = tpu.memref_slice %arg14[%dma_wait3A_648, %dma_wait3A_649, %dma_wait3A_650] : memref<9x64x128xf32, #tpu.memory_space<vmem>> -> memref<1x64x128xf32, #tpu.memory_space<vmem>>
      %dma_wait3A_652 = tpu.memref_squeeze %dma_wait3A_651 : memref<1x64x128xf32, #tpu.memory_space<vmem>> -> memref<64x128xf32, #tpu.memory_space<vmem>>
      %dma_wait3A_653 = arith.constant 0 : i32
      %dma_wait3A_654 = tpu.memref_slice %arg4[%dma_wait3A_653, %multiple_of3A_543] : memref<64x1000000xf32, #tpu.memory_space<hbm>> -> memref<64x128xf32, #tpu.memory_space<hbm>>
      %dma_wait3A_655 = arith.constant 0 : i32
      %dma_wait3A_656 = arith.constant 0 : i32
      %dma_wait3A_657 = tpu.memref_slice %arg14[%dma_wait3A_648, %dma_wait3A_655, %dma_wait3A_656] : memref<9x64x128xf32, #tpu.memory_space<vmem>> -> memref<1x64x128xf32, #tpu.memory_space<vmem>>
      %dma_wait3A_658 = tpu.memref_squeeze %dma_wait3A_657 : memref<1x64x128xf32, #tpu.memory_space<vmem>> -> memref<64x128xf32, #tpu.memory_space<vmem>>
      %dma_wait3A_659 = arith.constant 0 : i32
      %dma_wait3A_660 = tpu.memref_slice %arg4[%dma_wait3A_659, %multiple_of3A_543] : memref<64x1000000xf32, #tpu.memory_space<hbm>> -> memref<64x128xf32, #tpu.memory_space<hbm>>
      tpu.wait_dma2 semaphore(%arg25 : memref<!tpu.dma_semaphore, #tpu.memory_space<semaphore_mem>>) src(%dma_wait3A_660 : memref<64x128xf32, #tpu.memory_space<hbm>>) dst(%dma_wait3A_658 : memref<64x128xf32, #tpu.memory_space<vmem>>)
      %add3A_661 = arith.constant 16384 : i32
      %add3A_662 = vector.broadcast %add3A_661 : i32 to vector<16xi32>
      %add3A_663 = arith.addi %add3A_662, %iota3A : vector<16xi32>
      %swap3A_664 = arith.constant 0 : index
      %swap3A_665 = tpu.vector_load %arg21[%swap3A_664] {strides = array<i32>} : memref<64xi32, #tpu.memory_space<vmem>>, vector<16xi32>,
      tpu.vector_store %arg21[%swap3A_664], %add3A_663 {strides = array<i32>} : memref<64xi32, #tpu.memory_space<vmem>>, vector<16xi32>,
      %swap3A_666 = arith.constant 0 : index
      %swap3A_667 = tpu.vector_load %arg22[%swap3A_666] {strides = array<i32>} : memref<64xi32, #tpu.memory_space<vmem>>, vector<16xi32>,
      tpu.vector_store %arg22[%swap3A_666], %add3A_663 {strides = array<i32>} : memref<64xi32, #tpu.memory_space<vmem>>, vector<16xi32>,
      %add3A_668 = arith.constant 16400 : i32
      %add3A_669 = vector.broadcast %add3A_668 : i32 to vector<16xi32>
      %add3A_670 = arith.addi %add3A_669, %iota3A : vector<16xi32>
      %swap3A_671 = arith.constant 16 : index
      %swap3A_672 = tpu.vector_load %arg21[%swap3A_671] {strides = array<i32>} : memref<64xi32, #tpu.memory_space<vmem>>, vector<16xi32>,
      tpu.vector_store %arg21[%swap3A_671], %add3A_670 {strides = array<i32>} : memref<64xi32, #tpu.memory_space<vmem>>, vector<16xi32>,
      %swap3A_673 = arith.constant 16 : index
      %swap3A_674 = tpu.vector_load %arg22[%swap3A_673] {strides = array<i32>} : memref<64xi32, #tpu.memory_space<vmem>>, vector<16xi32>,
      tpu.vector_store %arg22[%swap3A_673], %add3A_670 {strides = array<i32>} : memref<64xi32, #tpu.memory_space<vmem>>, vector<16xi32>,
      %add3A_675 = arith.constant 16416 : i32
      %add3A_676 = vector.broadcast %add3A_675 : i32 to vector<16xi32>
      %add3A_677 = arith.addi %add3A_676, %iota3A : vector<16xi32>
      %swap3A_678 = arith.constant 32 : index
      %swap3A_679 = tpu.vector_load %arg21[%swap3A_678] {strides = array<i32>} : memref<64xi32, #tpu.memory_space<vmem>>, vector<16xi32>,
      tpu.vector_store %arg21[%swap3A_678], %add3A_677 {strides = array<i32>} : memref<64xi32, #tpu.memory_space<vmem>>, vector<16xi32>,
      %swap3A_680 = arith.constant 32 : index
      %swap3A_681 = tpu.vector_load %arg22[%swap3A_680] {strides = array<i32>} : memref<64xi32, #tpu.memory_space<vmem>>, vector<16xi32>,
      tpu.vector_store %arg22[%swap3A_680], %add3A_677 {strides = array<i32>} : memref<64xi32, #tpu.memory_space<vmem>>, vector<16xi32>,
      %add3A_682 = arith.constant 16432 : i32
      %add3A_683 = vector.broadcast %add3A_682 : i32 to vector<16xi32>
      %add3A_684 = arith.addi %add3A_683, %iota3A : vector<16xi32>
      %swap3A_685 = arith.constant 48 : index
      %swap3A_686 = tpu.vector_load %arg21[%swap3A_685] {strides = array<i32>} : memref<64xi32, #tpu.memory_space<vmem>>, vector<16xi32>,
      tpu.vector_store %arg21[%swap3A_685], %add3A_684 {strides = array<i32>} : memref<64xi32, #tpu.memory_space<vmem>>, vector<16xi32>,
      %swap3A_687 = arith.constant 48 : index
      %swap3A_688 = tpu.vector_load %arg22[%swap3A_687] {strides = array<i32>} : memref<64xi32, #tpu.memory_space<vmem>>, vector<16xi32>,
      tpu.vector_store %arg22[%swap3A_687], %add3A_684 {strides = array<i32>} : memref<64xi32, #tpu.memory_space<vmem>>, vector<16xi32>,
      %add3A_689 = arith.constant 15 : i32
      %add3A_690 = arith.addi %scan3A_10#0, %add3A_689 : i32
      %div3A_691 = arith.constant 16 : i32
      %div3A_692 = arith.divsi %add3A_690, %div3A_691 : i32
      %while3A_693 = arith.constant 0 : i32
      %while3A_694 = arith.constant 0 : i32
      %while3A_695 = arith.subi %div3A_692, %while3A_693 : i32
      %while3A_696 = arith.addi %while3A_693, %while3A_695 : i32
      %while3A_697 = arith.constant 1 : i32
      %while3A_698 = arith.divsi %while3A_695, %while3A_697 : i32
      %while3A_699 = arith.muli %while3A_698, %while3A_697 : i32
      %while3A_700 = arith.addi %while3A_693, %while3A_699 : i32
      %while3A_701 = arith.constant 1 : i32
      %while3A_702 = scf.for %while3A_770 = %while3A_693 to %while3A_700 step %while3A_701 iter_args(%while3A_771 = %while3A_694) -> (i32)  : i32 {
        %mul3A_772 = arith.constant 16 : i32
        %mul3A_773 = arith.muli %while3A_770, %mul3A_772 : i32
        %get3A = arith.index_cast %mul3A_773 : i32 to index
        %get3A_774 = tpu.vector_load %arg10[%get3A] {strides = array<i32>} : memref<1536xi32, #tpu.memory_space<vmem>>, vector<16xi32>,
        %mul3A_775 = arith.constant 16 : i32
        %mul3A_776 = arith.muli %while3A_770, %mul3A_775 : i32
        %get3A_777 = arith.index_cast %mul3A_776 : i32 to index
        %get3A_778 = tpu.vector_load %arg11[%get3A_777] {strides = array<i32>} : memref<1536xi32, #tpu.memory_space<vmem>>, vector<16xi32>,
        %mul3A_779 = arith.constant 16 : i32
        %mul3A_780 = arith.muli %while3A_770, %mul3A_779 : i32
        %add3A_781 = vector.broadcast %mul3A_780 : i32 to vector<16xi32>
        %add3A_782 = arith.addi %add3A_781, %iota3A : vector<16xi32>
        %lt3A = vector.broadcast %scan3A_10#0 : i32 to vector<16xi32>
        %lt3A_783 = arith.cmpi slt, %add3A_782, %lt3A : vector<16xi32>
        %ge3A = vector.broadcast %add3A_412 : i32 to vector<16xi32>
        %ge3A_784 = arith.cmpi sge, %get3A_774, %ge3A : vector<16xi32>
        %add3A_785 = arith.constant 1024 : i32
        %add3A_786 = arith.addi %add3A_412, %add3A_785 : i32
        %lt3A_787 = vector.broadcast %add3A_786 : i32 to vector<16xi32>
        %lt3A_788 = arith.cmpi slt, %get3A_774, %lt3A_787 : vector<16xi32>
        %and3A = arith.andi %ge3A_784, %lt3A_788 : vector<16xi1>
        %and3A_789 = arith.andi %lt3A_783, %and3A : vector<16xi1>
        %all_reduce_population_count3A = tpu.all_reduce %and3A_789 {dim = 0 : i64, kind = #tpu.reduction_kind<sum>} : vector<16xi1> -> vector<16xi32>
        %slice3A = vector.extract_strided_slice %all_reduce_population_count3A {offsets = [0], sizes = [1], strides = [1]} : vector<16xi32> to vector<1xi32>
        %squeeze3A = vector.extract %slice3A[0] : i32 from vector<1xi32>
        %sub3A = vector.broadcast %add3A_412 : i32 to vector<16xi32>
        %sub3A_790 = arith.subi %get3A_774, %sub3A : vector<16xi32>
        %mul3A_791 = arith.constant 16384 : i32
        %mul3A_792 = vector.broadcast %mul3A_791 : i32 to vector<16xi32>
        %mul3A_793 = arith.muli %sub3A_790, %mul3A_792 : vector<16xi32>
        %add3A_794 = arith.addi %mul3A_793, %get3A_778 : vector<16xi32>
        %swap3A_795 = arith.constant 0 : index
        %swap3A_796 = tpu.vector_load %arg23[%swap3A_795] masked %and3A_789 {strides = array<i32>} : memref<16xi32, #tpu.memory_space<vmem>>, vector<16xi32>, vector<16xi1>
        tpu.vector_store %arg23[%swap3A_795], %add3A_794 masked %and3A_789 {strides = array<i32>} : memref<16xi32, #tpu.memory_space<vmem>>, vector<16xi32>, vector<16xi1>
        %swap3A_797 = arith.index_cast %while3A_771 : i32 to index
        %swap3A_798 = tpu.vector_load %arg21[%swap3A_797] masked %and3A_789 {strides = array<i32>} : memref<64xi32, #tpu.memory_space<vmem>>, vector<16xi32>, vector<16xi1>
        tpu.vector_store %arg21[%swap3A_797], %get3A_778 masked %and3A_789 {strides = array<i32>} : memref<64xi32, #tpu.memory_space<vmem>>, vector<16xi32>, vector<16xi1>
        %get3A_799 = arith.constant 0 : index
        %get3A_800 = tpu.vector_load %arg23[%get3A_799] {strides = array<i32>} : memref<16xi32, #tpu.memory_space<vmem>>, vector<16xi32>,
        %while3A_801 = arith.constant 0 : i32
        %while3A_802 = arith.subi %squeeze3A, %while3A_801 : i32
        %while3A_803 = arith.addi %while3A_801, %while3A_802 : i32
        %while3A_804 = arith.constant 1 : i32
        %while3A_805 = arith.divsi %while3A_802, %while3A_804 : i32
        %while3A_806 = arith.muli %while3A_805, %while3A_804 : i32
        %while3A_807 = arith.addi %while3A_801, %while3A_806 : i32
        %while3A_808 = arith.constant 1 : i32
        %while3A_809 = scf.for %while3A_814 = %while3A_801 to %while3A_807 step %while3A_808 iter_args(%while3A_815 = %while3A_771) -> (i32)  : i32 {
          %iota3A_816 = tpu.iota {dimensions = array<i32: 0>} : vector<16xi32>
          %eq3A = vector.broadcast %while3A_814 : i32 to vector<16xi32>
          %eq3A_817 = arith.cmpi eq, %iota3A_816, %eq3A : vector<16xi32>
          %jit3A = arith.constant 0 : i32
          %broadcast_in_dim3A = vector.broadcast %jit3A : i32 to vector<16xi32>
          %select_n3A = arith.select %eq3A_817, %get3A_800, %broadcast_in_dim3A : vector<16xi1>, vector<16xi32>
          %reduce_sum3A = arith.constant true
          %reduce_sum3A_818 = vector.broadcast %reduce_sum3A : i1 to vector<16xi1>
          %reduce_sum3A_819 = tpu.scan <sum>, %select_n3A masked %reduce_sum3A_818 : vector<16xi32>, vector<16xi1> -> vector<16xi32>
          %reduce_sum3A_820 = vector.extract %reduce_sum3A_819[15] : i32 from vector<16xi32>
          %shift_right_logical3A = arith.constant 14 : i32
          %shift_right_logical3A_821 = arith.shrui %reduce_sum3A_820, %shift_right_logical3A : i32
          %add3A_822 = arith.addi %add3A_412, %shift_right_logical3A_821 : i32
          %shift_right_logical3A_823 = arith.constant 7 : i32
          %shift_right_logical3A_824 = arith.shrui %shift_right_logical3A_821, %shift_right_logical3A_823 : i32
          %mul3A_825 = arith.constant 128 : i32
          %mul3A_826 = arith.muli %shift_right_logical3A_824, %mul3A_825 : i32
          %add3A_827 = arith.addi %add3A_412, %mul3A_826 : i32
          %min3A_828 = arith.constant 999808 : i32
          %min3A_829 = arith.minsi %add3A_827, %min3A_828 : i32
          %ge3A_830 = arith.constant 999936 : i32
          %ge3A_831 = arith.cmpi sge, %add3A_822, %ge3A_830 : i32
          %jit3A_832 = arith.constant 8 : i32
          %select_n3A_833 = arith.select %ge3A_831, %jit3A_832, %shift_right_logical3A_824 : i32
          %sub3A_834 = arith.constant 999936 : i32
          %sub3A_835 = arith.subi %add3A_822, %sub3A_834 : i32
          %sub3A_836 = arith.subi %add3A_822, %min3A_829 : i32
          %select_n3A_837 = arith.select %ge3A_831, %sub3A_835, %sub3A_836 : i32
          %broadcast_in_dim3A_838 = vector.broadcast %select_n3A_833 : i32 to vector<16xi32>
          %broadcast_in_dim3A_839 = vector.broadcast %select_n3A_837 : i32 to vector<16xi32>
          %add3A_840 = arith.constant 0 : i32
          %add3A_841 = vector.broadcast %add3A_840 : i32 to vector<16xi32>
          %add3A_842 = arith.addi %iota3A, %add3A_841 : vector<16xi32>
          %gather3A = tpu.vector_load_idx %arg14[%broadcast_in_dim3A_838, %add3A_842, %broadcast_in_dim3A_839] : memref<9x64x128xf32, #tpu.memory_space<vmem>>[vector<16xi32>, vector<16xi32>, vector<16xi32>], vector<16xf32>,
          %swap3A_843 = arith.index_cast %while3A_815 : i32 to index
          %swap3A_844 = arith.constant 0 : index
          %swap3A_845 = tpu.vector_load %arg17[%swap3A_843, %swap3A_844] {strides = array<i32>} : memref<64x128xf32, #tpu.memory_space<vmem>>, vector<16xf32>,
          tpu.vector_store %arg17[%swap3A_843, %swap3A_844], %gather3A {strides = array<i32>} : memref<64x128xf32, #tpu.memory_space<vmem>>, vector<16xf32>,
          %add3A_846 = arith.constant 16 : i32
          %add3A_847 = vector.broadcast %add3A_846 : i32 to vector<16xi32>
          %add3A_848 = arith.addi %iota3A, %add3A_847 : vector<16xi32>
          %gather3A_849 = tpu.vector_load_idx %arg14[%broadcast_in_dim3A_838, %add3A_848, %broadcast_in_dim3A_839] : memref<9x64x128xf32, #tpu.memory_space<vmem>>[vector<16xi32>, vector<16xi32>, vector<16xi32>], vector<16xf32>,
          %swap3A_850 = arith.index_cast %while3A_815 : i32 to index
          %swap3A_851 = arith.constant 16 : index
          %swap3A_852 = tpu.vector_load %arg17[%swap3A_850, %swap3A_851] {strides = array<i32>} : memref<64x128xf32, #tpu.memory_space<vmem>>, vector<16xf32>,
          tpu.vector_store %arg17[%swap3A_850, %swap3A_851], %gather3A_849 {strides = array<i32>} : memref<64x128xf32, #tpu.memory_space<vmem>>, vector<16xf32>,
          %add3A_853 = arith.constant 32 : i32
          %add3A_854 = vector.broadcast %add3A_853 : i32 to vector<16xi32>
          %add3A_855 = arith.addi %iota3A, %add3A_854 : vector<16xi32>
          %gather3A_856 = tpu.vector_load_idx %arg14[%broadcast_in_dim3A_838, %add3A_855, %broadcast_in_dim3A_839] : memref<9x64x128xf32, #tpu.memory_space<vmem>>[vector<16xi32>, vector<16xi32>, vector<16xi32>], vector<16xf32>,
          %swap3A_857 = arith.index_cast %while3A_815 : i32 to index
          %swap3A_858 = arith.constant 32 : index
          %swap3A_859 = tpu.vector_load %arg17[%swap3A_857, %swap3A_858] {strides = array<i32>} : memref<64x128xf32, #tpu.memory_space<vmem>>, vector<16xf32>,
          tpu.vector_store %arg17[%swap3A_857, %swap3A_858], %gather3A_856 {strides = array<i32>} : memref<64x128xf32, #tpu.memory_space<vmem>>, vector<16xf32>,
          %add3A_860 = arith.constant 48 : i32
          %add3A_861 = vector.broadcast %add3A_860 : i32 to vector<16xi32>
          %add3A_862 = arith.addi %iota3A, %add3A_861 : vector<16xi32>
          %gather3A_863 = tpu.vector_load_idx %arg14[%broadcast_in_dim3A_838, %add3A_862, %broadcast_in_dim3A_839] : memref<9x64x128xf32, #tpu.memory_space<vmem>>[vector<16xi32>, vector<16xi32>, vector<16xi32>], vector<16xf32>,
          %swap3A_864 = arith.index_cast %while3A_815 : i32 to index
          %swap3A_865 = arith.constant 48 : index
          %swap3A_866 = tpu.vector_load %arg17[%swap3A_864, %swap3A_865] {strides = array<i32>} : memref<64x128xf32, #tpu.memory_space<vmem>>, vector<16xf32>,
          tpu.vector_store %arg17[%swap3A_864, %swap3A_865], %gather3A_863 {strides = array<i32>} : memref<64x128xf32, #tpu.memory_space<vmem>>, vector<16xf32>,
          %add3A_867 = arith.constant 1 : i32
          %add3A_868 = arith.addi %while3A_815, %add3A_867 : i32
          scf.yield %add3A_868 : i32
        }
        %while3A_810 = arith.constant 1 : i32
        %while3A_811 = scf.for %while3A_814 = %while3A_807 to %while3A_803 step %while3A_810 iter_args(%while3A_815 = %while3A_809) -> (i32)  : i32 {
          %iota3A_816 = tpu.iota {dimensions = array<i32: 0>} : vector<16xi32>
          %eq3A = vector.broadcast %while3A_814 : i32 to vector<16xi32>
          %eq3A_817 = arith.cmpi eq, %iota3A_816, %eq3A : vector<16xi32>
          %jit3A = arith.constant 0 : i32
          %broadcast_in_dim3A = vector.broadcast %jit3A : i32 to vector<16xi32>
          %select_n3A = arith.select %eq3A_817, %get3A_800, %broadcast_in_dim3A : vector<16xi1>, vector<16xi32>
          %reduce_sum3A = arith.constant true
          %reduce_sum3A_818 = vector.broadcast %reduce_sum3A : i1 to vector<16xi1>
          %reduce_sum3A_819 = tpu.scan <sum>, %select_n3A masked %reduce_sum3A_818 : vector<16xi32>, vector<16xi1> -> vector<16xi32>
          %reduce_sum3A_820 = vector.extract %reduce_sum3A_819[15] : i32 from vector<16xi32>
          %shift_right_logical3A = arith.constant 14 : i32
          %shift_right_logical3A_821 = arith.shrui %reduce_sum3A_820, %shift_right_logical3A : i32
          %add3A_822 = arith.addi %add3A_412, %shift_right_logical3A_821 : i32
          %shift_right_logical3A_823 = arith.constant 7 : i32
          %shift_right_logical3A_824 = arith.shrui %shift_right_logical3A_821, %shift_right_logical3A_823 : i32
          %mul3A_825 = arith.constant 128 : i32
          %mul3A_826 = arith.muli %shift_right_logical3A_824, %mul3A_825 : i32
          %add3A_827 = arith.addi %add3A_412, %mul3A_826 : i32
          %min3A_828 = arith.constant 999808 : i32
          %min3A_829 = arith.minsi %add3A_827, %min3A_828 : i32
          %ge3A_830 = arith.constant 999936 : i32
          %ge3A_831 = arith.cmpi sge, %add3A_822, %ge3A_830 : i32
          %jit3A_832 = arith.constant 8 : i32
          %select_n3A_833 = arith.select %ge3A_831, %jit3A_832, %shift_right_logical3A_824 : i32
          %sub3A_834 = arith.constant 999936 : i32
          %sub3A_835 = arith.subi %add3A_822, %sub3A_834 : i32
          %sub3A_836 = arith.subi %add3A_822, %min3A_829 : i32
          %select_n3A_837 = arith.select %ge3A_831, %sub3A_835, %sub3A_836 : i32
          %broadcast_in_dim3A_838 = vector.broadcast %select_n3A_833 : i32 to vector<16xi32>
          %broadcast_in_dim3A_839 = vector.broadcast %select_n3A_837 : i32 to vector<16xi32>
          %add3A_840 = arith.constant 0 : i32
          %add3A_841 = vector.broadcast %add3A_840 : i32 to vector<16xi32>
          %add3A_842 = arith.addi %iota3A, %add3A_841 : vector<16xi32>
          %gather3A = tpu.vector_load_idx %arg14[%broadcast_in_dim3A_838, %add3A_842, %broadcast_in_dim3A_839] : memref<9x64x128xf32, #tpu.memory_space<vmem>>[vector<16xi32>, vector<16xi32>, vector<16xi32>], vector<16xf32>,
          %swap3A_843 = arith.index_cast %while3A_815 : i32 to index
          %swap3A_844 = arith.constant 0 : index
          %swap3A_845 = tpu.vector_load %arg17[%swap3A_843, %swap3A_844] {strides = array<i32>} : memref<64x128xf32, #tpu.memory_space<vmem>>, vector<16xf32>,
          tpu.vector_store %arg17[%swap3A_843, %swap3A_844], %gather3A {strides = array<i32>} : memref<64x128xf32, #tpu.memory_space<vmem>>, vector<16xf32>,
          %add3A_846 = arith.constant 16 : i32
          %add3A_847 = vector.broadcast %add3A_846 : i32 to vector<16xi32>
          %add3A_848 = arith.addi %iota3A, %add3A_847 : vector<16xi32>
          %gather3A_849 = tpu.vector_load_idx %arg14[%broadcast_in_dim3A_838, %add3A_848, %broadcast_in_dim3A_839] : memref<9x64x128xf32, #tpu.memory_space<vmem>>[vector<16xi32>, vector<16xi32>, vector<16xi32>], vector<16xf32>,
          %swap3A_850 = arith.index_cast %while3A_815 : i32 to index
          %swap3A_851 = arith.constant 16 : index
          %swap3A_852 = tpu.vector_load %arg17[%swap3A_850, %swap3A_851] {strides = array<i32>} : memref<64x128xf32, #tpu.memory_space<vmem>>, vector<16xf32>,
          tpu.vector_store %arg17[%swap3A_850, %swap3A_851], %gather3A_849 {strides = array<i32>} : memref<64x128xf32, #tpu.memory_space<vmem>>, vector<16xf32>,
          %add3A_853 = arith.constant 32 : i32
          %add3A_854 = vector.broadcast %add3A_853 : i32 to vector<16xi32>
          %add3A_855 = arith.addi %iota3A, %add3A_854 : vector<16xi32>
          %gather3A_856 = tpu.vector_load_idx %arg14[%broadcast_in_dim3A_838, %add3A_855, %broadcast_in_dim3A_839] : memref<9x64x128xf32, #tpu.memory_space<vmem>>[vector<16xi32>, vector<16xi32>, vector<16xi32>], vector<16xf32>,
          %swap3A_857 = arith.index_cast %while3A_815 : i32 to index
          %swap3A_858 = arith.constant 32 : index
          %swap3A_859 = tpu.vector_load %arg17[%swap3A_857, %swap3A_858] {strides = array<i32>} : memref<64x128xf32, #tpu.memory_space<vmem>>, vector<16xf32>,
          tpu.vector_store %arg17[%swap3A_857, %swap3A_858], %gather3A_856 {strides = array<i32>} : memref<64x128xf32, #tpu.memory_space<vmem>>, vector<16xf32>,
          %add3A_860 = arith.constant 48 : i32
          %add3A_861 = vector.broadcast %add3A_860 : i32 to vector<16xi32>
          %add3A_862 = arith.addi %iota3A, %add3A_861 : vector<16xi32>
          %gather3A_863 = tpu.vector_load_idx %arg14[%broadcast_in_dim3A_838, %add3A_862, %broadcast_in_dim3A_839] : memref<9x64x128xf32, #tpu.memory_space<vmem>>[vector<16xi32>, vector<16xi32>, vector<16xi32>], vector<16xf32>,
          %swap3A_864 = arith.index_cast %while3A_815 : i32 to index
          %swap3A_865 = arith.constant 48 : index
          %swap3A_866 = tpu.vector_load %arg17[%swap3A_864, %swap3A_865] {strides = array<i32>} : memref<64x128xf32, #tpu.memory_space<vmem>>, vector<16xf32>,
          tpu.vector_store %arg17[%swap3A_864, %swap3A_865], %gather3A_863 {strides = array<i32>} : memref<64x128xf32, #tpu.memory_space<vmem>>, vector<16xf32>,
          %add3A_867 = arith.constant 1 : i32
          %add3A_868 = arith.addi %while3A_815, %add3A_867 : i32
          scf.yield %add3A_868 : i32
        }
        %min3A_812 = arith.constant 48 : i32
        %min3A_813 = arith.minsi %while3A_811, %min3A_812 : i32
        scf.yield %min3A_813 : i32
      }
      %while3A_703 = arith.constant 1 : i32
      %while3A_704 = scf.for %while3A_770 = %while3A_700 to %while3A_696 step %while3A_703 iter_args(%while3A_771 = %while3A_702) -> (i32)  : i32 {
        %mul3A_772 = arith.constant 16 : i32
        %mul3A_773 = arith.muli %while3A_770, %mul3A_772 : i32
        %get3A = arith.index_cast %mul3A_773 : i32 to index
        %get3A_774 = tpu.vector_load %arg10[%get3A] {strides = array<i32>} : memref<1536xi32, #tpu.memory_space<vmem>>, vector<16xi32>,
        %mul3A_775 = arith.constant 16 : i32
        %mul3A_776 = arith.muli %while3A_770, %mul3A_775 : i32
        %get3A_777 = arith.index_cast %mul3A_776 : i32 to index
        %get3A_778 = tpu.vector_load %arg11[%get3A_777] {strides = array<i32>} : memref<1536xi32, #tpu.memory_space<vmem>>, vector<16xi32>,
        %mul3A_779 = arith.constant 16 : i32
        %mul3A_780 = arith.muli %while3A_770, %mul3A_779 : i32
        %add3A_781 = vector.broadcast %mul3A_780 : i32 to vector<16xi32>
        %add3A_782 = arith.addi %add3A_781, %iota3A : vector<16xi32>
        %lt3A = vector.broadcast %scan3A_10#0 : i32 to vector<16xi32>
        %lt3A_783 = arith.cmpi slt, %add3A_782, %lt3A : vector<16xi32>
        %ge3A = vector.broadcast %add3A_412 : i32 to vector<16xi32>
        %ge3A_784 = arith.cmpi sge, %get3A_774, %ge3A : vector<16xi32>
        %add3A_785 = arith.constant 1024 : i32
        %add3A_786 = arith.addi %add3A_412, %add3A_785 : i32
        %lt3A_787 = vector.broadcast %add3A_786 : i32 to vector<16xi32>
        %lt3A_788 = arith.cmpi slt, %get3A_774, %lt3A_787 : vector<16xi32>
        %and3A = arith.andi %ge3A_784, %lt3A_788 : vector<16xi1>
        %and3A_789 = arith.andi %lt3A_783, %and3A : vector<16xi1>
        %all_reduce_population_count3A = tpu.all_reduce %and3A_789 {dim = 0 : i64, kind = #tpu.reduction_kind<sum>} : vector<16xi1> -> vector<16xi32>
        %slice3A = vector.extract_strided_slice %all_reduce_population_count3A {offsets = [0], sizes = [1], strides = [1]} : vector<16xi32> to vector<1xi32>
        %squeeze3A = vector.extract %slice3A[0] : i32 from vector<1xi32>
        %sub3A = vector.broadcast %add3A_412 : i32 to vector<16xi32>
        %sub3A_790 = arith.subi %get3A_774, %sub3A : vector<16xi32>
        %mul3A_791 = arith.constant 16384 : i32
        %mul3A_792 = vector.broadcast %mul3A_791 : i32 to vector<16xi32>
        %mul3A_793 = arith.muli %sub3A_790, %mul3A_792 : vector<16xi32>
        %add3A_794 = arith.addi %mul3A_793, %get3A_778 : vector<16xi32>
        %swap3A_795 = arith.constant 0 : index
        %swap3A_796 = tpu.vector_load %arg23[%swap3A_795] masked %and3A_789 {strides = array<i32>} : memref<16xi32, #tpu.memory_space<vmem>>, vector<16xi32>, vector<16xi1>
        tpu.vector_store %arg23[%swap3A_795], %add3A_794 masked %and3A_789 {strides = array<i32>} : memref<16xi32, #tpu.memory_space<vmem>>, vector<16xi32>, vector<16xi1>
        %swap3A_797 = arith.index_cast %while3A_771 : i32 to index
        %swap3A_798 = tpu.vector_load %arg21[%swap3A_797] masked %and3A_789 {strides = array<i32>} : memref<64xi32, #tpu.memory_space<vmem>>, vector<16xi32>, vector<16xi1>
        tpu.vector_store %arg21[%swap3A_797], %get3A_778 masked %and3A_789 {strides = array<i32>} : memref<64xi32, #tpu.memory_space<vmem>>, vector<16xi32>, vector<16xi1>
        %get3A_799 = arith.constant 0 : index
        %get3A_800 = tpu.vector_load %arg23[%get3A_799] {strides = array<i32>} : memref<16xi32, #tpu.memory_space<vmem>>, vector<16xi32>,
        %while3A_801 = arith.constant 0 : i32
        %while3A_802 = arith.subi %squeeze3A, %while3A_801 : i32
        %while3A_803 = arith.addi %while3A_801, %while3A_802 : i32
        %while3A_804 = arith.constant 1 : i32
        %while3A_805 = arith.divsi %while3A_802, %while3A_804 : i32
        %while3A_806 = arith.muli %while3A_805, %while3A_804 : i32
        %while3A_807 = arith.addi %while3A_801, %while3A_806 : i32
        %while3A_808 = arith.constant 1 : i32
        %while3A_809 = scf.for %while3A_814 = %while3A_801 to %while3A_807 step %while3A_808 iter_args(%while3A_815 = %while3A_771) -> (i32)  : i32 {
          %iota3A_816 = tpu.iota {dimensions = array<i32: 0>} : vector<16xi32>
          %eq3A = vector.broadcast %while3A_814 : i32 to vector<16xi32>
          %eq3A_817 = arith.cmpi eq, %iota3A_816, %eq3A : vector<16xi32>
          %jit3A = arith.constant 0 : i32
          %broadcast_in_dim3A = vector.broadcast %jit3A : i32 to vector<16xi32>
          %select_n3A = arith.select %eq3A_817, %get3A_800, %broadcast_in_dim3A : vector<16xi1>, vector<16xi32>
          %reduce_sum3A = arith.constant true
          %reduce_sum3A_818 = vector.broadcast %reduce_sum3A : i1 to vector<16xi1>
          %reduce_sum3A_819 = tpu.scan <sum>, %select_n3A masked %reduce_sum3A_818 : vector<16xi32>, vector<16xi1> -> vector<16xi32>
          %reduce_sum3A_820 = vector.extract %reduce_sum3A_819[15] : i32 from vector<16xi32>
          %shift_right_logical3A = arith.constant 14 : i32
          %shift_right_logical3A_821 = arith.shrui %reduce_sum3A_820, %shift_right_logical3A : i32
          %add3A_822 = arith.addi %add3A_412, %shift_right_logical3A_821 : i32
          %shift_right_logical3A_823 = arith.constant 7 : i32
          %shift_right_logical3A_824 = arith.shrui %shift_right_logical3A_821, %shift_right_logical3A_823 : i32
          %mul3A_825 = arith.constant 128 : i32
          %mul3A_826 = arith.muli %shift_right_logical3A_824, %mul3A_825 : i32
          %add3A_827 = arith.addi %add3A_412, %mul3A_826 : i32
          %min3A_828 = arith.constant 999808 : i32
          %min3A_829 = arith.minsi %add3A_827, %min3A_828 : i32
          %ge3A_830 = arith.constant 999936 : i32
          %ge3A_831 = arith.cmpi sge, %add3A_822, %ge3A_830 : i32
          %jit3A_832 = arith.constant 8 : i32
          %select_n3A_833 = arith.select %ge3A_831, %jit3A_832, %shift_right_logical3A_824 : i32
          %sub3A_834 = arith.constant 999936 : i32
          %sub3A_835 = arith.subi %add3A_822, %sub3A_834 : i32
          %sub3A_836 = arith.subi %add3A_822, %min3A_829 : i32
          %select_n3A_837 = arith.select %ge3A_831, %sub3A_835, %sub3A_836 : i32
          %broadcast_in_dim3A_838 = vector.broadcast %select_n3A_833 : i32 to vector<16xi32>
          %broadcast_in_dim3A_839 = vector.broadcast %select_n3A_837 : i32 to vector<16xi32>
          %add3A_840 = arith.constant 0 : i32
          %add3A_841 = vector.broadcast %add3A_840 : i32 to vector<16xi32>
          %add3A_842 = arith.addi %iota3A, %add3A_841 : vector<16xi32>
          %gather3A = tpu.vector_load_idx %arg14[%broadcast_in_dim3A_838, %add3A_842, %broadcast_in_dim3A_839] : memref<9x64x128xf32, #tpu.memory_space<vmem>>[vector<16xi32>, vector<16xi32>, vector<16xi32>], vector<16xf32>,
          %swap3A_843 = arith.index_cast %while3A_815 : i32 to index
          %swap3A_844 = arith.constant 0 : index
          %swap3A_845 = tpu.vector_load %arg17[%swap3A_843, %swap3A_844] {strides = array<i32>} : memref<64x128xf32, #tpu.memory_space<vmem>>, vector<16xf32>,
          tpu.vector_store %arg17[%swap3A_843, %swap3A_844], %gather3A {strides = array<i32>} : memref<64x128xf32, #tpu.memory_space<vmem>>, vector<16xf32>,
          %add3A_846 = arith.constant 16 : i32
          %add3A_847 = vector.broadcast %add3A_846 : i32 to vector<16xi32>
          %add3A_848 = arith.addi %iota3A, %add3A_847 : vector<16xi32>
          %gather3A_849 = tpu.vector_load_idx %arg14[%broadcast_in_dim3A_838, %add3A_848, %broadcast_in_dim3A_839] : memref<9x64x128xf32, #tpu.memory_space<vmem>>[vector<16xi32>, vector<16xi32>, vector<16xi32>], vector<16xf32>,
          %swap3A_850 = arith.index_cast %while3A_815 : i32 to index
          %swap3A_851 = arith.constant 16 : index
          %swap3A_852 = tpu.vector_load %arg17[%swap3A_850, %swap3A_851] {strides = array<i32>} : memref<64x128xf32, #tpu.memory_space<vmem>>, vector<16xf32>,
          tpu.vector_store %arg17[%swap3A_850, %swap3A_851], %gather3A_849 {strides = array<i32>} : memref<64x128xf32, #tpu.memory_space<vmem>>, vector<16xf32>,
          %add3A_853 = arith.constant 32 : i32
          %add3A_854 = vector.broadcast %add3A_853 : i32 to vector<16xi32>
          %add3A_855 = arith.addi %iota3A, %add3A_854 : vector<16xi32>
          %gather3A_856 = tpu.vector_load_idx %arg14[%broadcast_in_dim3A_838, %add3A_855, %broadcast_in_dim3A_839] : memref<9x64x128xf32, #tpu.memory_space<vmem>>[vector<16xi32>, vector<16xi32>, vector<16xi32>], vector<16xf32>,
          %swap3A_857 = arith.index_cast %while3A_815 : i32 to index
          %swap3A_858 = arith.constant 32 : index
          %swap3A_859 = tpu.vector_load %arg17[%swap3A_857, %swap3A_858] {strides = array<i32>} : memref<64x128xf32, #tpu.memory_space<vmem>>, vector<16xf32>,
          tpu.vector_store %arg17[%swap3A_857, %swap3A_858], %gather3A_856 {strides = array<i32>} : memref<64x128xf32, #tpu.memory_space<vmem>>, vector<16xf32>,
          %add3A_860 = arith.constant 48 : i32
          %add3A_861 = vector.broadcast %add3A_860 : i32 to vector<16xi32>
          %add3A_862 = arith.addi %iota3A, %add3A_861 : vector<16xi32>
          %gather3A_863 = tpu.vector_load_idx %arg14[%broadcast_in_dim3A_838, %add3A_862, %broadcast_in_dim3A_839] : memref<9x64x128xf32, #tpu.memory_space<vmem>>[vector<16xi32>, vector<16xi32>, vector<16xi32>], vector<16xf32>,
          %swap3A_864 = arith.index_cast %while3A_815 : i32 to index
          %swap3A_865 = arith.constant 48 : index
          %swap3A_866 = tpu.vector_load %arg17[%swap3A_864, %swap3A_865] {strides = array<i32>} : memref<64x128xf32, #tpu.memory_space<vmem>>, vector<16xf32>,
          tpu.vector_store %arg17[%swap3A_864, %swap3A_865], %gather3A_863 {strides = array<i32>} : memref<64x128xf32, #tpu.memory_space<vmem>>, vector<16xf32>,
          %add3A_867 = arith.constant 1 : i32
          %add3A_868 = arith.addi %while3A_815, %add3A_867 : i32
          scf.yield %add3A_868 : i32
        }
        %while3A_810 = arith.constant 1 : i32
        %while3A_811 = scf.for %while3A_814 = %while3A_807 to %while3A_803 step %while3A_810 iter_args(%while3A_815 = %while3A_809) -> (i32)  : i32 {
          %iota3A_816 = tpu.iota {dimensions = array<i32: 0>} : vector<16xi32>
          %eq3A = vector.broadcast %while3A_814 : i32 to vector<16xi32>
          %eq3A_817 = arith.cmpi eq, %iota3A_816, %eq3A : vector<16xi32>
          %jit3A = arith.constant 0 : i32
          %broadcast_in_dim3A = vector.broadcast %jit3A : i32 to vector<16xi32>
          %select_n3A = arith.select %eq3A_817, %get3A_800, %broadcast_in_dim3A : vector<16xi1>, vector<16xi32>
          %reduce_sum3A = arith.constant true
          %reduce_sum3A_818 = vector.broadcast %reduce_sum3A : i1 to vector<16xi1>
          %reduce_sum3A_819 = tpu.scan <sum>, %select_n3A masked %reduce_sum3A_818 : vector<16xi32>, vector<16xi1> -> vector<16xi32>
          %reduce_sum3A_820 = vector.extract %reduce_sum3A_819[15] : i32 from vector<16xi32>
          %shift_right_logical3A = arith.constant 14 : i32
          %shift_right_logical3A_821 = arith.shrui %reduce_sum3A_820, %shift_right_logical3A : i32
          %add3A_822 = arith.addi %add3A_412, %shift_right_logical3A_821 : i32
          %shift_right_logical3A_823 = arith.constant 7 : i32
          %shift_right_logical3A_824 = arith.shrui %shift_right_logical3A_821, %shift_right_logical3A_823 : i32
          %mul3A_825 = arith.constant 128 : i32
          %mul3A_826 = arith.muli %shift_right_logical3A_824, %mul3A_825 : i32
          %add3A_827 = arith.addi %add3A_412, %mul3A_826 : i32
          %min3A_828 = arith.constant 999808 : i32
          %min3A_829 = arith.minsi %add3A_827, %min3A_828 : i32
          %ge3A_830 = arith.constant 999936 : i32
          %ge3A_831 = arith.cmpi sge, %add3A_822, %ge3A_830 : i32
          %jit3A_832 = arith.constant 8 : i32
          %select_n3A_833 = arith.select %ge3A_831, %jit3A_832, %shift_right_logical3A_824 : i32
          %sub3A_834 = arith.constant 999936 : i32
          %sub3A_835 = arith.subi %add3A_822, %sub3A_834 : i32
          %sub3A_836 = arith.subi %add3A_822, %min3A_829 : i32
          %select_n3A_837 = arith.select %ge3A_831, %sub3A_835, %sub3A_836 : i32
          %broadcast_in_dim3A_838 = vector.broadcast %select_n3A_833 : i32 to vector<16xi32>
          %broadcast_in_dim3A_839 = vector.broadcast %select_n3A_837 : i32 to vector<16xi32>
          %add3A_840 = arith.constant 0 : i32
          %add3A_841 = vector.broadcast %add3A_840 : i32 to vector<16xi32>
          %add3A_842 = arith.addi %iota3A, %add3A_841 : vector<16xi32>
          %gather3A = tpu.vector_load_idx %arg14[%broadcast_in_dim3A_838, %add3A_842, %broadcast_in_dim3A_839] : memref<9x64x128xf32, #tpu.memory_space<vmem>>[vector<16xi32>, vector<16xi32>, vector<16xi32>], vector<16xf32>,
          %swap3A_843 = arith.index_cast %while3A_815 : i32 to index
          %swap3A_844 = arith.constant 0 : index
          %swap3A_845 = tpu.vector_load %arg17[%swap3A_843, %swap3A_844] {strides = array<i32>} : memref<64x128xf32, #tpu.memory_space<vmem>>, vector<16xf32>,
          tpu.vector_store %arg17[%swap3A_843, %swap3A_844], %gather3A {strides = array<i32>} : memref<64x128xf32, #tpu.memory_space<vmem>>, vector<16xf32>,
          %add3A_846 = arith.constant 16 : i32
          %add3A_847 = vector.broadcast %add3A_846 : i32 to vector<16xi32>
          %add3A_848 = arith.addi %iota3A, %add3A_847 : vector<16xi32>
          %gather3A_849 = tpu.vector_load_idx %arg14[%broadcast_in_dim3A_838, %add3A_848, %broadcast_in_dim3A_839] : memref<9x64x128xf32, #tpu.memory_space<vmem>>[vector<16xi32>, vector<16xi32>, vector<16xi32>], vector<16xf32>,
          %swap3A_850 = arith.index_cast %while3A_815 : i32 to index
          %swap3A_851 = arith.constant 16 : index
          %swap3A_852 = tpu.vector_load %arg17[%swap3A_850, %swap3A_851] {strides = array<i32>} : memref<64x128xf32, #tpu.memory_space<vmem>>, vector<16xf32>,
          tpu.vector_store %arg17[%swap3A_850, %swap3A_851], %gather3A_849 {strides = array<i32>} : memref<64x128xf32, #tpu.memory_space<vmem>>, vector<16xf32>,
          %add3A_853 = arith.constant 32 : i32
          %add3A_854 = vector.broadcast %add3A_853 : i32 to vector<16xi32>
          %add3A_855 = arith.addi %iota3A, %add3A_854 : vector<16xi32>
          %gather3A_856 = tpu.vector_load_idx %arg14[%broadcast_in_dim3A_838, %add3A_855, %broadcast_in_dim3A_839] : memref<9x64x128xf32, #tpu.memory_space<vmem>>[vector<16xi32>, vector<16xi32>, vector<16xi32>], vector<16xf32>,
          %swap3A_857 = arith.index_cast %while3A_815 : i32 to index
          %swap3A_858 = arith.constant 32 : index
          %swap3A_859 = tpu.vector_load %arg17[%swap3A_857, %swap3A_858] {strides = array<i32>} : memref<64x128xf32, #tpu.memory_space<vmem>>, vector<16xf32>,
          tpu.vector_store %arg17[%swap3A_857, %swap3A_858], %gather3A_856 {strides = array<i32>} : memref<64x128xf32, #tpu.memory_space<vmem>>, vector<16xf32>,
          %add3A_860 = arith.constant 48 : i32
          %add3A_861 = vector.broadcast %add3A_860 : i32 to vector<16xi32>
          %add3A_862 = arith.addi %iota3A, %add3A_861 : vector<16xi32>
          %gather3A_863 = tpu.vector_load_idx %arg14[%broadcast_in_dim3A_838, %add3A_862, %broadcast_in_dim3A_839] : memref<9x64x128xf32, #tpu.memory_space<vmem>>[vector<16xi32>, vector<16xi32>, vector<16xi32>], vector<16xf32>,
          %swap3A_864 = arith.index_cast %while3A_815 : i32 to index
          %swap3A_865 = arith.constant 48 : index
          %swap3A_866 = tpu.vector_load %arg17[%swap3A_864, %swap3A_865] {strides = array<i32>} : memref<64x128xf32, #tpu.memory_space<vmem>>, vector<16xf32>,
          tpu.vector_store %arg17[%swap3A_864, %swap3A_865], %gather3A_863 {strides = array<i32>} : memref<64x128xf32, #tpu.memory_space<vmem>>, vector<16xf32>,
          %add3A_867 = arith.constant 1 : i32
          %add3A_868 = arith.addi %while3A_815, %add3A_867 : i32
          scf.yield %add3A_868 : i32
        }
        %min3A_812 = arith.constant 48 : i32
        %min3A_813 = arith.minsi %while3A_811, %min3A_812 : i32
        scf.yield %min3A_813 : i32
      }
      %add3A_705 = arith.constant 15 : i32
      %add3A_706 = arith.addi %scan3A_10#1, %add3A_705 : i32
      %div3A_707 = arith.constant 16 : i32
      %div3A_708 = arith.divsi %add3A_706, %div3A_707 : i32
      %while3A_709 = arith.constant 0 : i32
      %while3A_710 = arith.constant 0 : i32
      %while3A_711 = arith.subi %div3A_708, %while3A_709 : i32
      %while3A_712 = arith.addi %while3A_709, %while3A_711 : i32
      %while3A_713 = arith.constant 1 : i32
      %while3A_714 = arith.divsi %while3A_711, %while3A_713 : i32
      %while3A_715 = arith.muli %while3A_714, %while3A_713 : i32
      %while3A_716 = arith.addi %while3A_709, %while3A_715 : i32
      %while3A_717 = arith.constant 1 : i32
      %while3A_718 = scf.for %while3A_770 = %while3A_709 to %while3A_716 step %while3A_717 iter_args(%while3A_771 = %while3A_710) -> (i32)  : i32 {
        %mul3A_772 = arith.constant 16 : i32
        %mul3A_773 = arith.muli %while3A_770, %mul3A_772 : i32
        %get3A = arith.index_cast %mul3A_773 : i32 to index
        %get3A_774 = tpu.vector_load %arg12[%get3A] {strides = array<i32>} : memref<1536xi32, #tpu.memory_space<vmem>>, vector<16xi32>,
        %mul3A_775 = arith.constant 16 : i32
        %mul3A_776 = arith.muli %while3A_770, %mul3A_775 : i32
        %get3A_777 = arith.index_cast %mul3A_776 : i32 to index
        %get3A_778 = tpu.vector_load %arg13[%get3A_777] {strides = array<i32>} : memref<1536xi32, #tpu.memory_space<vmem>>, vector<16xi32>,
        %mul3A_779 = arith.constant 16 : i32
        %mul3A_780 = arith.muli %while3A_770, %mul3A_779 : i32
        %add3A_781 = vector.broadcast %mul3A_780 : i32 to vector<16xi32>
        %add3A_782 = arith.addi %add3A_781, %iota3A : vector<16xi32>
        %lt3A = vector.broadcast %scan3A_10#1 : i32 to vector<16xi32>
        %lt3A_783 = arith.cmpi slt, %add3A_782, %lt3A : vector<16xi32>
        %ge3A = vector.broadcast %add3A_412 : i32 to vector<16xi32>
        %ge3A_784 = arith.cmpi sge, %get3A_774, %ge3A : vector<16xi32>
        %add3A_785 = arith.constant 1024 : i32
        %add3A_786 = arith.addi %add3A_412, %add3A_785 : i32
        %lt3A_787 = vector.broadcast %add3A_786 : i32 to vector<16xi32>
        %lt3A_788 = arith.cmpi slt, %get3A_774, %lt3A_787 : vector<16xi32>
        %and3A = arith.andi %ge3A_784, %lt3A_788 : vector<16xi1>
        %and3A_789 = arith.andi %lt3A_783, %and3A : vector<16xi1>
        %all_reduce_population_count3A = tpu.all_reduce %and3A_789 {dim = 0 : i64, kind = #tpu.reduction_kind<sum>} : vector<16xi1> -> vector<16xi32>
        %slice3A = vector.extract_strided_slice %all_reduce_population_count3A {offsets = [0], sizes = [1], strides = [1]} : vector<16xi32> to vector<1xi32>
        %squeeze3A = vector.extract %slice3A[0] : i32 from vector<1xi32>
        %sub3A = vector.broadcast %add3A_412 : i32 to vector<16xi32>
        %sub3A_790 = arith.subi %get3A_774, %sub3A : vector<16xi32>
        %mul3A_791 = arith.constant 16384 : i32
        %mul3A_792 = vector.broadcast %mul3A_791 : i32 to vector<16xi32>
        %mul3A_793 = arith.muli %sub3A_790, %mul3A_792 : vector<16xi32>
        %add3A_794 = arith.addi %mul3A_793, %get3A_778 : vector<16xi32>
        %swap3A_795 = arith.constant 0 : index
        %swap3A_796 = tpu.vector_load %arg23[%swap3A_795] masked %and3A_789 {strides = array<i32>} : memref<16xi32, #tpu.memory_space<vmem>>, vector<16xi32>, vector<16xi1>
        tpu.vector_store %arg23[%swap3A_795], %add3A_794 masked %and3A_789 {strides = array<i32>} : memref<16xi32, #tpu.memory_space<vmem>>, vector<16xi32>, vector<16xi1>
        %swap3A_797 = arith.index_cast %while3A_771 : i32 to index
        %swap3A_798 = tpu.vector_load %arg22[%swap3A_797] masked %and3A_789 {strides = array<i32>} : memref<64xi32, #tpu.memory_space<vmem>>, vector<16xi32>, vector<16xi1>
        tpu.vector_store %arg22[%swap3A_797], %get3A_778 masked %and3A_789 {strides = array<i32>} : memref<64xi32, #tpu.memory_space<vmem>>, vector<16xi32>, vector<16xi1>
        %get3A_799 = arith.constant 0 : index
        %get3A_800 = tpu.vector_load %arg23[%get3A_799] {strides = array<i32>} : memref<16xi32, #tpu.memory_space<vmem>>, vector<16xi32>,
        %while3A_801 = arith.constant 0 : i32
        %while3A_802 = arith.subi %squeeze3A, %while3A_801 : i32
        %while3A_803 = arith.addi %while3A_801, %while3A_802 : i32
        %while3A_804 = arith.constant 1 : i32
        %while3A_805 = arith.divsi %while3A_802, %while3A_804 : i32
        %while3A_806 = arith.muli %while3A_805, %while3A_804 : i32
        %while3A_807 = arith.addi %while3A_801, %while3A_806 : i32
        %while3A_808 = arith.constant 1 : i32
        %while3A_809 = scf.for %while3A_814 = %while3A_801 to %while3A_807 step %while3A_808 iter_args(%while3A_815 = %while3A_771) -> (i32)  : i32 {
          %iota3A_816 = tpu.iota {dimensions = array<i32: 0>} : vector<16xi32>
          %eq3A = vector.broadcast %while3A_814 : i32 to vector<16xi32>
          %eq3A_817 = arith.cmpi eq, %iota3A_816, %eq3A : vector<16xi32>
          %jit3A = arith.constant 0 : i32
          %broadcast_in_dim3A = vector.broadcast %jit3A : i32 to vector<16xi32>
          %select_n3A = arith.select %eq3A_817, %get3A_800, %broadcast_in_dim3A : vector<16xi1>, vector<16xi32>
          %reduce_sum3A = arith.constant true
          %reduce_sum3A_818 = vector.broadcast %reduce_sum3A : i1 to vector<16xi1>
          %reduce_sum3A_819 = tpu.scan <sum>, %select_n3A masked %reduce_sum3A_818 : vector<16xi32>, vector<16xi1> -> vector<16xi32>
          %reduce_sum3A_820 = vector.extract %reduce_sum3A_819[15] : i32 from vector<16xi32>
          %shift_right_logical3A = arith.constant 14 : i32
          %shift_right_logical3A_821 = arith.shrui %reduce_sum3A_820, %shift_right_logical3A : i32
          %add3A_822 = arith.addi %add3A_412, %shift_right_logical3A_821 : i32
          %shift_right_logical3A_823 = arith.constant 7 : i32
          %shift_right_logical3A_824 = arith.shrui %shift_right_logical3A_821, %shift_right_logical3A_823 : i32
          %mul3A_825 = arith.constant 128 : i32
          %mul3A_826 = arith.muli %shift_right_logical3A_824, %mul3A_825 : i32
          %add3A_827 = arith.addi %add3A_412, %mul3A_826 : i32
          %min3A_828 = arith.constant 999808 : i32
          %min3A_829 = arith.minsi %add3A_827, %min3A_828 : i32
          %ge3A_830 = arith.constant 999936 : i32
          %ge3A_831 = arith.cmpi sge, %add3A_822, %ge3A_830 : i32
          %jit3A_832 = arith.constant 8 : i32
          %select_n3A_833 = arith.select %ge3A_831, %jit3A_832, %shift_right_logical3A_824 : i32
          %sub3A_834 = arith.constant 999936 : i32
          %sub3A_835 = arith.subi %add3A_822, %sub3A_834 : i32
          %sub3A_836 = arith.subi %add3A_822, %min3A_829 : i32
          %select_n3A_837 = arith.select %ge3A_831, %sub3A_835, %sub3A_836 : i32
          %broadcast_in_dim3A_838 = vector.broadcast %select_n3A_833 : i32 to vector<16xi32>
          %broadcast_in_dim3A_839 = vector.broadcast %select_n3A_837 : i32 to vector<16xi32>
          %add3A_840 = arith.constant 0 : i32
          %add3A_841 = vector.broadcast %add3A_840 : i32 to vector<16xi32>
          %add3A_842 = arith.addi %iota3A, %add3A_841 : vector<16xi32>
          %gather3A = tpu.vector_load_idx %arg14[%broadcast_in_dim3A_838, %add3A_842, %broadcast_in_dim3A_839] : memref<9x64x128xf32, #tpu.memory_space<vmem>>[vector<16xi32>, vector<16xi32>, vector<16xi32>], vector<16xf32>,
          %swap3A_843 = arith.index_cast %while3A_815 : i32 to index
          %swap3A_844 = arith.constant 0 : index
          %swap3A_845 = tpu.vector_load %arg18[%swap3A_843, %swap3A_844] {strides = array<i32>} : memref<64x128xf32, #tpu.memory_space<vmem>>, vector<16xf32>,
          tpu.vector_store %arg18[%swap3A_843, %swap3A_844], %gather3A {strides = array<i32>} : memref<64x128xf32, #tpu.memory_space<vmem>>, vector<16xf32>,
          %add3A_846 = arith.constant 16 : i32
          %add3A_847 = vector.broadcast %add3A_846 : i32 to vector<16xi32>
          %add3A_848 = arith.addi %iota3A, %add3A_847 : vector<16xi32>
          %gather3A_849 = tpu.vector_load_idx %arg14[%broadcast_in_dim3A_838, %add3A_848, %broadcast_in_dim3A_839] : memref<9x64x128xf32, #tpu.memory_space<vmem>>[vector<16xi32>, vector<16xi32>, vector<16xi32>], vector<16xf32>,
          %swap3A_850 = arith.index_cast %while3A_815 : i32 to index
          %swap3A_851 = arith.constant 16 : index
          %swap3A_852 = tpu.vector_load %arg18[%swap3A_850, %swap3A_851] {strides = array<i32>} : memref<64x128xf32, #tpu.memory_space<vmem>>, vector<16xf32>,
          tpu.vector_store %arg18[%swap3A_850, %swap3A_851], %gather3A_849 {strides = array<i32>} : memref<64x128xf32, #tpu.memory_space<vmem>>, vector<16xf32>,
          %add3A_853 = arith.constant 32 : i32
          %add3A_854 = vector.broadcast %add3A_853 : i32 to vector<16xi32>
          %add3A_855 = arith.addi %iota3A, %add3A_854 : vector<16xi32>
          %gather3A_856 = tpu.vector_load_idx %arg14[%broadcast_in_dim3A_838, %add3A_855, %broadcast_in_dim3A_839] : memref<9x64x128xf32, #tpu.memory_space<vmem>>[vector<16xi32>, vector<16xi32>, vector<16xi32>], vector<16xf32>,
          %swap3A_857 = arith.index_cast %while3A_815 : i32 to index
          %swap3A_858 = arith.constant 32 : index
          %swap3A_859 = tpu.vector_load %arg18[%swap3A_857, %swap3A_858] {strides = array<i32>} : memref<64x128xf32, #tpu.memory_space<vmem>>, vector<16xf32>,
          tpu.vector_store %arg18[%swap3A_857, %swap3A_858], %gather3A_856 {strides = array<i32>} : memref<64x128xf32, #tpu.memory_space<vmem>>, vector<16xf32>,
          %add3A_860 = arith.constant 48 : i32
          %add3A_861 = vector.broadcast %add3A_860 : i32 to vector<16xi32>
          %add3A_862 = arith.addi %iota3A, %add3A_861 : vector<16xi32>
          %gather3A_863 = tpu.vector_load_idx %arg14[%broadcast_in_dim3A_838, %add3A_862, %broadcast_in_dim3A_839] : memref<9x64x128xf32, #tpu.memory_space<vmem>>[vector<16xi32>, vector<16xi32>, vector<16xi32>], vector<16xf32>,
          %swap3A_864 = arith.index_cast %while3A_815 : i32 to index
          %swap3A_865 = arith.constant 48 : index
          %swap3A_866 = tpu.vector_load %arg18[%swap3A_864, %swap3A_865] {strides = array<i32>} : memref<64x128xf32, #tpu.memory_space<vmem>>, vector<16xf32>,
          tpu.vector_store %arg18[%swap3A_864, %swap3A_865], %gather3A_863 {strides = array<i32>} : memref<64x128xf32, #tpu.memory_space<vmem>>, vector<16xf32>,
          %add3A_867 = arith.constant 1 : i32
          %add3A_868 = arith.addi %while3A_815, %add3A_867 : i32
          scf.yield %add3A_868 : i32
        }
        %while3A_810 = arith.constant 1 : i32
        %while3A_811 = scf.for %while3A_814 = %while3A_807 to %while3A_803 step %while3A_810 iter_args(%while3A_815 = %while3A_809) -> (i32)  : i32 {
          %iota3A_816 = tpu.iota {dimensions = array<i32: 0>} : vector<16xi32>
          %eq3A = vector.broadcast %while3A_814 : i32 to vector<16xi32>
          %eq3A_817 = arith.cmpi eq, %iota3A_816, %eq3A : vector<16xi32>
          %jit3A = arith.constant 0 : i32
          %broadcast_in_dim3A = vector.broadcast %jit3A : i32 to vector<16xi32>
          %select_n3A = arith.select %eq3A_817, %get3A_800, %broadcast_in_dim3A : vector<16xi1>, vector<16xi32>
          %reduce_sum3A = arith.constant true
          %reduce_sum3A_818 = vector.broadcast %reduce_sum3A : i1 to vector<16xi1>
          %reduce_sum3A_819 = tpu.scan <sum>, %select_n3A masked %reduce_sum3A_818 : vector<16xi32>, vector<16xi1> -> vector<16xi32>
          %reduce_sum3A_820 = vector.extract %reduce_sum3A_819[15] : i32 from vector<16xi32>
          %shift_right_logical3A = arith.constant 14 : i32
          %shift_right_logical3A_821 = arith.shrui %reduce_sum3A_820, %shift_right_logical3A : i32
          %add3A_822 = arith.addi %add3A_412, %shift_right_logical3A_821 : i32
          %shift_right_logical3A_823 = arith.constant 7 : i32
          %shift_right_logical3A_824 = arith.shrui %shift_right_logical3A_821, %shift_right_logical3A_823 : i32
          %mul3A_825 = arith.constant 128 : i32
          %mul3A_826 = arith.muli %shift_right_logical3A_824, %mul3A_825 : i32
          %add3A_827 = arith.addi %add3A_412, %mul3A_826 : i32
          %min3A_828 = arith.constant 999808 : i32
          %min3A_829 = arith.minsi %add3A_827, %min3A_828 : i32
          %ge3A_830 = arith.constant 999936 : i32
          %ge3A_831 = arith.cmpi sge, %add3A_822, %ge3A_830 : i32
          %jit3A_832 = arith.constant 8 : i32
          %select_n3A_833 = arith.select %ge3A_831, %jit3A_832, %shift_right_logical3A_824 : i32
          %sub3A_834 = arith.constant 999936 : i32
          %sub3A_835 = arith.subi %add3A_822, %sub3A_834 : i32
          %sub3A_836 = arith.subi %add3A_822, %min3A_829 : i32
          %select_n3A_837 = arith.select %ge3A_831, %sub3A_835, %sub3A_836 : i32
          %broadcast_in_dim3A_838 = vector.broadcast %select_n3A_833 : i32 to vector<16xi32>
          %broadcast_in_dim3A_839 = vector.broadcast %select_n3A_837 : i32 to vector<16xi32>
          %add3A_840 = arith.constant 0 : i32
          %add3A_841 = vector.broadcast %add3A_840 : i32 to vector<16xi32>
          %add3A_842 = arith.addi %iota3A, %add3A_841 : vector<16xi32>
          %gather3A = tpu.vector_load_idx %arg14[%broadcast_in_dim3A_838, %add3A_842, %broadcast_in_dim3A_839] : memref<9x64x128xf32, #tpu.memory_space<vmem>>[vector<16xi32>, vector<16xi32>, vector<16xi32>], vector<16xf32>,
          %swap3A_843 = arith.index_cast %while3A_815 : i32 to index
          %swap3A_844 = arith.constant 0 : index
          %swap3A_845 = tpu.vector_load %arg18[%swap3A_843, %swap3A_844] {strides = array<i32>} : memref<64x128xf32, #tpu.memory_space<vmem>>, vector<16xf32>,
          tpu.vector_store %arg18[%swap3A_843, %swap3A_844], %gather3A {strides = array<i32>} : memref<64x128xf32, #tpu.memory_space<vmem>>, vector<16xf32>,
          %add3A_846 = arith.constant 16 : i32
          %add3A_847 = vector.broadcast %add3A_846 : i32 to vector<16xi32>
          %add3A_848 = arith.addi %iota3A, %add3A_847 : vector<16xi32>
          %gather3A_849 = tpu.vector_load_idx %arg14[%broadcast_in_dim3A_838, %add3A_848, %broadcast_in_dim3A_839] : memref<9x64x128xf32, #tpu.memory_space<vmem>>[vector<16xi32>, vector<16xi32>, vector<16xi32>], vector<16xf32>,
          %swap3A_850 = arith.index_cast %while3A_815 : i32 to index
          %swap3A_851 = arith.constant 16 : index
          %swap3A_852 = tpu.vector_load %arg18[%swap3A_850, %swap3A_851] {strides = array<i32>} : memref<64x128xf32, #tpu.memory_space<vmem>>, vector<16xf32>,
          tpu.vector_store %arg18[%swap3A_850, %swap3A_851], %gather3A_849 {strides = array<i32>} : memref<64x128xf32, #tpu.memory_space<vmem>>, vector<16xf32>,
          %add3A_853 = arith.constant 32 : i32
          %add3A_854 = vector.broadcast %add3A_853 : i32 to vector<16xi32>
          %add3A_855 = arith.addi %iota3A, %add3A_854 : vector<16xi32>
          %gather3A_856 = tpu.vector_load_idx %arg14[%broadcast_in_dim3A_838, %add3A_855, %broadcast_in_dim3A_839] : memref<9x64x128xf32, #tpu.memory_space<vmem>>[vector<16xi32>, vector<16xi32>, vector<16xi32>], vector<16xf32>,
          %swap3A_857 = arith.index_cast %while3A_815 : i32 to index
          %swap3A_858 = arith.constant 32 : index
          %swap3A_859 = tpu.vector_load %arg18[%swap3A_857, %swap3A_858] {strides = array<i32>} : memref<64x128xf32, #tpu.memory_space<vmem>>, vector<16xf32>,
          tpu.vector_store %arg18[%swap3A_857, %swap3A_858], %gather3A_856 {strides = array<i32>} : memref<64x128xf32, #tpu.memory_space<vmem>>, vector<16xf32>,
          %add3A_860 = arith.constant 48 : i32
          %add3A_861 = vector.broadcast %add3A_860 : i32 to vector<16xi32>
          %add3A_862 = arith.addi %iota3A, %add3A_861 : vector<16xi32>
          %gather3A_863 = tpu.vector_load_idx %arg14[%broadcast_in_dim3A_838, %add3A_862, %broadcast_in_dim3A_839] : memref<9x64x128xf32, #tpu.memory_space<vmem>>[vector<16xi32>, vector<16xi32>, vector<16xi32>], vector<16xf32>,
          %swap3A_864 = arith.index_cast %while3A_815 : i32 to index
          %swap3A_865 = arith.constant 48 : index
          %swap3A_866 = tpu.vector_load %arg18[%swap3A_864, %swap3A_865] {strides = array<i32>} : memref<64x128xf32, #tpu.memory_space<vmem>>, vector<16xf32>,
          tpu.vector_store %arg18[%swap3A_864, %swap3A_865], %gather3A_863 {strides = array<i32>} : memref<64x128xf32, #tpu.memory_space<vmem>>, vector<16xf32>,
          %add3A_867 = arith.constant 1 : i32
          %add3A_868 = arith.addi %while3A_815, %add3A_867 : i32
          scf.yield %add3A_868 : i32
        }
        %min3A_812 = arith.constant 48 : i32
        %min3A_813 = arith.minsi %while3A_811, %min3A_812 : i32
        scf.yield %min3A_813 : i32
      }
      %while3A_719 = arith.constant 1 : i32
      %while3A_720 = scf.for %while3A_770 = %while3A_716 to %while3A_712 step %while3A_719 iter_args(%while3A_771 = %while3A_718) -> (i32)  : i32 {
        %mul3A_772 = arith.constant 16 : i32
        %mul3A_773 = arith.muli %while3A_770, %mul3A_772 : i32
        %get3A = arith.index_cast %mul3A_773 : i32 to index
        %get3A_774 = tpu.vector_load %arg12[%get3A] {strides = array<i32>} : memref<1536xi32, #tpu.memory_space<vmem>>, vector<16xi32>,
        %mul3A_775 = arith.constant 16 : i32
        %mul3A_776 = arith.muli %while3A_770, %mul3A_775 : i32
        %get3A_777 = arith.index_cast %mul3A_776 : i32 to index
        %get3A_778 = tpu.vector_load %arg13[%get3A_777] {strides = array<i32>} : memref<1536xi32, #tpu.memory_space<vmem>>, vector<16xi32>,
        %mul3A_779 = arith.constant 16 : i32
        %mul3A_780 = arith.muli %while3A_770, %mul3A_779 : i32
        %add3A_781 = vector.broadcast %mul3A_780 : i32 to vector<16xi32>
        %add3A_782 = arith.addi %add3A_781, %iota3A : vector<16xi32>
        %lt3A = vector.broadcast %scan3A_10#1 : i32 to vector<16xi32>
        %lt3A_783 = arith.cmpi slt, %add3A_782, %lt3A : vector<16xi32>
        %ge3A = vector.broadcast %add3A_412 : i32 to vector<16xi32>
        %ge3A_784 = arith.cmpi sge, %get3A_774, %ge3A : vector<16xi32>
        %add3A_785 = arith.constant 1024 : i32
        %add3A_786 = arith.addi %add3A_412, %add3A_785 : i32
        %lt3A_787 = vector.broadcast %add3A_786 : i32 to vector<16xi32>
        %lt3A_788 = arith.cmpi slt, %get3A_774, %lt3A_787 : vector<16xi32>
        %and3A = arith.andi %ge3A_784, %lt3A_788 : vector<16xi1>
        %and3A_789 = arith.andi %lt3A_783, %and3A : vector<16xi1>
        %all_reduce_population_count3A = tpu.all_reduce %and3A_789 {dim = 0 : i64, kind = #tpu.reduction_kind<sum>} : vector<16xi1> -> vector<16xi32>
        %slice3A = vector.extract_strided_slice %all_reduce_population_count3A {offsets = [0], sizes = [1], strides = [1]} : vector<16xi32> to vector<1xi32>
        %squeeze3A = vector.extract %slice3A[0] : i32 from vector<1xi32>
        %sub3A = vector.broadcast %add3A_412 : i32 to vector<16xi32>
        %sub3A_790 = arith.subi %get3A_774, %sub3A : vector<16xi32>
        %mul3A_791 = arith.constant 16384 : i32
        %mul3A_792 = vector.broadcast %mul3A_791 : i32 to vector<16xi32>
        %mul3A_793 = arith.muli %sub3A_790, %mul3A_792 : vector<16xi32>
        %add3A_794 = arith.addi %mul3A_793, %get3A_778 : vector<16xi32>
        %swap3A_795 = arith.constant 0 : index
        %swap3A_796 = tpu.vector_load %arg23[%swap3A_795] masked %and3A_789 {strides = array<i32>} : memref<16xi32, #tpu.memory_space<vmem>>, vector<16xi32>, vector<16xi1>
        tpu.vector_store %arg23[%swap3A_795], %add3A_794 masked %and3A_789 {strides = array<i32>} : memref<16xi32, #tpu.memory_space<vmem>>, vector<16xi32>, vector<16xi1>
        %swap3A_797 = arith.index_cast %while3A_771 : i32 to index
        %swap3A_798 = tpu.vector_load %arg22[%swap3A_797] masked %and3A_789 {strides = array<i32>} : memref<64xi32, #tpu.memory_space<vmem>>, vector<16xi32>, vector<16xi1>
        tpu.vector_store %arg22[%swap3A_797], %get3A_778 masked %and3A_789 {strides = array<i32>} : memref<64xi32, #tpu.memory_space<vmem>>, vector<16xi32>, vector<16xi1>
        %get3A_799 = arith.constant 0 : index
        %get3A_800 = tpu.vector_load %arg23[%get3A_799] {strides = array<i32>} : memref<16xi32, #tpu.memory_space<vmem>>, vector<16xi32>,
        %while3A_801 = arith.constant 0 : i32
        %while3A_802 = arith.subi %squeeze3A, %while3A_801 : i32
        %while3A_803 = arith.addi %while3A_801, %while3A_802 : i32
        %while3A_804 = arith.constant 1 : i32
        %while3A_805 = arith.divsi %while3A_802, %while3A_804 : i32
        %while3A_806 = arith.muli %while3A_805, %while3A_804 : i32
        %while3A_807 = arith.addi %while3A_801, %while3A_806 : i32
        %while3A_808 = arith.constant 1 : i32
        %while3A_809 = scf.for %while3A_814 = %while3A_801 to %while3A_807 step %while3A_808 iter_args(%while3A_815 = %while3A_771) -> (i32)  : i32 {
          %iota3A_816 = tpu.iota {dimensions = array<i32: 0>} : vector<16xi32>
          %eq3A = vector.broadcast %while3A_814 : i32 to vector<16xi32>
          %eq3A_817 = arith.cmpi eq, %iota3A_816, %eq3A : vector<16xi32>
          %jit3A = arith.constant 0 : i32
          %broadcast_in_dim3A = vector.broadcast %jit3A : i32 to vector<16xi32>
          %select_n3A = arith.select %eq3A_817, %get3A_800, %broadcast_in_dim3A : vector<16xi1>, vector<16xi32>
          %reduce_sum3A = arith.constant true
          %reduce_sum3A_818 = vector.broadcast %reduce_sum3A : i1 to vector<16xi1>
          %reduce_sum3A_819 = tpu.scan <sum>, %select_n3A masked %reduce_sum3A_818 : vector<16xi32>, vector<16xi1> -> vector<16xi32>
          %reduce_sum3A_820 = vector.extract %reduce_sum3A_819[15] : i32 from vector<16xi32>
          %shift_right_logical3A = arith.constant 14 : i32
          %shift_right_logical3A_821 = arith.shrui %reduce_sum3A_820, %shift_right_logical3A : i32
          %add3A_822 = arith.addi %add3A_412, %shift_right_logical3A_821 : i32
          %shift_right_logical3A_823 = arith.constant 7 : i32
          %shift_right_logical3A_824 = arith.shrui %shift_right_logical3A_821, %shift_right_logical3A_823 : i32
          %mul3A_825 = arith.constant 128 : i32
          %mul3A_826 = arith.muli %shift_right_logical3A_824, %mul3A_825 : i32
          %add3A_827 = arith.addi %add3A_412, %mul3A_826 : i32
          %min3A_828 = arith.constant 999808 : i32
          %min3A_829 = arith.minsi %add3A_827, %min3A_828 : i32
          %ge3A_830 = arith.constant 999936 : i32
          %ge3A_831 = arith.cmpi sge, %add3A_822, %ge3A_830 : i32
          %jit3A_832 = arith.constant 8 : i32
          %select_n3A_833 = arith.select %ge3A_831, %jit3A_832, %shift_right_logical3A_824 : i32
          %sub3A_834 = arith.constant 999936 : i32
          %sub3A_835 = arith.subi %add3A_822, %sub3A_834 : i32
          %sub3A_836 = arith.subi %add3A_822, %min3A_829 : i32
          %select_n3A_837 = arith.select %ge3A_831, %sub3A_835, %sub3A_836 : i32
          %broadcast_in_dim3A_838 = vector.broadcast %select_n3A_833 : i32 to vector<16xi32>
          %broadcast_in_dim3A_839 = vector.broadcast %select_n3A_837 : i32 to vector<16xi32>
          %add3A_840 = arith.constant 0 : i32
          %add3A_841 = vector.broadcast %add3A_840 : i32 to vector<16xi32>
          %add3A_842 = arith.addi %iota3A, %add3A_841 : vector<16xi32>
          %gather3A = tpu.vector_load_idx %arg14[%broadcast_in_dim3A_838, %add3A_842, %broadcast_in_dim3A_839] : memref<9x64x128xf32, #tpu.memory_space<vmem>>[vector<16xi32>, vector<16xi32>, vector<16xi32>], vector<16xf32>,
          %swap3A_843 = arith.index_cast %while3A_815 : i32 to index
          %swap3A_844 = arith.constant 0 : index
          %swap3A_845 = tpu.vector_load %arg18[%swap3A_843, %swap3A_844] {strides = array<i32>} : memref<64x128xf32, #tpu.memory_space<vmem>>, vector<16xf32>,
          tpu.vector_store %arg18[%swap3A_843, %swap3A_844], %gather3A {strides = array<i32>} : memref<64x128xf32, #tpu.memory_space<vmem>>, vector<16xf32>,
          %add3A_846 = arith.constant 16 : i32
          %add3A_847 = vector.broadcast %add3A_846 : i32 to vector<16xi32>
          %add3A_848 = arith.addi %iota3A, %add3A_847 : vector<16xi32>
          %gather3A_849 = tpu.vector_load_idx %arg14[%broadcast_in_dim3A_838, %add3A_848, %broadcast_in_dim3A_839] : memref<9x64x128xf32, #tpu.memory_space<vmem>>[vector<16xi32>, vector<16xi32>, vector<16xi32>], vector<16xf32>,
          %swap3A_850 = arith.index_cast %while3A_815 : i32 to index
          %swap3A_851 = arith.constant 16 : index
          %swap3A_852 = tpu.vector_load %arg18[%swap3A_850, %swap3A_851] {strides = array<i32>} : memref<64x128xf32, #tpu.memory_space<vmem>>, vector<16xf32>,
          tpu.vector_store %arg18[%swap3A_850, %swap3A_851], %gather3A_849 {strides = array<i32>} : memref<64x128xf32, #tpu.memory_space<vmem>>, vector<16xf32>,
          %add3A_853 = arith.constant 32 : i32
          %add3A_854 = vector.broadcast %add3A_853 : i32 to vector<16xi32>
          %add3A_855 = arith.addi %iota3A, %add3A_854 : vector<16xi32>
          %gather3A_856 = tpu.vector_load_idx %arg14[%broadcast_in_dim3A_838, %add3A_855, %broadcast_in_dim3A_839] : memref<9x64x128xf32, #tpu.memory_space<vmem>>[vector<16xi32>, vector<16xi32>, vector<16xi32>], vector<16xf32>,
          %swap3A_857 = arith.index_cast %while3A_815 : i32 to index
          %swap3A_858 = arith.constant 32 : index
          %swap3A_859 = tpu.vector_load %arg18[%swap3A_857, %swap3A_858] {strides = array<i32>} : memref<64x128xf32, #tpu.memory_space<vmem>>, vector<16xf32>,
          tpu.vector_store %arg18[%swap3A_857, %swap3A_858], %gather3A_856 {strides = array<i32>} : memref<64x128xf32, #tpu.memory_space<vmem>>, vector<16xf32>,
          %add3A_860 = arith.constant 48 : i32
          %add3A_861 = vector.broadcast %add3A_860 : i32 to vector<16xi32>
          %add3A_862 = arith.addi %iota3A, %add3A_861 : vector<16xi32>
          %gather3A_863 = tpu.vector_load_idx %arg14[%broadcast_in_dim3A_838, %add3A_862, %broadcast_in_dim3A_839] : memref<9x64x128xf32, #tpu.memory_space<vmem>>[vector<16xi32>, vector<16xi32>, vector<16xi32>], vector<16xf32>,
          %swap3A_864 = arith.index_cast %while3A_815 : i32 to index
          %swap3A_865 = arith.constant 48 : index
          %swap3A_866 = tpu.vector_load %arg18[%swap3A_864, %swap3A_865] {strides = array<i32>} : memref<64x128xf32, #tpu.memory_space<vmem>>, vector<16xf32>,
          tpu.vector_store %arg18[%swap3A_864, %swap3A_865], %gather3A_863 {strides = array<i32>} : memref<64x128xf32, #tpu.memory_space<vmem>>, vector<16xf32>,
          %add3A_867 = arith.constant 1 : i32
          %add3A_868 = arith.addi %while3A_815, %add3A_867 : i32
          scf.yield %add3A_868 : i32
        }
        %while3A_810 = arith.constant 1 : i32
        %while3A_811 = scf.for %while3A_814 = %while3A_807 to %while3A_803 step %while3A_810 iter_args(%while3A_815 = %while3A_809) -> (i32)  : i32 {
          %iota3A_816 = tpu.iota {dimensions = array<i32: 0>} : vector<16xi32>
          %eq3A = vector.broadcast %while3A_814 : i32 to vector<16xi32>
          %eq3A_817 = arith.cmpi eq, %iota3A_816, %eq3A : vector<16xi32>
          %jit3A = arith.constant 0 : i32
          %broadcast_in_dim3A = vector.broadcast %jit3A : i32 to vector<16xi32>
          %select_n3A = arith.select %eq3A_817, %get3A_800, %broadcast_in_dim3A : vector<16xi1>, vector<16xi32>
          %reduce_sum3A = arith.constant true
          %reduce_sum3A_818 = vector.broadcast %reduce_sum3A : i1 to vector<16xi1>
          %reduce_sum3A_819 = tpu.scan <sum>, %select_n3A masked %reduce_sum3A_818 : vector<16xi32>, vector<16xi1> -> vector<16xi32>
          %reduce_sum3A_820 = vector.extract %reduce_sum3A_819[15] : i32 from vector<16xi32>
          %shift_right_logical3A = arith.constant 14 : i32
          %shift_right_logical3A_821 = arith.shrui %reduce_sum3A_820, %shift_right_logical3A : i32
          %add3A_822 = arith.addi %add3A_412, %shift_right_logical3A_821 : i32
          %shift_right_logical3A_823 = arith.constant 7 : i32
          %shift_right_logical3A_824 = arith.shrui %shift_right_logical3A_821, %shift_right_logical3A_823 : i32
          %mul3A_825 = arith.constant 128 : i32
          %mul3A_826 = arith.muli %shift_right_logical3A_824, %mul3A_825 : i32
          %add3A_827 = arith.addi %add3A_412, %mul3A_826 : i32
          %min3A_828 = arith.constant 999808 : i32
          %min3A_829 = arith.minsi %add3A_827, %min3A_828 : i32
          %ge3A_830 = arith.constant 999936 : i32
          %ge3A_831 = arith.cmpi sge, %add3A_822, %ge3A_830 : i32
          %jit3A_832 = arith.constant 8 : i32
          %select_n3A_833 = arith.select %ge3A_831, %jit3A_832, %shift_right_logical3A_824 : i32
          %sub3A_834 = arith.constant 999936 : i32
          %sub3A_835 = arith.subi %add3A_822, %sub3A_834 : i32
          %sub3A_836 = arith.subi %add3A_822, %min3A_829 : i32
          %select_n3A_837 = arith.select %ge3A_831, %sub3A_835, %sub3A_836 : i32
          %broadcast_in_dim3A_838 = vector.broadcast %select_n3A_833 : i32 to vector<16xi32>
          %broadcast_in_dim3A_839 = vector.broadcast %select_n3A_837 : i32 to vector<16xi32>
          %add3A_840 = arith.constant 0 : i32
          %add3A_841 = vector.broadcast %add3A_840 : i32 to vector<16xi32>
          %add3A_842 = arith.addi %iota3A, %add3A_841 : vector<16xi32>
          %gather3A = tpu.vector_load_idx %arg14[%broadcast_in_dim3A_838, %add3A_842, %broadcast_in_dim3A_839] : memref<9x64x128xf32, #tpu.memory_space<vmem>>[vector<16xi32>, vector<16xi32>, vector<16xi32>], vector<16xf32>,
          %swap3A_843 = arith.index_cast %while3A_815 : i32 to index
          %swap3A_844 = arith.constant 0 : index
          %swap3A_845 = tpu.vector_load %arg18[%swap3A_843, %swap3A_844] {strides = array<i32>} : memref<64x128xf32, #tpu.memory_space<vmem>>, vector<16xf32>,
          tpu.vector_store %arg18[%swap3A_843, %swap3A_844], %gather3A {strides = array<i32>} : memref<64x128xf32, #tpu.memory_space<vmem>>, vector<16xf32>,
          %add3A_846 = arith.constant 16 : i32
          %add3A_847 = vector.broadcast %add3A_846 : i32 to vector<16xi32>
          %add3A_848 = arith.addi %iota3A, %add3A_847 : vector<16xi32>
          %gather3A_849 = tpu.vector_load_idx %arg14[%broadcast_in_dim3A_838, %add3A_848, %broadcast_in_dim3A_839] : memref<9x64x128xf32, #tpu.memory_space<vmem>>[vector<16xi32>, vector<16xi32>, vector<16xi32>], vector<16xf32>,
          %swap3A_850 = arith.index_cast %while3A_815 : i32 to index
          %swap3A_851 = arith.constant 16 : index
          %swap3A_852 = tpu.vector_load %arg18[%swap3A_850, %swap3A_851] {strides = array<i32>} : memref<64x128xf32, #tpu.memory_space<vmem>>, vector<16xf32>,
          tpu.vector_store %arg18[%swap3A_850, %swap3A_851], %gather3A_849 {strides = array<i32>} : memref<64x128xf32, #tpu.memory_space<vmem>>, vector<16xf32>,
          %add3A_853 = arith.constant 32 : i32
          %add3A_854 = vector.broadcast %add3A_853 : i32 to vector<16xi32>
          %add3A_855 = arith.addi %iota3A, %add3A_854 : vector<16xi32>
          %gather3A_856 = tpu.vector_load_idx %arg14[%broadcast_in_dim3A_838, %add3A_855, %broadcast_in_dim3A_839] : memref<9x64x128xf32, #tpu.memory_space<vmem>>[vector<16xi32>, vector<16xi32>, vector<16xi32>], vector<16xf32>,
          %swap3A_857 = arith.index_cast %while3A_815 : i32 to index
          %swap3A_858 = arith.constant 32 : index
          %swap3A_859 = tpu.vector_load %arg18[%swap3A_857, %swap3A_858] {strides = array<i32>} : memref<64x128xf32, #tpu.memory_space<vmem>>, vector<16xf32>,
          tpu.vector_store %arg18[%swap3A_857, %swap3A_858], %gather3A_856 {strides = array<i32>} : memref<64x128xf32, #tpu.memory_space<vmem>>, vector<16xf32>,
          %add3A_860 = arith.constant 48 : i32
          %add3A_861 = vector.broadcast %add3A_860 : i32 to vector<16xi32>
          %add3A_862 = arith.addi %iota3A, %add3A_861 : vector<16xi32>
          %gather3A_863 = tpu.vector_load_idx %arg14[%broadcast_in_dim3A_838, %add3A_862, %broadcast_in_dim3A_839] : memref<9x64x128xf32, #tpu.memory_space<vmem>>[vector<16xi32>, vector<16xi32>, vector<16xi32>], vector<16xf32>,
          %swap3A_864 = arith.index_cast %while3A_815 : i32 to index
          %swap3A_865 = arith.constant 48 : index
          %swap3A_866 = tpu.vector_load %arg18[%swap3A_864, %swap3A_865] {strides = array<i32>} : memref<64x128xf32, #tpu.memory_space<vmem>>, vector<16xf32>,
          tpu.vector_store %arg18[%swap3A_864, %swap3A_865], %gather3A_863 {strides = array<i32>} : memref<64x128xf32, #tpu.memory_space<vmem>>, vector<16xf32>,
          %add3A_867 = arith.constant 1 : i32
          %add3A_868 = arith.addi %while3A_815, %add3A_867 : i32
          scf.yield %add3A_868 : i32
        }
        %min3A_812 = arith.constant 48 : i32
        %min3A_813 = arith.minsi %while3A_811, %min3A_812 : i32
        scf.yield %min3A_813 : i32
      }
      %gt3A_721 = arith.constant 0 : i32
      %gt3A_722 = arith.cmpi sgt, %while3A_704, %gt3A_721 : i32
      %convert_element_type3A_723 = arith.extui %gt3A_722 : i1 to i32
      %cond3A_724 = arith.constant 0 : i32
      %cond3A_725 = arith.cmpi ne, %convert_element_type3A_723, %cond3A_724 : i32
      scf.if %cond3A_725 {
        %dma_start3A_770 = arith.constant 0 : i32
        %dma_start3A_771 = arith.constant 0 : i32
        %dma_start3A_772 = tpu.memref_slice %arg17[%dma_start3A_770, %dma_start3A_771] : memref<64x128xf32, #tpu.memory_space<vmem>> -> memref<16x128xf32, #tpu.memory_space<vmem>>
        %dma_start3A_773 = arith.constant 0 : i32
        %dma_start3A_774 = tpu.memref_slice %arg21[%dma_start3A_773] : memref<64xi32, #tpu.memory_space<vmem>> -> memref<16xi32, #tpu.memory_space<vmem>>
        %dma_start3A_775 = arith.constant 0 : i32
        %dma_start3A_776 = arith.constant 0 : i32
        %dma_start3A_777 = tpu.memref_slice %arg6[%dma_start3A_775, %dma_start3A_776] : memref<16448x128xf32, #tpu.memory_space<hbm>> -> memref<16448x128xf32, #tpu.memory_space<hbm>>
        tpu.enqueue_indirect_dma source(%dma_start3A_772 : memref<16x128xf32, #tpu.memory_space<vmem>>) target(%dma_start3A_777 : memref<16448x128xf32, #tpu.memory_space<hbm>>) offsets(%dma_start3A_774 : memref<16xi32, #tpu.memory_space<vmem>>) semaphore(%arg26 : memref<!tpu.dma_semaphore, #tpu.memory_space<semaphore_mem>>)
      } else {
      }
      %gt3A_726 = arith.constant 0 : i32
      %gt3A_727 = arith.cmpi sgt, %while3A_720, %gt3A_726 : i32
      %convert_element_type3A_728 = arith.extui %gt3A_727 : i1 to i32
      %cond3A_729 = arith.constant 0 : i32
      %cond3A_730 = arith.cmpi ne, %convert_element_type3A_728, %cond3A_729 : i32
      scf.if %cond3A_730 {
        %dma_start3A_770 = arith.constant 0 : i32
        %dma_start3A_771 = arith.constant 0 : i32
        %dma_start3A_772 = tpu.memref_slice %arg18[%dma_start3A_770, %dma_start3A_771] : memref<64x128xf32, #tpu.memory_space<vmem>> -> memref<16x128xf32, #tpu.memory_space<vmem>>
        %dma_start3A_773 = arith.constant 0 : i32
        %dma_start3A_774 = tpu.memref_slice %arg22[%dma_start3A_773] : memref<64xi32, #tpu.memory_space<vmem>> -> memref<16xi32, #tpu.memory_space<vmem>>
        %dma_start3A_775 = arith.constant 0 : i32
        %dma_start3A_776 = arith.constant 0 : i32
        %dma_start3A_777 = tpu.memref_slice %arg7[%dma_start3A_775, %dma_start3A_776] : memref<16448x128xf32, #tpu.memory_space<hbm>> -> memref<16448x128xf32, #tpu.memory_space<hbm>>
        tpu.enqueue_indirect_dma source(%dma_start3A_772 : memref<16x128xf32, #tpu.memory_space<vmem>>) target(%dma_start3A_777 : memref<16448x128xf32, #tpu.memory_space<hbm>>) offsets(%dma_start3A_774 : memref<16xi32, #tpu.memory_space<vmem>>) semaphore(%arg26 : memref<!tpu.dma_semaphore, #tpu.memory_space<semaphore_mem>>)
      } else {
      }
      %gt3A_731 = arith.constant 16 : i32
      %gt3A_732 = arith.cmpi sgt, %while3A_704, %gt3A_731 : i32
      %convert_element_type3A_733 = arith.extui %gt3A_732 : i1 to i32
      %cond3A_734 = arith.constant 0 : i32
      %cond3A_735 = arith.cmpi ne, %convert_element_type3A_733, %cond3A_734 : i32
      scf.if %cond3A_735 {
        %dma_start3A_770 = arith.constant 16 : i32
        %dma_start3A_771 = arith.constant 0 : i32
        %dma_start3A_772 = tpu.memref_slice %arg17[%dma_start3A_770, %dma_start3A_771] : memref<64x128xf32, #tpu.memory_space<vmem>> -> memref<16x128xf32, #tpu.memory_space<vmem>>
        %dma_start3A_773 = arith.constant 16 : i32
        %dma_start3A_774 = tpu.memref_slice %arg21[%dma_start3A_773] : memref<64xi32, #tpu.memory_space<vmem>> -> memref<16xi32, #tpu.memory_space<vmem>>
        %dma_start3A_775 = arith.constant 0 : i32
        %dma_start3A_776 = arith.constant 0 : i32
        %dma_start3A_777 = tpu.memref_slice %arg6[%dma_start3A_775, %dma_start3A_776] : memref<16448x128xf32, #tpu.memory_space<hbm>> -> memref<16448x128xf32, #tpu.memory_space<hbm>>
        tpu.enqueue_indirect_dma source(%dma_start3A_772 : memref<16x128xf32, #tpu.memory_space<vmem>>) target(%dma_start3A_777 : memref<16448x128xf32, #tpu.memory_space<hbm>>) offsets(%dma_start3A_774 : memref<16xi32, #tpu.memory_space<vmem>>) semaphore(%arg26 : memref<!tpu.dma_semaphore, #tpu.memory_space<semaphore_mem>>)
      } else {
      }
      %gt3A_736 = arith.constant 16 : i32
      %gt3A_737 = arith.cmpi sgt, %while3A_720, %gt3A_736 : i32
      %convert_element_type3A_738 = arith.extui %gt3A_737 : i1 to i32
      %cond3A_739 = arith.constant 0 : i32
      %cond3A_740 = arith.cmpi ne, %convert_element_type3A_738, %cond3A_739 : i32
      scf.if %cond3A_740 {
        %dma_start3A_770 = arith.constant 16 : i32
        %dma_start3A_771 = arith.constant 0 : i32
        %dma_start3A_772 = tpu.memref_slice %arg18[%dma_start3A_770, %dma_start3A_771] : memref<64x128xf32, #tpu.memory_space<vmem>> -> memref<16x128xf32, #tpu.memory_space<vmem>>
        %dma_start3A_773 = arith.constant 16 : i32
        %dma_start3A_774 = tpu.memref_slice %arg22[%dma_start3A_773] : memref<64xi32, #tpu.memory_space<vmem>> -> memref<16xi32, #tpu.memory_space<vmem>>
        %dma_start3A_775 = arith.constant 0 : i32
        %dma_start3A_776 = arith.constant 0 : i32
        %dma_start3A_777 = tpu.memref_slice %arg7[%dma_start3A_775, %dma_start3A_776] : memref<16448x128xf32, #tpu.memory_space<hbm>> -> memref<16448x128xf32, #tpu.memory_space<hbm>>
        tpu.enqueue_indirect_dma source(%dma_start3A_772 : memref<16x128xf32, #tpu.memory_space<vmem>>) target(%dma_start3A_777 : memref<16448x128xf32, #tpu.memory_space<hbm>>) offsets(%dma_start3A_774 : memref<16xi32, #tpu.memory_space<vmem>>) semaphore(%arg26 : memref<!tpu.dma_semaphore, #tpu.memory_space<semaphore_mem>>)
      } else {
      }
      %gt3A_741 = arith.constant 32 : i32
      %gt3A_742 = arith.cmpi sgt, %while3A_704, %gt3A_741 : i32
      %convert_element_type3A_743 = arith.extui %gt3A_742 : i1 to i32
      %cond3A_744 = arith.constant 0 : i32
      %cond3A_745 = arith.cmpi ne, %convert_element_type3A_743, %cond3A_744 : i32
      scf.if %cond3A_745 {
        %dma_start3A_770 = arith.constant 32 : i32
        %dma_start3A_771 = arith.constant 0 : i32
        %dma_start3A_772 = tpu.memref_slice %arg17[%dma_start3A_770, %dma_start3A_771] : memref<64x128xf32, #tpu.memory_space<vmem>> -> memref<16x128xf32, #tpu.memory_space<vmem>>
        %dma_start3A_773 = arith.constant 32 : i32
        %dma_start3A_774 = tpu.memref_slice %arg21[%dma_start3A_773] : memref<64xi32, #tpu.memory_space<vmem>> -> memref<16xi32, #tpu.memory_space<vmem>>
        %dma_start3A_775 = arith.constant 0 : i32
        %dma_start3A_776 = arith.constant 0 : i32
        %dma_start3A_777 = tpu.memref_slice %arg6[%dma_start3A_775, %dma_start3A_776] : memref<16448x128xf32, #tpu.memory_space<hbm>> -> memref<16448x128xf32, #tpu.memory_space<hbm>>
        tpu.enqueue_indirect_dma source(%dma_start3A_772 : memref<16x128xf32, #tpu.memory_space<vmem>>) target(%dma_start3A_777 : memref<16448x128xf32, #tpu.memory_space<hbm>>) offsets(%dma_start3A_774 : memref<16xi32, #tpu.memory_space<vmem>>) semaphore(%arg26 : memref<!tpu.dma_semaphore, #tpu.memory_space<semaphore_mem>>)
      } else {
      }
      %gt3A_746 = arith.constant 32 : i32
      %gt3A_747 = arith.cmpi sgt, %while3A_720, %gt3A_746 : i32
      %convert_element_type3A_748 = arith.extui %gt3A_747 : i1 to i32
      %cond3A_749 = arith.constant 0 : i32
      %cond3A_750 = arith.cmpi ne, %convert_element_type3A_748, %cond3A_749 : i32
      scf.if %cond3A_750 {
        %dma_start3A_770 = arith.constant 32 : i32
        %dma_start3A_771 = arith.constant 0 : i32
        %dma_start3A_772 = tpu.memref_slice %arg18[%dma_start3A_770, %dma_start3A_771] : memref<64x128xf32, #tpu.memory_space<vmem>> -> memref<16x128xf32, #tpu.memory_space<vmem>>
        %dma_start3A_773 = arith.constant 32 : i32
        %dma_start3A_774 = tpu.memref_slice %arg22[%dma_start3A_773] : memref<64xi32, #tpu.memory_space<vmem>> -> memref<16xi32, #tpu.memory_space<vmem>>
        %dma_start3A_775 = arith.constant 0 : i32
        %dma_start3A_776 = arith.constant 0 : i32
        %dma_start3A_777 = tpu.memref_slice %arg7[%dma_start3A_775, %dma_start3A_776] : memref<16448x128xf32, #tpu.memory_space<hbm>> -> memref<16448x128xf32, #tpu.memory_space<hbm>>
        tpu.enqueue_indirect_dma source(%dma_start3A_772 : memref<16x128xf32, #tpu.memory_space<vmem>>) target(%dma_start3A_777 : memref<16448x128xf32, #tpu.memory_space<hbm>>) offsets(%dma_start3A_774 : memref<16xi32, #tpu.memory_space<vmem>>) semaphore(%arg26 : memref<!tpu.dma_semaphore, #tpu.memory_space<semaphore_mem>>)
      } else {
      }
      %gt3A_751 = arith.constant 48 : i32
      %gt3A_752 = arith.cmpi sgt, %while3A_704, %gt3A_751 : i32
      %convert_element_type3A_753 = arith.extui %gt3A_752 : i1 to i32
      %cond3A_754 = arith.constant 0 : i32
      %cond3A_755 = arith.cmpi ne, %convert_element_type3A_753, %cond3A_754 : i32
      scf.if %cond3A_755 {
        %dma_start3A_770 = arith.constant 48 : i32
        %dma_start3A_771 = arith.constant 0 : i32
        %dma_start3A_772 = tpu.memref_slice %arg17[%dma_start3A_770, %dma_start3A_771] : memref<64x128xf32, #tpu.memory_space<vmem>> -> memref<16x128xf32, #tpu.memory_space<vmem>>
        %dma_start3A_773 = arith.constant 48 : i32
        %dma_start3A_774 = tpu.memref_slice %arg21[%dma_start3A_773] : memref<64xi32, #tpu.memory_space<vmem>> -> memref<16xi32, #tpu.memory_space<vmem>>
        %dma_start3A_775 = arith.constant 0 : i32
        %dma_start3A_776 = arith.constant 0 : i32
        %dma_start3A_777 = tpu.memref_slice %arg6[%dma_start3A_775, %dma_start3A_776] : memref<16448x128xf32, #tpu.memory_space<hbm>> -> memref<16448x128xf32, #tpu.memory_space<hbm>>
        tpu.enqueue_indirect_dma source(%dma_start3A_772 : memref<16x128xf32, #tpu.memory_space<vmem>>) target(%dma_start3A_777 : memref<16448x128xf32, #tpu.memory_space<hbm>>) offsets(%dma_start3A_774 : memref<16xi32, #tpu.memory_space<vmem>>) semaphore(%arg26 : memref<!tpu.dma_semaphore, #tpu.memory_space<semaphore_mem>>)
      } else {
      }
      %gt3A_756 = arith.constant 48 : i32
      %gt3A_757 = arith.cmpi sgt, %while3A_720, %gt3A_756 : i32
      %convert_element_type3A_758 = arith.extui %gt3A_757 : i1 to i32
      %cond3A_759 = arith.constant 0 : i32
      %cond3A_760 = arith.cmpi ne, %convert_element_type3A_758, %cond3A_759 : i32
      scf.if %cond3A_760 {
        %dma_start3A_770 = arith.constant 48 : i32
        %dma_start3A_771 = arith.constant 0 : i32
        %dma_start3A_772 = tpu.memref_slice %arg18[%dma_start3A_770, %dma_start3A_771] : memref<64x128xf32, #tpu.memory_space<vmem>> -> memref<16x128xf32, #tpu.memory_space<vmem>>
        %dma_start3A_773 = arith.constant 48 : i32
        %dma_start3A_774 = tpu.memref_slice %arg22[%dma_start3A_773] : memref<64xi32, #tpu.memory_space<vmem>> -> memref<16xi32, #tpu.memory_space<vmem>>
        %dma_start3A_775 = arith.constant 0 : i32
        %dma_start3A_776 = arith.constant 0 : i32
        %dma_start3A_777 = tpu.memref_slice %arg7[%dma_start3A_775, %dma_start3A_776] : memref<16448x128xf32, #tpu.memory_space<hbm>> -> memref<16448x128xf32, #tpu.memory_space<hbm>>
        tpu.enqueue_indirect_dma source(%dma_start3A_772 : memref<16x128xf32, #tpu.memory_space<vmem>>) target(%dma_start3A_777 : memref<16448x128xf32, #tpu.memory_space<hbm>>) offsets(%dma_start3A_774 : memref<16xi32, #tpu.memory_space<vmem>>) semaphore(%arg26 : memref<!tpu.dma_semaphore, #tpu.memory_space<semaphore_mem>>)
      } else {
      }
      %add3A_761 = arith.constant 15 : i32
      %add3A_762 = arith.addi %while3A_704, %add3A_761 : i32
      %div3A_763 = arith.constant 16 : i32
      %div3A_764 = arith.divsi %add3A_762, %div3A_763 : i32
      %add3A_765 = arith.constant 15 : i32
      %add3A_766 = arith.addi %while3A_720, %add3A_765 : i32
      %div3A_767 = arith.constant 16 : i32
      %div3A_768 = arith.divsi %add3A_766, %div3A_767 : i32
      %add3A_769 = arith.addi %div3A_764, %div3A_768 : i32
      scf.yield %add3A_395, %add3A_769 : i32, i32
    }
    %scan3A_19 = arith.constant 16 : i32
    %add3A_20 = arith.addi %scan3A_18#0, %scan3A_18#1 : i32
    %while3A = arith.constant 0 : i32
    %while3A_21 = arith.constant 0 : i32
    %while3A_22 = arith.subi %add3A_20, %while3A_21 : i32
    %while3A_23 = arith.addi %while3A_21, %while3A_22 : i32
    %while3A_24 = arith.constant 1 : i32
    %while3A_25 = arith.divsi %while3A_22, %while3A_24 : i32
    %while3A_26 = arith.muli %while3A_25, %while3A_24 : i32
    %while3A_27 = arith.addi %while3A_21, %while3A_26 : i32
    %while3A_28 = arith.constant 1 : i32
    scf.for %while3A_30 = %while3A_21 to %while3A_27 step %while3A_28  : i32 {
      %dma_wait3A = arith.constant 0 : i32
      %dma_wait3A_31 = arith.constant 0 : i32
      %dma_wait3A_32 = tpu.memref_slice %arg15[%dma_wait3A, %dma_wait3A_31] : memref<64x128xf32, #tpu.memory_space<vmem>> -> memref<16x128xf32, #tpu.memory_space<vmem>>
      %dma_wait3A_33 = arith.constant 0 : i32
      %dma_wait3A_34 = arith.constant 0 : i32
      %dma_wait3A_35 = tpu.memref_slice %arg6[%dma_wait3A_33, %dma_wait3A_34] : memref<16448x128xf32, #tpu.memory_space<hbm>> -> memref<16x128xf32, #tpu.memory_space<hbm>>
      %dma_wait3A_36 = arith.constant 0 : i32
      %dma_wait3A_37 = arith.constant 0 : i32
      %dma_wait3A_38 = tpu.memref_slice %arg15[%dma_wait3A_36, %dma_wait3A_37] : memref<64x128xf32, #tpu.memory_space<vmem>> -> memref<16x128xf32, #tpu.memory_space<vmem>>
      %dma_wait3A_39 = arith.constant 0 : i32
      %dma_wait3A_40 = arith.constant 0 : i32
      %dma_wait3A_41 = tpu.memref_slice %arg6[%dma_wait3A_39, %dma_wait3A_40] : memref<16448x128xf32, #tpu.memory_space<hbm>> -> memref<16x128xf32, #tpu.memory_space<hbm>>
      tpu.wait_dma2 semaphore(%arg26 : memref<!tpu.dma_semaphore, #tpu.memory_space<semaphore_mem>>) src(%dma_wait3A_41 : memref<16x128xf32, #tpu.memory_space<hbm>>) dst(%dma_wait3A_38 : memref<16x128xf32, #tpu.memory_space<vmem>>)
    }
    %while3A_29 = arith.constant 1 : i32
    scf.for %while3A_30 = %while3A_27 to %while3A_23 step %while3A_29  : i32 {
      %dma_wait3A = arith.constant 0 : i32
      %dma_wait3A_31 = arith.constant 0 : i32
      %dma_wait3A_32 = tpu.memref_slice %arg15[%dma_wait3A, %dma_wait3A_31] : memref<64x128xf32, #tpu.memory_space<vmem>> -> memref<16x128xf32, #tpu.memory_space<vmem>>
      %dma_wait3A_33 = arith.constant 0 : i32
      %dma_wait3A_34 = arith.constant 0 : i32
      %dma_wait3A_35 = tpu.memref_slice %arg6[%dma_wait3A_33, %dma_wait3A_34] : memref<16448x128xf32, #tpu.memory_space<hbm>> -> memref<16x128xf32, #tpu.memory_space<hbm>>
      %dma_wait3A_36 = arith.constant 0 : i32
      %dma_wait3A_37 = arith.constant 0 : i32
      %dma_wait3A_38 = tpu.memref_slice %arg15[%dma_wait3A_36, %dma_wait3A_37] : memref<64x128xf32, #tpu.memory_space<vmem>> -> memref<16x128xf32, #tpu.memory_space<vmem>>
      %dma_wait3A_39 = arith.constant 0 : i32
      %dma_wait3A_40 = arith.constant 0 : i32
      %dma_wait3A_41 = tpu.memref_slice %arg6[%dma_wait3A_39, %dma_wait3A_40] : memref<16448x128xf32, #tpu.memory_space<hbm>> -> memref<16x128xf32, #tpu.memory_space<hbm>>
      tpu.wait_dma2 semaphore(%arg26 : memref<!tpu.dma_semaphore, #tpu.memory_space<semaphore_mem>>) src(%dma_wait3A_41 : memref<16x128xf32, #tpu.memory_space<hbm>>) dst(%dma_wait3A_38 : memref<16x128xf32, #tpu.memory_space<vmem>>)
    }
    return
  }
}

#map = affine_map<(d0, d1) -> (0, 0)>
#map1 = affine_map<(d0, d1) -> (0)>
module attributes {stable_mosaic.version = 14 : i64} {
  func.func @_pair_sc(%arg0: i32, %arg1: i32, %arg2: memref<16448x128xf32, #tpu.memory_space<hbm>>, %arg3: memref<16448x128xf32, #tpu.memory_space<hbm>>, %arg4: memref<16384xi32, #tpu.memory_space<hbm>>, %arg5: memref<100x128xf32, #tpu.memory_space<hbm>>, %arg6: memref<16384xf32, #tpu.memory_space<hbm>>, %arg7: memref<512xi32, #tpu.memory_space<vmem>>, %arg8: memref<100x128xf32, #tpu.memory_space<vmem>>, %arg9: memref<128x128xf32, #tpu.memory_space<vmem>>, %arg10: memref<128x128xf32, #tpu.memory_space<vmem>>, %arg11: memref<512xf32, #tpu.memory_space<vmem>>, %arg12: memref<!tpu.dma_semaphore, #tpu.memory_space<semaphore_mem>>) attributes {dimension_semantics = [#tpu.dimension_semantics<core_parallel>, #tpu.dimension_semantics<subcore_parallel>], iteration_bounds = array<i64: 2, 16>, scalar_prefetch = 0 : i64, scratch_operands = 6 : i64, tpu.core_type = #tpu.core_type<sc_vector_subcore>, window_params = [{transform_indices = #map}, {transform_indices = #map}, {transform_indices = #map1}, {transform_indices = #map}, {transform_indices = #map1}]} {
    %mul3A = arith.constant 2 : i32
    %mul3A_0 = arith.muli %arg1, %mul3A : i32
    %add3A = arith.addi %mul3A_0, %arg0 : i32
    %mul3A_1 = arith.constant 512 : i32
    %mul3A_2 = arith.muli %add3A, %mul3A_1 : i32
    %iota3A = tpu.iota {dimensions = array<i32: 0>} : vector<16xi32>
    "tpu.region"() ({
      %run_scoped3A = tpu.sem_alloc : memref<!tpu.dma_semaphore, #tpu.memory_space<semaphore_mem>>
      %dma_start3A = tpu.memref_slice %arg4[%mul3A_2] : memref<16384xi32, #tpu.memory_space<hbm>> -> memref<512xi32, #tpu.memory_space<hbm>>
      %dma_start3A_8 = tpu.memref_slice %arg4[%mul3A_2] : memref<16384xi32, #tpu.memory_space<hbm>> -> memref<512xi32, #tpu.memory_space<hbm>>
      tpu.enqueue_dma source(%dma_start3A_8 : memref<512xi32, #tpu.memory_space<hbm>>) target(%arg7 : memref<512xi32, #tpu.memory_space<vmem>>) target_semaphore(%run_scoped3A : memref<!tpu.dma_semaphore, #tpu.memory_space<semaphore_mem>>)
      %dma_wait3A = tpu.memref_slice %arg4[%mul3A_2] : memref<16384xi32, #tpu.memory_space<hbm>> -> memref<512xi32, #tpu.memory_space<hbm>>
      %dma_wait3A_9 = tpu.memref_slice %arg4[%mul3A_2] : memref<16384xi32, #tpu.memory_space<hbm>> -> memref<512xi32, #tpu.memory_space<hbm>>
      tpu.wait_dma2 semaphore(%run_scoped3A : memref<!tpu.dma_semaphore, #tpu.memory_space<semaphore_mem>>) src(%dma_wait3A_9 : memref<512xi32, #tpu.memory_space<hbm>>) dst(%arg7 : memref<512xi32, #tpu.memory_space<vmem>>)
      tpu.yield
    }) : () -> ()
    "tpu.region"() ({
      %run_scoped3A = tpu.sem_alloc : memref<!tpu.dma_semaphore, #tpu.memory_space<semaphore_mem>>
      tpu.enqueue_dma source(%arg5 : memref<100x128xf32, #tpu.memory_space<hbm>>) target(%arg8 : memref<100x128xf32, #tpu.memory_space<vmem>>) target_semaphore(%run_scoped3A : memref<!tpu.dma_semaphore, #tpu.memory_space<semaphore_mem>>)
      tpu.wait_dma2 semaphore(%run_scoped3A : memref<!tpu.dma_semaphore, #tpu.memory_space<semaphore_mem>>) src(%arg5 : memref<100x128xf32, #tpu.memory_space<hbm>>) dst(%arg8 : memref<100x128xf32, #tpu.memory_space<vmem>>)
      tpu.yield
    }) : () -> ()
    %scan3A = arith.constant 0 : i32
    %scan3A_3 = arith.constant 0 : i32
    %scan3A_4 = arith.constant 4 : i32
    %scan3A_5 = arith.addi %scan3A_3, %scan3A_4 : i32
    %scan3A_6 = arith.constant 1 : i32
    scf.for %scan3A_8 = %scan3A_3 to %scan3A_5 step %scan3A_6  : i32 {
      %mul3A_9 = arith.constant 128 : i32
      %mul3A_10 = arith.muli %scan3A_8, %mul3A_9 : i32
      %add3A_11 = arith.addi %mul3A_2, %mul3A_10 : i32
      %dma_start3A = arith.constant 0 : i32
      %dma_start3A_12 = tpu.memref_slice %arg2[%add3A_11, %dma_start3A] : memref<16448x128xf32, #tpu.memory_space<hbm>> -> memref<128x128xf32, #tpu.memory_space<hbm>>
      %dma_start3A_13 = arith.constant 0 : i32
      %dma_start3A_14 = tpu.memref_slice %arg2[%add3A_11, %dma_start3A_13] : memref<16448x128xf32, #tpu.memory_space<hbm>> -> memref<128x128xf32, #tpu.memory_space<hbm>>
      tpu.enqueue_dma source(%dma_start3A_14 : memref<128x128xf32, #tpu.memory_space<hbm>>) target(%arg9 : memref<128x128xf32, #tpu.memory_space<vmem>>) target_semaphore(%arg12 : memref<!tpu.dma_semaphore, #tpu.memory_space<semaphore_mem>>)
      %dma_start3A_15 = arith.constant 0 : i32
      %dma_start3A_16 = tpu.memref_slice %arg3[%add3A_11, %dma_start3A_15] : memref<16448x128xf32, #tpu.memory_space<hbm>> -> memref<128x128xf32, #tpu.memory_space<hbm>>
      %dma_start3A_17 = arith.constant 0 : i32
      %dma_start3A_18 = tpu.memref_slice %arg3[%add3A_11, %dma_start3A_17] : memref<16448x128xf32, #tpu.memory_space<hbm>> -> memref<128x128xf32, #tpu.memory_space<hbm>>
      tpu.enqueue_dma source(%dma_start3A_18 : memref<128x128xf32, #tpu.memory_space<hbm>>) target(%arg10 : memref<128x128xf32, #tpu.memory_space<vmem>>) target_semaphore(%arg12 : memref<!tpu.dma_semaphore, #tpu.memory_space<semaphore_mem>>)
      %dma_wait3A = arith.constant 0 : i32
      %dma_wait3A_19 = tpu.memref_slice %arg2[%add3A_11, %dma_wait3A] : memref<16448x128xf32, #tpu.memory_space<hbm>> -> memref<128x128xf32, #tpu.memory_space<hbm>>
      %dma_wait3A_20 = arith.constant 0 : i32
      %dma_wait3A_21 = tpu.memref_slice %arg2[%add3A_11, %dma_wait3A_20] : memref<16448x128xf32, #tpu.memory_space<hbm>> -> memref<128x128xf32, #tpu.memory_space<hbm>>
      tpu.wait_dma2 semaphore(%arg12 : memref<!tpu.dma_semaphore, #tpu.memory_space<semaphore_mem>>) src(%dma_wait3A_21 : memref<128x128xf32, #tpu.memory_space<hbm>>) dst(%arg9 : memref<128x128xf32, #tpu.memory_space<vmem>>)
      %dma_wait3A_22 = arith.constant 0 : i32
      %dma_wait3A_23 = tpu.memref_slice %arg3[%add3A_11, %dma_wait3A_22] : memref<16448x128xf32, #tpu.memory_space<hbm>> -> memref<128x128xf32, #tpu.memory_space<hbm>>
      %dma_wait3A_24 = arith.constant 0 : i32
      %dma_wait3A_25 = tpu.memref_slice %arg3[%add3A_11, %dma_wait3A_24] : memref<16448x128xf32, #tpu.memory_space<hbm>> -> memref<128x128xf32, #tpu.memory_space<hbm>>
      tpu.wait_dma2 semaphore(%arg12 : memref<!tpu.dma_semaphore, #tpu.memory_space<semaphore_mem>>) src(%dma_wait3A_25 : memref<128x128xf32, #tpu.memory_space<hbm>>) dst(%arg10 : memref<128x128xf32, #tpu.memory_space<vmem>>)
      %scan3A_26 = arith.constant 0 : i32
      %scan3A_27 = arith.constant 8 : i32
      %scan3A_28 = arith.addi %scan3A_26, %scan3A_27 : i32
      %scan3A_29 = arith.constant 1 : i32
      scf.for %scan3A_31 = %scan3A_26 to %scan3A_28 step %scan3A_29  : i32 {
        %mul3A_32 = arith.constant 128 : i32
        %mul3A_33 = arith.muli %scan3A_8, %mul3A_32 : i32
        %mul3A_34 = arith.constant 16 : i32
        %mul3A_35 = arith.muli %scan3A_31, %mul3A_34 : i32
        %add3A_36 = arith.addi %mul3A_33, %mul3A_35 : i32
        %get3A = arith.index_cast %add3A_36 : i32 to index
        %get3A_37 = tpu.vector_load %arg7[%get3A] {strides = array<i32>} : memref<512xi32, #tpu.memory_space<vmem>>, vector<16xi32>,
        %broadcast_in_dim3A = arith.constant 0.000000e+00 : f32
        %broadcast_in_dim3A_38 = vector.broadcast %broadcast_in_dim3A : f32 to vector<16xf32>
        %slice3A = vector.extract_strided_slice %get3A_37 {offsets = [0], sizes = [1], strides = [1]} : vector<16xi32> to vector<1xi32>
        %squeeze3A = vector.extract %slice3A[0] : i32 from vector<1xi32>
        %mul3A_39 = arith.constant 16 : i32
        %mul3A_40 = arith.muli %scan3A_31, %mul3A_39 : i32
        %add3A_41 = arith.constant 0 : i32
        %add3A_42 = arith.addi %mul3A_40, %add3A_41 : i32
        %broadcast_in_dim3A_43 = arith.constant 0.000000e+00 : f32
        %broadcast_in_dim3A_44 = vector.broadcast %broadcast_in_dim3A_43 : f32 to vector<16xf32>
        %get3A_45 = arith.index_cast %squeeze3A : i32 to index
        %get3A_46 = arith.constant 0 : index
        %get3A_47 = tpu.vector_load %arg8[%get3A_45, %get3A_46] {strides = array<i32>} : memref<100x128xf32, #tpu.memory_space<vmem>>, vector<16xf32>,
        %get3A_48 = arith.index_cast %add3A_42 : i32 to index
        %get3A_49 = arith.constant 0 : index
        %get3A_50 = tpu.vector_load %arg9[%get3A_48, %get3A_49] {strides = array<i32>} : memref<128x128xf32, #tpu.memory_space<vmem>>, vector<16xf32>,
        %get3A_51 = arith.index_cast %add3A_42 : i32 to index
        %get3A_52 = arith.constant 0 : index
        %get3A_53 = tpu.vector_load %arg10[%get3A_51, %get3A_52] {strides = array<i32>} : memref<128x128xf32, #tpu.memory_space<vmem>>, vector<16xf32>,
        %gt3A = arith.constant 0.000000e+00 : f32
        %gt3A_54 = vector.broadcast %gt3A : f32 to vector<16xf32>
        %gt3A_55 = arith.cmpf ogt, %get3A_47, %gt3A_54 : vector<16xf32>
        %mul3A_56 = arith.mulf %get3A_50, %get3A_53 : vector<16xf32>
        %jit3A = arith.constant 0.000000e+00 : f32
        %broadcast_in_dim3A_57 = vector.broadcast %jit3A : f32 to vector<16xf32>
        %select_n3A = arith.select %gt3A_55, %mul3A_56, %broadcast_in_dim3A_57 : vector<16xi1>, vector<16xf32>
        %add3A_58 = arith.addf %broadcast_in_dim3A_44, %select_n3A : vector<16xf32>
        %get3A_59 = arith.index_cast %squeeze3A : i32 to index
        %get3A_60 = arith.constant 16 : index
        %get3A_61 = tpu.vector_load %arg8[%get3A_59, %get3A_60] {strides = array<i32>} : memref<100x128xf32, #tpu.memory_space<vmem>>, vector<16xf32>,
        %get3A_62 = arith.index_cast %add3A_42 : i32 to index
        %get3A_63 = arith.constant 16 : index
        %get3A_64 = tpu.vector_load %arg9[%get3A_62, %get3A_63] {strides = array<i32>} : memref<128x128xf32, #tpu.memory_space<vmem>>, vector<16xf32>,
        %get3A_65 = arith.index_cast %add3A_42 : i32 to index
        %get3A_66 = arith.constant 16 : index
        %get3A_67 = tpu.vector_load %arg10[%get3A_65, %get3A_66] {strides = array<i32>} : memref<128x128xf32, #tpu.memory_space<vmem>>, vector<16xf32>,
        %gt3A_68 = arith.constant 0.000000e+00 : f32
        %gt3A_69 = vector.broadcast %gt3A_68 : f32 to vector<16xf32>
        %gt3A_70 = arith.cmpf ogt, %get3A_61, %gt3A_69 : vector<16xf32>
        %mul3A_71 = arith.mulf %get3A_64, %get3A_67 : vector<16xf32>
        %jit3A_72 = arith.constant 0.000000e+00 : f32
        %broadcast_in_dim3A_73 = vector.broadcast %jit3A_72 : f32 to vector<16xf32>
        %select_n3A_74 = arith.select %gt3A_70, %mul3A_71, %broadcast_in_dim3A_73 : vector<16xi1>, vector<16xf32>
        %add3A_75 = arith.addf %add3A_58, %select_n3A_74 : vector<16xf32>
        %get3A_76 = arith.index_cast %squeeze3A : i32 to index
        %get3A_77 = arith.constant 32 : index
        %get3A_78 = tpu.vector_load %arg8[%get3A_76, %get3A_77] {strides = array<i32>} : memref<100x128xf32, #tpu.memory_space<vmem>>, vector<16xf32>,
        %get3A_79 = arith.index_cast %add3A_42 : i32 to index
        %get3A_80 = arith.constant 32 : index
        %get3A_81 = tpu.vector_load %arg9[%get3A_79, %get3A_80] {strides = array<i32>} : memref<128x128xf32, #tpu.memory_space<vmem>>, vector<16xf32>,
        %get3A_82 = arith.index_cast %add3A_42 : i32 to index
        %get3A_83 = arith.constant 32 : index
        %get3A_84 = tpu.vector_load %arg10[%get3A_82, %get3A_83] {strides = array<i32>} : memref<128x128xf32, #tpu.memory_space<vmem>>, vector<16xf32>,
        %gt3A_85 = arith.constant 0.000000e+00 : f32
        %gt3A_86 = vector.broadcast %gt3A_85 : f32 to vector<16xf32>
        %gt3A_87 = arith.cmpf ogt, %get3A_78, %gt3A_86 : vector<16xf32>
        %mul3A_88 = arith.mulf %get3A_81, %get3A_84 : vector<16xf32>
        %jit3A_89 = arith.constant 0.000000e+00 : f32
        %broadcast_in_dim3A_90 = vector.broadcast %jit3A_89 : f32 to vector<16xf32>
        %select_n3A_91 = arith.select %gt3A_87, %mul3A_88, %broadcast_in_dim3A_90 : vector<16xi1>, vector<16xf32>
        %add3A_92 = arith.addf %add3A_75, %select_n3A_91 : vector<16xf32>
        %get3A_93 = arith.index_cast %squeeze3A : i32 to index
        %get3A_94 = arith.constant 48 : index
        %get3A_95 = tpu.vector_load %arg8[%get3A_93, %get3A_94] {strides = array<i32>} : memref<100x128xf32, #tpu.memory_space<vmem>>, vector<16xf32>,
        %get3A_96 = arith.index_cast %add3A_42 : i32 to index
        %get3A_97 = arith.constant 48 : index
        %get3A_98 = tpu.vector_load %arg9[%get3A_96, %get3A_97] {strides = array<i32>} : memref<128x128xf32, #tpu.memory_space<vmem>>, vector<16xf32>,
        %get3A_99 = arith.index_cast %add3A_42 : i32 to index
        %get3A_100 = arith.constant 48 : index
        %get3A_101 = tpu.vector_load %arg10[%get3A_99, %get3A_100] {strides = array<i32>} : memref<128x128xf32, #tpu.memory_space<vmem>>, vector<16xf32>,
        %gt3A_102 = arith.constant 0.000000e+00 : f32
        %gt3A_103 = vector.broadcast %gt3A_102 : f32 to vector<16xf32>
        %gt3A_104 = arith.cmpf ogt, %get3A_95, %gt3A_103 : vector<16xf32>
        %mul3A_105 = arith.mulf %get3A_98, %get3A_101 : vector<16xf32>
        %jit3A_106 = arith.constant 0.000000e+00 : f32
        %broadcast_in_dim3A_107 = vector.broadcast %jit3A_106 : f32 to vector<16xf32>
        %select_n3A_108 = arith.select %gt3A_104, %mul3A_105, %broadcast_in_dim3A_107 : vector<16xi1>, vector<16xf32>
        %add3A_109 = arith.addf %add3A_92, %select_n3A_108 : vector<16xf32>
        %reduce_sum3A = arith.constant true
        %reduce_sum3A_110 = vector.broadcast %reduce_sum3A : i1 to vector<16xi1>
        %reduce_sum3A_111 = tpu.scan <sum>, %add3A_109 masked %reduce_sum3A_110 : vector<16xf32>, vector<16xi1> -> vector<16xf32>
        %reduce_sum3A_112 = vector.extract %reduce_sum3A_111[15] : f32 from vector<16xf32>
        %eq3A = arith.constant 0 : i32
        %eq3A_113 = vector.broadcast %eq3A : i32 to vector<16xi32>
        %eq3A_114 = arith.cmpi eq, %iota3A, %eq3A_113 : vector<16xi32>
        %broadcast_in_dim3A_115 = vector.broadcast %reduce_sum3A_112 : f32 to vector<16xf32>
        %select_n3A_116 = arith.select %eq3A_114, %broadcast_in_dim3A_115, %broadcast_in_dim3A_38 : vector<16xi1>, vector<16xf32>
        %slice3A_117 = vector.extract_strided_slice %get3A_37 {offsets = [1], sizes = [1], strides = [1]} : vector<16xi32> to vector<1xi32>
        %squeeze3A_118 = vector.extract %slice3A_117[0] : i32 from vector<1xi32>
        %mul3A_119 = arith.constant 16 : i32
        %mul3A_120 = arith.muli %scan3A_31, %mul3A_119 : i32
        %add3A_121 = arith.constant 1 : i32
        %add3A_122 = arith.addi %mul3A_120, %add3A_121 : i32
        %broadcast_in_dim3A_123 = arith.constant 0.000000e+00 : f32
        %broadcast_in_dim3A_124 = vector.broadcast %broadcast_in_dim3A_123 : f32 to vector<16xf32>
        %get3A_125 = arith.index_cast %squeeze3A_118 : i32 to index
        %get3A_126 = arith.constant 0 : index
        %get3A_127 = tpu.vector_load %arg8[%get3A_125, %get3A_126] {strides = array<i32>} : memref<100x128xf32, #tpu.memory_space<vmem>>, vector<16xf32>,
        %get3A_128 = arith.index_cast %add3A_122 : i32 to index
        %get3A_129 = arith.constant 0 : index
        %get3A_130 = tpu.vector_load %arg9[%get3A_128, %get3A_129] {strides = array<i32>} : memref<128x128xf32, #tpu.memory_space<vmem>>, vector<16xf32>,
        %get3A_131 = arith.index_cast %add3A_122 : i32 to index
        %get3A_132 = arith.constant 0 : index
        %get3A_133 = tpu.vector_load %arg10[%get3A_131, %get3A_132] {strides = array<i32>} : memref<128x128xf32, #tpu.memory_space<vmem>>, vector<16xf32>,
        %gt3A_134 = arith.constant 0.000000e+00 : f32
        %gt3A_135 = vector.broadcast %gt3A_134 : f32 to vector<16xf32>
        %gt3A_136 = arith.cmpf ogt, %get3A_127, %gt3A_135 : vector<16xf32>
        %mul3A_137 = arith.mulf %get3A_130, %get3A_133 : vector<16xf32>
        %jit3A_138 = arith.constant 0.000000e+00 : f32
        %broadcast_in_dim3A_139 = vector.broadcast %jit3A_138 : f32 to vector<16xf32>
        %select_n3A_140 = arith.select %gt3A_136, %mul3A_137, %broadcast_in_dim3A_139 : vector<16xi1>, vector<16xf32>
        %add3A_141 = arith.addf %broadcast_in_dim3A_124, %select_n3A_140 : vector<16xf32>
        %get3A_142 = arith.index_cast %squeeze3A_118 : i32 to index
        %get3A_143 = arith.constant 16 : index
        %get3A_144 = tpu.vector_load %arg8[%get3A_142, %get3A_143] {strides = array<i32>} : memref<100x128xf32, #tpu.memory_space<vmem>>, vector<16xf32>,
        %get3A_145 = arith.index_cast %add3A_122 : i32 to index
        %get3A_146 = arith.constant 16 : index
        %get3A_147 = tpu.vector_load %arg9[%get3A_145, %get3A_146] {strides = array<i32>} : memref<128x128xf32, #tpu.memory_space<vmem>>, vector<16xf32>,
        %get3A_148 = arith.index_cast %add3A_122 : i32 to index
        %get3A_149 = arith.constant 16 : index
        %get3A_150 = tpu.vector_load %arg10[%get3A_148, %get3A_149] {strides = array<i32>} : memref<128x128xf32, #tpu.memory_space<vmem>>, vector<16xf32>,
        %gt3A_151 = arith.constant 0.000000e+00 : f32
        %gt3A_152 = vector.broadcast %gt3A_151 : f32 to vector<16xf32>
        %gt3A_153 = arith.cmpf ogt, %get3A_144, %gt3A_152 : vector<16xf32>
        %mul3A_154 = arith.mulf %get3A_147, %get3A_150 : vector<16xf32>
        %jit3A_155 = arith.constant 0.000000e+00 : f32
        %broadcast_in_dim3A_156 = vector.broadcast %jit3A_155 : f32 to vector<16xf32>
        %select_n3A_157 = arith.select %gt3A_153, %mul3A_154, %broadcast_in_dim3A_156 : vector<16xi1>, vector<16xf32>
        %add3A_158 = arith.addf %add3A_141, %select_n3A_157 : vector<16xf32>
        %get3A_159 = arith.index_cast %squeeze3A_118 : i32 to index
        %get3A_160 = arith.constant 32 : index
        %get3A_161 = tpu.vector_load %arg8[%get3A_159, %get3A_160] {strides = array<i32>} : memref<100x128xf32, #tpu.memory_space<vmem>>, vector<16xf32>,
        %get3A_162 = arith.index_cast %add3A_122 : i32 to index
        %get3A_163 = arith.constant 32 : index
        %get3A_164 = tpu.vector_load %arg9[%get3A_162, %get3A_163] {strides = array<i32>} : memref<128x128xf32, #tpu.memory_space<vmem>>, vector<16xf32>,
        %get3A_165 = arith.index_cast %add3A_122 : i32 to index
        %get3A_166 = arith.constant 32 : index
        %get3A_167 = tpu.vector_load %arg10[%get3A_165, %get3A_166] {strides = array<i32>} : memref<128x128xf32, #tpu.memory_space<vmem>>, vector<16xf32>,
        %gt3A_168 = arith.constant 0.000000e+00 : f32
        %gt3A_169 = vector.broadcast %gt3A_168 : f32 to vector<16xf32>
        %gt3A_170 = arith.cmpf ogt, %get3A_161, %gt3A_169 : vector<16xf32>
        %mul3A_171 = arith.mulf %get3A_164, %get3A_167 : vector<16xf32>
        %jit3A_172 = arith.constant 0.000000e+00 : f32
        %broadcast_in_dim3A_173 = vector.broadcast %jit3A_172 : f32 to vector<16xf32>
        %select_n3A_174 = arith.select %gt3A_170, %mul3A_171, %broadcast_in_dim3A_173 : vector<16xi1>, vector<16xf32>
        %add3A_175 = arith.addf %add3A_158, %select_n3A_174 : vector<16xf32>
        %get3A_176 = arith.index_cast %squeeze3A_118 : i32 to index
        %get3A_177 = arith.constant 48 : index
        %get3A_178 = tpu.vector_load %arg8[%get3A_176, %get3A_177] {strides = array<i32>} : memref<100x128xf32, #tpu.memory_space<vmem>>, vector<16xf32>,
        %get3A_179 = arith.index_cast %add3A_122 : i32 to index
        %get3A_180 = arith.constant 48 : index
        %get3A_181 = tpu.vector_load %arg9[%get3A_179, %get3A_180] {strides = array<i32>} : memref<128x128xf32, #tpu.memory_space<vmem>>, vector<16xf32>,
        %get3A_182 = arith.index_cast %add3A_122 : i32 to index
        %get3A_183 = arith.constant 48 : index
        %get3A_184 = tpu.vector_load %arg10[%get3A_182, %get3A_183] {strides = array<i32>} : memref<128x128xf32, #tpu.memory_space<vmem>>, vector<16xf32>,
        %gt3A_185 = arith.constant 0.000000e+00 : f32
        %gt3A_186 = vector.broadcast %gt3A_185 : f32 to vector<16xf32>
        %gt3A_187 = arith.cmpf ogt, %get3A_178, %gt3A_186 : vector<16xf32>
        %mul3A_188 = arith.mulf %get3A_181, %get3A_184 : vector<16xf32>
        %jit3A_189 = arith.constant 0.000000e+00 : f32
        %broadcast_in_dim3A_190 = vector.broadcast %jit3A_189 : f32 to vector<16xf32>
        %select_n3A_191 = arith.select %gt3A_187, %mul3A_188, %broadcast_in_dim3A_190 : vector<16xi1>, vector<16xf32>
        %add3A_192 = arith.addf %add3A_175, %select_n3A_191 : vector<16xf32>
        %reduce_sum3A_193 = arith.constant true
        %reduce_sum3A_194 = vector.broadcast %reduce_sum3A_193 : i1 to vector<16xi1>
        %reduce_sum3A_195 = tpu.scan <sum>, %add3A_192 masked %reduce_sum3A_194 : vector<16xf32>, vector<16xi1> -> vector<16xf32>
        %reduce_sum3A_196 = vector.extract %reduce_sum3A_195[15] : f32 from vector<16xf32>
        %eq3A_197 = arith.constant 1 : i32
        %eq3A_198 = vector.broadcast %eq3A_197 : i32 to vector<16xi32>
        %eq3A_199 = arith.cmpi eq, %iota3A, %eq3A_198 : vector<16xi32>
        %broadcast_in_dim3A_200 = vector.broadcast %reduce_sum3A_196 : f32 to vector<16xf32>
        %select_n3A_201 = arith.select %eq3A_199, %broadcast_in_dim3A_200, %select_n3A_116 : vector<16xi1>, vector<16xf32>
        %slice3A_202 = vector.extract_strided_slice %get3A_37 {offsets = [2], sizes = [1], strides = [1]} : vector<16xi32> to vector<1xi32>
        %squeeze3A_203 = vector.extract %slice3A_202[0] : i32 from vector<1xi32>
        %mul3A_204 = arith.constant 16 : i32
        %mul3A_205 = arith.muli %scan3A_31, %mul3A_204 : i32
        %add3A_206 = arith.constant 2 : i32
        %add3A_207 = arith.addi %mul3A_205, %add3A_206 : i32
        %broadcast_in_dim3A_208 = arith.constant 0.000000e+00 : f32
        %broadcast_in_dim3A_209 = vector.broadcast %broadcast_in_dim3A_208 : f32 to vector<16xf32>
        %get3A_210 = arith.index_cast %squeeze3A_203 : i32 to index
        %get3A_211 = arith.constant 0 : index
        %get3A_212 = tpu.vector_load %arg8[%get3A_210, %get3A_211] {strides = array<i32>} : memref<100x128xf32, #tpu.memory_space<vmem>>, vector<16xf32>,
        %get3A_213 = arith.index_cast %add3A_207 : i32 to index
        %get3A_214 = arith.constant 0 : index
        %get3A_215 = tpu.vector_load %arg9[%get3A_213, %get3A_214] {strides = array<i32>} : memref<128x128xf32, #tpu.memory_space<vmem>>, vector<16xf32>,
        %get3A_216 = arith.index_cast %add3A_207 : i32 to index
        %get3A_217 = arith.constant 0 : index
        %get3A_218 = tpu.vector_load %arg10[%get3A_216, %get3A_217] {strides = array<i32>} : memref<128x128xf32, #tpu.memory_space<vmem>>, vector<16xf32>,
        %gt3A_219 = arith.constant 0.000000e+00 : f32
        %gt3A_220 = vector.broadcast %gt3A_219 : f32 to vector<16xf32>
        %gt3A_221 = arith.cmpf ogt, %get3A_212, %gt3A_220 : vector<16xf32>
        %mul3A_222 = arith.mulf %get3A_215, %get3A_218 : vector<16xf32>
        %jit3A_223 = arith.constant 0.000000e+00 : f32
        %broadcast_in_dim3A_224 = vector.broadcast %jit3A_223 : f32 to vector<16xf32>
        %select_n3A_225 = arith.select %gt3A_221, %mul3A_222, %broadcast_in_dim3A_224 : vector<16xi1>, vector<16xf32>
        %add3A_226 = arith.addf %broadcast_in_dim3A_209, %select_n3A_225 : vector<16xf32>
        %get3A_227 = arith.index_cast %squeeze3A_203 : i32 to index
        %get3A_228 = arith.constant 16 : index
        %get3A_229 = tpu.vector_load %arg8[%get3A_227, %get3A_228] {strides = array<i32>} : memref<100x128xf32, #tpu.memory_space<vmem>>, vector<16xf32>,
        %get3A_230 = arith.index_cast %add3A_207 : i32 to index
        %get3A_231 = arith.constant 16 : index
        %get3A_232 = tpu.vector_load %arg9[%get3A_230, %get3A_231] {strides = array<i32>} : memref<128x128xf32, #tpu.memory_space<vmem>>, vector<16xf32>,
        %get3A_233 = arith.index_cast %add3A_207 : i32 to index
        %get3A_234 = arith.constant 16 : index
        %get3A_235 = tpu.vector_load %arg10[%get3A_233, %get3A_234] {strides = array<i32>} : memref<128x128xf32, #tpu.memory_space<vmem>>, vector<16xf32>,
        %gt3A_236 = arith.constant 0.000000e+00 : f32
        %gt3A_237 = vector.broadcast %gt3A_236 : f32 to vector<16xf32>
        %gt3A_238 = arith.cmpf ogt, %get3A_229, %gt3A_237 : vector<16xf32>
        %mul3A_239 = arith.mulf %get3A_232, %get3A_235 : vector<16xf32>
        %jit3A_240 = arith.constant 0.000000e+00 : f32
        %broadcast_in_dim3A_241 = vector.broadcast %jit3A_240 : f32 to vector<16xf32>
        %select_n3A_242 = arith.select %gt3A_238, %mul3A_239, %broadcast_in_dim3A_241 : vector<16xi1>, vector<16xf32>
        %add3A_243 = arith.addf %add3A_226, %select_n3A_242 : vector<16xf32>
        %get3A_244 = arith.index_cast %squeeze3A_203 : i32 to index
        %get3A_245 = arith.constant 32 : index
        %get3A_246 = tpu.vector_load %arg8[%get3A_244, %get3A_245] {strides = array<i32>} : memref<100x128xf32, #tpu.memory_space<vmem>>, vector<16xf32>,
        %get3A_247 = arith.index_cast %add3A_207 : i32 to index
        %get3A_248 = arith.constant 32 : index
        %get3A_249 = tpu.vector_load %arg9[%get3A_247, %get3A_248] {strides = array<i32>} : memref<128x128xf32, #tpu.memory_space<vmem>>, vector<16xf32>,
        %get3A_250 = arith.index_cast %add3A_207 : i32 to index
        %get3A_251 = arith.constant 32 : index
        %get3A_252 = tpu.vector_load %arg10[%get3A_250, %get3A_251] {strides = array<i32>} : memref<128x128xf32, #tpu.memory_space<vmem>>, vector<16xf32>,
        %gt3A_253 = arith.constant 0.000000e+00 : f32
        %gt3A_254 = vector.broadcast %gt3A_253 : f32 to vector<16xf32>
        %gt3A_255 = arith.cmpf ogt, %get3A_246, %gt3A_254 : vector<16xf32>
        %mul3A_256 = arith.mulf %get3A_249, %get3A_252 : vector<16xf32>
        %jit3A_257 = arith.constant 0.000000e+00 : f32
        %broadcast_in_dim3A_258 = vector.broadcast %jit3A_257 : f32 to vector<16xf32>
        %select_n3A_259 = arith.select %gt3A_255, %mul3A_256, %broadcast_in_dim3A_258 : vector<16xi1>, vector<16xf32>
        %add3A_260 = arith.addf %add3A_243, %select_n3A_259 : vector<16xf32>
        %get3A_261 = arith.index_cast %squeeze3A_203 : i32 to index
        %get3A_262 = arith.constant 48 : index
        %get3A_263 = tpu.vector_load %arg8[%get3A_261, %get3A_262] {strides = array<i32>} : memref<100x128xf32, #tpu.memory_space<vmem>>, vector<16xf32>,
        %get3A_264 = arith.index_cast %add3A_207 : i32 to index
        %get3A_265 = arith.constant 48 : index
        %get3A_266 = tpu.vector_load %arg9[%get3A_264, %get3A_265] {strides = array<i32>} : memref<128x128xf32, #tpu.memory_space<vmem>>, vector<16xf32>,
        %get3A_267 = arith.index_cast %add3A_207 : i32 to index
        %get3A_268 = arith.constant 48 : index
        %get3A_269 = tpu.vector_load %arg10[%get3A_267, %get3A_268] {strides = array<i32>} : memref<128x128xf32, #tpu.memory_space<vmem>>, vector<16xf32>,
        %gt3A_270 = arith.constant 0.000000e+00 : f32
        %gt3A_271 = vector.broadcast %gt3A_270 : f32 to vector<16xf32>
        %gt3A_272 = arith.cmpf ogt, %get3A_263, %gt3A_271 : vector<16xf32>
        %mul3A_273 = arith.mulf %get3A_266, %get3A_269 : vector<16xf32>
        %jit3A_274 = arith.constant 0.000000e+00 : f32
        %broadcast_in_dim3A_275 = vector.broadcast %jit3A_274 : f32 to vector<16xf32>
        %select_n3A_276 = arith.select %gt3A_272, %mul3A_273, %broadcast_in_dim3A_275 : vector<16xi1>, vector<16xf32>
        %add3A_277 = arith.addf %add3A_260, %select_n3A_276 : vector<16xf32>
        %reduce_sum3A_278 = arith.constant true
        %reduce_sum3A_279 = vector.broadcast %reduce_sum3A_278 : i1 to vector<16xi1>
        %reduce_sum3A_280 = tpu.scan <sum>, %add3A_277 masked %reduce_sum3A_279 : vector<16xf32>, vector<16xi1> -> vector<16xf32>
        %reduce_sum3A_281 = vector.extract %reduce_sum3A_280[15] : f32 from vector<16xf32>
        %eq3A_282 = arith.constant 2 : i32
        %eq3A_283 = vector.broadcast %eq3A_282 : i32 to vector<16xi32>
        %eq3A_284 = arith.cmpi eq, %iota3A, %eq3A_283 : vector<16xi32>
        %broadcast_in_dim3A_285 = vector.broadcast %reduce_sum3A_281 : f32 to vector<16xf32>
        %select_n3A_286 = arith.select %eq3A_284, %broadcast_in_dim3A_285, %select_n3A_201 : vector<16xi1>, vector<16xf32>
        %slice3A_287 = vector.extract_strided_slice %get3A_37 {offsets = [3], sizes = [1], strides = [1]} : vector<16xi32> to vector<1xi32>
        %squeeze3A_288 = vector.extract %slice3A_287[0] : i32 from vector<1xi32>
        %mul3A_289 = arith.constant 16 : i32
        %mul3A_290 = arith.muli %scan3A_31, %mul3A_289 : i32
        %add3A_291 = arith.constant 3 : i32
        %add3A_292 = arith.addi %mul3A_290, %add3A_291 : i32
        %broadcast_in_dim3A_293 = arith.constant 0.000000e+00 : f32
        %broadcast_in_dim3A_294 = vector.broadcast %broadcast_in_dim3A_293 : f32 to vector<16xf32>
        %get3A_295 = arith.index_cast %squeeze3A_288 : i32 to index
        %get3A_296 = arith.constant 0 : index
        %get3A_297 = tpu.vector_load %arg8[%get3A_295, %get3A_296] {strides = array<i32>} : memref<100x128xf32, #tpu.memory_space<vmem>>, vector<16xf32>,
        %get3A_298 = arith.index_cast %add3A_292 : i32 to index
        %get3A_299 = arith.constant 0 : index
        %get3A_300 = tpu.vector_load %arg9[%get3A_298, %get3A_299] {strides = array<i32>} : memref<128x128xf32, #tpu.memory_space<vmem>>, vector<16xf32>,
        %get3A_301 = arith.index_cast %add3A_292 : i32 to index
        %get3A_302 = arith.constant 0 : index
        %get3A_303 = tpu.vector_load %arg10[%get3A_301, %get3A_302] {strides = array<i32>} : memref<128x128xf32, #tpu.memory_space<vmem>>, vector<16xf32>,
        %gt3A_304 = arith.constant 0.000000e+00 : f32
        %gt3A_305 = vector.broadcast %gt3A_304 : f32 to vector<16xf32>
        %gt3A_306 = arith.cmpf ogt, %get3A_297, %gt3A_305 : vector<16xf32>
        %mul3A_307 = arith.mulf %get3A_300, %get3A_303 : vector<16xf32>
        %jit3A_308 = arith.constant 0.000000e+00 : f32
        %broadcast_in_dim3A_309 = vector.broadcast %jit3A_308 : f32 to vector<16xf32>
        %select_n3A_310 = arith.select %gt3A_306, %mul3A_307, %broadcast_in_dim3A_309 : vector<16xi1>, vector<16xf32>
        %add3A_311 = arith.addf %broadcast_in_dim3A_294, %select_n3A_310 : vector<16xf32>
        %get3A_312 = arith.index_cast %squeeze3A_288 : i32 to index
        %get3A_313 = arith.constant 16 : index
        %get3A_314 = tpu.vector_load %arg8[%get3A_312, %get3A_313] {strides = array<i32>} : memref<100x128xf32, #tpu.memory_space<vmem>>, vector<16xf32>,
        %get3A_315 = arith.index_cast %add3A_292 : i32 to index
        %get3A_316 = arith.constant 16 : index
        %get3A_317 = tpu.vector_load %arg9[%get3A_315, %get3A_316] {strides = array<i32>} : memref<128x128xf32, #tpu.memory_space<vmem>>, vector<16xf32>,
        %get3A_318 = arith.index_cast %add3A_292 : i32 to index
        %get3A_319 = arith.constant 16 : index
        %get3A_320 = tpu.vector_load %arg10[%get3A_318, %get3A_319] {strides = array<i32>} : memref<128x128xf32, #tpu.memory_space<vmem>>, vector<16xf32>,
        %gt3A_321 = arith.constant 0.000000e+00 : f32
        %gt3A_322 = vector.broadcast %gt3A_321 : f32 to vector<16xf32>
        %gt3A_323 = arith.cmpf ogt, %get3A_314, %gt3A_322 : vector<16xf32>
        %mul3A_324 = arith.mulf %get3A_317, %get3A_320 : vector<16xf32>
        %jit3A_325 = arith.constant 0.000000e+00 : f32
        %broadcast_in_dim3A_326 = vector.broadcast %jit3A_325 : f32 to vector<16xf32>
        %select_n3A_327 = arith.select %gt3A_323, %mul3A_324, %broadcast_in_dim3A_326 : vector<16xi1>, vector<16xf32>
        %add3A_328 = arith.addf %add3A_311, %select_n3A_327 : vector<16xf32>
        %get3A_329 = arith.index_cast %squeeze3A_288 : i32 to index
        %get3A_330 = arith.constant 32 : index
        %get3A_331 = tpu.vector_load %arg8[%get3A_329, %get3A_330] {strides = array<i32>} : memref<100x128xf32, #tpu.memory_space<vmem>>, vector<16xf32>,
        %get3A_332 = arith.index_cast %add3A_292 : i32 to index
        %get3A_333 = arith.constant 32 : index
        %get3A_334 = tpu.vector_load %arg9[%get3A_332, %get3A_333] {strides = array<i32>} : memref<128x128xf32, #tpu.memory_space<vmem>>, vector<16xf32>,
        %get3A_335 = arith.index_cast %add3A_292 : i32 to index
        %get3A_336 = arith.constant 32 : index
        %get3A_337 = tpu.vector_load %arg10[%get3A_335, %get3A_336] {strides = array<i32>} : memref<128x128xf32, #tpu.memory_space<vmem>>, vector<16xf32>,
        %gt3A_338 = arith.constant 0.000000e+00 : f32
        %gt3A_339 = vector.broadcast %gt3A_338 : f32 to vector<16xf32>
        %gt3A_340 = arith.cmpf ogt, %get3A_331, %gt3A_339 : vector<16xf32>
        %mul3A_341 = arith.mulf %get3A_334, %get3A_337 : vector<16xf32>
        %jit3A_342 = arith.constant 0.000000e+00 : f32
        %broadcast_in_dim3A_343 = vector.broadcast %jit3A_342 : f32 to vector<16xf32>
        %select_n3A_344 = arith.select %gt3A_340, %mul3A_341, %broadcast_in_dim3A_343 : vector<16xi1>, vector<16xf32>
        %add3A_345 = arith.addf %add3A_328, %select_n3A_344 : vector<16xf32>
        %get3A_346 = arith.index_cast %squeeze3A_288 : i32 to index
        %get3A_347 = arith.constant 48 : index
        %get3A_348 = tpu.vector_load %arg8[%get3A_346, %get3A_347] {strides = array<i32>} : memref<100x128xf32, #tpu.memory_space<vmem>>, vector<16xf32>,
        %get3A_349 = arith.index_cast %add3A_292 : i32 to index
        %get3A_350 = arith.constant 48 : index
        %get3A_351 = tpu.vector_load %arg9[%get3A_349, %get3A_350] {strides = array<i32>} : memref<128x128xf32, #tpu.memory_space<vmem>>, vector<16xf32>,
        %get3A_352 = arith.index_cast %add3A_292 : i32 to index
        %get3A_353 = arith.constant 48 : index
        %get3A_354 = tpu.vector_load %arg10[%get3A_352, %get3A_353] {strides = array<i32>} : memref<128x128xf32, #tpu.memory_space<vmem>>, vector<16xf32>,
        %gt3A_355 = arith.constant 0.000000e+00 : f32
        %gt3A_356 = vector.broadcast %gt3A_355 : f32 to vector<16xf32>
        %gt3A_357 = arith.cmpf ogt, %get3A_348, %gt3A_356 : vector<16xf32>
        %mul3A_358 = arith.mulf %get3A_351, %get3A_354 : vector<16xf32>
        %jit3A_359 = arith.constant 0.000000e+00 : f32
        %broadcast_in_dim3A_360 = vector.broadcast %jit3A_359 : f32 to vector<16xf32>
        %select_n3A_361 = arith.select %gt3A_357, %mul3A_358, %broadcast_in_dim3A_360 : vector<16xi1>, vector<16xf32>
        %add3A_362 = arith.addf %add3A_345, %select_n3A_361 : vector<16xf32>
        %reduce_sum3A_363 = arith.constant true
        %reduce_sum3A_364 = vector.broadcast %reduce_sum3A_363 : i1 to vector<16xi1>
        %reduce_sum3A_365 = tpu.scan <sum>, %add3A_362 masked %reduce_sum3A_364 : vector<16xf32>, vector<16xi1> -> vector<16xf32>
        %reduce_sum3A_366 = vector.extract %reduce_sum3A_365[15] : f32 from vector<16xf32>
        %eq3A_367 = arith.constant 3 : i32
        %eq3A_368 = vector.broadcast %eq3A_367 : i32 to vector<16xi32>
        %eq3A_369 = arith.cmpi eq, %iota3A, %eq3A_368 : vector<16xi32>
        %broadcast_in_dim3A_370 = vector.broadcast %reduce_sum3A_366 : f32 to vector<16xf32>
        %select_n3A_371 = arith.select %eq3A_369, %broadcast_in_dim3A_370, %select_n3A_286 : vector<16xi1>, vector<16xf32>
        %slice3A_372 = vector.extract_strided_slice %get3A_37 {offsets = [4], sizes = [1], strides = [1]} : vector<16xi32> to vector<1xi32>
        %squeeze3A_373 = vector.extract %slice3A_372[0] : i32 from vector<1xi32>
        %mul3A_374 = arith.constant 16 : i32
        %mul3A_375 = arith.muli %scan3A_31, %mul3A_374 : i32
        %add3A_376 = arith.constant 4 : i32
        %add3A_377 = arith.addi %mul3A_375, %add3A_376 : i32
        %broadcast_in_dim3A_378 = arith.constant 0.000000e+00 : f32
        %broadcast_in_dim3A_379 = vector.broadcast %broadcast_in_dim3A_378 : f32 to vector<16xf32>
        %get3A_380 = arith.index_cast %squeeze3A_373 : i32 to index
        %get3A_381 = arith.constant 0 : index
        %get3A_382 = tpu.vector_load %arg8[%get3A_380, %get3A_381] {strides = array<i32>} : memref<100x128xf32, #tpu.memory_space<vmem>>, vector<16xf32>,
        %get3A_383 = arith.index_cast %add3A_377 : i32 to index
        %get3A_384 = arith.constant 0 : index
        %get3A_385 = tpu.vector_load %arg9[%get3A_383, %get3A_384] {strides = array<i32>} : memref<128x128xf32, #tpu.memory_space<vmem>>, vector<16xf32>,
        %get3A_386 = arith.index_cast %add3A_377 : i32 to index
        %get3A_387 = arith.constant 0 : index
        %get3A_388 = tpu.vector_load %arg10[%get3A_386, %get3A_387] {strides = array<i32>} : memref<128x128xf32, #tpu.memory_space<vmem>>, vector<16xf32>,
        %gt3A_389 = arith.constant 0.000000e+00 : f32
        %gt3A_390 = vector.broadcast %gt3A_389 : f32 to vector<16xf32>
        %gt3A_391 = arith.cmpf ogt, %get3A_382, %gt3A_390 : vector<16xf32>
        %mul3A_392 = arith.mulf %get3A_385, %get3A_388 : vector<16xf32>
        %jit3A_393 = arith.constant 0.000000e+00 : f32
        %broadcast_in_dim3A_394 = vector.broadcast %jit3A_393 : f32 to vector<16xf32>
        %select_n3A_395 = arith.select %gt3A_391, %mul3A_392, %broadcast_in_dim3A_394 : vector<16xi1>, vector<16xf32>
        %add3A_396 = arith.addf %broadcast_in_dim3A_379, %select_n3A_395 : vector<16xf32>
        %get3A_397 = arith.index_cast %squeeze3A_373 : i32 to index
        %get3A_398 = arith.constant 16 : index
        %get3A_399 = tpu.vector_load %arg8[%get3A_397, %get3A_398] {strides = array<i32>} : memref<100x128xf32, #tpu.memory_space<vmem>>, vector<16xf32>,
        %get3A_400 = arith.index_cast %add3A_377 : i32 to index
        %get3A_401 = arith.constant 16 : index
        %get3A_402 = tpu.vector_load %arg9[%get3A_400, %get3A_401] {strides = array<i32>} : memref<128x128xf32, #tpu.memory_space<vmem>>, vector<16xf32>,
        %get3A_403 = arith.index_cast %add3A_377 : i32 to index
        %get3A_404 = arith.constant 16 : index
        %get3A_405 = tpu.vector_load %arg10[%get3A_403, %get3A_404] {strides = array<i32>} : memref<128x128xf32, #tpu.memory_space<vmem>>, vector<16xf32>,
        %gt3A_406 = arith.constant 0.000000e+00 : f32
        %gt3A_407 = vector.broadcast %gt3A_406 : f32 to vector<16xf32>
        %gt3A_408 = arith.cmpf ogt, %get3A_399, %gt3A_407 : vector<16xf32>
        %mul3A_409 = arith.mulf %get3A_402, %get3A_405 : vector<16xf32>
        %jit3A_410 = arith.constant 0.000000e+00 : f32
        %broadcast_in_dim3A_411 = vector.broadcast %jit3A_410 : f32 to vector<16xf32>
        %select_n3A_412 = arith.select %gt3A_408, %mul3A_409, %broadcast_in_dim3A_411 : vector<16xi1>, vector<16xf32>
        %add3A_413 = arith.addf %add3A_396, %select_n3A_412 : vector<16xf32>
        %get3A_414 = arith.index_cast %squeeze3A_373 : i32 to index
        %get3A_415 = arith.constant 32 : index
        %get3A_416 = tpu.vector_load %arg8[%get3A_414, %get3A_415] {strides = array<i32>} : memref<100x128xf32, #tpu.memory_space<vmem>>, vector<16xf32>,
        %get3A_417 = arith.index_cast %add3A_377 : i32 to index
        %get3A_418 = arith.constant 32 : index
        %get3A_419 = tpu.vector_load %arg9[%get3A_417, %get3A_418] {strides = array<i32>} : memref<128x128xf32, #tpu.memory_space<vmem>>, vector<16xf32>,
        %get3A_420 = arith.index_cast %add3A_377 : i32 to index
        %get3A_421 = arith.constant 32 : index
        %get3A_422 = tpu.vector_load %arg10[%get3A_420, %get3A_421] {strides = array<i32>} : memref<128x128xf32, #tpu.memory_space<vmem>>, vector<16xf32>,
        %gt3A_423 = arith.constant 0.000000e+00 : f32
        %gt3A_424 = vector.broadcast %gt3A_423 : f32 to vector<16xf32>
        %gt3A_425 = arith.cmpf ogt, %get3A_416, %gt3A_424 : vector<16xf32>
        %mul3A_426 = arith.mulf %get3A_419, %get3A_422 : vector<16xf32>
        %jit3A_427 = arith.constant 0.000000e+00 : f32
        %broadcast_in_dim3A_428 = vector.broadcast %jit3A_427 : f32 to vector<16xf32>
        %select_n3A_429 = arith.select %gt3A_425, %mul3A_426, %broadcast_in_dim3A_428 : vector<16xi1>, vector<16xf32>
        %add3A_430 = arith.addf %add3A_413, %select_n3A_429 : vector<16xf32>
        %get3A_431 = arith.index_cast %squeeze3A_373 : i32 to index
        %get3A_432 = arith.constant 48 : index
        %get3A_433 = tpu.vector_load %arg8[%get3A_431, %get3A_432] {strides = array<i32>} : memref<100x128xf32, #tpu.memory_space<vmem>>, vector<16xf32>,
        %get3A_434 = arith.index_cast %add3A_377 : i32 to index
        %get3A_435 = arith.constant 48 : index
        %get3A_436 = tpu.vector_load %arg9[%get3A_434, %get3A_435] {strides = array<i32>} : memref<128x128xf32, #tpu.memory_space<vmem>>, vector<16xf32>,
        %get3A_437 = arith.index_cast %add3A_377 : i32 to index
        %get3A_438 = arith.constant 48 : index
        %get3A_439 = tpu.vector_load %arg10[%get3A_437, %get3A_438] {strides = array<i32>} : memref<128x128xf32, #tpu.memory_space<vmem>>, vector<16xf32>,
        %gt3A_440 = arith.constant 0.000000e+00 : f32
        %gt3A_441 = vector.broadcast %gt3A_440 : f32 to vector<16xf32>
        %gt3A_442 = arith.cmpf ogt, %get3A_433, %gt3A_441 : vector<16xf32>
        %mul3A_443 = arith.mulf %get3A_436, %get3A_439 : vector<16xf32>
        %jit3A_444 = arith.constant 0.000000e+00 : f32
        %broadcast_in_dim3A_445 = vector.broadcast %jit3A_444 : f32 to vector<16xf32>
        %select_n3A_446 = arith.select %gt3A_442, %mul3A_443, %broadcast_in_dim3A_445 : vector<16xi1>, vector<16xf32>
        %add3A_447 = arith.addf %add3A_430, %select_n3A_446 : vector<16xf32>
        %reduce_sum3A_448 = arith.constant true
        %reduce_sum3A_449 = vector.broadcast %reduce_sum3A_448 : i1 to vector<16xi1>
        %reduce_sum3A_450 = tpu.scan <sum>, %add3A_447 masked %reduce_sum3A_449 : vector<16xf32>, vector<16xi1> -> vector<16xf32>
        %reduce_sum3A_451 = vector.extract %reduce_sum3A_450[15] : f32 from vector<16xf32>
        %eq3A_452 = arith.constant 4 : i32
        %eq3A_453 = vector.broadcast %eq3A_452 : i32 to vector<16xi32>
        %eq3A_454 = arith.cmpi eq, %iota3A, %eq3A_453 : vector<16xi32>
        %broadcast_in_dim3A_455 = vector.broadcast %reduce_sum3A_451 : f32 to vector<16xf32>
        %select_n3A_456 = arith.select %eq3A_454, %broadcast_in_dim3A_455, %select_n3A_371 : vector<16xi1>, vector<16xf32>
        %slice3A_457 = vector.extract_strided_slice %get3A_37 {offsets = [5], sizes = [1], strides = [1]} : vector<16xi32> to vector<1xi32>
        %squeeze3A_458 = vector.extract %slice3A_457[0] : i32 from vector<1xi32>
        %mul3A_459 = arith.constant 16 : i32
        %mul3A_460 = arith.muli %scan3A_31, %mul3A_459 : i32
        %add3A_461 = arith.constant 5 : i32
        %add3A_462 = arith.addi %mul3A_460, %add3A_461 : i32
        %broadcast_in_dim3A_463 = arith.constant 0.000000e+00 : f32
        %broadcast_in_dim3A_464 = vector.broadcast %broadcast_in_dim3A_463 : f32 to vector<16xf32>
        %get3A_465 = arith.index_cast %squeeze3A_458 : i32 to index
        %get3A_466 = arith.constant 0 : index
        %get3A_467 = tpu.vector_load %arg8[%get3A_465, %get3A_466] {strides = array<i32>} : memref<100x128xf32, #tpu.memory_space<vmem>>, vector<16xf32>,
        %get3A_468 = arith.index_cast %add3A_462 : i32 to index
        %get3A_469 = arith.constant 0 : index
        %get3A_470 = tpu.vector_load %arg9[%get3A_468, %get3A_469] {strides = array<i32>} : memref<128x128xf32, #tpu.memory_space<vmem>>, vector<16xf32>,
        %get3A_471 = arith.index_cast %add3A_462 : i32 to index
        %get3A_472 = arith.constant 0 : index
        %get3A_473 = tpu.vector_load %arg10[%get3A_471, %get3A_472] {strides = array<i32>} : memref<128x128xf32, #tpu.memory_space<vmem>>, vector<16xf32>,
        %gt3A_474 = arith.constant 0.000000e+00 : f32
        %gt3A_475 = vector.broadcast %gt3A_474 : f32 to vector<16xf32>
        %gt3A_476 = arith.cmpf ogt, %get3A_467, %gt3A_475 : vector<16xf32>
        %mul3A_477 = arith.mulf %get3A_470, %get3A_473 : vector<16xf32>
        %jit3A_478 = arith.constant 0.000000e+00 : f32
        %broadcast_in_dim3A_479 = vector.broadcast %jit3A_478 : f32 to vector<16xf32>
        %select_n3A_480 = arith.select %gt3A_476, %mul3A_477, %broadcast_in_dim3A_479 : vector<16xi1>, vector<16xf32>
        %add3A_481 = arith.addf %broadcast_in_dim3A_464, %select_n3A_480 : vector<16xf32>
        %get3A_482 = arith.index_cast %squeeze3A_458 : i32 to index
        %get3A_483 = arith.constant 16 : index
        %get3A_484 = tpu.vector_load %arg8[%get3A_482, %get3A_483] {strides = array<i32>} : memref<100x128xf32, #tpu.memory_space<vmem>>, vector<16xf32>,
        %get3A_485 = arith.index_cast %add3A_462 : i32 to index
        %get3A_486 = arith.constant 16 : index
        %get3A_487 = tpu.vector_load %arg9[%get3A_485, %get3A_486] {strides = array<i32>} : memref<128x128xf32, #tpu.memory_space<vmem>>, vector<16xf32>,
        %get3A_488 = arith.index_cast %add3A_462 : i32 to index
        %get3A_489 = arith.constant 16 : index
        %get3A_490 = tpu.vector_load %arg10[%get3A_488, %get3A_489] {strides = array<i32>} : memref<128x128xf32, #tpu.memory_space<vmem>>, vector<16xf32>,
        %gt3A_491 = arith.constant 0.000000e+00 : f32
        %gt3A_492 = vector.broadcast %gt3A_491 : f32 to vector<16xf32>
        %gt3A_493 = arith.cmpf ogt, %get3A_484, %gt3A_492 : vector<16xf32>
        %mul3A_494 = arith.mulf %get3A_487, %get3A_490 : vector<16xf32>
        %jit3A_495 = arith.constant 0.000000e+00 : f32
        %broadcast_in_dim3A_496 = vector.broadcast %jit3A_495 : f32 to vector<16xf32>
        %select_n3A_497 = arith.select %gt3A_493, %mul3A_494, %broadcast_in_dim3A_496 : vector<16xi1>, vector<16xf32>
        %add3A_498 = arith.addf %add3A_481, %select_n3A_497 : vector<16xf32>
        %get3A_499 = arith.index_cast %squeeze3A_458 : i32 to index
        %get3A_500 = arith.constant 32 : index
        %get3A_501 = tpu.vector_load %arg8[%get3A_499, %get3A_500] {strides = array<i32>} : memref<100x128xf32, #tpu.memory_space<vmem>>, vector<16xf32>,
        %get3A_502 = arith.index_cast %add3A_462 : i32 to index
        %get3A_503 = arith.constant 32 : index
        %get3A_504 = tpu.vector_load %arg9[%get3A_502, %get3A_503] {strides = array<i32>} : memref<128x128xf32, #tpu.memory_space<vmem>>, vector<16xf32>,
        %get3A_505 = arith.index_cast %add3A_462 : i32 to index
        %get3A_506 = arith.constant 32 : index
        %get3A_507 = tpu.vector_load %arg10[%get3A_505, %get3A_506] {strides = array<i32>} : memref<128x128xf32, #tpu.memory_space<vmem>>, vector<16xf32>,
        %gt3A_508 = arith.constant 0.000000e+00 : f32
        %gt3A_509 = vector.broadcast %gt3A_508 : f32 to vector<16xf32>
        %gt3A_510 = arith.cmpf ogt, %get3A_501, %gt3A_509 : vector<16xf32>
        %mul3A_511 = arith.mulf %get3A_504, %get3A_507 : vector<16xf32>
        %jit3A_512 = arith.constant 0.000000e+00 : f32
        %broadcast_in_dim3A_513 = vector.broadcast %jit3A_512 : f32 to vector<16xf32>
        %select_n3A_514 = arith.select %gt3A_510, %mul3A_511, %broadcast_in_dim3A_513 : vector<16xi1>, vector<16xf32>
        %add3A_515 = arith.addf %add3A_498, %select_n3A_514 : vector<16xf32>
        %get3A_516 = arith.index_cast %squeeze3A_458 : i32 to index
        %get3A_517 = arith.constant 48 : index
        %get3A_518 = tpu.vector_load %arg8[%get3A_516, %get3A_517] {strides = array<i32>} : memref<100x128xf32, #tpu.memory_space<vmem>>, vector<16xf32>,
        %get3A_519 = arith.index_cast %add3A_462 : i32 to index
        %get3A_520 = arith.constant 48 : index
        %get3A_521 = tpu.vector_load %arg9[%get3A_519, %get3A_520] {strides = array<i32>} : memref<128x128xf32, #tpu.memory_space<vmem>>, vector<16xf32>,
        %get3A_522 = arith.index_cast %add3A_462 : i32 to index
        %get3A_523 = arith.constant 48 : index
        %get3A_524 = tpu.vector_load %arg10[%get3A_522, %get3A_523] {strides = array<i32>} : memref<128x128xf32, #tpu.memory_space<vmem>>, vector<16xf32>,
        %gt3A_525 = arith.constant 0.000000e+00 : f32
        %gt3A_526 = vector.broadcast %gt3A_525 : f32 to vector<16xf32>
        %gt3A_527 = arith.cmpf ogt, %get3A_518, %gt3A_526 : vector<16xf32>
        %mul3A_528 = arith.mulf %get3A_521, %get3A_524 : vector<16xf32>
        %jit3A_529 = arith.constant 0.000000e+00 : f32
        %broadcast_in_dim3A_530 = vector.broadcast %jit3A_529 : f32 to vector<16xf32>
        %select_n3A_531 = arith.select %gt3A_527, %mul3A_528, %broadcast_in_dim3A_530 : vector<16xi1>, vector<16xf32>
        %add3A_532 = arith.addf %add3A_515, %select_n3A_531 : vector<16xf32>
        %reduce_sum3A_533 = arith.constant true
        %reduce_sum3A_534 = vector.broadcast %reduce_sum3A_533 : i1 to vector<16xi1>
        %reduce_sum3A_535 = tpu.scan <sum>, %add3A_532 masked %reduce_sum3A_534 : vector<16xf32>, vector<16xi1> -> vector<16xf32>
        %reduce_sum3A_536 = vector.extract %reduce_sum3A_535[15] : f32 from vector<16xf32>
        %eq3A_537 = arith.constant 5 : i32
        %eq3A_538 = vector.broadcast %eq3A_537 : i32 to vector<16xi32>
        %eq3A_539 = arith.cmpi eq, %iota3A, %eq3A_538 : vector<16xi32>
        %broadcast_in_dim3A_540 = vector.broadcast %reduce_sum3A_536 : f32 to vector<16xf32>
        %select_n3A_541 = arith.select %eq3A_539, %broadcast_in_dim3A_540, %select_n3A_456 : vector<16xi1>, vector<16xf32>
        %slice3A_542 = vector.extract_strided_slice %get3A_37 {offsets = [6], sizes = [1], strides = [1]} : vector<16xi32> to vector<1xi32>
        %squeeze3A_543 = vector.extract %slice3A_542[0] : i32 from vector<1xi32>
        %mul3A_544 = arith.constant 16 : i32
        %mul3A_545 = arith.muli %scan3A_31, %mul3A_544 : i32
        %add3A_546 = arith.constant 6 : i32
        %add3A_547 = arith.addi %mul3A_545, %add3A_546 : i32
        %broadcast_in_dim3A_548 = arith.constant 0.000000e+00 : f32
        %broadcast_in_dim3A_549 = vector.broadcast %broadcast_in_dim3A_548 : f32 to vector<16xf32>
        %get3A_550 = arith.index_cast %squeeze3A_543 : i32 to index
        %get3A_551 = arith.constant 0 : index
        %get3A_552 = tpu.vector_load %arg8[%get3A_550, %get3A_551] {strides = array<i32>} : memref<100x128xf32, #tpu.memory_space<vmem>>, vector<16xf32>,
        %get3A_553 = arith.index_cast %add3A_547 : i32 to index
        %get3A_554 = arith.constant 0 : index
        %get3A_555 = tpu.vector_load %arg9[%get3A_553, %get3A_554] {strides = array<i32>} : memref<128x128xf32, #tpu.memory_space<vmem>>, vector<16xf32>,
        %get3A_556 = arith.index_cast %add3A_547 : i32 to index
        %get3A_557 = arith.constant 0 : index
        %get3A_558 = tpu.vector_load %arg10[%get3A_556, %get3A_557] {strides = array<i32>} : memref<128x128xf32, #tpu.memory_space<vmem>>, vector<16xf32>,
        %gt3A_559 = arith.constant 0.000000e+00 : f32
        %gt3A_560 = vector.broadcast %gt3A_559 : f32 to vector<16xf32>
        %gt3A_561 = arith.cmpf ogt, %get3A_552, %gt3A_560 : vector<16xf32>
        %mul3A_562 = arith.mulf %get3A_555, %get3A_558 : vector<16xf32>
        %jit3A_563 = arith.constant 0.000000e+00 : f32
        %broadcast_in_dim3A_564 = vector.broadcast %jit3A_563 : f32 to vector<16xf32>
        %select_n3A_565 = arith.select %gt3A_561, %mul3A_562, %broadcast_in_dim3A_564 : vector<16xi1>, vector<16xf32>
        %add3A_566 = arith.addf %broadcast_in_dim3A_549, %select_n3A_565 : vector<16xf32>
        %get3A_567 = arith.index_cast %squeeze3A_543 : i32 to index
        %get3A_568 = arith.constant 16 : index
        %get3A_569 = tpu.vector_load %arg8[%get3A_567, %get3A_568] {strides = array<i32>} : memref<100x128xf32, #tpu.memory_space<vmem>>, vector<16xf32>,
        %get3A_570 = arith.index_cast %add3A_547 : i32 to index
        %get3A_571 = arith.constant 16 : index
        %get3A_572 = tpu.vector_load %arg9[%get3A_570, %get3A_571] {strides = array<i32>} : memref<128x128xf32, #tpu.memory_space<vmem>>, vector<16xf32>,
        %get3A_573 = arith.index_cast %add3A_547 : i32 to index
        %get3A_574 = arith.constant 16 : index
        %get3A_575 = tpu.vector_load %arg10[%get3A_573, %get3A_574] {strides = array<i32>} : memref<128x128xf32, #tpu.memory_space<vmem>>, vector<16xf32>,
        %gt3A_576 = arith.constant 0.000000e+00 : f32
        %gt3A_577 = vector.broadcast %gt3A_576 : f32 to vector<16xf32>
        %gt3A_578 = arith.cmpf ogt, %get3A_569, %gt3A_577 : vector<16xf32>
        %mul3A_579 = arith.mulf %get3A_572, %get3A_575 : vector<16xf32>
        %jit3A_580 = arith.constant 0.000000e+00 : f32
        %broadcast_in_dim3A_581 = vector.broadcast %jit3A_580 : f32 to vector<16xf32>
        %select_n3A_582 = arith.select %gt3A_578, %mul3A_579, %broadcast_in_dim3A_581 : vector<16xi1>, vector<16xf32>
        %add3A_583 = arith.addf %add3A_566, %select_n3A_582 : vector<16xf32>
        %get3A_584 = arith.index_cast %squeeze3A_543 : i32 to index
        %get3A_585 = arith.constant 32 : index
        %get3A_586 = tpu.vector_load %arg8[%get3A_584, %get3A_585] {strides = array<i32>} : memref<100x128xf32, #tpu.memory_space<vmem>>, vector<16xf32>,
        %get3A_587 = arith.index_cast %add3A_547 : i32 to index
        %get3A_588 = arith.constant 32 : index
        %get3A_589 = tpu.vector_load %arg9[%get3A_587, %get3A_588] {strides = array<i32>} : memref<128x128xf32, #tpu.memory_space<vmem>>, vector<16xf32>,
        %get3A_590 = arith.index_cast %add3A_547 : i32 to index
        %get3A_591 = arith.constant 32 : index
        %get3A_592 = tpu.vector_load %arg10[%get3A_590, %get3A_591] {strides = array<i32>} : memref<128x128xf32, #tpu.memory_space<vmem>>, vector<16xf32>,
        %gt3A_593 = arith.constant 0.000000e+00 : f32
        %gt3A_594 = vector.broadcast %gt3A_593 : f32 to vector<16xf32>
        %gt3A_595 = arith.cmpf ogt, %get3A_586, %gt3A_594 : vector<16xf32>
        %mul3A_596 = arith.mulf %get3A_589, %get3A_592 : vector<16xf32>
        %jit3A_597 = arith.constant 0.000000e+00 : f32
        %broadcast_in_dim3A_598 = vector.broadcast %jit3A_597 : f32 to vector<16xf32>
        %select_n3A_599 = arith.select %gt3A_595, %mul3A_596, %broadcast_in_dim3A_598 : vector<16xi1>, vector<16xf32>
        %add3A_600 = arith.addf %add3A_583, %select_n3A_599 : vector<16xf32>
        %get3A_601 = arith.index_cast %squeeze3A_543 : i32 to index
        %get3A_602 = arith.constant 48 : index
        %get3A_603 = tpu.vector_load %arg8[%get3A_601, %get3A_602] {strides = array<i32>} : memref<100x128xf32, #tpu.memory_space<vmem>>, vector<16xf32>,
        %get3A_604 = arith.index_cast %add3A_547 : i32 to index
        %get3A_605 = arith.constant 48 : index
        %get3A_606 = tpu.vector_load %arg9[%get3A_604, %get3A_605] {strides = array<i32>} : memref<128x128xf32, #tpu.memory_space<vmem>>, vector<16xf32>,
        %get3A_607 = arith.index_cast %add3A_547 : i32 to index
        %get3A_608 = arith.constant 48 : index
        %get3A_609 = tpu.vector_load %arg10[%get3A_607, %get3A_608] {strides = array<i32>} : memref<128x128xf32, #tpu.memory_space<vmem>>, vector<16xf32>,
        %gt3A_610 = arith.constant 0.000000e+00 : f32
        %gt3A_611 = vector.broadcast %gt3A_610 : f32 to vector<16xf32>
        %gt3A_612 = arith.cmpf ogt, %get3A_603, %gt3A_611 : vector<16xf32>
        %mul3A_613 = arith.mulf %get3A_606, %get3A_609 : vector<16xf32>
        %jit3A_614 = arith.constant 0.000000e+00 : f32
        %broadcast_in_dim3A_615 = vector.broadcast %jit3A_614 : f32 to vector<16xf32>
        %select_n3A_616 = arith.select %gt3A_612, %mul3A_613, %broadcast_in_dim3A_615 : vector<16xi1>, vector<16xf32>
        %add3A_617 = arith.addf %add3A_600, %select_n3A_616 : vector<16xf32>
        %reduce_sum3A_618 = arith.constant true
        %reduce_sum3A_619 = vector.broadcast %reduce_sum3A_618 : i1 to vector<16xi1>
        %reduce_sum3A_620 = tpu.scan <sum>, %add3A_617 masked %reduce_sum3A_619 : vector<16xf32>, vector<16xi1> -> vector<16xf32>
        %reduce_sum3A_621 = vector.extract %reduce_sum3A_620[15] : f32 from vector<16xf32>
        %eq3A_622 = arith.constant 6 : i32
        %eq3A_623 = vector.broadcast %eq3A_622 : i32 to vector<16xi32>
        %eq3A_624 = arith.cmpi eq, %iota3A, %eq3A_623 : vector<16xi32>
        %broadcast_in_dim3A_625 = vector.broadcast %reduce_sum3A_621 : f32 to vector<16xf32>
        %select_n3A_626 = arith.select %eq3A_624, %broadcast_in_dim3A_625, %select_n3A_541 : vector<16xi1>, vector<16xf32>
        %slice3A_627 = vector.extract_strided_slice %get3A_37 {offsets = [7], sizes = [1], strides = [1]} : vector<16xi32> to vector<1xi32>
        %squeeze3A_628 = vector.extract %slice3A_627[0] : i32 from vector<1xi32>
        %mul3A_629 = arith.constant 16 : i32
        %mul3A_630 = arith.muli %scan3A_31, %mul3A_629 : i32
        %add3A_631 = arith.constant 7 : i32
        %add3A_632 = arith.addi %mul3A_630, %add3A_631 : i32
        %broadcast_in_dim3A_633 = arith.constant 0.000000e+00 : f32
        %broadcast_in_dim3A_634 = vector.broadcast %broadcast_in_dim3A_633 : f32 to vector<16xf32>
        %get3A_635 = arith.index_cast %squeeze3A_628 : i32 to index
        %get3A_636 = arith.constant 0 : index
        %get3A_637 = tpu.vector_load %arg8[%get3A_635, %get3A_636] {strides = array<i32>} : memref<100x128xf32, #tpu.memory_space<vmem>>, vector<16xf32>,
        %get3A_638 = arith.index_cast %add3A_632 : i32 to index
        %get3A_639 = arith.constant 0 : index
        %get3A_640 = tpu.vector_load %arg9[%get3A_638, %get3A_639] {strides = array<i32>} : memref<128x128xf32, #tpu.memory_space<vmem>>, vector<16xf32>,
        %get3A_641 = arith.index_cast %add3A_632 : i32 to index
        %get3A_642 = arith.constant 0 : index
        %get3A_643 = tpu.vector_load %arg10[%get3A_641, %get3A_642] {strides = array<i32>} : memref<128x128xf32, #tpu.memory_space<vmem>>, vector<16xf32>,
        %gt3A_644 = arith.constant 0.000000e+00 : f32
        %gt3A_645 = vector.broadcast %gt3A_644 : f32 to vector<16xf32>
        %gt3A_646 = arith.cmpf ogt, %get3A_637, %gt3A_645 : vector<16xf32>
        %mul3A_647 = arith.mulf %get3A_640, %get3A_643 : vector<16xf32>
        %jit3A_648 = arith.constant 0.000000e+00 : f32
        %broadcast_in_dim3A_649 = vector.broadcast %jit3A_648 : f32 to vector<16xf32>
        %select_n3A_650 = arith.select %gt3A_646, %mul3A_647, %broadcast_in_dim3A_649 : vector<16xi1>, vector<16xf32>
        %add3A_651 = arith.addf %broadcast_in_dim3A_634, %select_n3A_650 : vector<16xf32>
        %get3A_652 = arith.index_cast %squeeze3A_628 : i32 to index
        %get3A_653 = arith.constant 16 : index
        %get3A_654 = tpu.vector_load %arg8[%get3A_652, %get3A_653] {strides = array<i32>} : memref<100x128xf32, #tpu.memory_space<vmem>>, vector<16xf32>,
        %get3A_655 = arith.index_cast %add3A_632 : i32 to index
        %get3A_656 = arith.constant 16 : index
        %get3A_657 = tpu.vector_load %arg9[%get3A_655, %get3A_656] {strides = array<i32>} : memref<128x128xf32, #tpu.memory_space<vmem>>, vector<16xf32>,
        %get3A_658 = arith.index_cast %add3A_632 : i32 to index
        %get3A_659 = arith.constant 16 : index
        %get3A_660 = tpu.vector_load %arg10[%get3A_658, %get3A_659] {strides = array<i32>} : memref<128x128xf32, #tpu.memory_space<vmem>>, vector<16xf32>,
        %gt3A_661 = arith.constant 0.000000e+00 : f32
        %gt3A_662 = vector.broadcast %gt3A_661 : f32 to vector<16xf32>
        %gt3A_663 = arith.cmpf ogt, %get3A_654, %gt3A_662 : vector<16xf32>
        %mul3A_664 = arith.mulf %get3A_657, %get3A_660 : vector<16xf32>
        %jit3A_665 = arith.constant 0.000000e+00 : f32
        %broadcast_in_dim3A_666 = vector.broadcast %jit3A_665 : f32 to vector<16xf32>
        %select_n3A_667 = arith.select %gt3A_663, %mul3A_664, %broadcast_in_dim3A_666 : vector<16xi1>, vector<16xf32>
        %add3A_668 = arith.addf %add3A_651, %select_n3A_667 : vector<16xf32>
        %get3A_669 = arith.index_cast %squeeze3A_628 : i32 to index
        %get3A_670 = arith.constant 32 : index
        %get3A_671 = tpu.vector_load %arg8[%get3A_669, %get3A_670] {strides = array<i32>} : memref<100x128xf32, #tpu.memory_space<vmem>>, vector<16xf32>,
        %get3A_672 = arith.index_cast %add3A_632 : i32 to index
        %get3A_673 = arith.constant 32 : index
        %get3A_674 = tpu.vector_load %arg9[%get3A_672, %get3A_673] {strides = array<i32>} : memref<128x128xf32, #tpu.memory_space<vmem>>, vector<16xf32>,
        %get3A_675 = arith.index_cast %add3A_632 : i32 to index
        %get3A_676 = arith.constant 32 : index
        %get3A_677 = tpu.vector_load %arg10[%get3A_675, %get3A_676] {strides = array<i32>} : memref<128x128xf32, #tpu.memory_space<vmem>>, vector<16xf32>,
        %gt3A_678 = arith.constant 0.000000e+00 : f32
        %gt3A_679 = vector.broadcast %gt3A_678 : f32 to vector<16xf32>
        %gt3A_680 = arith.cmpf ogt, %get3A_671, %gt3A_679 : vector<16xf32>
        %mul3A_681 = arith.mulf %get3A_674, %get3A_677 : vector<16xf32>
        %jit3A_682 = arith.constant 0.000000e+00 : f32
        %broadcast_in_dim3A_683 = vector.broadcast %jit3A_682 : f32 to vector<16xf32>
        %select_n3A_684 = arith.select %gt3A_680, %mul3A_681, %broadcast_in_dim3A_683 : vector<16xi1>, vector<16xf32>
        %add3A_685 = arith.addf %add3A_668, %select_n3A_684 : vector<16xf32>
        %get3A_686 = arith.index_cast %squeeze3A_628 : i32 to index
        %get3A_687 = arith.constant 48 : index
        %get3A_688 = tpu.vector_load %arg8[%get3A_686, %get3A_687] {strides = array<i32>} : memref<100x128xf32, #tpu.memory_space<vmem>>, vector<16xf32>,
        %get3A_689 = arith.index_cast %add3A_632 : i32 to index
        %get3A_690 = arith.constant 48 : index
        %get3A_691 = tpu.vector_load %arg9[%get3A_689, %get3A_690] {strides = array<i32>} : memref<128x128xf32, #tpu.memory_space<vmem>>, vector<16xf32>,
        %get3A_692 = arith.index_cast %add3A_632 : i32 to index
        %get3A_693 = arith.constant 48 : index
        %get3A_694 = tpu.vector_load %arg10[%get3A_692, %get3A_693] {strides = array<i32>} : memref<128x128xf32, #tpu.memory_space<vmem>>, vector<16xf32>,
        %gt3A_695 = arith.constant 0.000000e+00 : f32
        %gt3A_696 = vector.broadcast %gt3A_695 : f32 to vector<16xf32>
        %gt3A_697 = arith.cmpf ogt, %get3A_688, %gt3A_696 : vector<16xf32>
        %mul3A_698 = arith.mulf %get3A_691, %get3A_694 : vector<16xf32>
        %jit3A_699 = arith.constant 0.000000e+00 : f32
        %broadcast_in_dim3A_700 = vector.broadcast %jit3A_699 : f32 to vector<16xf32>
        %select_n3A_701 = arith.select %gt3A_697, %mul3A_698, %broadcast_in_dim3A_700 : vector<16xi1>, vector<16xf32>
        %add3A_702 = arith.addf %add3A_685, %select_n3A_701 : vector<16xf32>
        %reduce_sum3A_703 = arith.constant true
        %reduce_sum3A_704 = vector.broadcast %reduce_sum3A_703 : i1 to vector<16xi1>
        %reduce_sum3A_705 = tpu.scan <sum>, %add3A_702 masked %reduce_sum3A_704 : vector<16xf32>, vector<16xi1> -> vector<16xf32>
        %reduce_sum3A_706 = vector.extract %reduce_sum3A_705[15] : f32 from vector<16xf32>
        %eq3A_707 = arith.constant 7 : i32
        %eq3A_708 = vector.broadcast %eq3A_707 : i32 to vector<16xi32>
        %eq3A_709 = arith.cmpi eq, %iota3A, %eq3A_708 : vector<16xi32>
        %broadcast_in_dim3A_710 = vector.broadcast %reduce_sum3A_706 : f32 to vector<16xf32>
        %select_n3A_711 = arith.select %eq3A_709, %broadcast_in_dim3A_710, %select_n3A_626 : vector<16xi1>, vector<16xf32>
        %slice3A_712 = vector.extract_strided_slice %get3A_37 {offsets = [8], sizes = [1], strides = [1]} : vector<16xi32> to vector<1xi32>
        %squeeze3A_713 = vector.extract %slice3A_712[0] : i32 from vector<1xi32>
        %mul3A_714 = arith.constant 16 : i32
        %mul3A_715 = arith.muli %scan3A_31, %mul3A_714 : i32
        %add3A_716 = arith.constant 8 : i32
        %add3A_717 = arith.addi %mul3A_715, %add3A_716 : i32
        %broadcast_in_dim3A_718 = arith.constant 0.000000e+00 : f32
        %broadcast_in_dim3A_719 = vector.broadcast %broadcast_in_dim3A_718 : f32 to vector<16xf32>
        %get3A_720 = arith.index_cast %squeeze3A_713 : i32 to index
        %get3A_721 = arith.constant 0 : index
        %get3A_722 = tpu.vector_load %arg8[%get3A_720, %get3A_721] {strides = array<i32>} : memref<100x128xf32, #tpu.memory_space<vmem>>, vector<16xf32>,
        %get3A_723 = arith.index_cast %add3A_717 : i32 to index
        %get3A_724 = arith.constant 0 : index
        %get3A_725 = tpu.vector_load %arg9[%get3A_723, %get3A_724] {strides = array<i32>} : memref<128x128xf32, #tpu.memory_space<vmem>>, vector<16xf32>,
        %get3A_726 = arith.index_cast %add3A_717 : i32 to index
        %get3A_727 = arith.constant 0 : index
        %get3A_728 = tpu.vector_load %arg10[%get3A_726, %get3A_727] {strides = array<i32>} : memref<128x128xf32, #tpu.memory_space<vmem>>, vector<16xf32>,
        %gt3A_729 = arith.constant 0.000000e+00 : f32
        %gt3A_730 = vector.broadcast %gt3A_729 : f32 to vector<16xf32>
        %gt3A_731 = arith.cmpf ogt, %get3A_722, %gt3A_730 : vector<16xf32>
        %mul3A_732 = arith.mulf %get3A_725, %get3A_728 : vector<16xf32>
        %jit3A_733 = arith.constant 0.000000e+00 : f32
        %broadcast_in_dim3A_734 = vector.broadcast %jit3A_733 : f32 to vector<16xf32>
        %select_n3A_735 = arith.select %gt3A_731, %mul3A_732, %broadcast_in_dim3A_734 : vector<16xi1>, vector<16xf32>
        %add3A_736 = arith.addf %broadcast_in_dim3A_719, %select_n3A_735 : vector<16xf32>
        %get3A_737 = arith.index_cast %squeeze3A_713 : i32 to index
        %get3A_738 = arith.constant 16 : index
        %get3A_739 = tpu.vector_load %arg8[%get3A_737, %get3A_738] {strides = array<i32>} : memref<100x128xf32, #tpu.memory_space<vmem>>, vector<16xf32>,
        %get3A_740 = arith.index_cast %add3A_717 : i32 to index
        %get3A_741 = arith.constant 16 : index
        %get3A_742 = tpu.vector_load %arg9[%get3A_740, %get3A_741] {strides = array<i32>} : memref<128x128xf32, #tpu.memory_space<vmem>>, vector<16xf32>,
        %get3A_743 = arith.index_cast %add3A_717 : i32 to index
        %get3A_744 = arith.constant 16 : index
        %get3A_745 = tpu.vector_load %arg10[%get3A_743, %get3A_744] {strides = array<i32>} : memref<128x128xf32, #tpu.memory_space<vmem>>, vector<16xf32>,
        %gt3A_746 = arith.constant 0.000000e+00 : f32
        %gt3A_747 = vector.broadcast %gt3A_746 : f32 to vector<16xf32>
        %gt3A_748 = arith.cmpf ogt, %get3A_739, %gt3A_747 : vector<16xf32>
        %mul3A_749 = arith.mulf %get3A_742, %get3A_745 : vector<16xf32>
        %jit3A_750 = arith.constant 0.000000e+00 : f32
        %broadcast_in_dim3A_751 = vector.broadcast %jit3A_750 : f32 to vector<16xf32>
        %select_n3A_752 = arith.select %gt3A_748, %mul3A_749, %broadcast_in_dim3A_751 : vector<16xi1>, vector<16xf32>
        %add3A_753 = arith.addf %add3A_736, %select_n3A_752 : vector<16xf32>
        %get3A_754 = arith.index_cast %squeeze3A_713 : i32 to index
        %get3A_755 = arith.constant 32 : index
        %get3A_756 = tpu.vector_load %arg8[%get3A_754, %get3A_755] {strides = array<i32>} : memref<100x128xf32, #tpu.memory_space<vmem>>, vector<16xf32>,
        %get3A_757 = arith.index_cast %add3A_717 : i32 to index
        %get3A_758 = arith.constant 32 : index
        %get3A_759 = tpu.vector_load %arg9[%get3A_757, %get3A_758] {strides = array<i32>} : memref<128x128xf32, #tpu.memory_space<vmem>>, vector<16xf32>,
        %get3A_760 = arith.index_cast %add3A_717 : i32 to index
        %get3A_761 = arith.constant 32 : index
        %get3A_762 = tpu.vector_load %arg10[%get3A_760, %get3A_761] {strides = array<i32>} : memref<128x128xf32, #tpu.memory_space<vmem>>, vector<16xf32>,
        %gt3A_763 = arith.constant 0.000000e+00 : f32
        %gt3A_764 = vector.broadcast %gt3A_763 : f32 to vector<16xf32>
        %gt3A_765 = arith.cmpf ogt, %get3A_756, %gt3A_764 : vector<16xf32>
        %mul3A_766 = arith.mulf %get3A_759, %get3A_762 : vector<16xf32>
        %jit3A_767 = arith.constant 0.000000e+00 : f32
        %broadcast_in_dim3A_768 = vector.broadcast %jit3A_767 : f32 to vector<16xf32>
        %select_n3A_769 = arith.select %gt3A_765, %mul3A_766, %broadcast_in_dim3A_768 : vector<16xi1>, vector<16xf32>
        %add3A_770 = arith.addf %add3A_753, %select_n3A_769 : vector<16xf32>
        %get3A_771 = arith.index_cast %squeeze3A_713 : i32 to index
        %get3A_772 = arith.constant 48 : index
        %get3A_773 = tpu.vector_load %arg8[%get3A_771, %get3A_772] {strides = array<i32>} : memref<100x128xf32, #tpu.memory_space<vmem>>, vector<16xf32>,
        %get3A_774 = arith.index_cast %add3A_717 : i32 to index
        %get3A_775 = arith.constant 48 : index
        %get3A_776 = tpu.vector_load %arg9[%get3A_774, %get3A_775] {strides = array<i32>} : memref<128x128xf32, #tpu.memory_space<vmem>>, vector<16xf32>,
        %get3A_777 = arith.index_cast %add3A_717 : i32 to index
        %get3A_778 = arith.constant 48 : index
        %get3A_779 = tpu.vector_load %arg10[%get3A_777, %get3A_778] {strides = array<i32>} : memref<128x128xf32, #tpu.memory_space<vmem>>, vector<16xf32>,
        %gt3A_780 = arith.constant 0.000000e+00 : f32
        %gt3A_781 = vector.broadcast %gt3A_780 : f32 to vector<16xf32>
        %gt3A_782 = arith.cmpf ogt, %get3A_773, %gt3A_781 : vector<16xf32>
        %mul3A_783 = arith.mulf %get3A_776, %get3A_779 : vector<16xf32>
        %jit3A_784 = arith.constant 0.000000e+00 : f32
        %broadcast_in_dim3A_785 = vector.broadcast %jit3A_784 : f32 to vector<16xf32>
        %select_n3A_786 = arith.select %gt3A_782, %mul3A_783, %broadcast_in_dim3A_785 : vector<16xi1>, vector<16xf32>
        %add3A_787 = arith.addf %add3A_770, %select_n3A_786 : vector<16xf32>
        %reduce_sum3A_788 = arith.constant true
        %reduce_sum3A_789 = vector.broadcast %reduce_sum3A_788 : i1 to vector<16xi1>
        %reduce_sum3A_790 = tpu.scan <sum>, %add3A_787 masked %reduce_sum3A_789 : vector<16xf32>, vector<16xi1> -> vector<16xf32>
        %reduce_sum3A_791 = vector.extract %reduce_sum3A_790[15] : f32 from vector<16xf32>
        %eq3A_792 = arith.constant 8 : i32
        %eq3A_793 = vector.broadcast %eq3A_792 : i32 to vector<16xi32>
        %eq3A_794 = arith.cmpi eq, %iota3A, %eq3A_793 : vector<16xi32>
        %broadcast_in_dim3A_795 = vector.broadcast %reduce_sum3A_791 : f32 to vector<16xf32>
        %select_n3A_796 = arith.select %eq3A_794, %broadcast_in_dim3A_795, %select_n3A_711 : vector<16xi1>, vector<16xf32>
        %slice3A_797 = vector.extract_strided_slice %get3A_37 {offsets = [9], sizes = [1], strides = [1]} : vector<16xi32> to vector<1xi32>
        %squeeze3A_798 = vector.extract %slice3A_797[0] : i32 from vector<1xi32>
        %mul3A_799 = arith.constant 16 : i32
        %mul3A_800 = arith.muli %scan3A_31, %mul3A_799 : i32
        %add3A_801 = arith.constant 9 : i32
        %add3A_802 = arith.addi %mul3A_800, %add3A_801 : i32
        %broadcast_in_dim3A_803 = arith.constant 0.000000e+00 : f32
        %broadcast_in_dim3A_804 = vector.broadcast %broadcast_in_dim3A_803 : f32 to vector<16xf32>
        %get3A_805 = arith.index_cast %squeeze3A_798 : i32 to index
        %get3A_806 = arith.constant 0 : index
        %get3A_807 = tpu.vector_load %arg8[%get3A_805, %get3A_806] {strides = array<i32>} : memref<100x128xf32, #tpu.memory_space<vmem>>, vector<16xf32>,
        %get3A_808 = arith.index_cast %add3A_802 : i32 to index
        %get3A_809 = arith.constant 0 : index
        %get3A_810 = tpu.vector_load %arg9[%get3A_808, %get3A_809] {strides = array<i32>} : memref<128x128xf32, #tpu.memory_space<vmem>>, vector<16xf32>,
        %get3A_811 = arith.index_cast %add3A_802 : i32 to index
        %get3A_812 = arith.constant 0 : index
        %get3A_813 = tpu.vector_load %arg10[%get3A_811, %get3A_812] {strides = array<i32>} : memref<128x128xf32, #tpu.memory_space<vmem>>, vector<16xf32>,
        %gt3A_814 = arith.constant 0.000000e+00 : f32
        %gt3A_815 = vector.broadcast %gt3A_814 : f32 to vector<16xf32>
        %gt3A_816 = arith.cmpf ogt, %get3A_807, %gt3A_815 : vector<16xf32>
        %mul3A_817 = arith.mulf %get3A_810, %get3A_813 : vector<16xf32>
        %jit3A_818 = arith.constant 0.000000e+00 : f32
        %broadcast_in_dim3A_819 = vector.broadcast %jit3A_818 : f32 to vector<16xf32>
        %select_n3A_820 = arith.select %gt3A_816, %mul3A_817, %broadcast_in_dim3A_819 : vector<16xi1>, vector<16xf32>
        %add3A_821 = arith.addf %broadcast_in_dim3A_804, %select_n3A_820 : vector<16xf32>
        %get3A_822 = arith.index_cast %squeeze3A_798 : i32 to index
        %get3A_823 = arith.constant 16 : index
        %get3A_824 = tpu.vector_load %arg8[%get3A_822, %get3A_823] {strides = array<i32>} : memref<100x128xf32, #tpu.memory_space<vmem>>, vector<16xf32>,
        %get3A_825 = arith.index_cast %add3A_802 : i32 to index
        %get3A_826 = arith.constant 16 : index
        %get3A_827 = tpu.vector_load %arg9[%get3A_825, %get3A_826] {strides = array<i32>} : memref<128x128xf32, #tpu.memory_space<vmem>>, vector<16xf32>,
        %get3A_828 = arith.index_cast %add3A_802 : i32 to index
        %get3A_829 = arith.constant 16 : index
        %get3A_830 = tpu.vector_load %arg10[%get3A_828, %get3A_829] {strides = array<i32>} : memref<128x128xf32, #tpu.memory_space<vmem>>, vector<16xf32>,
        %gt3A_831 = arith.constant 0.000000e+00 : f32
        %gt3A_832 = vector.broadcast %gt3A_831 : f32 to vector<16xf32>
        %gt3A_833 = arith.cmpf ogt, %get3A_824, %gt3A_832 : vector<16xf32>
        %mul3A_834 = arith.mulf %get3A_827, %get3A_830 : vector<16xf32>
        %jit3A_835 = arith.constant 0.000000e+00 : f32
        %broadcast_in_dim3A_836 = vector.broadcast %jit3A_835 : f32 to vector<16xf32>
        %select_n3A_837 = arith.select %gt3A_833, %mul3A_834, %broadcast_in_dim3A_836 : vector<16xi1>, vector<16xf32>
        %add3A_838 = arith.addf %add3A_821, %select_n3A_837 : vector<16xf32>
        %get3A_839 = arith.index_cast %squeeze3A_798 : i32 to index
        %get3A_840 = arith.constant 32 : index
        %get3A_841 = tpu.vector_load %arg8[%get3A_839, %get3A_840] {strides = array<i32>} : memref<100x128xf32, #tpu.memory_space<vmem>>, vector<16xf32>,
        %get3A_842 = arith.index_cast %add3A_802 : i32 to index
        %get3A_843 = arith.constant 32 : index
        %get3A_844 = tpu.vector_load %arg9[%get3A_842, %get3A_843] {strides = array<i32>} : memref<128x128xf32, #tpu.memory_space<vmem>>, vector<16xf32>,
        %get3A_845 = arith.index_cast %add3A_802 : i32 to index
        %get3A_846 = arith.constant 32 : index
        %get3A_847 = tpu.vector_load %arg10[%get3A_845, %get3A_846] {strides = array<i32>} : memref<128x128xf32, #tpu.memory_space<vmem>>, vector<16xf32>,
        %gt3A_848 = arith.constant 0.000000e+00 : f32
        %gt3A_849 = vector.broadcast %gt3A_848 : f32 to vector<16xf32>
        %gt3A_850 = arith.cmpf ogt, %get3A_841, %gt3A_849 : vector<16xf32>
        %mul3A_851 = arith.mulf %get3A_844, %get3A_847 : vector<16xf32>
        %jit3A_852 = arith.constant 0.000000e+00 : f32
        %broadcast_in_dim3A_853 = vector.broadcast %jit3A_852 : f32 to vector<16xf32>
        %select_n3A_854 = arith.select %gt3A_850, %mul3A_851, %broadcast_in_dim3A_853 : vector<16xi1>, vector<16xf32>
        %add3A_855 = arith.addf %add3A_838, %select_n3A_854 : vector<16xf32>
        %get3A_856 = arith.index_cast %squeeze3A_798 : i32 to index
        %get3A_857 = arith.constant 48 : index
        %get3A_858 = tpu.vector_load %arg8[%get3A_856, %get3A_857] {strides = array<i32>} : memref<100x128xf32, #tpu.memory_space<vmem>>, vector<16xf32>,
        %get3A_859 = arith.index_cast %add3A_802 : i32 to index
        %get3A_860 = arith.constant 48 : index
        %get3A_861 = tpu.vector_load %arg9[%get3A_859, %get3A_860] {strides = array<i32>} : memref<128x128xf32, #tpu.memory_space<vmem>>, vector<16xf32>,
        %get3A_862 = arith.index_cast %add3A_802 : i32 to index
        %get3A_863 = arith.constant 48 : index
        %get3A_864 = tpu.vector_load %arg10[%get3A_862, %get3A_863] {strides = array<i32>} : memref<128x128xf32, #tpu.memory_space<vmem>>, vector<16xf32>,
        %gt3A_865 = arith.constant 0.000000e+00 : f32
        %gt3A_866 = vector.broadcast %gt3A_865 : f32 to vector<16xf32>
        %gt3A_867 = arith.cmpf ogt, %get3A_858, %gt3A_866 : vector<16xf32>
        %mul3A_868 = arith.mulf %get3A_861, %get3A_864 : vector<16xf32>
        %jit3A_869 = arith.constant 0.000000e+00 : f32
        %broadcast_in_dim3A_870 = vector.broadcast %jit3A_869 : f32 to vector<16xf32>
        %select_n3A_871 = arith.select %gt3A_867, %mul3A_868, %broadcast_in_dim3A_870 : vector<16xi1>, vector<16xf32>
        %add3A_872 = arith.addf %add3A_855, %select_n3A_871 : vector<16xf32>
        %reduce_sum3A_873 = arith.constant true
        %reduce_sum3A_874 = vector.broadcast %reduce_sum3A_873 : i1 to vector<16xi1>
        %reduce_sum3A_875 = tpu.scan <sum>, %add3A_872 masked %reduce_sum3A_874 : vector<16xf32>, vector<16xi1> -> vector<16xf32>
        %reduce_sum3A_876 = vector.extract %reduce_sum3A_875[15] : f32 from vector<16xf32>
        %eq3A_877 = arith.constant 9 : i32
        %eq3A_878 = vector.broadcast %eq3A_877 : i32 to vector<16xi32>
        %eq3A_879 = arith.cmpi eq, %iota3A, %eq3A_878 : vector<16xi32>
        %broadcast_in_dim3A_880 = vector.broadcast %reduce_sum3A_876 : f32 to vector<16xf32>
        %select_n3A_881 = arith.select %eq3A_879, %broadcast_in_dim3A_880, %select_n3A_796 : vector<16xi1>, vector<16xf32>
        %slice3A_882 = vector.extract_strided_slice %get3A_37 {offsets = [10], sizes = [1], strides = [1]} : vector<16xi32> to vector<1xi32>
        %squeeze3A_883 = vector.extract %slice3A_882[0] : i32 from vector<1xi32>
        %mul3A_884 = arith.constant 16 : i32
        %mul3A_885 = arith.muli %scan3A_31, %mul3A_884 : i32
        %add3A_886 = arith.constant 10 : i32
        %add3A_887 = arith.addi %mul3A_885, %add3A_886 : i32
        %broadcast_in_dim3A_888 = arith.constant 0.000000e+00 : f32
        %broadcast_in_dim3A_889 = vector.broadcast %broadcast_in_dim3A_888 : f32 to vector<16xf32>
        %get3A_890 = arith.index_cast %squeeze3A_883 : i32 to index
        %get3A_891 = arith.constant 0 : index
        %get3A_892 = tpu.vector_load %arg8[%get3A_890, %get3A_891] {strides = array<i32>} : memref<100x128xf32, #tpu.memory_space<vmem>>, vector<16xf32>,
        %get3A_893 = arith.index_cast %add3A_887 : i32 to index
        %get3A_894 = arith.constant 0 : index
        %get3A_895 = tpu.vector_load %arg9[%get3A_893, %get3A_894] {strides = array<i32>} : memref<128x128xf32, #tpu.memory_space<vmem>>, vector<16xf32>,
        %get3A_896 = arith.index_cast %add3A_887 : i32 to index
        %get3A_897 = arith.constant 0 : index
        %get3A_898 = tpu.vector_load %arg10[%get3A_896, %get3A_897] {strides = array<i32>} : memref<128x128xf32, #tpu.memory_space<vmem>>, vector<16xf32>,
        %gt3A_899 = arith.constant 0.000000e+00 : f32
        %gt3A_900 = vector.broadcast %gt3A_899 : f32 to vector<16xf32>
        %gt3A_901 = arith.cmpf ogt, %get3A_892, %gt3A_900 : vector<16xf32>
        %mul3A_902 = arith.mulf %get3A_895, %get3A_898 : vector<16xf32>
        %jit3A_903 = arith.constant 0.000000e+00 : f32
        %broadcast_in_dim3A_904 = vector.broadcast %jit3A_903 : f32 to vector<16xf32>
        %select_n3A_905 = arith.select %gt3A_901, %mul3A_902, %broadcast_in_dim3A_904 : vector<16xi1>, vector<16xf32>
        %add3A_906 = arith.addf %broadcast_in_dim3A_889, %select_n3A_905 : vector<16xf32>
        %get3A_907 = arith.index_cast %squeeze3A_883 : i32 to index
        %get3A_908 = arith.constant 16 : index
        %get3A_909 = tpu.vector_load %arg8[%get3A_907, %get3A_908] {strides = array<i32>} : memref<100x128xf32, #tpu.memory_space<vmem>>, vector<16xf32>,
        %get3A_910 = arith.index_cast %add3A_887 : i32 to index
        %get3A_911 = arith.constant 16 : index
        %get3A_912 = tpu.vector_load %arg9[%get3A_910, %get3A_911] {strides = array<i32>} : memref<128x128xf32, #tpu.memory_space<vmem>>, vector<16xf32>,
        %get3A_913 = arith.index_cast %add3A_887 : i32 to index
        %get3A_914 = arith.constant 16 : index
        %get3A_915 = tpu.vector_load %arg10[%get3A_913, %get3A_914] {strides = array<i32>} : memref<128x128xf32, #tpu.memory_space<vmem>>, vector<16xf32>,
        %gt3A_916 = arith.constant 0.000000e+00 : f32
        %gt3A_917 = vector.broadcast %gt3A_916 : f32 to vector<16xf32>
        %gt3A_918 = arith.cmpf ogt, %get3A_909, %gt3A_917 : vector<16xf32>
        %mul3A_919 = arith.mulf %get3A_912, %get3A_915 : vector<16xf32>
        %jit3A_920 = arith.constant 0.000000e+00 : f32
        %broadcast_in_dim3A_921 = vector.broadcast %jit3A_920 : f32 to vector<16xf32>
        %select_n3A_922 = arith.select %gt3A_918, %mul3A_919, %broadcast_in_dim3A_921 : vector<16xi1>, vector<16xf32>
        %add3A_923 = arith.addf %add3A_906, %select_n3A_922 : vector<16xf32>
        %get3A_924 = arith.index_cast %squeeze3A_883 : i32 to index
        %get3A_925 = arith.constant 32 : index
        %get3A_926 = tpu.vector_load %arg8[%get3A_924, %get3A_925] {strides = array<i32>} : memref<100x128xf32, #tpu.memory_space<vmem>>, vector<16xf32>,
        %get3A_927 = arith.index_cast %add3A_887 : i32 to index
        %get3A_928 = arith.constant 32 : index
        %get3A_929 = tpu.vector_load %arg9[%get3A_927, %get3A_928] {strides = array<i32>} : memref<128x128xf32, #tpu.memory_space<vmem>>, vector<16xf32>,
        %get3A_930 = arith.index_cast %add3A_887 : i32 to index
        %get3A_931 = arith.constant 32 : index
        %get3A_932 = tpu.vector_load %arg10[%get3A_930, %get3A_931] {strides = array<i32>} : memref<128x128xf32, #tpu.memory_space<vmem>>, vector<16xf32>,
        %gt3A_933 = arith.constant 0.000000e+00 : f32
        %gt3A_934 = vector.broadcast %gt3A_933 : f32 to vector<16xf32>
        %gt3A_935 = arith.cmpf ogt, %get3A_926, %gt3A_934 : vector<16xf32>
        %mul3A_936 = arith.mulf %get3A_929, %get3A_932 : vector<16xf32>
        %jit3A_937 = arith.constant 0.000000e+00 : f32
        %broadcast_in_dim3A_938 = vector.broadcast %jit3A_937 : f32 to vector<16xf32>
        %select_n3A_939 = arith.select %gt3A_935, %mul3A_936, %broadcast_in_dim3A_938 : vector<16xi1>, vector<16xf32>
        %add3A_940 = arith.addf %add3A_923, %select_n3A_939 : vector<16xf32>
        %get3A_941 = arith.index_cast %squeeze3A_883 : i32 to index
        %get3A_942 = arith.constant 48 : index
        %get3A_943 = tpu.vector_load %arg8[%get3A_941, %get3A_942] {strides = array<i32>} : memref<100x128xf32, #tpu.memory_space<vmem>>, vector<16xf32>,
        %get3A_944 = arith.index_cast %add3A_887 : i32 to index
        %get3A_945 = arith.constant 48 : index
        %get3A_946 = tpu.vector_load %arg9[%get3A_944, %get3A_945] {strides = array<i32>} : memref<128x128xf32, #tpu.memory_space<vmem>>, vector<16xf32>,
        %get3A_947 = arith.index_cast %add3A_887 : i32 to index
        %get3A_948 = arith.constant 48 : index
        %get3A_949 = tpu.vector_load %arg10[%get3A_947, %get3A_948] {strides = array<i32>} : memref<128x128xf32, #tpu.memory_space<vmem>>, vector<16xf32>,
        %gt3A_950 = arith.constant 0.000000e+00 : f32
        %gt3A_951 = vector.broadcast %gt3A_950 : f32 to vector<16xf32>
        %gt3A_952 = arith.cmpf ogt, %get3A_943, %gt3A_951 : vector<16xf32>
        %mul3A_953 = arith.mulf %get3A_946, %get3A_949 : vector<16xf32>
        %jit3A_954 = arith.constant 0.000000e+00 : f32
        %broadcast_in_dim3A_955 = vector.broadcast %jit3A_954 : f32 to vector<16xf32>
        %select_n3A_956 = arith.select %gt3A_952, %mul3A_953, %broadcast_in_dim3A_955 : vector<16xi1>, vector<16xf32>
        %add3A_957 = arith.addf %add3A_940, %select_n3A_956 : vector<16xf32>
        %reduce_sum3A_958 = arith.constant true
        %reduce_sum3A_959 = vector.broadcast %reduce_sum3A_958 : i1 to vector<16xi1>
        %reduce_sum3A_960 = tpu.scan <sum>, %add3A_957 masked %reduce_sum3A_959 : vector<16xf32>, vector<16xi1> -> vector<16xf32>
        %reduce_sum3A_961 = vector.extract %reduce_sum3A_960[15] : f32 from vector<16xf32>
        %eq3A_962 = arith.constant 10 : i32
        %eq3A_963 = vector.broadcast %eq3A_962 : i32 to vector<16xi32>
        %eq3A_964 = arith.cmpi eq, %iota3A, %eq3A_963 : vector<16xi32>
        %broadcast_in_dim3A_965 = vector.broadcast %reduce_sum3A_961 : f32 to vector<16xf32>
        %select_n3A_966 = arith.select %eq3A_964, %broadcast_in_dim3A_965, %select_n3A_881 : vector<16xi1>, vector<16xf32>
        %slice3A_967 = vector.extract_strided_slice %get3A_37 {offsets = [11], sizes = [1], strides = [1]} : vector<16xi32> to vector<1xi32>
        %squeeze3A_968 = vector.extract %slice3A_967[0] : i32 from vector<1xi32>
        %mul3A_969 = arith.constant 16 : i32
        %mul3A_970 = arith.muli %scan3A_31, %mul3A_969 : i32
        %add3A_971 = arith.constant 11 : i32
        %add3A_972 = arith.addi %mul3A_970, %add3A_971 : i32
        %broadcast_in_dim3A_973 = arith.constant 0.000000e+00 : f32
        %broadcast_in_dim3A_974 = vector.broadcast %broadcast_in_dim3A_973 : f32 to vector<16xf32>
        %get3A_975 = arith.index_cast %squeeze3A_968 : i32 to index
        %get3A_976 = arith.constant 0 : index
        %get3A_977 = tpu.vector_load %arg8[%get3A_975, %get3A_976] {strides = array<i32>} : memref<100x128xf32, #tpu.memory_space<vmem>>, vector<16xf32>,
        %get3A_978 = arith.index_cast %add3A_972 : i32 to index
        %get3A_979 = arith.constant 0 : index
        %get3A_980 = tpu.vector_load %arg9[%get3A_978, %get3A_979] {strides = array<i32>} : memref<128x128xf32, #tpu.memory_space<vmem>>, vector<16xf32>,
        %get3A_981 = arith.index_cast %add3A_972 : i32 to index
        %get3A_982 = arith.constant 0 : index
        %get3A_983 = tpu.vector_load %arg10[%get3A_981, %get3A_982] {strides = array<i32>} : memref<128x128xf32, #tpu.memory_space<vmem>>, vector<16xf32>,
        %gt3A_984 = arith.constant 0.000000e+00 : f32
        %gt3A_985 = vector.broadcast %gt3A_984 : f32 to vector<16xf32>
        %gt3A_986 = arith.cmpf ogt, %get3A_977, %gt3A_985 : vector<16xf32>
        %mul3A_987 = arith.mulf %get3A_980, %get3A_983 : vector<16xf32>
        %jit3A_988 = arith.constant 0.000000e+00 : f32
        %broadcast_in_dim3A_989 = vector.broadcast %jit3A_988 : f32 to vector<16xf32>
        %select_n3A_990 = arith.select %gt3A_986, %mul3A_987, %broadcast_in_dim3A_989 : vector<16xi1>, vector<16xf32>
        %add3A_991 = arith.addf %broadcast_in_dim3A_974, %select_n3A_990 : vector<16xf32>
        %get3A_992 = arith.index_cast %squeeze3A_968 : i32 to index
        %get3A_993 = arith.constant 16 : index
        %get3A_994 = tpu.vector_load %arg8[%get3A_992, %get3A_993] {strides = array<i32>} : memref<100x128xf32, #tpu.memory_space<vmem>>, vector<16xf32>,
        %get3A_995 = arith.index_cast %add3A_972 : i32 to index
        %get3A_996 = arith.constant 16 : index
        %get3A_997 = tpu.vector_load %arg9[%get3A_995, %get3A_996] {strides = array<i32>} : memref<128x128xf32, #tpu.memory_space<vmem>>, vector<16xf32>,
        %get3A_998 = arith.index_cast %add3A_972 : i32 to index
        %get3A_999 = arith.constant 16 : index
        %get3A_1000 = tpu.vector_load %arg10[%get3A_998, %get3A_999] {strides = array<i32>} : memref<128x128xf32, #tpu.memory_space<vmem>>, vector<16xf32>,
        %gt3A_1001 = arith.constant 0.000000e+00 : f32
        %gt3A_1002 = vector.broadcast %gt3A_1001 : f32 to vector<16xf32>
        %gt3A_1003 = arith.cmpf ogt, %get3A_994, %gt3A_1002 : vector<16xf32>
        %mul3A_1004 = arith.mulf %get3A_997, %get3A_1000 : vector<16xf32>
        %jit3A_1005 = arith.constant 0.000000e+00 : f32
        %broadcast_in_dim3A_1006 = vector.broadcast %jit3A_1005 : f32 to vector<16xf32>
        %select_n3A_1007 = arith.select %gt3A_1003, %mul3A_1004, %broadcast_in_dim3A_1006 : vector<16xi1>, vector<16xf32>
        %add3A_1008 = arith.addf %add3A_991, %select_n3A_1007 : vector<16xf32>
        %get3A_1009 = arith.index_cast %squeeze3A_968 : i32 to index
        %get3A_1010 = arith.constant 32 : index
        %get3A_1011 = tpu.vector_load %arg8[%get3A_1009, %get3A_1010] {strides = array<i32>} : memref<100x128xf32, #tpu.memory_space<vmem>>, vector<16xf32>,
        %get3A_1012 = arith.index_cast %add3A_972 : i32 to index
        %get3A_1013 = arith.constant 32 : index
        %get3A_1014 = tpu.vector_load %arg9[%get3A_1012, %get3A_1013] {strides = array<i32>} : memref<128x128xf32, #tpu.memory_space<vmem>>, vector<16xf32>,
        %get3A_1015 = arith.index_cast %add3A_972 : i32 to index
        %get3A_1016 = arith.constant 32 : index
        %get3A_1017 = tpu.vector_load %arg10[%get3A_1015, %get3A_1016] {strides = array<i32>} : memref<128x128xf32, #tpu.memory_space<vmem>>, vector<16xf32>,
        %gt3A_1018 = arith.constant 0.000000e+00 : f32
        %gt3A_1019 = vector.broadcast %gt3A_1018 : f32 to vector<16xf32>
        %gt3A_1020 = arith.cmpf ogt, %get3A_1011, %gt3A_1019 : vector<16xf32>
        %mul3A_1021 = arith.mulf %get3A_1014, %get3A_1017 : vector<16xf32>
        %jit3A_1022 = arith.constant 0.000000e+00 : f32
        %broadcast_in_dim3A_1023 = vector.broadcast %jit3A_1022 : f32 to vector<16xf32>
        %select_n3A_1024 = arith.select %gt3A_1020, %mul3A_1021, %broadcast_in_dim3A_1023 : vector<16xi1>, vector<16xf32>
        %add3A_1025 = arith.addf %add3A_1008, %select_n3A_1024 : vector<16xf32>
        %get3A_1026 = arith.index_cast %squeeze3A_968 : i32 to index
        %get3A_1027 = arith.constant 48 : index
        %get3A_1028 = tpu.vector_load %arg8[%get3A_1026, %get3A_1027] {strides = array<i32>} : memref<100x128xf32, #tpu.memory_space<vmem>>, vector<16xf32>,
        %get3A_1029 = arith.index_cast %add3A_972 : i32 to index
        %get3A_1030 = arith.constant 48 : index
        %get3A_1031 = tpu.vector_load %arg9[%get3A_1029, %get3A_1030] {strides = array<i32>} : memref<128x128xf32, #tpu.memory_space<vmem>>, vector<16xf32>,
        %get3A_1032 = arith.index_cast %add3A_972 : i32 to index
        %get3A_1033 = arith.constant 48 : index
        %get3A_1034 = tpu.vector_load %arg10[%get3A_1032, %get3A_1033] {strides = array<i32>} : memref<128x128xf32, #tpu.memory_space<vmem>>, vector<16xf32>,
        %gt3A_1035 = arith.constant 0.000000e+00 : f32
        %gt3A_1036 = vector.broadcast %gt3A_1035 : f32 to vector<16xf32>
        %gt3A_1037 = arith.cmpf ogt, %get3A_1028, %gt3A_1036 : vector<16xf32>
        %mul3A_1038 = arith.mulf %get3A_1031, %get3A_1034 : vector<16xf32>
        %jit3A_1039 = arith.constant 0.000000e+00 : f32
        %broadcast_in_dim3A_1040 = vector.broadcast %jit3A_1039 : f32 to vector<16xf32>
        %select_n3A_1041 = arith.select %gt3A_1037, %mul3A_1038, %broadcast_in_dim3A_1040 : vector<16xi1>, vector<16xf32>
        %add3A_1042 = arith.addf %add3A_1025, %select_n3A_1041 : vector<16xf32>
        %reduce_sum3A_1043 = arith.constant true
        %reduce_sum3A_1044 = vector.broadcast %reduce_sum3A_1043 : i1 to vector<16xi1>
        %reduce_sum3A_1045 = tpu.scan <sum>, %add3A_1042 masked %reduce_sum3A_1044 : vector<16xf32>, vector<16xi1> -> vector<16xf32>
        %reduce_sum3A_1046 = vector.extract %reduce_sum3A_1045[15] : f32 from vector<16xf32>
        %eq3A_1047 = arith.constant 11 : i32
        %eq3A_1048 = vector.broadcast %eq3A_1047 : i32 to vector<16xi32>
        %eq3A_1049 = arith.cmpi eq, %iota3A, %eq3A_1048 : vector<16xi32>
        %broadcast_in_dim3A_1050 = vector.broadcast %reduce_sum3A_1046 : f32 to vector<16xf32>
        %select_n3A_1051 = arith.select %eq3A_1049, %broadcast_in_dim3A_1050, %select_n3A_966 : vector<16xi1>, vector<16xf32>
        %slice3A_1052 = vector.extract_strided_slice %get3A_37 {offsets = [12], sizes = [1], strides = [1]} : vector<16xi32> to vector<1xi32>
        %squeeze3A_1053 = vector.extract %slice3A_1052[0] : i32 from vector<1xi32>
        %mul3A_1054 = arith.constant 16 : i32
        %mul3A_1055 = arith.muli %scan3A_31, %mul3A_1054 : i32
        %add3A_1056 = arith.constant 12 : i32
        %add3A_1057 = arith.addi %mul3A_1055, %add3A_1056 : i32
        %broadcast_in_dim3A_1058 = arith.constant 0.000000e+00 : f32
        %broadcast_in_dim3A_1059 = vector.broadcast %broadcast_in_dim3A_1058 : f32 to vector<16xf32>
        %get3A_1060 = arith.index_cast %squeeze3A_1053 : i32 to index
        %get3A_1061 = arith.constant 0 : index
        %get3A_1062 = tpu.vector_load %arg8[%get3A_1060, %get3A_1061] {strides = array<i32>} : memref<100x128xf32, #tpu.memory_space<vmem>>, vector<16xf32>,
        %get3A_1063 = arith.index_cast %add3A_1057 : i32 to index
        %get3A_1064 = arith.constant 0 : index
        %get3A_1065 = tpu.vector_load %arg9[%get3A_1063, %get3A_1064] {strides = array<i32>} : memref<128x128xf32, #tpu.memory_space<vmem>>, vector<16xf32>,
        %get3A_1066 = arith.index_cast %add3A_1057 : i32 to index
        %get3A_1067 = arith.constant 0 : index
        %get3A_1068 = tpu.vector_load %arg10[%get3A_1066, %get3A_1067] {strides = array<i32>} : memref<128x128xf32, #tpu.memory_space<vmem>>, vector<16xf32>,
        %gt3A_1069 = arith.constant 0.000000e+00 : f32
        %gt3A_1070 = vector.broadcast %gt3A_1069 : f32 to vector<16xf32>
        %gt3A_1071 = arith.cmpf ogt, %get3A_1062, %gt3A_1070 : vector<16xf32>
        %mul3A_1072 = arith.mulf %get3A_1065, %get3A_1068 : vector<16xf32>
        %jit3A_1073 = arith.constant 0.000000e+00 : f32
        %broadcast_in_dim3A_1074 = vector.broadcast %jit3A_1073 : f32 to vector<16xf32>
        %select_n3A_1075 = arith.select %gt3A_1071, %mul3A_1072, %broadcast_in_dim3A_1074 : vector<16xi1>, vector<16xf32>
        %add3A_1076 = arith.addf %broadcast_in_dim3A_1059, %select_n3A_1075 : vector<16xf32>
        %get3A_1077 = arith.index_cast %squeeze3A_1053 : i32 to index
        %get3A_1078 = arith.constant 16 : index
        %get3A_1079 = tpu.vector_load %arg8[%get3A_1077, %get3A_1078] {strides = array<i32>} : memref<100x128xf32, #tpu.memory_space<vmem>>, vector<16xf32>,
        %get3A_1080 = arith.index_cast %add3A_1057 : i32 to index
        %get3A_1081 = arith.constant 16 : index
        %get3A_1082 = tpu.vector_load %arg9[%get3A_1080, %get3A_1081] {strides = array<i32>} : memref<128x128xf32, #tpu.memory_space<vmem>>, vector<16xf32>,
        %get3A_1083 = arith.index_cast %add3A_1057 : i32 to index
        %get3A_1084 = arith.constant 16 : index
        %get3A_1085 = tpu.vector_load %arg10[%get3A_1083, %get3A_1084] {strides = array<i32>} : memref<128x128xf32, #tpu.memory_space<vmem>>, vector<16xf32>,
        %gt3A_1086 = arith.constant 0.000000e+00 : f32
        %gt3A_1087 = vector.broadcast %gt3A_1086 : f32 to vector<16xf32>
        %gt3A_1088 = arith.cmpf ogt, %get3A_1079, %gt3A_1087 : vector<16xf32>
        %mul3A_1089 = arith.mulf %get3A_1082, %get3A_1085 : vector<16xf32>
        %jit3A_1090 = arith.constant 0.000000e+00 : f32
        %broadcast_in_dim3A_1091 = vector.broadcast %jit3A_1090 : f32 to vector<16xf32>
        %select_n3A_1092 = arith.select %gt3A_1088, %mul3A_1089, %broadcast_in_dim3A_1091 : vector<16xi1>, vector<16xf32>
        %add3A_1093 = arith.addf %add3A_1076, %select_n3A_1092 : vector<16xf32>
        %get3A_1094 = arith.index_cast %squeeze3A_1053 : i32 to index
        %get3A_1095 = arith.constant 32 : index
        %get3A_1096 = tpu.vector_load %arg8[%get3A_1094, %get3A_1095] {strides = array<i32>} : memref<100x128xf32, #tpu.memory_space<vmem>>, vector<16xf32>,
        %get3A_1097 = arith.index_cast %add3A_1057 : i32 to index
        %get3A_1098 = arith.constant 32 : index
        %get3A_1099 = tpu.vector_load %arg9[%get3A_1097, %get3A_1098] {strides = array<i32>} : memref<128x128xf32, #tpu.memory_space<vmem>>, vector<16xf32>,
        %get3A_1100 = arith.index_cast %add3A_1057 : i32 to index
        %get3A_1101 = arith.constant 32 : index
        %get3A_1102 = tpu.vector_load %arg10[%get3A_1100, %get3A_1101] {strides = array<i32>} : memref<128x128xf32, #tpu.memory_space<vmem>>, vector<16xf32>,
        %gt3A_1103 = arith.constant 0.000000e+00 : f32
        %gt3A_1104 = vector.broadcast %gt3A_1103 : f32 to vector<16xf32>
        %gt3A_1105 = arith.cmpf ogt, %get3A_1096, %gt3A_1104 : vector<16xf32>
        %mul3A_1106 = arith.mulf %get3A_1099, %get3A_1102 : vector<16xf32>
        %jit3A_1107 = arith.constant 0.000000e+00 : f32
        %broadcast_in_dim3A_1108 = vector.broadcast %jit3A_1107 : f32 to vector<16xf32>
        %select_n3A_1109 = arith.select %gt3A_1105, %mul3A_1106, %broadcast_in_dim3A_1108 : vector<16xi1>, vector<16xf32>
        %add3A_1110 = arith.addf %add3A_1093, %select_n3A_1109 : vector<16xf32>
        %get3A_1111 = arith.index_cast %squeeze3A_1053 : i32 to index
        %get3A_1112 = arith.constant 48 : index
        %get3A_1113 = tpu.vector_load %arg8[%get3A_1111, %get3A_1112] {strides = array<i32>} : memref<100x128xf32, #tpu.memory_space<vmem>>, vector<16xf32>,
        %get3A_1114 = arith.index_cast %add3A_1057 : i32 to index
        %get3A_1115 = arith.constant 48 : index
        %get3A_1116 = tpu.vector_load %arg9[%get3A_1114, %get3A_1115] {strides = array<i32>} : memref<128x128xf32, #tpu.memory_space<vmem>>, vector<16xf32>,
        %get3A_1117 = arith.index_cast %add3A_1057 : i32 to index
        %get3A_1118 = arith.constant 48 : index
        %get3A_1119 = tpu.vector_load %arg10[%get3A_1117, %get3A_1118] {strides = array<i32>} : memref<128x128xf32, #tpu.memory_space<vmem>>, vector<16xf32>,
        %gt3A_1120 = arith.constant 0.000000e+00 : f32
        %gt3A_1121 = vector.broadcast %gt3A_1120 : f32 to vector<16xf32>
        %gt3A_1122 = arith.cmpf ogt, %get3A_1113, %gt3A_1121 : vector<16xf32>
        %mul3A_1123 = arith.mulf %get3A_1116, %get3A_1119 : vector<16xf32>
        %jit3A_1124 = arith.constant 0.000000e+00 : f32
        %broadcast_in_dim3A_1125 = vector.broadcast %jit3A_1124 : f32 to vector<16xf32>
        %select_n3A_1126 = arith.select %gt3A_1122, %mul3A_1123, %broadcast_in_dim3A_1125 : vector<16xi1>, vector<16xf32>
        %add3A_1127 = arith.addf %add3A_1110, %select_n3A_1126 : vector<16xf32>
        %reduce_sum3A_1128 = arith.constant true
        %reduce_sum3A_1129 = vector.broadcast %reduce_sum3A_1128 : i1 to vector<16xi1>
        %reduce_sum3A_1130 = tpu.scan <sum>, %add3A_1127 masked %reduce_sum3A_1129 : vector<16xf32>, vector<16xi1> -> vector<16xf32>
        %reduce_sum3A_1131 = vector.extract %reduce_sum3A_1130[15] : f32 from vector<16xf32>
        %eq3A_1132 = arith.constant 12 : i32
        %eq3A_1133 = vector.broadcast %eq3A_1132 : i32 to vector<16xi32>
        %eq3A_1134 = arith.cmpi eq, %iota3A, %eq3A_1133 : vector<16xi32>
        %broadcast_in_dim3A_1135 = vector.broadcast %reduce_sum3A_1131 : f32 to vector<16xf32>
        %select_n3A_1136 = arith.select %eq3A_1134, %broadcast_in_dim3A_1135, %select_n3A_1051 : vector<16xi1>, vector<16xf32>
        %slice3A_1137 = vector.extract_strided_slice %get3A_37 {offsets = [13], sizes = [1], strides = [1]} : vector<16xi32> to vector<1xi32>
        %squeeze3A_1138 = vector.extract %slice3A_1137[0] : i32 from vector<1xi32>
        %mul3A_1139 = arith.constant 16 : i32
        %mul3A_1140 = arith.muli %scan3A_31, %mul3A_1139 : i32
        %add3A_1141 = arith.constant 13 : i32
        %add3A_1142 = arith.addi %mul3A_1140, %add3A_1141 : i32
        %broadcast_in_dim3A_1143 = arith.constant 0.000000e+00 : f32
        %broadcast_in_dim3A_1144 = vector.broadcast %broadcast_in_dim3A_1143 : f32 to vector<16xf32>
        %get3A_1145 = arith.index_cast %squeeze3A_1138 : i32 to index
        %get3A_1146 = arith.constant 0 : index
        %get3A_1147 = tpu.vector_load %arg8[%get3A_1145, %get3A_1146] {strides = array<i32>} : memref<100x128xf32, #tpu.memory_space<vmem>>, vector<16xf32>,
        %get3A_1148 = arith.index_cast %add3A_1142 : i32 to index
        %get3A_1149 = arith.constant 0 : index
        %get3A_1150 = tpu.vector_load %arg9[%get3A_1148, %get3A_1149] {strides = array<i32>} : memref<128x128xf32, #tpu.memory_space<vmem>>, vector<16xf32>,
        %get3A_1151 = arith.index_cast %add3A_1142 : i32 to index
        %get3A_1152 = arith.constant 0 : index
        %get3A_1153 = tpu.vector_load %arg10[%get3A_1151, %get3A_1152] {strides = array<i32>} : memref<128x128xf32, #tpu.memory_space<vmem>>, vector<16xf32>,
        %gt3A_1154 = arith.constant 0.000000e+00 : f32
        %gt3A_1155 = vector.broadcast %gt3A_1154 : f32 to vector<16xf32>
        %gt3A_1156 = arith.cmpf ogt, %get3A_1147, %gt3A_1155 : vector<16xf32>
        %mul3A_1157 = arith.mulf %get3A_1150, %get3A_1153 : vector<16xf32>
        %jit3A_1158 = arith.constant 0.000000e+00 : f32
        %broadcast_in_dim3A_1159 = vector.broadcast %jit3A_1158 : f32 to vector<16xf32>
        %select_n3A_1160 = arith.select %gt3A_1156, %mul3A_1157, %broadcast_in_dim3A_1159 : vector<16xi1>, vector<16xf32>
        %add3A_1161 = arith.addf %broadcast_in_dim3A_1144, %select_n3A_1160 : vector<16xf32>
        %get3A_1162 = arith.index_cast %squeeze3A_1138 : i32 to index
        %get3A_1163 = arith.constant 16 : index
        %get3A_1164 = tpu.vector_load %arg8[%get3A_1162, %get3A_1163] {strides = array<i32>} : memref<100x128xf32, #tpu.memory_space<vmem>>, vector<16xf32>,
        %get3A_1165 = arith.index_cast %add3A_1142 : i32 to index
        %get3A_1166 = arith.constant 16 : index
        %get3A_1167 = tpu.vector_load %arg9[%get3A_1165, %get3A_1166] {strides = array<i32>} : memref<128x128xf32, #tpu.memory_space<vmem>>, vector<16xf32>,
        %get3A_1168 = arith.index_cast %add3A_1142 : i32 to index
        %get3A_1169 = arith.constant 16 : index
        %get3A_1170 = tpu.vector_load %arg10[%get3A_1168, %get3A_1169] {strides = array<i32>} : memref<128x128xf32, #tpu.memory_space<vmem>>, vector<16xf32>,
        %gt3A_1171 = arith.constant 0.000000e+00 : f32
        %gt3A_1172 = vector.broadcast %gt3A_1171 : f32 to vector<16xf32>
        %gt3A_1173 = arith.cmpf ogt, %get3A_1164, %gt3A_1172 : vector<16xf32>
        %mul3A_1174 = arith.mulf %get3A_1167, %get3A_1170 : vector<16xf32>
        %jit3A_1175 = arith.constant 0.000000e+00 : f32
        %broadcast_in_dim3A_1176 = vector.broadcast %jit3A_1175 : f32 to vector<16xf32>
        %select_n3A_1177 = arith.select %gt3A_1173, %mul3A_1174, %broadcast_in_dim3A_1176 : vector<16xi1>, vector<16xf32>
        %add3A_1178 = arith.addf %add3A_1161, %select_n3A_1177 : vector<16xf32>
        %get3A_1179 = arith.index_cast %squeeze3A_1138 : i32 to index
        %get3A_1180 = arith.constant 32 : index
        %get3A_1181 = tpu.vector_load %arg8[%get3A_1179, %get3A_1180] {strides = array<i32>} : memref<100x128xf32, #tpu.memory_space<vmem>>, vector<16xf32>,
        %get3A_1182 = arith.index_cast %add3A_1142 : i32 to index
        %get3A_1183 = arith.constant 32 : index
        %get3A_1184 = tpu.vector_load %arg9[%get3A_1182, %get3A_1183] {strides = array<i32>} : memref<128x128xf32, #tpu.memory_space<vmem>>, vector<16xf32>,
        %get3A_1185 = arith.index_cast %add3A_1142 : i32 to index
        %get3A_1186 = arith.constant 32 : index
        %get3A_1187 = tpu.vector_load %arg10[%get3A_1185, %get3A_1186] {strides = array<i32>} : memref<128x128xf32, #tpu.memory_space<vmem>>, vector<16xf32>,
        %gt3A_1188 = arith.constant 0.000000e+00 : f32
        %gt3A_1189 = vector.broadcast %gt3A_1188 : f32 to vector<16xf32>
        %gt3A_1190 = arith.cmpf ogt, %get3A_1181, %gt3A_1189 : vector<16xf32>
        %mul3A_1191 = arith.mulf %get3A_1184, %get3A_1187 : vector<16xf32>
        %jit3A_1192 = arith.constant 0.000000e+00 : f32
        %broadcast_in_dim3A_1193 = vector.broadcast %jit3A_1192 : f32 to vector<16xf32>
        %select_n3A_1194 = arith.select %gt3A_1190, %mul3A_1191, %broadcast_in_dim3A_1193 : vector<16xi1>, vector<16xf32>
        %add3A_1195 = arith.addf %add3A_1178, %select_n3A_1194 : vector<16xf32>
        %get3A_1196 = arith.index_cast %squeeze3A_1138 : i32 to index
        %get3A_1197 = arith.constant 48 : index
        %get3A_1198 = tpu.vector_load %arg8[%get3A_1196, %get3A_1197] {strides = array<i32>} : memref<100x128xf32, #tpu.memory_space<vmem>>, vector<16xf32>,
        %get3A_1199 = arith.index_cast %add3A_1142 : i32 to index
        %get3A_1200 = arith.constant 48 : index
        %get3A_1201 = tpu.vector_load %arg9[%get3A_1199, %get3A_1200] {strides = array<i32>} : memref<128x128xf32, #tpu.memory_space<vmem>>, vector<16xf32>,
        %get3A_1202 = arith.index_cast %add3A_1142 : i32 to index
        %get3A_1203 = arith.constant 48 : index
        %get3A_1204 = tpu.vector_load %arg10[%get3A_1202, %get3A_1203] {strides = array<i32>} : memref<128x128xf32, #tpu.memory_space<vmem>>, vector<16xf32>,
        %gt3A_1205 = arith.constant 0.000000e+00 : f32
        %gt3A_1206 = vector.broadcast %gt3A_1205 : f32 to vector<16xf32>
        %gt3A_1207 = arith.cmpf ogt, %get3A_1198, %gt3A_1206 : vector<16xf32>
        %mul3A_1208 = arith.mulf %get3A_1201, %get3A_1204 : vector<16xf32>
        %jit3A_1209 = arith.constant 0.000000e+00 : f32
        %broadcast_in_dim3A_1210 = vector.broadcast %jit3A_1209 : f32 to vector<16xf32>
        %select_n3A_1211 = arith.select %gt3A_1207, %mul3A_1208, %broadcast_in_dim3A_1210 : vector<16xi1>, vector<16xf32>
        %add3A_1212 = arith.addf %add3A_1195, %select_n3A_1211 : vector<16xf32>
        %reduce_sum3A_1213 = arith.constant true
        %reduce_sum3A_1214 = vector.broadcast %reduce_sum3A_1213 : i1 to vector<16xi1>
        %reduce_sum3A_1215 = tpu.scan <sum>, %add3A_1212 masked %reduce_sum3A_1214 : vector<16xf32>, vector<16xi1> -> vector<16xf32>
        %reduce_sum3A_1216 = vector.extract %reduce_sum3A_1215[15] : f32 from vector<16xf32>
        %eq3A_1217 = arith.constant 13 : i32
        %eq3A_1218 = vector.broadcast %eq3A_1217 : i32 to vector<16xi32>
        %eq3A_1219 = arith.cmpi eq, %iota3A, %eq3A_1218 : vector<16xi32>
        %broadcast_in_dim3A_1220 = vector.broadcast %reduce_sum3A_1216 : f32 to vector<16xf32>
        %select_n3A_1221 = arith.select %eq3A_1219, %broadcast_in_dim3A_1220, %select_n3A_1136 : vector<16xi1>, vector<16xf32>
        %slice3A_1222 = vector.extract_strided_slice %get3A_37 {offsets = [14], sizes = [1], strides = [1]} : vector<16xi32> to vector<1xi32>
        %squeeze3A_1223 = vector.extract %slice3A_1222[0] : i32 from vector<1xi32>
        %mul3A_1224 = arith.constant 16 : i32
        %mul3A_1225 = arith.muli %scan3A_31, %mul3A_1224 : i32
        %add3A_1226 = arith.constant 14 : i32
        %add3A_1227 = arith.addi %mul3A_1225, %add3A_1226 : i32
        %broadcast_in_dim3A_1228 = arith.constant 0.000000e+00 : f32
        %broadcast_in_dim3A_1229 = vector.broadcast %broadcast_in_dim3A_1228 : f32 to vector<16xf32>
        %get3A_1230 = arith.index_cast %squeeze3A_1223 : i32 to index
        %get3A_1231 = arith.constant 0 : index
        %get3A_1232 = tpu.vector_load %arg8[%get3A_1230, %get3A_1231] {strides = array<i32>} : memref<100x128xf32, #tpu.memory_space<vmem>>, vector<16xf32>,
        %get3A_1233 = arith.index_cast %add3A_1227 : i32 to index
        %get3A_1234 = arith.constant 0 : index
        %get3A_1235 = tpu.vector_load %arg9[%get3A_1233, %get3A_1234] {strides = array<i32>} : memref<128x128xf32, #tpu.memory_space<vmem>>, vector<16xf32>,
        %get3A_1236 = arith.index_cast %add3A_1227 : i32 to index
        %get3A_1237 = arith.constant 0 : index
        %get3A_1238 = tpu.vector_load %arg10[%get3A_1236, %get3A_1237] {strides = array<i32>} : memref<128x128xf32, #tpu.memory_space<vmem>>, vector<16xf32>,
        %gt3A_1239 = arith.constant 0.000000e+00 : f32
        %gt3A_1240 = vector.broadcast %gt3A_1239 : f32 to vector<16xf32>
        %gt3A_1241 = arith.cmpf ogt, %get3A_1232, %gt3A_1240 : vector<16xf32>
        %mul3A_1242 = arith.mulf %get3A_1235, %get3A_1238 : vector<16xf32>
        %jit3A_1243 = arith.constant 0.000000e+00 : f32
        %broadcast_in_dim3A_1244 = vector.broadcast %jit3A_1243 : f32 to vector<16xf32>
        %select_n3A_1245 = arith.select %gt3A_1241, %mul3A_1242, %broadcast_in_dim3A_1244 : vector<16xi1>, vector<16xf32>
        %add3A_1246 = arith.addf %broadcast_in_dim3A_1229, %select_n3A_1245 : vector<16xf32>
        %get3A_1247 = arith.index_cast %squeeze3A_1223 : i32 to index
        %get3A_1248 = arith.constant 16 : index
        %get3A_1249 = tpu.vector_load %arg8[%get3A_1247, %get3A_1248] {strides = array<i32>} : memref<100x128xf32, #tpu.memory_space<vmem>>, vector<16xf32>,
        %get3A_1250 = arith.index_cast %add3A_1227 : i32 to index
        %get3A_1251 = arith.constant 16 : index
        %get3A_1252 = tpu.vector_load %arg9[%get3A_1250, %get3A_1251] {strides = array<i32>} : memref<128x128xf32, #tpu.memory_space<vmem>>, vector<16xf32>,
        %get3A_1253 = arith.index_cast %add3A_1227 : i32 to index
        %get3A_1254 = arith.constant 16 : index
        %get3A_1255 = tpu.vector_load %arg10[%get3A_1253, %get3A_1254] {strides = array<i32>} : memref<128x128xf32, #tpu.memory_space<vmem>>, vector<16xf32>,
        %gt3A_1256 = arith.constant 0.000000e+00 : f32
        %gt3A_1257 = vector.broadcast %gt3A_1256 : f32 to vector<16xf32>
        %gt3A_1258 = arith.cmpf ogt, %get3A_1249, %gt3A_1257 : vector<16xf32>
        %mul3A_1259 = arith.mulf %get3A_1252, %get3A_1255 : vector<16xf32>
        %jit3A_1260 = arith.constant 0.000000e+00 : f32
        %broadcast_in_dim3A_1261 = vector.broadcast %jit3A_1260 : f32 to vector<16xf32>
        %select_n3A_1262 = arith.select %gt3A_1258, %mul3A_1259, %broadcast_in_dim3A_1261 : vector<16xi1>, vector<16xf32>
        %add3A_1263 = arith.addf %add3A_1246, %select_n3A_1262 : vector<16xf32>
        %get3A_1264 = arith.index_cast %squeeze3A_1223 : i32 to index
        %get3A_1265 = arith.constant 32 : index
        %get3A_1266 = tpu.vector_load %arg8[%get3A_1264, %get3A_1265] {strides = array<i32>} : memref<100x128xf32, #tpu.memory_space<vmem>>, vector<16xf32>,
        %get3A_1267 = arith.index_cast %add3A_1227 : i32 to index
        %get3A_1268 = arith.constant 32 : index
        %get3A_1269 = tpu.vector_load %arg9[%get3A_1267, %get3A_1268] {strides = array<i32>} : memref<128x128xf32, #tpu.memory_space<vmem>>, vector<16xf32>,
        %get3A_1270 = arith.index_cast %add3A_1227 : i32 to index
        %get3A_1271 = arith.constant 32 : index
        %get3A_1272 = tpu.vector_load %arg10[%get3A_1270, %get3A_1271] {strides = array<i32>} : memref<128x128xf32, #tpu.memory_space<vmem>>, vector<16xf32>,
        %gt3A_1273 = arith.constant 0.000000e+00 : f32
        %gt3A_1274 = vector.broadcast %gt3A_1273 : f32 to vector<16xf32>
        %gt3A_1275 = arith.cmpf ogt, %get3A_1266, %gt3A_1274 : vector<16xf32>
        %mul3A_1276 = arith.mulf %get3A_1269, %get3A_1272 : vector<16xf32>
        %jit3A_1277 = arith.constant 0.000000e+00 : f32
        %broadcast_in_dim3A_1278 = vector.broadcast %jit3A_1277 : f32 to vector<16xf32>
        %select_n3A_1279 = arith.select %gt3A_1275, %mul3A_1276, %broadcast_in_dim3A_1278 : vector<16xi1>, vector<16xf32>
        %add3A_1280 = arith.addf %add3A_1263, %select_n3A_1279 : vector<16xf32>
        %get3A_1281 = arith.index_cast %squeeze3A_1223 : i32 to index
        %get3A_1282 = arith.constant 48 : index
        %get3A_1283 = tpu.vector_load %arg8[%get3A_1281, %get3A_1282] {strides = array<i32>} : memref<100x128xf32, #tpu.memory_space<vmem>>, vector<16xf32>,
        %get3A_1284 = arith.index_cast %add3A_1227 : i32 to index
        %get3A_1285 = arith.constant 48 : index
        %get3A_1286 = tpu.vector_load %arg9[%get3A_1284, %get3A_1285] {strides = array<i32>} : memref<128x128xf32, #tpu.memory_space<vmem>>, vector<16xf32>,
        %get3A_1287 = arith.index_cast %add3A_1227 : i32 to index
        %get3A_1288 = arith.constant 48 : index
        %get3A_1289 = tpu.vector_load %arg10[%get3A_1287, %get3A_1288] {strides = array<i32>} : memref<128x128xf32, #tpu.memory_space<vmem>>, vector<16xf32>,
        %gt3A_1290 = arith.constant 0.000000e+00 : f32
        %gt3A_1291 = vector.broadcast %gt3A_1290 : f32 to vector<16xf32>
        %gt3A_1292 = arith.cmpf ogt, %get3A_1283, %gt3A_1291 : vector<16xf32>
        %mul3A_1293 = arith.mulf %get3A_1286, %get3A_1289 : vector<16xf32>
        %jit3A_1294 = arith.constant 0.000000e+00 : f32
        %broadcast_in_dim3A_1295 = vector.broadcast %jit3A_1294 : f32 to vector<16xf32>
        %select_n3A_1296 = arith.select %gt3A_1292, %mul3A_1293, %broadcast_in_dim3A_1295 : vector<16xi1>, vector<16xf32>
        %add3A_1297 = arith.addf %add3A_1280, %select_n3A_1296 : vector<16xf32>
        %reduce_sum3A_1298 = arith.constant true
        %reduce_sum3A_1299 = vector.broadcast %reduce_sum3A_1298 : i1 to vector<16xi1>
        %reduce_sum3A_1300 = tpu.scan <sum>, %add3A_1297 masked %reduce_sum3A_1299 : vector<16xf32>, vector<16xi1> -> vector<16xf32>
        %reduce_sum3A_1301 = vector.extract %reduce_sum3A_1300[15] : f32 from vector<16xf32>
        %eq3A_1302 = arith.constant 14 : i32
        %eq3A_1303 = vector.broadcast %eq3A_1302 : i32 to vector<16xi32>
        %eq3A_1304 = arith.cmpi eq, %iota3A, %eq3A_1303 : vector<16xi32>
        %broadcast_in_dim3A_1305 = vector.broadcast %reduce_sum3A_1301 : f32 to vector<16xf32>
        %select_n3A_1306 = arith.select %eq3A_1304, %broadcast_in_dim3A_1305, %select_n3A_1221 : vector<16xi1>, vector<16xf32>
        %slice3A_1307 = vector.extract_strided_slice %get3A_37 {offsets = [15], sizes = [1], strides = [1]} : vector<16xi32> to vector<1xi32>
        %squeeze3A_1308 = vector.extract %slice3A_1307[0] : i32 from vector<1xi32>
        %mul3A_1309 = arith.constant 16 : i32
        %mul3A_1310 = arith.muli %scan3A_31, %mul3A_1309 : i32
        %add3A_1311 = arith.constant 15 : i32
        %add3A_1312 = arith.addi %mul3A_1310, %add3A_1311 : i32
        %broadcast_in_dim3A_1313 = arith.constant 0.000000e+00 : f32
        %broadcast_in_dim3A_1314 = vector.broadcast %broadcast_in_dim3A_1313 : f32 to vector<16xf32>
        %get3A_1315 = arith.index_cast %squeeze3A_1308 : i32 to index
        %get3A_1316 = arith.constant 0 : index
        %get3A_1317 = tpu.vector_load %arg8[%get3A_1315, %get3A_1316] {strides = array<i32>} : memref<100x128xf32, #tpu.memory_space<vmem>>, vector<16xf32>,
        %get3A_1318 = arith.index_cast %add3A_1312 : i32 to index
        %get3A_1319 = arith.constant 0 : index
        %get3A_1320 = tpu.vector_load %arg9[%get3A_1318, %get3A_1319] {strides = array<i32>} : memref<128x128xf32, #tpu.memory_space<vmem>>, vector<16xf32>,
        %get3A_1321 = arith.index_cast %add3A_1312 : i32 to index
        %get3A_1322 = arith.constant 0 : index
        %get3A_1323 = tpu.vector_load %arg10[%get3A_1321, %get3A_1322] {strides = array<i32>} : memref<128x128xf32, #tpu.memory_space<vmem>>, vector<16xf32>,
        %gt3A_1324 = arith.constant 0.000000e+00 : f32
        %gt3A_1325 = vector.broadcast %gt3A_1324 : f32 to vector<16xf32>
        %gt3A_1326 = arith.cmpf ogt, %get3A_1317, %gt3A_1325 : vector<16xf32>
        %mul3A_1327 = arith.mulf %get3A_1320, %get3A_1323 : vector<16xf32>
        %jit3A_1328 = arith.constant 0.000000e+00 : f32
        %broadcast_in_dim3A_1329 = vector.broadcast %jit3A_1328 : f32 to vector<16xf32>
        %select_n3A_1330 = arith.select %gt3A_1326, %mul3A_1327, %broadcast_in_dim3A_1329 : vector<16xi1>, vector<16xf32>
        %add3A_1331 = arith.addf %broadcast_in_dim3A_1314, %select_n3A_1330 : vector<16xf32>
        %get3A_1332 = arith.index_cast %squeeze3A_1308 : i32 to index
        %get3A_1333 = arith.constant 16 : index
        %get3A_1334 = tpu.vector_load %arg8[%get3A_1332, %get3A_1333] {strides = array<i32>} : memref<100x128xf32, #tpu.memory_space<vmem>>, vector<16xf32>,
        %get3A_1335 = arith.index_cast %add3A_1312 : i32 to index
        %get3A_1336 = arith.constant 16 : index
        %get3A_1337 = tpu.vector_load %arg9[%get3A_1335, %get3A_1336] {strides = array<i32>} : memref<128x128xf32, #tpu.memory_space<vmem>>, vector<16xf32>,
        %get3A_1338 = arith.index_cast %add3A_1312 : i32 to index
        %get3A_1339 = arith.constant 16 : index
        %get3A_1340 = tpu.vector_load %arg10[%get3A_1338, %get3A_1339] {strides = array<i32>} : memref<128x128xf32, #tpu.memory_space<vmem>>, vector<16xf32>,
        %gt3A_1341 = arith.constant 0.000000e+00 : f32
        %gt3A_1342 = vector.broadcast %gt3A_1341 : f32 to vector<16xf32>
        %gt3A_1343 = arith.cmpf ogt, %get3A_1334, %gt3A_1342 : vector<16xf32>
        %mul3A_1344 = arith.mulf %get3A_1337, %get3A_1340 : vector<16xf32>
        %jit3A_1345 = arith.constant 0.000000e+00 : f32
        %broadcast_in_dim3A_1346 = vector.broadcast %jit3A_1345 : f32 to vector<16xf32>
        %select_n3A_1347 = arith.select %gt3A_1343, %mul3A_1344, %broadcast_in_dim3A_1346 : vector<16xi1>, vector<16xf32>
        %add3A_1348 = arith.addf %add3A_1331, %select_n3A_1347 : vector<16xf32>
        %get3A_1349 = arith.index_cast %squeeze3A_1308 : i32 to index
        %get3A_1350 = arith.constant 32 : index
        %get3A_1351 = tpu.vector_load %arg8[%get3A_1349, %get3A_1350] {strides = array<i32>} : memref<100x128xf32, #tpu.memory_space<vmem>>, vector<16xf32>,
        %get3A_1352 = arith.index_cast %add3A_1312 : i32 to index
        %get3A_1353 = arith.constant 32 : index
        %get3A_1354 = tpu.vector_load %arg9[%get3A_1352, %get3A_1353] {strides = array<i32>} : memref<128x128xf32, #tpu.memory_space<vmem>>, vector<16xf32>,
        %get3A_1355 = arith.index_cast %add3A_1312 : i32 to index
        %get3A_1356 = arith.constant 32 : index
        %get3A_1357 = tpu.vector_load %arg10[%get3A_1355, %get3A_1356] {strides = array<i32>} : memref<128x128xf32, #tpu.memory_space<vmem>>, vector<16xf32>,
        %gt3A_1358 = arith.constant 0.000000e+00 : f32
        %gt3A_1359 = vector.broadcast %gt3A_1358 : f32 to vector<16xf32>
        %gt3A_1360 = arith.cmpf ogt, %get3A_1351, %gt3A_1359 : vector<16xf32>
        %mul3A_1361 = arith.mulf %get3A_1354, %get3A_1357 : vector<16xf32>
        %jit3A_1362 = arith.constant 0.000000e+00 : f32
        %broadcast_in_dim3A_1363 = vector.broadcast %jit3A_1362 : f32 to vector<16xf32>
        %select_n3A_1364 = arith.select %gt3A_1360, %mul3A_1361, %broadcast_in_dim3A_1363 : vector<16xi1>, vector<16xf32>
        %add3A_1365 = arith.addf %add3A_1348, %select_n3A_1364 : vector<16xf32>
        %get3A_1366 = arith.index_cast %squeeze3A_1308 : i32 to index
        %get3A_1367 = arith.constant 48 : index
        %get3A_1368 = tpu.vector_load %arg8[%get3A_1366, %get3A_1367] {strides = array<i32>} : memref<100x128xf32, #tpu.memory_space<vmem>>, vector<16xf32>,
        %get3A_1369 = arith.index_cast %add3A_1312 : i32 to index
        %get3A_1370 = arith.constant 48 : index
        %get3A_1371 = tpu.vector_load %arg9[%get3A_1369, %get3A_1370] {strides = array<i32>} : memref<128x128xf32, #tpu.memory_space<vmem>>, vector<16xf32>,
        %get3A_1372 = arith.index_cast %add3A_1312 : i32 to index
        %get3A_1373 = arith.constant 48 : index
        %get3A_1374 = tpu.vector_load %arg10[%get3A_1372, %get3A_1373] {strides = array<i32>} : memref<128x128xf32, #tpu.memory_space<vmem>>, vector<16xf32>,
        %gt3A_1375 = arith.constant 0.000000e+00 : f32
        %gt3A_1376 = vector.broadcast %gt3A_1375 : f32 to vector<16xf32>
        %gt3A_1377 = arith.cmpf ogt, %get3A_1368, %gt3A_1376 : vector<16xf32>
        %mul3A_1378 = arith.mulf %get3A_1371, %get3A_1374 : vector<16xf32>
        %jit3A_1379 = arith.constant 0.000000e+00 : f32
        %broadcast_in_dim3A_1380 = vector.broadcast %jit3A_1379 : f32 to vector<16xf32>
        %select_n3A_1381 = arith.select %gt3A_1377, %mul3A_1378, %broadcast_in_dim3A_1380 : vector<16xi1>, vector<16xf32>
        %add3A_1382 = arith.addf %add3A_1365, %select_n3A_1381 : vector<16xf32>
        %reduce_sum3A_1383 = arith.constant true
        %reduce_sum3A_1384 = vector.broadcast %reduce_sum3A_1383 : i1 to vector<16xi1>
        %reduce_sum3A_1385 = tpu.scan <sum>, %add3A_1382 masked %reduce_sum3A_1384 : vector<16xf32>, vector<16xi1> -> vector<16xf32>
        %reduce_sum3A_1386 = vector.extract %reduce_sum3A_1385[15] : f32 from vector<16xf32>
        %eq3A_1387 = arith.constant 15 : i32
        %eq3A_1388 = vector.broadcast %eq3A_1387 : i32 to vector<16xi32>
        %eq3A_1389 = arith.cmpi eq, %iota3A, %eq3A_1388 : vector<16xi32>
        %broadcast_in_dim3A_1390 = vector.broadcast %reduce_sum3A_1386 : f32 to vector<16xf32>
        %select_n3A_1391 = arith.select %eq3A_1389, %broadcast_in_dim3A_1390, %select_n3A_1306 : vector<16xi1>, vector<16xf32>
        %abs3A = math.absf %select_n3A_1391 : vector<16xf32>
        %neg3A = arith.constant 0.000000e+00 : f32
        %neg3A_1392 = vector.broadcast %neg3A : f32 to vector<16xf32>
        %neg3A_1393 = arith.subf %neg3A_1392, %abs3A : vector<16xf32>
        %exp3A = math.exp %neg3A_1393 : vector<16xf32>
        %ge3A = arith.constant 0.000000e+00 : f32
        %ge3A_1394 = vector.broadcast %ge3A : f32 to vector<16xf32>
        %ge3A_1395 = arith.cmpf oge, %select_n3A_1391, %ge3A_1394 : vector<16xf32>
        %add3A_1396 = arith.constant 1.000000e+00 : f32
        %add3A_1397 = vector.broadcast %add3A_1396 : f32 to vector<16xf32>
        %add3A_1398 = arith.addf %add3A_1397, %exp3A : vector<16xf32>
        %div3A = arith.constant 1.000000e+00 : f32
        %div3A_1399 = vector.broadcast %div3A : f32 to vector<16xf32>
        %div3A_1400 = arith.divf %div3A_1399, %add3A_1398 : vector<16xf32>
        %add3A_1401 = arith.constant 1.000000e+00 : f32
        %add3A_1402 = vector.broadcast %add3A_1401 : f32 to vector<16xf32>
        %add3A_1403 = arith.addf %add3A_1402, %exp3A : vector<16xf32>
        %div3A_1404 = arith.divf %exp3A, %add3A_1403 : vector<16xf32>
        %select_n3A_1405 = arith.select %ge3A_1395, %div3A_1400, %div3A_1404 : vector<16xi1>, vector<16xf32>
        %mul3A_1406 = arith.constant 128 : i32
        %mul3A_1407 = arith.muli %scan3A_8, %mul3A_1406 : i32
        %mul3A_1408 = arith.constant 16 : i32
        %mul3A_1409 = arith.muli %scan3A_31, %mul3A_1408 : i32
        %add3A_1410 = arith.addi %mul3A_1407, %mul3A_1409 : i32
        %swap3A = arith.index_cast %add3A_1410 : i32 to index
        %swap3A_1411 = tpu.vector_load %arg11[%swap3A] {strides = array<i32>} : memref<512xf32, #tpu.memory_space<vmem>>, vector<16xf32>,
        tpu.vector_store %arg11[%swap3A], %select_n3A_1405 {strides = array<i32>} : memref<512xf32, #tpu.memory_space<vmem>>, vector<16xf32>,
      }
      %scan3A_30 = arith.constant 8 : i32
    }
    %scan3A_7 = arith.constant 4 : i32
    "tpu.region"() ({
      %run_scoped3A = tpu.sem_alloc : memref<!tpu.dma_semaphore, #tpu.memory_space<semaphore_mem>>
      %dma_start3A = tpu.memref_slice %arg6[%mul3A_2] : memref<16384xf32, #tpu.memory_space<hbm>> -> memref<512xf32, #tpu.memory_space<hbm>>
      %dma_start3A_8 = tpu.memref_slice %arg6[%mul3A_2] : memref<16384xf32, #tpu.memory_space<hbm>> -> memref<512xf32, #tpu.memory_space<hbm>>
      tpu.enqueue_dma source(%arg11 : memref<512xf32, #tpu.memory_space<vmem>>) target(%dma_start3A_8 : memref<512xf32, #tpu.memory_space<hbm>>) target_semaphore(%run_scoped3A : memref<!tpu.dma_semaphore, #tpu.memory_space<semaphore_mem>>)
      %dma_wait3A = tpu.memref_slice %arg6[%mul3A_2] : memref<16384xf32, #tpu.memory_space<hbm>> -> memref<512xf32, #tpu.memory_space<hbm>>
      %dma_wait3A_9 = tpu.memref_slice %arg6[%mul3A_2] : memref<16384xf32, #tpu.memory_space<hbm>> -> memref<512xf32, #tpu.memory_space<hbm>>
      tpu.wait_dma2 semaphore(%run_scoped3A : memref<!tpu.dma_semaphore, #tpu.memory_space<semaphore_mem>>) src(%arg11 : memref<512xf32, #tpu.memory_space<vmem>>) dst(%dma_wait3A_9 : memref<512xf32, #tpu.memory_space<hbm>>)
      tpu.yield
    }) : () -> ()
    return
  }
}

</mosaic_0001>

<sc_bundles>
// kernel: kernel.4.cloned.1.call-start
scs
__scs_entry_jumppad:
0x0: {  	(pc) =	sbr.rel $0x88, $3  }
0x1: {  	(tag) =	ssettag $0x0;
	lr =	simm.s32 $0x1  }
0x2: {  	[smem:$0x3F9C] =	sst lr;
	_ =	strace $0xD0000000  }
0x3: {  	_ = 	snop  }
0x4: {  	_ = 	snop  }
0x5: {  	_ = 	snop  }
0x6: {  	_ = 	snop  }
0x7: {  	_ = 	snop  }
__scs_overlays_trampoline_lowered:
0x8: {  	[smem:$0x3FAB] =	sst s0  }
0x9: {  	[smem:$0x3FAC] =	sst s1  }
0xa: {  	[smem:$0x3FAD] =	sst s2  }
0xb: {  	[smem:$0x3FAE] =	sst s3  }
0xc: {  	[smem:$0x3FAF] =	sst s4  }
0xd: {  	[smem:$0x3FB0] =	sst s5  }
0xe: {  	[smem:$0x3FB1] =	sst s6  }
0xf: {  	[smem:$0x3FB2] =	sst s7  }
0x10: {  	[smem:$0x3FB3] =	sst s8  }
0x11: {  	[smem:$0x3FB4] =	sst s9;
	s0 =	simm.s32 @!p0 $0x0  }
0x12: {  	s1 =	sld [smem:$0x3F9A];
	s0 =	simm.s32 @p0 $0x1  }
0x13: {  	[smem:$0x3FB5] =	sst s0;
	s0 =	simm.s32 @!p1 $0x0  }
0x14: {  	s2 =	sld [smem:$0x3F99];
	s0 =	simm.s32 @p1 $0x1  }
0x15: {  	[smem:$0x3FB6] =	sst s0;
	s0 =	simm.s32 @!p2 $0x0  }
0x16: {  	s3 =	sld [smem:$0x3FDB];
	s0 =	simm.s32 @p2 $0x1  }
0x17: {  	s4 =	simm.s32 $0x1BF5;
	[smem:$0x3FB8] =	sst s0  }
0x18: {  	s0 =	sld [smem:$0x3F9B];
	_ =	swait.ge [sflag:s4], $0x0  }
0x19: {  	s7 =	sld [smem:$0x3F9C]  }
0x1a: {  	s8 =	sadd.s32 $0xFFFFE003, lr  }
0x1b: {  	s9 =	sadd.s32 $0xFFFFFEF7, lr;
	s5 =	simm.s32 $0xFFFFFFFF;
	p2 =	slt.u32 s8, $0xFFFFF086  }
0x1c: {  	p1 =	slt.u32 s9, $0xF7A;
	s5 =	simm.s32 @!p2 $0x0  }
0x1d: {  	s5 =	simm.s32 @p1 $0x1;
	p0 =	seq.s32 s7, s2  }
0x1e: {  	s7 =	smul.u32 @!p0 $0xF7A, s2;
	p2 =	seq.s32 @!p0 s5, $0x0  }
0x1f: {  	s9 =	smul.u32 $0xF7A, s1;
	s8 =	simm.s32 @!p0 $0x1BF5;
	p2 =	por !p2, p0  }
0x20: {  	[sflag:s8] =	ssyncset.s32 @!p0 $0xFFFFF086;
	s6 =	sadd.s32 @!p0 s3, s7;
	s7 =	simm.s32 @!p0 $0x108  }
0x21: {  	s3 =	sadd.s32 s3, s9;
	s6 =	sadd.s32 @!p0 $0x88, s6;
	s7 =	simm.s32 @p2 $0x1082  }
0x22: {  	[simem:s7], [sflag:s8] =	dma.local @!p0 [hbm:s6], $0xF7A  }
0x23: {  	s9 =	sor.u32 $0xD0000000, s2;
	s6 =	simm.s32 $0x108;
	_ =	swait.ge @!p0 [sflag:s8], $0x0  }
0x24: {  	s3 =	sadd.s32 $0x88, s3;
	s6 =	simm.s32 @!p1 $0x1082;
	[sflag:s4] =	ssyncset.s32 $0xFFFFF086  }
0x25: {  	[simem:s6], [sflag:s4] =	dma.local [hbm:s3], $0xF7A  }
0x26: {  	[smem:$0x3F9C] =	sst s1;
	(tag) =	ssettag s2;
	_ =	strace s9  }
0x27: {  	s1 =	sld [smem:$0x3FAC]  }
0x28: {  	s2 =	sld [smem:$0x3FAD]  }
0x29: {  	s4 =	sld [smem:$0x3FAF]  }
0x2a: {  	p0 =	seq.s32 s5, $0x0;
	s5 =	sld [smem:$0x3FB0]  }
0x2b: {  	s6 =	sld [smem:$0x3FB1]  }
0x2c: {  	s7 =	sld [smem:$0x3FB2]  }
0x2d: {  	s3 =	simm.s32 $0x108;
	s8 =	sld [smem:$0x3FB3]  }
0x2e: {  	s3 =	simm.s32 @!p0 $0x1082;
	s9 =	sld [smem:$0x3FB4]  }
0x2f: {  	lr =	sadd.s32 s0, s3;
	s0 =	sld [smem:$0x3FAB]  }
0x30: {  	s3 =	sld [smem:$0x3FAE]  }
0x31: {  	[smem:$0x3FB7] =	sst s10  }
0x32: {  	s10 =	sld [smem:$0x3FB5];
	_ =	sdelay $0x3  }
0x33: {  	p0 =	seq.s32 s10, $0x1;
	s10 =	sld [smem:$0x3FB7];
	_ =	sdelay $0x3  }
0x34: {  	[smem:$0x3FB7] =	sst s10  }
0x35: {  	s10 =	sld [smem:$0x3FB6];
	_ =	sdelay $0x3  }
0x36: {  	p1 =	seq.s32 s10, $0x1;
	s10 =	sld [smem:$0x3FB7];
	_ =	sdelay $0x3  }
0x37: {  	[smem:$0x3FB7] =	sst s10  }
0x38: {  	s10 =	sld [smem:$0x3FB8]  }
0x39: {  	_ = 	snop;
	(pc) =	sbr.ind lr, $3  }
0x3a: {  	_ = 	snop  }
0x3b: {  	_ = 	snop  }
0x3c: {  	p2 =	seq.s32 s10, $0x1;
	s10 =	sld [smem:$0x3FB7]  }
0x3d: {  	_ =	shalt  }
0x3e: {  	_ =	shalt  }
0x3f: {  	_ =	shalt  }
0x40: {  	_ =	shalt  }
0x41: {  	_ =	shalt  }
0x42: {  	_ =	shalt  }
0x43: {  	_ =	shalt  }
0x44: {  	_ =	shalt  }
0x45: {  	_ =	shalt  }
0x46: {  	_ =	shalt  }
0x47: {  	_ =	shalt  }
0x48: {  	_ =	shalt  }
0x49: {  	_ =	shalt  }
0x4a: {  	_ =	shalt  }
0x4b: {  	_ =	shalt  }
0x4c: {  	_ =	shalt  }
0x4d: {  	_ =	shalt  }
0x4e: {  	_ =	shalt  }
0x4f: {  	_ =	shalt  }
0x50: {  	_ =	shalt  }
0x51: {  	_ =	shalt  }
0x52: {  	_ =	shalt  }
0x53: {  	_ =	shalt  }
0x54: {  	_ =	shalt  }
0x55: {  	_ =	shalt  }
0x56: {  	_ =	shalt  }
0x57: {  	_ =	shalt  }
0x58: {  	_ =	shalt  }
0x59: {  	_ =	shalt  }
0x5a: {  	_ =	shalt  }
0x5b: {  	_ =	shalt  }
0x5c: {  	_ =	shalt  }
0x5d: {  	_ =	shalt  }
0x5e: {  	_ =	shalt  }
0x5f: {  	_ =	shalt  }
0x60: {  	_ =	shalt  }
0x61: {  	_ =	shalt  }
0x62: {  	_ =	shalt  }
0x63: {  	_ =	shalt  }
0x64: {  	_ =	shalt  }
0x65: {  	_ =	shalt  }
0x66: {  	_ =	shalt  }
0x67: {  	_ =	shalt  }
0x68: {  	_ =	shalt  }
0x69: {  	_ =	shalt  }
0x6a: {  	_ =	shalt  }
0x6b: {  	_ =	shalt  }
0x6c: {  	_ =	shalt  }
0x6d: {  	_ =	shalt  }
0x6e: {  	_ =	shalt  }
0x6f: {  	_ =	shalt  }
0x70: {  	_ =	shalt  }
0x71: {  	_ =	shalt  }
0x72: {  	_ =	shalt  }
0x73: {  	_ =	shalt  }
0x74: {  	_ =	shalt  }
0x75: {  	_ =	shalt  }
0x76: {  	_ =	shalt  }
0x77: {  	_ =	shalt  }
0x78: {  	_ =	shalt  }
0x79: {  	_ =	shalt  }
0x7a: {  	_ =	shalt  }
0x7b: {  	_ =	shalt  }
0x7c: {  	_ =	shalt  }
0x7d: {  	_ =	shalt  }
0x7e: {  	_ =	shalt  }
0x7f: {  	_ =	shalt  }
0x80: {  	_ =	shalt  }
0x81: {  	_ =	shalt  }
0x82: {  	_ =	shalt  }
0x83: {  	_ =	shalt  }
0x84: {  	_ =	shalt  }
0x85: {  	_ =	shalt  }
0x86: {  	_ =	shalt  }
0x87: {  	_ =	shalt  }
.Lfunc_end0:
.L_simem_size_0:
called_computation_lowered:
.L_overlay_start_0:
0x88: {  	s2 =	sld [smem:$0x3FD9]  }
0x89: {  	s3 =	sld [smem:$0x3FFE];
	_ =	sdelay $0x1  }
0x8a: {  	s1 =	srdreg.scid  }
0x8b: {  	s0 =	sand.u32 $0x1, s1  }
0x8c: {  	s17 =	sshll.u32 s0, $0xA;
	s2 =	sadd.s32 s3, s2  }
0x8d: {  	s2 =	sadd.s32 s2, s17  }
0x8e: {  	[smem:$0x3FC3] =	sst s2  }
0x8f: {  	_ = 	snop  }
0x90: {  	s2 =	sld [smem:$0x3FC9]  }
0x91: {  	s18 =	sld [smem:$0x3FC8]  }
0x92: {  	s4 =	sld [smem:$0x3FC6]  }
0x93: {  	s5 =	sld [smem:$0x3FD0];
	(tm) =	ssettm $0x1  }
0x94: {  	s6 =	sld [smem:$0x3FFB];
	_ =	sdelay $0x3  }
0x95: {  	_ =	strace s6  }
0x96: {  	s6 =	sld [smem:$0x3FFC];
	_ =	sdelay $0x3  }
0x97: {  	_ =	strace s6  }
0x98: {  	s6 =	sld [smem:$0x3FFD];
	_ =	sdelay $0x3  }
0x99: {  	_ =	strace s6  }
0x9a: {  	_ =	strace $0x8FFFFFFF  }
0x9b: {  	s19 =	sld [smem:$0x3FDB];
	_ =	sdelay $0x1  }
0x9c: {  	s7 =	simm.s32 $_scs_section_size  }
0x9d: {  	s8 =	simm.s32 $_size__tile_overlayer_lowered;
	s9 =	simm.s32 $_tile_overlayer_lowered  }
0x9e: {  	s22 =	simm.s32 $0x1BFF;
	s21 =	sshll.u32 s9, $0x1;
	s6 =	sadd.s32 s7, s19  }
0x9f: {  	s10 =	simm.s32 $0x0;
	s20 =	sshll.u32 s8, $0x1;
	s8 =	sadd.s32 s21, s6  }
0xa0: {  	[timem:s10], [sflag:s22] =	dma.local [hbm:s8], s20  }
0xa1: {  	_ =	swait.ge [sflag:s22], s20  }
0xa2: {  	s7 =	ssub.s32 $0x0, s20;
	[sflag:s22] =	ssyncset.done $0x0  }
0xa3: {  	[sflag:s22] =	ssyncadd.s32 s7;
	_ =	sdelay $0x1  }
0xa4: {  	s23 =	simm.s32 $0x1B8B  }
0xa5: {  	_ =	swait.ge [sflag:s23], $0x1  }
0xa6: {  	[sflag:s23] =	ssyncset.done $0x0  }
0xa7: {  	s25 =	simm.s32 $0x1B8E;
	s24 =	sld [smem:$0x3FFE];
	[sflag:s23] =	ssyncadd.s32 $0xFFFFFFFF  }
0xa8: {  	s26 =	simm.s32 $execute0_lowered;
	[smem:$0x3FD2] =	sst s25  }
0xa9: {  	s8 =	sshll.u32 s26, $0x1;
	_ =	strace $0x80000046;
	[dreg:$0x1] =	wrdreg $0xFFFFFFFF  }
0xaa: {  	s28 =	simm.s32 $_size_execute0_lowered;
	s6 =	sadd.s32 s6, s8;
	[dreg:$0x0] =	wrdreg $0x0  }
0xab: {  	s8 =	sshll.u32 s28, $0x1;
	[dreg:$0x2] =	wrdreg s6  }
0xac: {  	[dreg:$0x3] =	wrdreg s8  }
0xad: {  	[dreg:$0x4] =	wrdreg $0xC0  }
0xae: {  	_ =	task [dreg:s10], $0x5FFFF  }
0xaf: {  	[dreg:$0x1] =	wrdreg $0xFFFFFFFF  }
0xb0: {  	[dreg:$0x0] =	wrdreg $0x60  }
0xb1: {  	[dreg:$0x2] =	wrdreg s2  }
0xb2: {  	[dreg:$0x3] =	wrdreg s18  }
0xb3: {  	[dreg:$0x4] =	wrdreg s4  }
0xb4: {  	[dreg:$0x5] =	wrdreg s5  }
0xb5: {  	[dreg:$0x6] =	wrdreg s24  }
0xb6: {  	[dreg:$0x7] =	wrdreg $0x9  }
0xb7: {  	_ =	task.clear_ibuf [dreg:s10], $0x8FFFF;
	_ =	strace $0x90000046  }
0xb8: {  	s29 =	simm.s32 $0x9;
	_ =	strace $0x80000048  }
0xb9: {  	_ =	swait.ge [sflag:s29], $0x1  }
0xba: {  	[sflag:s29] =	ssyncadd.s32 $0xFFFFFFFF  }
0xbb: {  	_ =	strace $0x90000048  }
0xbc: {  	_ =	sfence  }
0xbd: {  	s30 =	sld [smem:$0x0];
	_ =	sdelay $0x2  }
0xbe: {  	s31 =	sshll.u32 s1, $0xD;
	s1 =	sshrl.u32 s1, $0x2  }
0xbf: {  	s3 =	sand.u32 $0x4000, s31;
	s1 =	sadd.s32 s1, s30  }
0xc0: {  	s0 =	sor.u32 s3, s0;
	s1 =	sshll.u32 s1, $0x11  }
0xc1: {  	s0 =	sor.u32 s1, s0  }
0xc2: {  	s0 =	sadd.s32 $0x8F2B, s0  }
0xc3: {  	[sflag:s0] =	ssyncadd.remote.s32 $0x1  }
0xc4: {  	_ =	sfence.sel $0xFFFF  }
0xc5: {  	[dreg:$0x0] =	wrdreg $0xFFFFFFFF;
	(pc) =	sbr.abs _section_cstart, $3  }
0xc6: {  	[dreg:$0x1] =	wrdreg $0xFFFFFFFF  }
0xc7: {  	_ =	task.clear_ibuf [dreg:s10], $0x2FFFF;
	_ =	strace $0x9FFFFFFF  }
0xc8: {  	(tm) =	ssettm $0x7FFFFFFF  }
0xc9: {  	_ =	shalt  }
tec
execute0_lowered:
.L_overlay_start_1:
0x0: {  	(tag) =	ssettag $0x1  }
0x1: {  	s11 =	rddreg [dreg:$0x0]  }
0x2: {  	s12 =	rddreg [dreg:$0x1]  }
0x3: {  	s3 =	rddreg [dreg:$0x2]  }
0x4: {  	s0 =	rddreg [dreg:$0x4];
	s1 =	simm.s32 $0x0;
	s30 =	srdreg.scid  }
0x5: {  	s4 =	stileid.u32;
	s13 =	simm.s32 $0x1000;
	s14 =	simm.s32 $0x1  }
0x6: {  	s15 =	simm.s32 $0x2;
	s16 =	simm.s32 $0x400;
	s17 =	simm.s32 $0x7A1400  }
0x7: {  	s18 =	simm.s32 $0x3800;
	s21 =	simm.s32 $0x9800;
	s22 =	simm.s32 $0xB800  }
0x8: {  	s23 =	simm.s32 $0xD800;
	s24 =	simm.s32 $0xF800;
	s25 =	simm.s32 $0x11800  }
0x9: {  	s26 =	simm.s32 $0x1DA00;
	[smem:$0x7FF] =	sst s1;
	s1 =	sand.u32 $0x1, s30  }
.Ltmp0:
0xa: {  	v1 =	vlaneseq.u32;
	s4 =	sshll.u32 s4, $0x10;
	s2 =	ssub.s32 $0x2, s1;
	(pc) =	sbr.rel .LBB2_1-.Ltmp0, $4  }
0xb: {  	s7 =	sadd.s32 $0xE00, s0;
	v4 =	vmul.u32 $0x80, v1;
	s1 =	sshll.u32 s1, $0xF;
	s5 =	sshrl.u32 s2, $0x1  }
0xc: {  	s9 =	sadd.s32 $0x41200, s0;
	v3 =	vor.u32 $0x4000, v1;
	v5 =	vor.u32 $0x4010, v1;
	v6 =	vor.u32 $0x4020, v1;
	s4 =	sor.u32 s1, s4;
	s31 =	ssub.s32 s2, s5  }
0xd: {  	v7 =	vor.u32 $0x4030, v1;
	_ =	strace $0x80000047;
	v8 =	vor.u32 $0x800, v4;
	v9 =	vor.u32 $0x1000, v4;
	s1 =	sadd.s32 $0x8000, s4;
	s0 =	smax.u32 s31, $0x1  }
0xe: {  	v10 =	vor.u32 $0x1800, v4;
	s20 =	smov.u32 s4;
	v0 =	vmov s4;
	v2 =	vmov s1;
	s1 =	simm.s32 $0x0;
	[dreg:$0x6] =	wrdreg s0  }
.LBB2_58:
0xf: {  	[sflag:s15] =	ssyncadd.s32 $0xFFFFF800  }
.LBB2_59:
0x10: {  	s1 =	sadd.s32 $0x1, s1;
	s0 =	rddreg [dreg:$0x6]  }
0x11: {  	p0 =	sne.s32 s1, s0  }
.Ltmp1:
0x12: {  	_ = 	snop;
	(pc) =	sbr.rel @!p0 .LBB2_60-.Ltmp1, $1  }
0x13: {  	_ =	sdelay $0x3  }
.LBB2_1:
0x14: {  	[dreg:$0x7] =	wrdreg s1  }
0x15: {  	s0 =	rddreg [dreg:$0x3]  }
0x16: {  	s30 =	simm.s32 $0x0;
	s2 =	simm.s32 $0x13800;
	s31 =	simm.s32 $0x3  }
0x17: {  	[tilespmem:s2], [sflag:$0x3] =	stream.linear.gather [hbm4b:s0+s30], $0x2000, $0x38;
	[tilespmem:$0x1DA80] =	vst v63  }
0x18: {  	_ =	swait.ge [sflag:s31], $0x2000  }
0x19: {  	s1 =	simm.s32 $0x0;
	s4 =	simm.s32 $0x0;
	[sflag:s31] =	ssyncset.done $0x0  }
0x1a: {  	s0 =	simm.s32 $0x0;
	s2 =	simm.s32 $0x0;
	[sflag:s31] =	ssyncadd.s32 $0xFFFFE000  }
.LBB2_2:
0x1b: {  	s5 =	sshll.u32 s4, $0x9  }
0x1c: {  	s8 =	simm.s32 $0x0;
	s6 =	sadd.s32 s11, s5  }
0x1d: {  	[tilespmem:s8], [sflag:$0x1] =	stream.linear.gather [hbm4b:s6+s8], $0x1000, $0x38;
	[tilespmem:$0x1DA80] =	vst v63  }
0x1e: {  	s5 =	sadd.s32 s12, s5  }
0x1f: {  	[tilespmem:s13], [sflag:$0x1] =	stream.linear.gather [hbm4b:s5+s8], $0x1000, $0x38;
	[tilespmem:$0x1DA80] =	vst v63  }
0x20: {  	_ =	swait.ge [sflag:s14], $0x1000  }
0x21: {  	[sflag:s14] =	ssyncset.done $0x0  }
0x22: {  	[sflag:s14] =	ssyncadd.s32 $0xFFFFF000  }
0x23: {  	_ =	swait.ge [sflag:s14], $0x1000  }
0x24: {  	[sflag:s14] =	ssyncset.done $0x0  }
0x25: {  	s28 =	simm.s32 $0x0;
	[sflag:s14] =	ssyncadd.s32 $0xFFFFF000  }
0x26: {  	v11 =	vld [tilespmem:s28+$0x0];
	_ =	sdelay $0x4  }
0x27: {  	vm0 =	vge.s32 v11, v0;
	vm1 =	vlt.s32 v11, v2  }
0x28: {  	vm0 =	vmand vm0, vm1  }
0x29: {  	v12 =	vmpcnt.ones.xlane vm0  }
0x2a: {  	v13 =	vor.u32 s0, v1;
	[tilespmem:s2+$0x2000] =	vst.msk vm0, v11  }
0x2b: {  	[tilespmem:s2+$0x2600] =	vst.msk vm0, v13;
	(v2sf) =	vpush v12, $0x0  }
0x2c: {  	v11 =	vld [tilespmem:s28+$0x1000];
	_ =	sdelay $0x4  }
0x2d: {  	vm0 =	vge.s32 v11, v0;
	vm1 =	vlt.s32 v11, v2  }
0x2e: {  	vm0 =	vmand vm0, vm1  }
0x2f: {  	v12 =	vmpcnt.ones.xlane vm0;
	_ =	sdelay $0x1  }
0x30: {  	[tilespmem:s1+$0x2C00] =	vst.msk vm0, v11;
	(v2sf) =	vpush v12, $0x0  }
0x31: {  	s29 =	simm.s32 $0x10;
	[tilespmem:s1+$0x3200] =	vst.msk vm0, v13  }
0x32: {  	v12 =	vld [tilespmem:s29+$0x0];
	_ =	sdelay $0x2  }
0x33: {  	s30 =	spop (v2sf)  }
0x34: {  	s2 =	sadd.s32 s2, s30  }
0x35: {  	vm0 =	vge.s32 v12, v0;
	vm1 =	vlt.s32 v12, v2;
	p0 =	slt.s32 s2, $0x5F0  }
0x36: {  	s6 =	sadd.s32 $0x10, s0;
	vm0 =	vmand vm0, vm1;
	s2 =	simm.s32 @!p0 $0x5F0  }
0x37: {  	v11 =	vor.u32 s6, v1;
	v13 =	vmpcnt.ones.xlane vm0;
	[tilespmem:s2+$0x2000] =	vst.msk vm0, v12  }
0x38: {  	[tilespmem:s2+$0x2600] =	vst.msk vm0, v11  }
0x39: {  	(v2sf) =	vpush v13, $0x0;
	v12 =	vld [tilespmem:s29+$0x1000];
	_ =	sdelay $0x3  }
0x3a: {  	s31 =	spop (v2sf)  }
0x3b: {  	s5 =	sadd.s32 s1, s31;
	vm0 =	vge.s32 v12, v0;
	vm1 =	vlt.s32 v12, v2  }
0x3c: {  	s1 =	simm.s32 $0x80;
	p1 =	slt.s32 s5, $0x5F0;
	vm0 =	vmand vm0, vm1  }
.LBB2_3:
0x3d: {  	p0 =	sne.s32 s1, $0x3FC0  }
0x3e: {  	v13 =	vmpcnt.ones.xlane vm0;
	s5 =	simm.s32 @!p1 $0x5F0;
	s8 =	smov.u32 s1;
	s1 =	sadd.s32 $0x40, s1  }
0x3f: {  	[tilespmem:s5+$0x2C00] =	vst.msk vm0, v12  }
0x40: {  	s8 =	sshra.s32 s8, $0x2;
	[tilespmem:s5+$0x3200] =	vst.msk vm0, v11;
	(v2sf) =	vpush v13, $0x0  }
0x41: {  	v12 =	vld [tilespmem:s8+$0x0];
	_ =	sdelay $0x3  }
0x42: {  	s10 =	spop (v2sf)  }
0x43: {  	vm0 =	vge.s32 v12, v0;
	vm1 =	vlt.s32 v12, v2;
	s2 =	sadd.s32 s2, s10  }
0x44: {  	vm0 =	vmand vm0, vm1;
	p1 =	slt.s32 s2, $0x5F0  }
0x45: {  	s6 =	sadd.s32 $0x10, s6;
	v13 =	vmpcnt.ones.xlane vm0;
	s2 =	simm.s32 @!p1 $0x5F0  }
0x46: {  	v11 =	vor.u32 s6, v1;
	[tilespmem:s2+$0x2000] =	vst.msk vm0, v12  }
0x47: {  	[tilespmem:s2+$0x2600] =	vst.msk vm0, v11;
	(v2sf) =	vpush v13, $0x0  }
0x48: {  	v12 =	vld [tilespmem:s8+$0x1000];
	_ =	sdelay $0x1  }
.Ltmp2:
0x49: {  	(pc) =	sbr.rel @p0 .LBB2_3-.Ltmp2, $4  }
0x4a: {  	_ = 	snop  }
0x4b: {  	s8 =	spop (v2sf)  }
0x4c: {  	vm0 =	vge.s32 v12, v0;
	vm1 =	vlt.s32 v12, v2;
	s5 =	sadd.s32 s5, s8  }
0x4d: {  	vm0 =	vmand vm0, vm1;
	p1 =	slt.s32 s5, $0x5F0  }
0x4e: {  	v13 =	vmpcnt.ones.xlane vm0;
	_ =	sdelay $0x1  }
0x4f: {  	(v2sf) =	vpush v13, $0x0;
	_ =	sdelay $0xb  }
0x50: {  	s4 =	sadd.s32 $0x1, s4  }
0x51: {  	p2 =	seq.s32 s4, $0x4  }
.Ltmp3:
0x52: {  	s1 =	spop (v2sf);
	(pc) =	sbr.rel @!p2 .LBB2_2-.Ltmp3, $4  }
0x53: {  	s5 =	simm.s32 @!p1 $0x5F0;
	s6 =	sadd.s32 s2, s1;
	s8 =	spop (v2sf)  }
0x54: {  	p0 =	slt.s32 s6, $0x5F0;
	s8 =	sadd.s32 s5, s8  }
0x55: {  	[tilespmem:s5+$0x2C00] =	vst.msk vm0, v12;
	s2 =	smov.u32 s6;
	p1 =	slt.s32 s8, $0x5F0;
	s1 =	smov.u32 s8  }
0x56: {  	s0 =	sadd.s32 $0x1000, s0;
	[tilespmem:s5+$0x3200] =	vst.msk vm0, v11;
	s2 =	simm.s32 @!p0 $0x5F0;
	s1 =	simm.s32 @!p1 $0x5F0  }
0x57: {  	s0 =	sadd.s32 $0xF, s2  }
0x58: {  	s5 =	sadd.s32 $0xF, s1;
	s4 =	sshra.s32 s0, $0x1F  }
0x59: {  	s10 =	sshra.s32 s5, $0x1F;
	s4 =	sshrl.u32 s4, $0x1C  }
.Ltmp4:
0x5a: {  	s28 =	sshrl.u32 s10, $0x1C;
	s0 =	sadd.s32 s4, s0;
	(pc) =	sbr.rel .LBB2_6-.Ltmp4, $4  }
0x5b: {  	p1 =	slt.s32 s8, $0x1;
	s4 =	sadd.s32 s28, s5;
	s29 =	sshra.s32 s0, $0x4  }
0x5c: {  	s31 =	simm.s32 $0x0;
	s30 =	sshra.s32 s4, $0x4;
	p0 =	sgt.s32 s29, $0x1  }
0x5d: {  	s0 =	simm.s32 $0x0;
	s29 =	simm.s32 @!p0 $0x1;
	p0 =	sgt.s32 s30, $0x1  }
0x5e: {  	v11 =	vmov s2;
	v12 =	vmov s1;
	s30 =	simm.s32 @!p0 $0x1;
	p0 =	slt.s32 s6, $0x1;
	s6 =	simm.s32 $0x0  }
.LBB2_54:
0x5f: {  	p2 =	slt.s32 s11, $0x1  }
0x60: {  	s1 =	simm.s32 @!p2 $0x10;
	s2 =	simm.s32 @!p2 $0x1D900;
	s4 =	simm.s32 @!p2 $0x19800  }
0x61: {  	[hbm4b:s7+s1] =	stream.indirect.scatter @!p2 [tilespmem:s4], [sflag:$0x2], $0x80, s2, s1, $0xb8;
	[tilespmem:$0x1DA80] =	vst v63  }
0x62: {  	s5 =	sadd.s32 $0xF, s5;
	p2 =	slt.s32 s6, $0x1  }
0x63: {  	s1 =	simm.s32 @!p2 $0x10;
	s2 =	simm.s32 @!p2 $0x1D980;
	s4 =	simm.s32 @!p2 $0x1B800  }
0x64: {  	[hbm4b:s9+s1] =	stream.indirect.scatter @!p2 [tilespmem:s4], [sflag:$0x2], $0x80, s2, s1, $0xb8;
	[tilespmem:$0x1DA80] =	vst v63  }
0x65: {  	s0 =	sadd.s32 $0xF, s0;
	s12 =	sadd.s32 $0xF, s11;
	p2 =	slt.s32 s11, $0x11  }
0x66: {  	s1 =	simm.s32 @!p2 $0x10;
	s2 =	simm.s32 @!p2 $0x1D910;
	s4 =	simm.s32 @!p2 $0x1A000  }
0x67: {  	[hbm4b:s7+s1] =	stream.indirect.scatter @!p2 [tilespmem:s4], [sflag:$0x2], $0x80, s2, s1, $0xb8;
	[tilespmem:$0x1DA80] =	vst v63  }
0x68: {  	s13 =	sadd.s32 $0xF, s6;
	s31 =	sadd.s32 $0x1, s31;
	p2 =	slt.s32 s6, $0x11  }
0x69: {  	s1 =	simm.s32 @!p2 $0x10;
	s2 =	simm.s32 @!p2 $0x1D990;
	s4 =	simm.s32 @!p2 $0x1C000  }
0x6a: {  	[hbm4b:s9+s1] =	stream.indirect.scatter @!p2 [tilespmem:s4], [sflag:$0x2], $0x80, s2, s1, $0xb8;
	[tilespmem:$0x1DA80] =	vst v63  }
0x6b: {  	s8 =	sshra.s32 s5, $0x1F;
	s10 =	sshra.s32 s0, $0x1F;
	p2 =	slt.s32 s11, $0x21  }
0x6c: {  	s1 =	simm.s32 @!p2 $0x10;
	s2 =	simm.s32 @!p2 $0x1D920;
	s4 =	simm.s32 @!p2 $0x1A800  }
0x6d: {  	[hbm4b:s7+s1] =	stream.indirect.scatter @!p2 [tilespmem:s4], [sflag:$0x2], $0x80, s2, s1, $0xb8;
	[tilespmem:$0x1DA80] =	vst v63  }
0x6e: {  	s19 =	sshra.s32 s12, $0x1F;
	p2 =	slt.s32 s6, $0x21;
	s6 =	sshra.s32 s13, $0x1F  }
0x6f: {  	s1 =	simm.s32 @!p2 $0x10;
	s2 =	simm.s32 @!p2 $0x1D9A0;
	s4 =	simm.s32 @!p2 $0x1C800  }
0x70: {  	[hbm4b:s9+s1] =	stream.indirect.scatter @!p2 [tilespmem:s4], [sflag:$0x2], $0x80, s2, s1, $0xb8;
	[tilespmem:$0x1DA80] =	vst v63  }
0x71: {  	s6 =	sshrl.u32 s6, $0x1C;
	s2 =	sshrl.u32 s8, $0x1C;
	p2 =	sne.s32 s31, $0x10  }
.Ltmp5:
0x72: {  	s1 =	sadd.s32 s2, s5;
	s2 =	sshrl.u32 s10, $0x1C;
	(pc) =	sbr.rel @!p2 .LBB2_55-.Ltmp5, $4  }
0x73: {  	s28 =	sadd.s32 s6, s13;
	s0 =	sadd.s32 s2, s0;
	s2 =	sshrl.u32 s19, $0x1C  }
0x74: {  	s4 =	sshra.s32 s28, $0x4;
	s2 =	sadd.s32 s2, s12  }
0x75: {  	s1 =	sshra.s32 s1, $0x4;
	s0 =	sshra.s32 s0, $0x4;
	s2 =	sshra.s32 s2, $0x4  }
0x76: {  	s0 =	sadd.s32 s1, s0;
	s6 =	sadd.s32 s2, s4  }
.LBB2_6:
0x77: {  	p2 =	slt.s32 s0, $0x1  }
.Ltmp6:
0x78: {  	_ = 	snop;
	(pc) =	sbr.rel @p2 .LBB2_10-.Ltmp6, $1  }
0x79: {  	_ =	sdelay $0x3  }
0x7a: {  	p2 =	sne.s32 s0, $0x1  }
.Ltmp7:
0x7b: {  	_ = 	snop;
	(pc) =	sbr.rel @!p2 .LBB2_9-.Ltmp7, $3  }
0x7c: {  	_ =	sdelay $0x1  }
0x7d: {  	_ =	swait.ge [sflag:s15], $0x800  }
0x7e: {  	s0 =	sadd.s32 $0xFFFFFFFF, s0;
	[sflag:s15] =	ssyncset.done $0x0  }
.LBB2_8:
0x7f: {  	p2 =	sne.s32 s0, $0x1;
	s0 =	sadd.s32 $0xFFFFFFFF, s0;
	[sflag:s15] =	ssyncadd.s32 $0xFFFFF800  }
.Ltmp8:
0x80: {  	(pc) =	sbr.rel @p2 .LBB2_8-.Ltmp8, $3  }
0x81: {  	_ =	sdelay $0x1  }
0x82: {  	_ =	swait.ge [sflag:s15], $0x800  }
0x83: {  	[sflag:s15] =	ssyncset.done $0x0  }
.LBB2_9:
0x84: {  	[sflag:s15] =	ssyncadd.s32 $0xFFFFF800  }
.LBB2_10:
0x85: {  	s0 =	sshll.u32 s31, $0xB  }
0x86: {  	s11 =	sor.u32 s20, s0  }
0x87: {  	s0 =	smin.u32 s11, $0xF4180  }
0x88: {  	s4 =	sor.u32 $0x80, s11;
	s0 =	sadd.s32 s3, s0  }
0x89: {  	[tilespmem:s18], [sflag:$0x1] =	stream.strided.gather [hbm4b:s0+s16], $0x2000, s17, s16, $0x38;
	[tilespmem:$0x1DA80] =	vst v63  }
0x8a: {  	s0 =	smin.u32 s4, $0xF4180  }
0x8b: {  	s1 =	simm.s32 $0x5800;
	s5 =	sor.u32 $0x100, s11;
	s0 =	sadd.s32 s3, s0  }
0x8c: {  	[tilespmem:s1], [sflag:$0x1] =	stream.strided.gather [hbm4b:s0+s16], $0x2000, s17, s16, $0x38;
	[tilespmem:$0x1DA80] =	vst v63  }
0x8d: {  	s0 =	smin.u32 s5, $0xF4180  }
0x8e: {  	s8 =	simm.s32 $0x7800;
	s10 =	sor.u32 $0x180, s11;
	s0 =	sadd.s32 s3, s0  }
0x8f: {  	[tilespmem:s8], [sflag:$0x1] =	stream.strided.gather [hbm4b:s0+s16], $0x2000, s17, s16, $0x38;
	[tilespmem:$0x1DA80] =	vst v63  }
0x90: {  	s0 =	smin.u32 s10, $0xF4180  }
0x91: {  	s12 =	sor.u32 $0x200, s11;
	s0 =	sadd.s32 s3, s0  }
0x92: {  	[tilespmem:s21], [sflag:$0x1] =	stream.strided.gather [hbm4b:s0+s16], $0x2000, s17, s16, $0x38;
	[tilespmem:$0x1DA80] =	vst v63  }
0x93: {  	s0 =	smin.u32 s12, $0xF4180  }
0x94: {  	s13 =	sor.u32 $0x280, s11;
	s0 =	sadd.s32 s3, s0  }
0x95: {  	[tilespmem:s22], [sflag:$0x1] =	stream.strided.gather [hbm4b:s0+s16], $0x2000, s17, s16, $0x38;
	[tilespmem:$0x1DA80] =	vst v63  }
0x96: {  	s0 =	smin.u32 s13, $0xF4180  }
0x97: {  	s19 =	sor.u32 $0x300, s11;
	s0 =	sadd.s32 s3, s0  }
0x98: {  	[tilespmem:s23], [sflag:$0x1] =	stream.strided.gather [hbm4b:s0+s16], $0x2000, s17, s16, $0x38;
	[tilespmem:$0x1DA80] =	vst v63  }
0x99: {  	s0 =	smin.u32 s19, $0xF4180  }
0x9a: {  	s28 =	sor.u32 $0x380, s11;
	s0 =	sadd.s32 s3, s0  }
0x9b: {  	[tilespmem:s24], [sflag:$0x1] =	stream.strided.gather [hbm4b:s0+s16], $0x2000, s17, s16, $0x38;
	[tilespmem:$0x1DA80] =	vst v63  }
0x9c: {  	s0 =	smin.u32 s28, $0xF4180  }
0x9d: {  	s0 =	sadd.s32 s3, s0  }
0x9e: {  	[tilespmem:s25], [sflag:$0x1] =	stream.strided.gather [hbm4b:s0+s16], $0x2000, s17, s16, $0x38;
	[tilespmem:$0x1DA80] =	vst v63  }
0x9f: {  	_ =	swait.ge [sflag:s14], $0x2000  }
0xa0: {  	[sflag:s14] =	ssyncset.done $0x0  }
0xa1: {  	[sflag:s14] =	ssyncadd.s32 $0xFFFFE000  }
0xa2: {  	_ =	swait.ge [sflag:s14], $0x2000  }
0xa3: {  	[sflag:s14] =	ssyncset.done $0x0  }
0xa4: {  	[sflag:s14] =	ssyncadd.s32 $0xFFFFE000  }
0xa5: {  	_ =	swait.ge [sflag:s14], $0x2000  }
0xa6: {  	[sflag:s14] =	ssyncset.done $0x0  }
0xa7: {  	[sflag:s14] =	ssyncadd.s32 $0xFFFFE000  }
0xa8: {  	_ =	swait.ge [sflag:s14], $0x2000  }
0xa9: {  	[sflag:s14] =	ssyncset.done $0x0  }
0xaa: {  	[sflag:s14] =	ssyncadd.s32 $0xFFFFE000  }
0xab: {  	_ =	swait.ge [sflag:s14], $0x2000  }
0xac: {  	[sflag:s14] =	ssyncset.done $0x0  }
0xad: {  	[sflag:s14] =	ssyncadd.s32 $0xFFFFE000  }
0xae: {  	_ =	swait.ge [sflag:s14], $0x2000  }
0xaf: {  	[sflag:s14] =	ssyncset.done $0x0  }
0xb0: {  	[sflag:s14] =	ssyncadd.s32 $0xFFFFE000  }
0xb1: {  	_ =	swait.ge [sflag:s14], $0x2000  }
0xb2: {  	[sflag:s14] =	ssyncset.done $0x0  }
0xb3: {  	[sflag:s14] =	ssyncadd.s32 $0xFFFFE000  }
0xb4: {  	_ =	swait.ge [sflag:s14], $0x2000  }
0xb5: {  	[sflag:s14] =	ssyncset.done $0x0  }
0xb6: {  	[sflag:s14] =	ssyncadd.s32 $0xFFFFE000  }
0xb7: {  	[tilespmem:$0x1D800] =	vst v3  }
0xb8: {  	[tilespmem:$0x1D880] =	vst v3  }
0xb9: {  	[tilespmem:$0x1D810] =	vst v5  }
.Ltmp9:
0xba: {  	[tilespmem:$0x1D890] =	vst v5;
	(pc) =	sbr.rel @p0 .LBB2_20-.Ltmp9, $4  }
0xbb: {  	[tilespmem:$0x1D820] =	vst v6  }
0xbc: {  	[tilespmem:$0x1D8A0] =	vst v6  }
0xbd: {  	s4 =	sor.u32 $0x400, s11;
	[tilespmem:$0x1D830] =	vst v7  }
0xbe: {  	v14 =	vmov s11;
	v13 =	vmov s4;
	s5 =	simm.s32 $0x0;
	s0 =	simm.s32 $0x0;
	[tilespmem:$0x1D8B0] =	vst v7  }
.Ltmp10:
0xbf: {  	(pc) =	sbr.rel .LBB2_12-.Ltmp10, $2  }
0xc0: {  	_ =	sdelay $0x2  }
0xc1: {  	s5 =	simm.s32 $0x0;
	s10 =	simm.s32 $0x0  }
.LBB2_14:
0xc2: {  	s12 =	smov.u32 s2  }
.LBB2_18:
0xc3: {  	_ =	sdelay $0x1  }
0xc4: {  	s8 =	sshrl.u32 s8, $0xE;
	s19 =	sadd.s32 s11, s19  }
0xc5: {  	s8 =	sadd.s32 s11, s8;
	s19 =	smin.u32 s19, $0xF4180  }
0xc6: {  	v15 =	vld.idx.msk @p2 [tilespmem:v17+s18+$0x0], $0xffff;
	p3 =	sgt.u32 s8, $0xF41FF;
	s19 =	ssub.s32 $0x0, s19  }
0xc7: {  	v16 =	vadd.s32 @p2 v10, v16;
	s19 =	simm.s32 @p3 $0xFFF0BE00  }
0xc8: {  	s8 =	sadd.s32 s8, s19  }
0xc9: {  	s13 =	simm.s32 @p3 $0x8;
	v60 =	vmov s8  }
0xca: {  	s28 =	sshll.u32 s13, $0xD;
	v18 =	vand.u32 $0xFFFFFF80, v60  }
0xcb: {  	[tilespmem:s12+$0x0] =	vst @p2 v15;
	v15 =	vand.u32 $0x7F, v60;
	v61 =	vadd.s32 s28, v18  }
0xcc: {  	v16 =	vld.idx.msk @p2 [tilespmem:v16+s18+$0x0], $0xffff;
	v15 =	vor.u32 v15, v61  }
0xcd: {  	v17 =	vadd.s32 v4, v15;
	_ =	sdelay $0x3  }
0xce: {  	[tilespmem:s12+$0x10] =	vst @p2 v16  }
0xcf: {  	v16 =	vld.idx.msk [tilespmem:v17+s18+$0x0], $0xffff  }
0xd0: {  	v62 =	vadd.s32 v8, v15;
	_ =	sdelay $0x1  }
0xd1: {  	s8 =	sadd.s32 @p2 $0x80, s12  }
0xd2: {  	s2 =	smov.u32 @p2 s8  }
0xd3: {  	[tilespmem:s2+$0xFFFFFFE0] =	vst v16  }
0xd4: {  	v16 =	vld.idx.msk [tilespmem:v62+s18+$0x0], $0xffff  }
0xd5: {  	v63 =	vadd.s32 v9, v15;
	_ =	sdelay $0x3  }
0xd6: {  	[tilespmem:s2+$0xFFFFFFF0] =	vst v16  }
0xd7: {  	v16 =	vld.idx.msk [tilespmem:v63+s18+$0x0], $0xffff  }
0xd8: {  	v15 =	vadd.s32 v10, v15;
	_ =	sdelay $0x3  }
0xd9: {  	[tilespmem:s2+$0x0] =	vst v16  }
0xda: {  	v15 =	vld.idx.msk [tilespmem:v15+s18+$0x0], $0xffff;
	_ =	sdelay $0x2  }
0xdb: {  	s5 =	sadd.s32 s1, s5  }
0xdc: {  	p2 =	slt.s32 s5, $0x30  }
0xdd: {  	s5 =	simm.s32 @!p2 $0x30;
	[tilespmem:s2+$0x10] =	vst v15  }
.LBB2_19:
0xde: {  	s10 =	sadd.s32 $0x1, s10  }
0xdf: {  	p2 =	sne.s32 s10, s29  }
.Ltmp11:
0xe0: {  	_ = 	snop;
	(pc) =	sbr.rel @!p2 .LBB2_20-.Ltmp11, $1  }
0xe1: {  	_ =	sdelay $0x3  }
.LBB2_12:
0xe2: {  	s1 =	sshll.u32 s10, $0x4  }
0xe3: {  	v15 =	vld [tilespmem:s1+$0x2000];
	_ =	sdelay $0x3  }
0xe4: {  	v16 =	vor.u32 s1, v1  }
0xe5: {  	vm0 =	vlt.s32 v16, v11;
	vm1 =	vlt.s32 v15, v13  }
0xe6: {  	vm2 =	vge.s32 v15, v14;
	vm0 =	vmand vm1, vm0  }
0xe7: {  	vm0 =	vmand vm0, vm2  }
0xe8: {  	v62 =	vmpcnt.ones.xlane vm0;
	_ =	sdelay $0x1  }
0xe9: {  	(v2sf) =	vpush v62, $0x0;
	_ =	sdelay $0xd  }
0xea: {  	v63 =	vld [tilespmem:s1+$0x2600]  }
0xeb: {  	s28 =	spop (v2sf)  }
0xec: {  	p2 =	slt.s32 s28, $0x1  }
.Ltmp12:
0xed: {  	v15 =	vsub.s32 v15, v14;
	(pc) =	sbr.rel @p2 .LBB2_19-.Ltmp12, $4  }
0xee: {  	v15 =	vshll.u32 v15, $0xE  }
0xef: {  	v15 =	vadd.s32 v63, v15  }
0xf0: {  	[tilespmem:s26+$0x0] =	vst.msk vm0, v15  }
0xf1: {  	[tilespmem:s5+$0x1D800] =	vst.msk vm0, v63  }
0xf2: {  	v15 =	vld [tilespmem:$0x1DA00];
	_ =	sdelay $0x1  }
0xf3: {  	s1 =	simm.s32 $0x0  }
0xf4: {  	v16 =	vmov s1  }
0xf5: {  	vm0 =	veq.s32 v16, v1  }
0xf6: {  	v16 =	vnsel vm0, $0x0, v15  }
0xf7: {  	(xrf0) =	vadd.scan.msk.s32 $0xffff, v16;
	_ =	sdelay $0x5  }
0xf8: {  	v16, _, _ =	vpop (xrf0)  }
0xf9: {  	(v2sf) =	vpush v16, $0xF;
	_ =	sdelay $0xb  }
0xfa: {  	p3 =	sne.s32 s28, $0x1  }
.Ltmp13:
0xfb: {  	_ = 	snop;
	(pc) =	sbr.rel @!p3 .LBB2_14-.Ltmp13, $4  }
0xfc: {  	_ = 	snop  }
0xfd: {  	s19 =	sshll.u32 s5, $0x9;
	s8 =	spop (v2sf)  }
0xfe: {  	p2 =	por $0x0, $0x0;
	s1 =	sshra.s32 s19, $0x2;
	s13 =	sshrl.u32 s8, $0x15  }
0xff: {  	s2 =	sadd.s32 $0x15820, s1;
	s1 =	simm.s32 $0x1;
	s19 =	sshll.u32 s13, $0x7  }
0x100: {  	v16 =	vmov s1  }
0x101: {  	vm0 =	veq.s32 v16, v1  }
0x102: {  	s8 =	sshrl.u32 s8, $0xE;
	s12 =	sadd.s32 s11, s19;
	v16 =	vnsel vm0, $0x0, v15  }
0x103: {  	s1 =	sadd.s32 s11, s8;
	s8 =	smin.u32 s12, $0xF4180;
	(xrf0) =	vadd.scan.msk.s32 $0xffff, v16  }
0x104: {  	p2 =	sgt.u32 s1, $0xF41FF;
	s8 =	ssub.s32 $0x0, s8  }
0x105: {  	s8 =	simm.s32 @p2 $0xFFF0BE00  }
0x106: {  	s1 =	sadd.s32 s1, s8  }
0x107: {  	s13 =	simm.s32 @p2 $0x8;
	v16 =	vmov s1  }
0x108: {  	s19 =	sshll.u32 s13, $0xD;
	v17 =	vand.u32 $0xFFFFFF80, v16  }
0x109: {  	v16 =	vand.u32 $0x7F, v16;
	v17 =	vadd.s32 s19, v17;
	v18, _, _ =	vpop (xrf0)  }
0x10a: {  	v16 =	vor.u32 v16, v17;
	(v2sf) =	vpush v18, $0xF  }
0x10b: {  	v17 =	vadd.s32 v4, v16;
	_ =	sdelay $0x4  }
0x10c: {  	v17 =	vld.idx.msk [tilespmem:v17+s18+$0x0], $0xffff  }
0x10d: {  	v18 =	vadd.s32 v8, v16;
	_ =	sdelay $0x3  }
0x10e: {  	[tilespmem:s2+$0xFFFFFFE0] =	vst v17  }
0x10f: {  	p3 =	sne.s32 s28, $0x2;
	v18 =	vld.idx.msk [tilespmem:v18+s18+$0x0], $0xffff  }
.Ltmp14:
0x110: {  	v17 =	vadd.s32 v9, v16;
	(pc) =	sbr.rel @!p3 .LBB2_16-.Ltmp14, $4  }
0x111: {  	_ = 	snop  }
0x112: {  	s8 =	spop (v2sf)  }
0x113: {  	s12 =	smov.u32 s2;
	s13 =	sshrl.u32 s8, $0x15  }
0x114: {  	p2 =	por $0x1, $0x1;
	s1 =	simm.s32 $0x2;
	[tilespmem:s2+$0xFFFFFFF0] =	vst v18;
	s19 =	sshll.u32 s13, $0x7  }
.LBB2_17:
0x115: {  	v18 =	vmov s1;
	s1 =	sadd.s32 $0x1, s1;
	s8 =	sshrl.u32 s8, $0xE;
	s19 =	sadd.s32 s11, s19;
	v17 =	vld.idx.msk [tilespmem:v17+s18+$0x0], $0xffff  }
0x116: {  	vm0 =	veq.s32 v18, v1;
	p3 =	sne.s32 s28, s1;
	s8 =	sadd.s32 s11, s8;
	s19 =	smin.u32 s19, $0xF4180  }
0x117: {  	v16 =	vadd.s32 v10, v16;
	v18 =	vnsel vm0, $0x0, v15;
	p4 =	sgt.u32 s8, $0xF41FF;
	s19 =	ssub.s32 $0x0, s19  }
0x118: {  	(xrf0) =	vadd.scan.msk.s32 $0xffff, v18;
	s19 =	simm.s32 @p4 $0xFFF0BE00  }
0x119: {  	s8 =	sadd.s32 s8, s19  }
0x11a: {  	s13 =	simm.s32 @p4 $0x8;
	v18 =	vmov s8  }
0x11b: {  	s8 =	sshll.u32 s13, $0xD;
	v19 =	vand.u32 $0xFFFFFF80, v18;
	[tilespmem:s12+$0x0] =	vst v17  }
0x11c: {  	v20 =	vand.u32 $0x7F, v18;
	v18 =	vadd.s32 s8, v19;
	v19 =	vld.idx.msk [tilespmem:v16+s18+$0x0], $0xffff  }
0x11d: {  	v16 =	vor.u32 v20, v18  }
0x11e: {  	v17, _, _ =	vpop (xrf0);
	v18 =	vadd.s32 v4, v16  }
0x11f: {  	(v2sf) =	vpush v17, $0xF;
	_ =	sdelay $0x2  }
0x120: {  	[tilespmem:s12+$0x10] =	vst v19  }
0x121: {  	v17 =	vld.idx.msk [tilespmem:v18+s18+$0x0], $0xffff;
	_ =	sdelay $0x1  }
0x122: {  	v18 =	vadd.s32 v8, v16;
	_ =	sdelay $0x2  }
0x123: {  	s12 =	sadd.s32 $0x80, s12  }
0x124: {  	[tilespmem:s12+$0xFFFFFFE0] =	vst v17  }
0x125: {  	v18 =	vld.idx.msk [tilespmem:v18+s18+$0x0], $0xffff;
	_ =	sdelay $0x1  }
.Ltmp15:
0x126: {  	v17 =	vadd.s32 v9, v16;
	(pc) =	sbr.rel @p3 .LBB2_17-.Ltmp15, $4  }
0x127: {  	_ = 	snop  }
0x128: {  	s8 =	spop (v2sf)  }
0x129: {  	s13 =	sshrl.u32 s8, $0x15  }
0x12a: {  	s19 =	sshll.u32 s13, $0x7;
	[tilespmem:s12+$0xFFFFFFF0] =	vst v18  }
.Ltmp16:
0x12b: {  	_ = 	snop;
	(pc) =	sbr.rel .LBB2_18-.Ltmp16, $1  }
0x12c: {  	_ =	sdelay $0x3  }
.LBB2_16:
.Ltmp17:
0x12d: {  	(pc) =	sbr.rel .LBB2_18-.Ltmp17, $2  }
0x12e: {  	_ =	sdelay $0x2  }
0x12f: {  	s12 =	smov.u32 s2  }
.LBB2_20:
.Ltmp18:
0x130: {  	(pc) =	sbr.rel @p1 .LBB2_30-.Ltmp18, $1  }
0x131: {  	_ =	sdelay $0x3  }
.Ltmp19:
0x132: {  	(pc) =	sbr.rel .LBB2_22-.Ltmp19, $2  }
0x133: {  	_ =	sdelay $0x2  }
0x134: {  	s0 =	simm.s32 $0x0;
	s10 =	simm.s32 $0x0  }
.LBB2_24:
0x135: {  	s2 =	smov.u32 s12  }
.LBB2_28:
0x136: {  	_ =	sdelay $0x1  }
0x137: {  	s8 =	sshrl.u32 s8, $0xE;
	s19 =	sadd.s32 s11, s19  }
0x138: {  	s8 =	sadd.s32 s11, s8;
	s19 =	smin.u32 s19, $0xF4180  }
0x139: {  	v15 =	vld.idx.msk @p2 [tilespmem:v17+s18+$0x0], $0xffff;
	p3 =	sgt.u32 s8, $0xF41FF;
	s19 =	ssub.s32 $0x0, s19  }
0x13a: {  	v16 =	vadd.s32 @p2 v10, v16;
	s19 =	simm.s32 @p3 $0xFFF0BE00  }
0x13b: {  	s8 =	sadd.s32 s8, s19  }
0x13c: {  	s13 =	simm.s32 @p3 $0x8;
	v60 =	vmov s8  }
0x13d: {  	s28 =	sshll.u32 s13, $0xD;
	v18 =	vand.u32 $0xFFFFFF80, v60  }
0x13e: {  	[tilespmem:s2+$0x0] =	vst @p2 v15;
	v15 =	vand.u32 $0x7F, v60;
	v61 =	vadd.s32 s28, v18  }
0x13f: {  	v16 =	vld.idx.msk @p2 [tilespmem:v16+s18+$0x0], $0xffff;
	v15 =	vor.u32 v15, v61  }
0x140: {  	v17 =	vadd.s32 v4, v15;
	_ =	sdelay $0x3  }
0x141: {  	[tilespmem:s2+$0x10] =	vst @p2 v16  }
0x142: {  	v16 =	vld.idx.msk [tilespmem:v17+s18+$0x0], $0xffff  }
0x143: {  	v62 =	vadd.s32 v8, v15;
	_ =	sdelay $0x1  }
0x144: {  	s2 =	sadd.s32 @p2 $0x80, s2  }
0x145: {  	s12 =	smov.u32 @p2 s2  }
0x146: {  	[tilespmem:s12+$0xFFFFFFE0] =	vst v16  }
0x147: {  	v16 =	vld.idx.msk [tilespmem:v62+s18+$0x0], $0xffff  }
0x148: {  	v63 =	vadd.s32 v9, v15;
	_ =	sdelay $0x3  }
0x149: {  	[tilespmem:s12+$0xFFFFFFF0] =	vst v16  }
0x14a: {  	v16 =	vld.idx.msk [tilespmem:v63+s18+$0x0], $0xffff  }
0x14b: {  	v15 =	vadd.s32 v10, v15;
	_ =	sdelay $0x3  }
0x14c: {  	[tilespmem:s12+$0x0] =	vst v16  }
0x14d: {  	v15 =	vld.idx.msk [tilespmem:v15+s18+$0x0], $0xffff;
	_ =	sdelay $0x2  }
0x14e: {  	s0 =	sadd.s32 s1, s0  }
0x14f: {  	p2 =	slt.s32 s0, $0x30  }
0x150: {  	s0 =	simm.s32 @!p2 $0x30;
	[tilespmem:s12+$0x10] =	vst v15  }
.LBB2_29:
0x151: {  	s10 =	sadd.s32 $0x1, s10  }
0x152: {  	p2 =	sne.s32 s10, s30  }
.Ltmp20:
0x153: {  	_ = 	snop;
	(pc) =	sbr.rel @!p2 .LBB2_30-.Ltmp20, $1  }
0x154: {  	_ =	sdelay $0x3  }
.LBB2_22:
0x155: {  	s1 =	sshll.u32 s10, $0x4  }
0x156: {  	v15 =	vld [tilespmem:s1+$0x2C00];
	_ =	sdelay $0x3  }
0x157: {  	v16 =	vor.u32 s1, v1  }
0x158: {  	vm0 =	vlt.s32 v16, v12;
	vm1 =	vlt.s32 v15, v13  }
0x159: {  	vm2 =	vge.s32 v15, v14;
	vm0 =	vmand vm1, vm0  }
0x15a: {  	vm0 =	vmand vm0, vm2  }
0x15b: {  	v62 =	vmpcnt.ones.xlane vm0;
	_ =	sdelay $0x1  }
0x15c: {  	(v2sf) =	vpush v62, $0x0;
	_ =	sdelay $0xd  }
0x15d: {  	v63 =	vld [tilespmem:s1+$0x3200]  }
0x15e: {  	s28 =	spop (v2sf)  }
0x15f: {  	p2 =	slt.s32 s28, $0x1  }
.Ltmp21:
0x160: {  	v15 =	vsub.s32 v15, v14;
	(pc) =	sbr.rel @p2 .LBB2_29-.Ltmp21, $4  }
0x161: {  	v15 =	vshll.u32 v15, $0xE  }
0x162: {  	v15 =	vadd.s32 v63, v15  }
0x163: {  	[tilespmem:s26+$0x0] =	vst.msk vm0, v15  }
0x164: {  	[tilespmem:s0+$0x1D880] =	vst.msk vm0, v63  }
0x165: {  	v15 =	vld [tilespmem:$0x1DA00];
	_ =	sdelay $0x1  }
0x166: {  	s1 =	simm.s32 $0x0  }
0x167: {  	v16 =	vmov s1  }
0x168: {  	vm0 =	veq.s32 v16, v1  }
0x169: {  	v16 =	vnsel vm0, $0x0, v15  }
0x16a: {  	(xrf0) =	vadd.scan.msk.s32 $0xffff, v16;
	_ =	sdelay $0x5  }
0x16b: {  	v16, _, _ =	vpop (xrf0)  }
0x16c: {  	(v2sf) =	vpush v16, $0xF;
	_ =	sdelay $0xb  }
0x16d: {  	p3 =	sne.s32 s28, $0x1  }
.Ltmp22:
0x16e: {  	_ = 	snop;
	(pc) =	sbr.rel @!p3 .LBB2_24-.Ltmp22, $4  }
0x16f: {  	_ = 	snop  }
0x170: {  	s19 =	sshll.u32 s0, $0x9;
	s8 =	spop (v2sf)  }
0x171: {  	p2 =	por $0x0, $0x0;
	s1 =	sshra.s32 s19, $0x2;
	s13 =	sshrl.u32 s8, $0x15  }
0x172: {  	s12 =	sadd.s32 $0x17820, s1;
	s1 =	simm.s32 $0x1;
	s19 =	sshll.u32 s13, $0x7  }
0x173: {  	v16 =	vmov s1  }
0x174: {  	vm0 =	veq.s32 v16, v1  }
0x175: {  	s8 =	sshrl.u32 s8, $0xE;
	s2 =	sadd.s32 s11, s19;
	v16 =	vnsel vm0, $0x0, v15  }
0x176: {  	s1 =	sadd.s32 s11, s8;
	s2 =	smin.u32 s2, $0xF4180;
	(xrf0) =	vadd.scan.msk.s32 $0xffff, v16  }
0x177: {  	p2 =	sgt.u32 s1, $0xF41FF;
	s2 =	ssub.s32 $0x0, s2  }
0x178: {  	s2 =	simm.s32 @p2 $0xFFF0BE00  }
0x179: {  	s1 =	sadd.s32 s1, s2  }
0x17a: {  	s13 =	simm.s32 @p2 $0x8;
	v16 =	vmov s1  }
0x17b: {  	s19 =	sshll.u32 s13, $0xD;
	v17 =	vand.u32 $0xFFFFFF80, v16  }
0x17c: {  	v16 =	vand.u32 $0x7F, v16;
	v17 =	vadd.s32 s19, v17;
	v18, _, _ =	vpop (xrf0)  }
0x17d: {  	v16 =	vor.u32 v16, v17;
	(v2sf) =	vpush v18, $0xF  }
0x17e: {  	v17 =	vadd.s32 v4, v16;
	_ =	sdelay $0x4  }
0x17f: {  	v17 =	vld.idx.msk [tilespmem:v17+s18+$0x0], $0xffff  }
0x180: {  	v18 =	vadd.s32 v8, v16;
	_ =	sdelay $0x3  }
0x181: {  	[tilespmem:s12+$0xFFFFFFE0] =	vst v17  }
0x182: {  	p3 =	sne.s32 s28, $0x2;
	v18 =	vld.idx.msk [tilespmem:v18+s18+$0x0], $0xffff  }
.Ltmp23:
0x183: {  	v17 =	vadd.s32 v9, v16;
	(pc) =	sbr.rel @!p3 .LBB2_26-.Ltmp23, $4  }
0x184: {  	_ = 	snop  }
0x185: {  	s8 =	spop (v2sf)  }
0x186: {  	p2 =	por $0x1, $0x1;
	s13 =	sshrl.u32 s8, $0x15  }
0x187: {  	s2 =	smov.u32 s12;
	s1 =	simm.s32 $0x2;
	[tilespmem:s12+$0xFFFFFFF0] =	vst v18;
	s19 =	sshll.u32 s13, $0x7  }
.LBB2_27:
0x188: {  	v18 =	vmov s1;
	s1 =	sadd.s32 $0x1, s1;
	s8 =	sshrl.u32 s8, $0xE;
	s19 =	sadd.s32 s11, s19;
	v17 =	vld.idx.msk [tilespmem:v17+s18+$0x0], $0xffff  }
0x189: {  	vm0 =	veq.s32 v18, v1;
	p3 =	sne.s32 s28, s1;
	s8 =	sadd.s32 s11, s8;
	s19 =	smin.u32 s19, $0xF4180  }
0x18a: {  	v16 =	vadd.s32 v10, v16;
	v18 =	vnsel vm0, $0x0, v15;
	p4 =	sgt.u32 s8, $0xF41FF;
	s19 =	ssub.s32 $0x0, s19  }
0x18b: {  	(xrf0) =	vadd.scan.msk.s32 $0xffff, v18;
	s19 =	simm.s32 @p4 $0xFFF0BE00  }
0x18c: {  	s8 =	sadd.s32 s8, s19  }
0x18d: {  	s13 =	simm.s32 @p4 $0x8;
	v18 =	vmov s8  }
0x18e: {  	s8 =	sshll.u32 s13, $0xD;
	v19 =	vand.u32 $0xFFFFFF80, v18;
	[tilespmem:s2+$0x0] =	vst v17  }
0x18f: {  	v20 =	vand.u32 $0x7F, v18;
	v18 =	vadd.s32 s8, v19;
	v19 =	vld.idx.msk [tilespmem:v16+s18+$0x0], $0xffff  }
0x190: {  	v16 =	vor.u32 v20, v18  }
0x191: {  	v17, _, _ =	vpop (xrf0);
	v18 =	vadd.s32 v4, v16  }
0x192: {  	(v2sf) =	vpush v17, $0xF;
	_ =	sdelay $0x2  }
0x193: {  	[tilespmem:s2+$0x10] =	vst v19  }
0x194: {  	v17 =	vld.idx.msk [tilespmem:v18+s18+$0x0], $0xffff;
	_ =	sdelay $0x1  }
0x195: {  	v18 =	vadd.s32 v8, v16;
	_ =	sdelay $0x2  }
0x196: {  	s2 =	sadd.s32 $0x80, s2  }
0x197: {  	[tilespmem:s2+$0xFFFFFFE0] =	vst v17  }
0x198: {  	v18 =	vld.idx.msk [tilespmem:v18+s18+$0x0], $0xffff;
	_ =	sdelay $0x1  }
.Ltmp24:
0x199: {  	v17 =	vadd.s32 v9, v16;
	(pc) =	sbr.rel @p3 .LBB2_27-.Ltmp24, $4  }
0x19a: {  	_ = 	snop  }
0x19b: {  	s8 =	spop (v2sf)  }
0x19c: {  	s13 =	sshrl.u32 s8, $0x15  }
0x19d: {  	s19 =	sshll.u32 s13, $0x7;
	[tilespmem:s2+$0xFFFFFFF0] =	vst v18  }
.Ltmp25:
0x19e: {  	_ = 	snop;
	(pc) =	sbr.rel .LBB2_28-.Ltmp25, $1  }
0x19f: {  	_ =	sdelay $0x3  }
.LBB2_26:
.Ltmp26:
0x1a0: {  	(pc) =	sbr.rel .LBB2_28-.Ltmp26, $2  }
0x1a1: {  	_ =	sdelay $0x2  }
0x1a2: {  	s2 =	smov.u32 s12  }
.LBB2_30:
0x1a3: {  	p2 =	slt.s32 s5, $0x1  }
0x1a4: {  	s1 =	simm.s32 @!p2 $0x10;
	s2 =	simm.s32 @!p2 $0x1D800;
	s8 =	simm.s32 @!p2 $0x15800  }
0x1a5: {  	[hbm4b:s7+s1] =	stream.indirect.scatter @!p2 [tilespmem:s8], [sflag:$0x2], $0x80, s2, s1, $0xb8;
	[tilespmem:$0x1DA80] =	vst v63  }
0x1a6: {  	p2 =	slt.s32 s0, $0x1  }
0x1a7: {  	s1 =	simm.s32 @!p2 $0x10;
	s2 =	simm.s32 @!p2 $0x1D880;
	s8 =	simm.s32 @!p2 $0x17800  }
0x1a8: {  	[hbm4b:s9+s1] =	stream.indirect.scatter @!p2 [tilespmem:s8], [sflag:$0x2], $0x80, s2, s1, $0xb8;
	[tilespmem:$0x1DA80] =	vst v63  }
0x1a9: {  	p2 =	slt.s32 s5, $0x11  }
0x1aa: {  	s1 =	simm.s32 @!p2 $0x10;
	s2 =	simm.s32 @!p2 $0x1D810;
	s8 =	simm.s32 @!p2 $0x16000  }
0x1ab: {  	[hbm4b:s7+s1] =	stream.indirect.scatter @!p2 [tilespmem:s8], [sflag:$0x2], $0x80, s2, s1, $0xb8;
	[tilespmem:$0x1DA80] =	vst v63  }
0x1ac: {  	p2 =	slt.s32 s0, $0x11  }
0x1ad: {  	s1 =	simm.s32 @!p2 $0x10;
	s2 =	simm.s32 @!p2 $0x1D890;
	s8 =	simm.s32 @!p2 $0x18000  }
0x1ae: {  	[hbm4b:s9+s1] =	stream.indirect.scatter @!p2 [tilespmem:s8], [sflag:$0x2], $0x80, s2, s1, $0xb8;
	[tilespmem:$0x1DA80] =	vst v63  }
0x1af: {  	p2 =	slt.s32 s5, $0x21  }
0x1b0: {  	s1 =	simm.s32 @!p2 $0x10;
	s2 =	simm.s32 @!p2 $0x1D820;
	s8 =	simm.s32 @!p2 $0x16800  }
0x1b1: {  	[hbm4b:s7+s1] =	stream.indirect.scatter @!p2 [tilespmem:s8], [sflag:$0x2], $0x80, s2, s1, $0xb8;
	[tilespmem:$0x1DA80] =	vst v63  }
0x1b2: {  	p2 =	slt.s32 s0, $0x21  }
0x1b3: {  	s1 =	simm.s32 @!p2 $0x10;
	s2 =	simm.s32 @!p2 $0x1D8A0;
	s8 =	simm.s32 @!p2 $0x18800  }
0x1b4: {  	[hbm4b:s9+s1] =	stream.indirect.scatter @!p2 [tilespmem:s8], [sflag:$0x2], $0x80, s2, s1, $0xb8;
	[tilespmem:$0x1DA80] =	vst v63  }
0x1b5: {  	p2 =	slt.s32 s6, $0x1  }
.Ltmp27:
0x1b6: {  	_ = 	snop;
	(pc) =	sbr.rel @p2 .LBB2_34-.Ltmp27, $1  }
0x1b7: {  	_ =	sdelay $0x3  }
0x1b8: {  	p2 =	sne.s32 s6, $0x1  }
.Ltmp28:
0x1b9: {  	_ = 	snop;
	(pc) =	sbr.rel @!p2 .LBB2_33-.Ltmp28, $3  }
0x1ba: {  	_ =	sdelay $0x1  }
0x1bb: {  	_ =	swait.ge [sflag:s15], $0x800  }
0x1bc: {  	s1 =	sadd.s32 $0xFFFFFFFF, s6;
	[sflag:s15] =	ssyncset.done $0x0  }
.LBB2_32:
0x1bd: {  	p2 =	sne.s32 s1, $0x1;
	s1 =	sadd.s32 $0xFFFFFFFF, s1;
	[sflag:s15] =	ssyncadd.s32 $0xFFFFF800  }
.Ltmp29:
0x1be: {  	(pc) =	sbr.rel @p2 .LBB2_32-.Ltmp29, $3  }
0x1bf: {  	_ =	sdelay $0x1  }
0x1c0: {  	_ =	swait.ge [sflag:s15], $0x800  }
0x1c1: {  	[sflag:s15] =	ssyncset.done $0x0  }
.LBB2_33:
0x1c2: {  	[sflag:s15] =	ssyncadd.s32 $0xFFFFF800  }
.LBB2_34:
0x1c3: {  	s1 =	smin.u32 s4, $0xF4180  }
0x1c4: {  	s28 =	sor.u32 $0x480, s11;
	s1 =	sadd.s32 s3, s1  }
0x1c5: {  	[tilespmem:s18], [sflag:$0x1] =	stream.strided.gather [hbm4b:s1+s16], $0x2000, s17, s16, $0x38;
	[tilespmem:$0x1DA80] =	vst v63  }
0x1c6: {  	s1 =	smin.u32 s28, $0xF4180  }
0x1c7: {  	s2 =	simm.s32 $0x5800;
	s1 =	sadd.s32 s3, s1  }
0x1c8: {  	[tilespmem:s2], [sflag:$0x1] =	stream.strided.gather [hbm4b:s1+s16], $0x2000, s17, s16, $0x38;
	[tilespmem:$0x1DA80] =	vst v63  }
0x1c9: {  	s2 =	sor.u32 $0x500, s11  }
0x1ca: {  	s1 =	smin.u32 s2, $0xF4180  }
0x1cb: {  	s6 =	simm.s32 $0x7800;
	s8 =	sor.u32 $0x580, s11;
	s1 =	sadd.s32 s3, s1  }
0x1cc: {  	[tilespmem:s6], [sflag:$0x1] =	stream.strided.gather [hbm4b:s1+s16], $0x2000, s17, s16, $0x38;
	[tilespmem:$0x1DA80] =	vst v63  }
0x1cd: {  	s1 =	smin.u32 s8, $0xF4180  }
0x1ce: {  	s10 =	sor.u32 $0x600, s11;
	s1 =	sadd.s32 s3, s1  }
0x1cf: {  	[tilespmem:s21], [sflag:$0x1] =	stream.strided.gather [hbm4b:s1+s16], $0x2000, s17, s16, $0x38;
	[tilespmem:$0x1DA80] =	vst v63  }
0x1d0: {  	s1 =	smin.u32 s10, $0xF4180  }
0x1d1: {  	s12 =	sor.u32 $0x680, s11;
	s1 =	sadd.s32 s3, s1  }
0x1d2: {  	[tilespmem:s22], [sflag:$0x1] =	stream.strided.gather [hbm4b:s1+s16], $0x2000, s17, s16, $0x38;
	[tilespmem:$0x1DA80] =	vst v63  }
0x1d3: {  	s1 =	smin.u32 s12, $0xF4180  }
0x1d4: {  	s13 =	sor.u32 $0x700, s11;
	s1 =	sadd.s32 s3, s1  }
0x1d5: {  	[tilespmem:s23], [sflag:$0x1] =	stream.strided.gather [hbm4b:s1+s16], $0x2000, s17, s16, $0x38;
	[tilespmem:$0x1DA80] =	vst v63  }
0x1d6: {  	s1 =	smin.u32 s13, $0xF4180  }
0x1d7: {  	s19 =	sor.u32 $0x780, s11;
	s1 =	sadd.s32 s3, s1  }
0x1d8: {  	[tilespmem:s24], [sflag:$0x1] =	stream.strided.gather [hbm4b:s1+s16], $0x2000, s17, s16, $0x38;
	[tilespmem:$0x1DA80] =	vst v63  }
0x1d9: {  	s1 =	smin.u32 s19, $0xF4180  }
0x1da: {  	s1 =	sadd.s32 s3, s1  }
0x1db: {  	[tilespmem:s25], [sflag:$0x1] =	stream.strided.gather [hbm4b:s1+s16], $0x2000, s17, s16, $0x38;
	[tilespmem:$0x1DA80] =	vst v63  }
0x1dc: {  	_ =	swait.ge [sflag:s14], $0x2000  }
0x1dd: {  	[sflag:s14] =	ssyncset.done $0x0  }
0x1de: {  	[sflag:s14] =	ssyncadd.s32 $0xFFFFE000  }
0x1df: {  	_ =	swait.ge [sflag:s14], $0x2000  }
0x1e0: {  	[sflag:s14] =	ssyncset.done $0x0  }
0x1e1: {  	[sflag:s14] =	ssyncadd.s32 $0xFFFFE000  }
0x1e2: {  	_ =	swait.ge [sflag:s14], $0x2000  }
0x1e3: {  	[sflag:s14] =	ssyncset.done $0x0  }
0x1e4: {  	[sflag:s14] =	ssyncadd.s32 $0xFFFFE000  }
0x1e5: {  	_ =	swait.ge [sflag:s14], $0x2000  }
0x1e6: {  	[sflag:s14] =	ssyncset.done $0x0  }
0x1e7: {  	[sflag:s14] =	ssyncadd.s32 $0xFFFFE000  }
0x1e8: {  	_ =	swait.ge [sflag:s14], $0x2000  }
0x1e9: {  	[sflag:s14] =	ssyncset.done $0x0  }
0x1ea: {  	[sflag:s14] =	ssyncadd.s32 $0xFFFFE000  }
0x1eb: {  	_ =	swait.ge [sflag:s14], $0x2000  }
0x1ec: {  	[sflag:s14] =	ssyncset.done $0x0  }
0x1ed: {  	[sflag:s14] =	ssyncadd.s32 $0xFFFFE000  }
0x1ee: {  	_ =	swait.ge [sflag:s14], $0x2000  }
0x1ef: {  	[sflag:s14] =	ssyncset.done $0x0  }
0x1f0: {  	[sflag:s14] =	ssyncadd.s32 $0xFFFFE000  }
0x1f1: {  	_ =	swait.ge [sflag:s14], $0x2000  }
0x1f2: {  	[sflag:s14] =	ssyncset.done $0x0  }
0x1f3: {  	[sflag:s14] =	ssyncadd.s32 $0xFFFFE000  }
0x1f4: {  	[tilespmem:$0x1D900] =	vst v3  }
0x1f5: {  	[tilespmem:$0x1D980] =	vst v3  }
0x1f6: {  	[tilespmem:$0x1D910] =	vst v5  }
.Ltmp30:
0x1f7: {  	[tilespmem:$0x1D990] =	vst v5;
	(pc) =	sbr.rel @p0 .LBB2_39-.Ltmp30, $4  }
0x1f8: {  	[tilespmem:$0x1D920] =	vst v6  }
0x1f9: {  	[tilespmem:$0x1D9A0] =	vst v6  }
0x1fa: {  	s28 =	sadd.s32 $0x800, s11;
	[tilespmem:$0x1D930] =	vst v7  }
0x1fb: {  	v14 =	vmov s28;
	s11 =	simm.s32 $0x0;
	s6 =	simm.s32 $0x0;
	[tilespmem:$0x1D9B0] =	vst v7  }
.Ltmp31:
0x1fc: {  	(pc) =	sbr.rel .LBB2_36-.Ltmp31, $2  }
0x1fd: {  	_ =	sdelay $0x2  }
0x1fe: {  	s11 =	simm.s32 $0x0;
	s10 =	simm.s32 $0x0  }
.LBB2_38:
0x1ff: {  	s2 =	smov.u32 s12  }
.LBB2_47:
0x200: {  	_ =	sdelay $0x1  }
0x201: {  	s8 =	sshrl.u32 s8, $0xE;
	s19 =	sadd.s32 s4, s19  }
0x202: {  	s8 =	sadd.s32 s4, s8;
	s19 =	smin.u32 s19, $0xF4180  }
0x203: {  	v15 =	vld.idx.msk @p2 [tilespmem:v17+s18+$0x0], $0xffff;
	p3 =	sgt.u32 s8, $0xF41FF;
	s19 =	ssub.s32 $0x0, s19  }
0x204: {  	v16 =	vadd.s32 @p2 v10, v16;
	s19 =	simm.s32 @p3 $0xFFF0BE00  }
0x205: {  	s8 =	sadd.s32 s8, s19  }
0x206: {  	s13 =	simm.s32 @p3 $0x8;
	v60 =	vmov s8  }
0x207: {  	s28 =	sshll.u32 s13, $0xD;
	v18 =	vand.u32 $0xFFFFFF80, v60  }
0x208: {  	[tilespmem:s2+$0x0] =	vst @p2 v15;
	v15 =	vand.u32 $0x7F, v60;
	v61 =	vadd.s32 s28, v18  }
0x209: {  	v16 =	vld.idx.msk @p2 [tilespmem:v16+s18+$0x0], $0xffff;
	v15 =	vor.u32 v15, v61  }
0x20a: {  	v17 =	vadd.s32 v4, v15;
	_ =	sdelay $0x3  }
0x20b: {  	[tilespmem:s2+$0x10] =	vst @p2 v16  }
0x20c: {  	v16 =	vld.idx.msk [tilespmem:v17+s18+$0x0], $0xffff  }
0x20d: {  	v62 =	vadd.s32 v8, v15;
	_ =	sdelay $0x1  }
0x20e: {  	s2 =	sadd.s32 @p2 $0x80, s2  }
0x20f: {  	s12 =	smov.u32 @p2 s2  }
0x210: {  	[tilespmem:s12+$0xFFFFFFE0] =	vst v16  }
0x211: {  	v16 =	vld.idx.msk [tilespmem:v62+s18+$0x0], $0xffff  }
0x212: {  	v63 =	vadd.s32 v9, v15;
	_ =	sdelay $0x3  }
0x213: {  	[tilespmem:s12+$0xFFFFFFF0] =	vst v16  }
0x214: {  	v16 =	vld.idx.msk [tilespmem:v63+s18+$0x0], $0xffff  }
0x215: {  	v15 =	vadd.s32 v10, v15;
	_ =	sdelay $0x3  }
0x216: {  	[tilespmem:s12+$0x0] =	vst v16  }
0x217: {  	v15 =	vld.idx.msk [tilespmem:v15+s18+$0x0], $0xffff;
	_ =	sdelay $0x2  }
0x218: {  	s11 =	sadd.s32 s1, s11  }
0x219: {  	p2 =	slt.s32 s11, $0x30  }
0x21a: {  	s11 =	simm.s32 @!p2 $0x30;
	[tilespmem:s12+$0x10] =	vst v15  }
.LBB2_48:
0x21b: {  	s10 =	sadd.s32 $0x1, s10  }
0x21c: {  	p2 =	seq.s32 s10, s29  }
.Ltmp32:
0x21d: {  	_ = 	snop;
	(pc) =	sbr.rel @p2 .LBB2_39-.Ltmp32, $1  }
0x21e: {  	_ =	sdelay $0x3  }
.LBB2_36:
0x21f: {  	s1 =	sshll.u32 s10, $0x4  }
0x220: {  	v15 =	vld [tilespmem:s1+$0x2000];
	_ =	sdelay $0x3  }
0x221: {  	v16 =	vor.u32 s1, v1  }
0x222: {  	vm0 =	vlt.s32 v16, v11;
	vm1 =	vlt.s32 v15, v14  }
0x223: {  	vm2 =	vge.s32 v15, v13;
	vm0 =	vmand vm1, vm0  }
0x224: {  	vm0 =	vmand vm0, vm2  }
0x225: {  	v62 =	vmpcnt.ones.xlane vm0;
	_ =	sdelay $0x1  }
0x226: {  	(v2sf) =	vpush v62, $0x0;
	_ =	sdelay $0xd  }
0x227: {  	v63 =	vld [tilespmem:s1+$0x2600]  }
0x228: {  	s28 =	spop (v2sf)  }
0x229: {  	p2 =	slt.s32 s28, $0x1  }
.Ltmp33:
0x22a: {  	v15 =	vsub.s32 v15, v13;
	(pc) =	sbr.rel @p2 .LBB2_48-.Ltmp33, $4  }
0x22b: {  	v15 =	vshll.u32 v15, $0xE  }
0x22c: {  	v15 =	vadd.s32 v63, v15  }
0x22d: {  	[tilespmem:s26+$0x0] =	vst.msk vm0, v15  }
0x22e: {  	[tilespmem:s11+$0x1D900] =	vst.msk vm0, v63  }
0x22f: {  	v15 =	vld [tilespmem:$0x1DA00];
	_ =	sdelay $0x1  }
0x230: {  	s1 =	simm.s32 $0x0  }
0x231: {  	v16 =	vmov s1  }
0x232: {  	vm0 =	veq.s32 v16, v1  }
0x233: {  	v16 =	vnsel vm0, $0x0, v15  }
0x234: {  	(xrf0) =	vadd.scan.msk.s32 $0xffff, v16;
	_ =	sdelay $0x5  }
0x235: {  	v16, _, _ =	vpop (xrf0)  }
0x236: {  	(v2sf) =	vpush v16, $0xF;
	_ =	sdelay $0xb  }
0x237: {  	p3 =	sne.s32 s28, $0x1  }
.Ltmp34:
0x238: {  	_ = 	snop;
	(pc) =	sbr.rel @!p3 .LBB2_38-.Ltmp34, $4  }
0x239: {  	_ = 	snop  }
0x23a: {  	s19 =	sshll.u32 s11, $0x9;
	s8 =	spop (v2sf)  }
0x23b: {  	p2 =	por $0x0, $0x0;
	s1 =	sshra.s32 s19, $0x2;
	s13 =	sshrl.u32 s8, $0x15  }
0x23c: {  	s12 =	sadd.s32 $0x19820, s1;
	s1 =	simm.s32 $0x1;
	s19 =	sshll.u32 s13, $0x7  }
0x23d: {  	v16 =	vmov s1  }
0x23e: {  	vm0 =	veq.s32 v16, v1  }
0x23f: {  	s8 =	sshrl.u32 s8, $0xE;
	s2 =	sadd.s32 s4, s19;
	v16 =	vnsel vm0, $0x0, v15  }
0x240: {  	s1 =	sadd.s32 s4, s8;
	s2 =	smin.u32 s2, $0xF4180;
	(xrf0) =	vadd.scan.msk.s32 $0xffff, v16  }
0x241: {  	p2 =	sgt.u32 s1, $0xF41FF;
	s2 =	ssub.s32 $0x0, s2  }
0x242: {  	s2 =	simm.s32 @p2 $0xFFF0BE00  }
0x243: {  	s1 =	sadd.s32 s1, s2  }
0x244: {  	s13 =	simm.s32 @p2 $0x8;
	v16 =	vmov s1  }
0x245: {  	s19 =	sshll.u32 s13, $0xD;
	v17 =	vand.u32 $0xFFFFFF80, v16  }
0x246: {  	v16 =	vand.u32 $0x7F, v16;
	v17 =	vadd.s32 s19, v17;
	v18, _, _ =	vpop (xrf0)  }
0x247: {  	v16 =	vor.u32 v16, v17;
	(v2sf) =	vpush v18, $0xF  }
0x248: {  	v17 =	vadd.s32 v4, v16;
	_ =	sdelay $0x4  }
0x249: {  	v17 =	vld.idx.msk [tilespmem:v17+s18+$0x0], $0xffff  }
0x24a: {  	v18 =	vadd.s32 v8, v16;
	_ =	sdelay $0x3  }
0x24b: {  	[tilespmem:s12+$0xFFFFFFE0] =	vst v17  }
0x24c: {  	p3 =	sne.s32 s28, $0x2;
	v18 =	vld.idx.msk [tilespmem:v18+s18+$0x0], $0xffff  }
.Ltmp35:
0x24d: {  	v17 =	vadd.s32 v9, v16;
	(pc) =	sbr.rel @!p3 .LBB2_45-.Ltmp35, $4  }
0x24e: {  	_ = 	snop  }
0x24f: {  	s8 =	spop (v2sf)  }
0x250: {  	p2 =	por $0x1, $0x1;
	s13 =	sshrl.u32 s8, $0x15  }
0x251: {  	s2 =	smov.u32 s12;
	s1 =	simm.s32 $0x2;
	[tilespmem:s12+$0xFFFFFFF0] =	vst v18;
	s19 =	sshll.u32 s13, $0x7  }
.LBB2_46:
0x252: {  	v18 =	vmov s1;
	s1 =	sadd.s32 $0x1, s1;
	s8 =	sshrl.u32 s8, $0xE;
	s19 =	sadd.s32 s4, s19;
	v17 =	vld.idx.msk [tilespmem:v17+s18+$0x0], $0xffff  }
0x253: {  	vm0 =	veq.s32 v18, v1;
	p3 =	sne.s32 s28, s1;
	s8 =	sadd.s32 s4, s8;
	s19 =	smin.u32 s19, $0xF4180  }
0x254: {  	v16 =	vadd.s32 v10, v16;
	v18 =	vnsel vm0, $0x0, v15;
	p4 =	sgt.u32 s8, $0xF41FF;
	s19 =	ssub.s32 $0x0, s19  }
0x255: {  	(xrf0) =	vadd.scan.msk.s32 $0xffff, v18;
	s19 =	simm.s32 @p4 $0xFFF0BE00  }
0x256: {  	s8 =	sadd.s32 s8, s19  }
0x257: {  	s13 =	simm.s32 @p4 $0x8;
	v18 =	vmov s8  }
0x258: {  	s8 =	sshll.u32 s13, $0xD;
	v19 =	vand.u32 $0xFFFFFF80, v18;
	[tilespmem:s2+$0x0] =	vst v17  }
0x259: {  	v20 =	vand.u32 $0x7F, v18;
	v18 =	vadd.s32 s8, v19;
	v19 =	vld.idx.msk [tilespmem:v16+s18+$0x0], $0xffff  }
0x25a: {  	v16 =	vor.u32 v20, v18  }
0x25b: {  	v17, _, _ =	vpop (xrf0);
	v18 =	vadd.s32 v4, v16  }
0x25c: {  	(v2sf) =	vpush v17, $0xF;
	_ =	sdelay $0x2  }
0x25d: {  	[tilespmem:s2+$0x10] =	vst v19  }
0x25e: {  	v17 =	vld.idx.msk [tilespmem:v18+s18+$0x0], $0xffff;
	_ =	sdelay $0x1  }
0x25f: {  	v18 =	vadd.s32 v8, v16;
	_ =	sdelay $0x2  }
0x260: {  	s2 =	sadd.s32 $0x80, s2  }
0x261: {  	[tilespmem:s2+$0xFFFFFFE0] =	vst v17  }
0x262: {  	v18 =	vld.idx.msk [tilespmem:v18+s18+$0x0], $0xffff;
	_ =	sdelay $0x1  }
.Ltmp36:
0x263: {  	v17 =	vadd.s32 v9, v16;
	(pc) =	sbr.rel @p3 .LBB2_46-.Ltmp36, $4  }
0x264: {  	_ = 	snop  }
0x265: {  	s8 =	spop (v2sf)  }
0x266: {  	s13 =	sshrl.u32 s8, $0x15  }
0x267: {  	s19 =	sshll.u32 s13, $0x7;
	[tilespmem:s2+$0xFFFFFFF0] =	vst v18  }
.Ltmp37:
0x268: {  	_ = 	snop;
	(pc) =	sbr.rel .LBB2_47-.Ltmp37, $1  }
0x269: {  	_ =	sdelay $0x3  }
.LBB2_45:
.Ltmp38:
0x26a: {  	(pc) =	sbr.rel .LBB2_47-.Ltmp38, $2  }
0x26b: {  	_ =	sdelay $0x2  }
0x26c: {  	s2 =	smov.u32 s12  }
.LBB2_39:
.Ltmp39:
0x26d: {  	(pc) =	sbr.rel @p1 .LBB2_54-.Ltmp39, $1  }
0x26e: {  	_ =	sdelay $0x3  }
.Ltmp40:
0x26f: {  	(pc) =	sbr.rel .LBB2_41-.Ltmp40, $2  }
0x270: {  	_ =	sdelay $0x2  }
0x271: {  	s6 =	simm.s32 $0x0;
	s10 =	simm.s32 $0x0  }
.LBB2_43:
0x272: {  	s2 =	smov.u32 s12  }
.LBB2_52:
0x273: {  	_ =	sdelay $0x1  }
0x274: {  	s8 =	sshrl.u32 s8, $0xE;
	s19 =	sadd.s32 s4, s19  }
0x275: {  	s8 =	sadd.s32 s4, s8;
	s19 =	smin.u32 s19, $0xF4180  }
0x276: {  	v15 =	vld.idx.msk @p2 [tilespmem:v17+s18+$0x0], $0xffff;
	p3 =	sgt.u32 s8, $0xF41FF;
	s19 =	ssub.s32 $0x0, s19  }
0x277: {  	v16 =	vadd.s32 @p2 v10, v16;
	s19 =	simm.s32 @p3 $0xFFF0BE00  }
0x278: {  	s8 =	sadd.s32 s8, s19  }
0x279: {  	s13 =	simm.s32 @p3 $0x8;
	v60 =	vmov s8  }
0x27a: {  	s28 =	sshll.u32 s13, $0xD;
	v18 =	vand.u32 $0xFFFFFF80, v60  }
0x27b: {  	[tilespmem:s2+$0x0] =	vst @p2 v15;
	v15 =	vand.u32 $0x7F, v60;
	v61 =	vadd.s32 s28, v18  }
0x27c: {  	v16 =	vld.idx.msk @p2 [tilespmem:v16+s18+$0x0], $0xffff;
	v15 =	vor.u32 v15, v61  }
0x27d: {  	v17 =	vadd.s32 v4, v15;
	_ =	sdelay $0x3  }
0x27e: {  	[tilespmem:s2+$0x10] =	vst @p2 v16  }
0x27f: {  	v16 =	vld.idx.msk [tilespmem:v17+s18+$0x0], $0xffff  }
0x280: {  	v62 =	vadd.s32 v8, v15;
	_ =	sdelay $0x1  }
0x281: {  	s2 =	sadd.s32 @p2 $0x80, s2  }
0x282: {  	s12 =	smov.u32 @p2 s2  }
0x283: {  	[tilespmem:s12+$0xFFFFFFE0] =	vst v16  }
0x284: {  	v16 =	vld.idx.msk [tilespmem:v62+s18+$0x0], $0xffff  }
0x285: {  	v63 =	vadd.s32 v9, v15;
	_ =	sdelay $0x3  }
0x286: {  	[tilespmem:s12+$0xFFFFFFF0] =	vst v16  }
0x287: {  	v16 =	vld.idx.msk [tilespmem:v63+s18+$0x0], $0xffff  }
0x288: {  	v15 =	vadd.s32 v10, v15;
	_ =	sdelay $0x3  }
0x289: {  	[tilespmem:s12+$0x0] =	vst v16  }
0x28a: {  	v15 =	vld.idx.msk [tilespmem:v15+s18+$0x0], $0xffff;
	_ =	sdelay $0x2  }
0x28b: {  	s6 =	sadd.s32 s1, s6  }
0x28c: {  	p2 =	slt.s32 s6, $0x30  }
0x28d: {  	s6 =	simm.s32 @!p2 $0x30;
	[tilespmem:s12+$0x10] =	vst v15  }
.LBB2_53:
0x28e: {  	s10 =	sadd.s32 $0x1, s10  }
0x28f: {  	p2 =	sne.s32 s10, s30  }
.Ltmp41:
0x290: {  	_ = 	snop;
	(pc) =	sbr.rel @!p2 .LBB2_54-.Ltmp41, $1  }
0x291: {  	_ =	sdelay $0x3  }
.LBB2_41:
0x292: {  	s1 =	sshll.u32 s10, $0x4  }
0x293: {  	v15 =	vld [tilespmem:s1+$0x2C00];
	_ =	sdelay $0x3  }
0x294: {  	v16 =	vor.u32 s1, v1  }
0x295: {  	vm0 =	vlt.s32 v16, v12;
	vm1 =	vlt.s32 v15, v14  }
0x296: {  	vm2 =	vge.s32 v15, v13;
	vm0 =	vmand vm1, vm0  }
0x297: {  	vm0 =	vmand vm0, vm2  }
0x298: {  	v62 =	vmpcnt.ones.xlane vm0;
	_ =	sdelay $0x1  }
0x299: {  	(v2sf) =	vpush v62, $0x0;
	_ =	sdelay $0xd  }
0x29a: {  	v63 =	vld [tilespmem:s1+$0x3200]  }
0x29b: {  	s28 =	spop (v2sf)  }
0x29c: {  	p2 =	slt.s32 s28, $0x1  }
.Ltmp42:
0x29d: {  	v15 =	vsub.s32 v15, v13;
	(pc) =	sbr.rel @p2 .LBB2_53-.Ltmp42, $4  }
0x29e: {  	v15 =	vshll.u32 v15, $0xE  }
0x29f: {  	v15 =	vadd.s32 v63, v15  }
0x2a0: {  	[tilespmem:s26+$0x0] =	vst.msk vm0, v15  }
0x2a1: {  	[tilespmem:s6+$0x1D980] =	vst.msk vm0, v63  }
0x2a2: {  	v15 =	vld [tilespmem:$0x1DA00];
	_ =	sdelay $0x1  }
0x2a3: {  	s1 =	simm.s32 $0x0  }
0x2a4: {  	v16 =	vmov s1  }
0x2a5: {  	vm0 =	veq.s32 v16, v1  }
0x2a6: {  	v16 =	vnsel vm0, $0x0, v15  }
0x2a7: {  	(xrf0) =	vadd.scan.msk.s32 $0xffff, v16;
	_ =	sdelay $0x5  }
0x2a8: {  	v16, _, _ =	vpop (xrf0)  }
0x2a9: {  	(v2sf) =	vpush v16, $0xF;
	_ =	sdelay $0xb  }
0x2aa: {  	p3 =	sne.s32 s28, $0x1  }
.Ltmp43:
0x2ab: {  	_ = 	snop;
	(pc) =	sbr.rel @!p3 .LBB2_43-.Ltmp43, $4  }
0x2ac: {  	_ = 	snop  }
0x2ad: {  	s19 =	sshll.u32 s6, $0x9;
	s8 =	spop (v2sf)  }
0x2ae: {  	p2 =	por $0x0, $0x0;
	s1 =	sshra.s32 s19, $0x2;
	s13 =	sshrl.u32 s8, $0x15  }
0x2af: {  	s12 =	sadd.s32 $0x1B820, s1;
	s1 =	simm.s32 $0x1;
	s19 =	sshll.u32 s13, $0x7  }
0x2b0: {  	v16 =	vmov s1  }
0x2b1: {  	vm0 =	veq.s32 v16, v1  }
0x2b2: {  	s8 =	sshrl.u32 s8, $0xE;
	s2 =	sadd.s32 s4, s19;
	v16 =	vnsel vm0, $0x0, v15  }
0x2b3: {  	s1 =	sadd.s32 s4, s8;
	s2 =	smin.u32 s2, $0xF4180;
	(xrf0) =	vadd.scan.msk.s32 $0xffff, v16  }
0x2b4: {  	p2 =	sgt.u32 s1, $0xF41FF;
	s2 =	ssub.s32 $0x0, s2  }
0x2b5: {  	s2 =	simm.s32 @p2 $0xFFF0BE00  }
0x2b6: {  	s1 =	sadd.s32 s1, s2  }
0x2b7: {  	s13 =	simm.s32 @p2 $0x8;
	v16 =	vmov s1  }
0x2b8: {  	s19 =	sshll.u32 s13, $0xD;
	v17 =	vand.u32 $0xFFFFFF80, v16  }
0x2b9: {  	v16 =	vand.u32 $0x7F, v16;
	v17 =	vadd.s32 s19, v17;
	v18, _, _ =	vpop (xrf0)  }
0x2ba: {  	v16 =	vor.u32 v16, v17;
	(v2sf) =	vpush v18, $0xF  }
0x2bb: {  	v17 =	vadd.s32 v4, v16;
	_ =	sdelay $0x4  }
0x2bc: {  	v17 =	vld.idx.msk [tilespmem:v17+s18+$0x0], $0xffff  }
0x2bd: {  	v18 =	vadd.s32 v8, v16;
	_ =	sdelay $0x3  }
0x2be: {  	[tilespmem:s12+$0xFFFFFFE0] =	vst v17  }
0x2bf: {  	p3 =	sne.s32 s28, $0x2;
	v18 =	vld.idx.msk [tilespmem:v18+s18+$0x0], $0xffff  }
.Ltmp44:
0x2c0: {  	v17 =	vadd.s32 v9, v16;
	(pc) =	sbr.rel @!p3 .LBB2_50-.Ltmp44, $4  }
0x2c1: {  	_ = 	snop  }
0x2c2: {  	s8 =	spop (v2sf)  }
0x2c3: {  	p2 =	por $0x1, $0x1;
	s13 =	sshrl.u32 s8, $0x15  }
0x2c4: {  	s2 =	smov.u32 s12;
	s1 =	simm.s32 $0x2;
	[tilespmem:s12+$0xFFFFFFF0] =	vst v18;
	s19 =	sshll.u32 s13, $0x7  }
.LBB2_51:
0x2c5: {  	v18 =	vmov s1;
	s1 =	sadd.s32 $0x1, s1;
	s8 =	sshrl.u32 s8, $0xE;
	s19 =	sadd.s32 s4, s19;
	v17 =	vld.idx.msk [tilespmem:v17+s18+$0x0], $0xffff  }
0x2c6: {  	vm0 =	veq.s32 v18, v1;
	p3 =	sne.s32 s28, s1;
	s8 =	sadd.s32 s4, s8;
	s19 =	smin.u32 s19, $0xF4180  }
0x2c7: {  	v16 =	vadd.s32 v10, v16;
	v18 =	vnsel vm0, $0x0, v15;
	p4 =	sgt.u32 s8, $0xF41FF;
	s19 =	ssub.s32 $0x0, s19  }
0x2c8: {  	(xrf0) =	vadd.scan.msk.s32 $0xffff, v18;
	s19 =	simm.s32 @p4 $0xFFF0BE00  }
0x2c9: {  	s8 =	sadd.s32 s8, s19  }
0x2ca: {  	s13 =	simm.s32 @p4 $0x8;
	v18 =	vmov s8  }
0x2cb: {  	s8 =	sshll.u32 s13, $0xD;
	v19 =	vand.u32 $0xFFFFFF80, v18;
	[tilespmem:s2+$0x0] =	vst v17  }
0x2cc: {  	v20 =	vand.u32 $0x7F, v18;
	v18 =	vadd.s32 s8, v19;
	v19 =	vld.idx.msk [tilespmem:v16+s18+$0x0], $0xffff  }
0x2cd: {  	v16 =	vor.u32 v20, v18  }
0x2ce: {  	v17, _, _ =	vpop (xrf0);
	v18 =	vadd.s32 v4, v16  }
0x2cf: {  	(v2sf) =	vpush v17, $0xF;
	_ =	sdelay $0x2  }
0x2d0: {  	[tilespmem:s2+$0x10] =	vst v19  }
0x2d1: {  	v17 =	vld.idx.msk [tilespmem:v18+s18+$0x0], $0xffff;
	_ =	sdelay $0x1  }
0x2d2: {  	v18 =	vadd.s32 v8, v16;
	_ =	sdelay $0x2  }
0x2d3: {  	s2 =	sadd.s32 $0x80, s2  }
0x2d4: {  	[tilespmem:s2+$0xFFFFFFE0] =	vst v17  }
0x2d5: {  	v18 =	vld.idx.msk [tilespmem:v18+s18+$0x0], $0xffff;
	_ =	sdelay $0x1  }
.Ltmp45:
0x2d6: {  	v17 =	vadd.s32 v9, v16;
	(pc) =	sbr.rel @p3 .LBB2_51-.Ltmp45, $4  }
0x2d7: {  	_ = 	snop  }
0x2d8: {  	s8 =	spop (v2sf)  }
0x2d9: {  	s13 =	sshrl.u32 s8, $0x15  }
0x2da: {  	s19 =	sshll.u32 s13, $0x7;
	[tilespmem:s2+$0xFFFFFFF0] =	vst v18  }
.Ltmp46:
0x2db: {  	_ = 	snop;
	(pc) =	sbr.rel .LBB2_52-.Ltmp46, $1  }
0x2dc: {  	_ =	sdelay $0x3  }
.LBB2_50:
.Ltmp47:
0x2dd: {  	(pc) =	sbr.rel .LBB2_52-.Ltmp47, $2  }
0x2de: {  	_ =	sdelay $0x2  }
0x2df: {  	s2 =	smov.u32 s12  }
.LBB2_55:
0x2e0: {  	s0 =	sadd.s32 s0, s6  }
0x2e1: {  	p0 =	slt.s32 s0, $0x1  }
.Ltmp48:
0x2e2: {  	_ = 	snop;
	(pc) =	sbr.rel @p0 .LBB2_59-.Ltmp48, $4  }
0x2e3: {  	_ = 	snop  }
0x2e4: {  	s11 =	rddreg [dreg:$0x0]  }
0x2e5: {  	s12 =	rddreg [dreg:$0x1]  }
0x2e6: {  	s13 =	simm.s32 $0x1000;
	s1 =	rddreg [dreg:$0x7]  }
0x2e7: {  	p0 =	sne.s32 s0, $0x1  }
.Ltmp49:
0x2e8: {  	_ = 	snop;
	(pc) =	sbr.rel @!p0 .LBB2_58-.Ltmp49, $3  }
0x2e9: {  	_ =	sdelay $0x1  }
0x2ea: {  	_ =	swait.ge [sflag:s15], $0x800  }
0x2eb: {  	s0 =	sadd.s32 $0xFFFFFFFF, s0;
	[sflag:s15] =	ssyncset.done $0x0  }
.LBB2_57:
0x2ec: {  	p0 =	sne.s32 s0, $0x1;
	s0 =	sadd.s32 $0xFFFFFFFF, s0;
	[sflag:s15] =	ssyncadd.s32 $0xFFFFF800  }
.Ltmp50:
0x2ed: {  	(pc) =	sbr.rel @p0 .LBB2_57-.Ltmp50, $3  }
0x2ee: {  	_ =	sdelay $0x1  }
0x2ef: {  	_ =	swait.ge [sflag:s15], $0x800  }
0x2f0: {  	[sflag:s15] =	ssyncset.done $0x0  }
.Ltmp51:
0x2f1: {  	_ = 	snop;
	(pc) =	sbr.rel .LBB2_58-.Ltmp51, $1  }
0x2f2: {  	_ =	sdelay $0x3  }
.LBB2_60:
0x2f3: {  	_ =	sfence.sel $0x180000  }
0x2f4: {  	[bflag:$0x0] =	sbarrier.arrive $0xFFFF  }
0x2f5: {  	_ =	strace $0x90000047  }
0x2f6: {  	s0 =	stileid.u32;
	[bflag:$0x2] =	sbarrier.arrive $0xFFFF  }
0x2f7: {  	p0 =	sne.s32 s0, $0x0;
	s0 =	rddreg [dreg:$0x5]  }
0x2f8: {  	s0 =	sadd.s32 @!p0 $0x100000, s0  }
0x2f9: {  	[sflag:s0] =	ssyncadd.tile.s32 @!p0 $0x1;
	_ =	shalt  }
.Lfunc_end2:
_tile_overlayer_lowered:
.L_overlay_start_2:
0x2fa: {  	(tag) =	ssettag $0x2  }
0x2fb: {  	s0 =	rddreg [dreg:$0x0];
	s2 =	stileid.u32  }
0x2fc: {  	s1 =	rddreg [dreg:$0x1];
	p0 =	sne.s32 s2, $0x0  }
0x2fd: {  	s3 =	rddreg [dreg:$0x2];
	[bflag:$0x3] =	sbarrier.arrive $0xFFFF;
	s2 =	simm.s32 @!p0 $0x1C03  }
0x2fe: {  	[timem:s3], [sflag:s2] =	dma.local @!p0 [hbm:s0], s1  }
0x2ff: {  	s0 =	simm.s32 @!p0 $0x3  }
0x300: {  	_ =	swait.ge @!p0 [sflag:s0], s1  }
0x301: {  	s1 =	ssub.s32 @!p0 $0x0, s1;
	[sflag:s0] =	ssyncset.done @!p0 $0x0  }
0x302: {  	[sflag:s0] =	ssyncadd.s32 @!p0 s1  }
0x303: {  	[bflag:$0x3] =	sbarrier.arrive $0xFFFF  }
0x304: {  	_ =	shalt  }

// kernel: kernel.7.cloned.1.call-start
scs
__scs_entry_jumppad:
0x0: {  	(pc) =	sbr.rel $0x88, $3  }
0x1: {  	(tag) =	ssettag $0x0;
	lr =	simm.s32 $0x1  }
0x2: {  	[smem:$0x3F9C] =	sst lr;
	_ =	strace $0xD0000000  }
0x3: {  	_ = 	snop  }
0x4: {  	_ = 	snop  }
0x5: {  	_ = 	snop  }
0x6: {  	_ = 	snop  }
0x7: {  	_ = 	snop  }
__scs_overlays_trampoline_lowered:
0x8: {  	[smem:$0x3FAB] =	sst s0  }
0x9: {  	[smem:$0x3FAC] =	sst s1  }
0xa: {  	[smem:$0x3FAD] =	sst s2  }
0xb: {  	[smem:$0x3FAE] =	sst s3  }
0xc: {  	[smem:$0x3FAF] =	sst s4  }
0xd: {  	[smem:$0x3FB0] =	sst s5  }
0xe: {  	[smem:$0x3FB1] =	sst s6  }
0xf: {  	[smem:$0x3FB2] =	sst s7  }
0x10: {  	[smem:$0x3FB3] =	sst s8  }
0x11: {  	[smem:$0x3FB4] =	sst s9;
	s0 =	simm.s32 @!p0 $0x0  }
0x12: {  	s1 =	sld [smem:$0x3F9A];
	s0 =	simm.s32 @p0 $0x1  }
0x13: {  	[smem:$0x3FB5] =	sst s0;
	s0 =	simm.s32 @!p1 $0x0  }
0x14: {  	s2 =	sld [smem:$0x3F99];
	s0 =	simm.s32 @p1 $0x1  }
0x15: {  	[smem:$0x3FB6] =	sst s0;
	s0 =	simm.s32 @!p2 $0x0  }
0x16: {  	s3 =	sld [smem:$0x3FDB];
	s0 =	simm.s32 @p2 $0x1  }
0x17: {  	s4 =	simm.s32 $0x1BF5;
	[smem:$0x3FB8] =	sst s0  }
0x18: {  	s0 =	sld [smem:$0x3F9B];
	_ =	swait.ge [sflag:s4], $0x0  }
0x19: {  	s7 =	sld [smem:$0x3F9C]  }
0x1a: {  	s8 =	sadd.s32 $0xFFFFE003, lr  }
0x1b: {  	s9 =	sadd.s32 $0xFFFFFEF7, lr;
	s5 =	simm.s32 $0xFFFFFFFF;
	p2 =	slt.u32 s8, $0xFFFFF086  }
0x1c: {  	p1 =	slt.u32 s9, $0xF7A;
	s5 =	simm.s32 @!p2 $0x0  }
0x1d: {  	s5 =	simm.s32 @p1 $0x1;
	p0 =	seq.s32 s7, s2  }
0x1e: {  	s7 =	smul.u32 @!p0 $0xF7A, s2;
	p2 =	seq.s32 @!p0 s5, $0x0  }
0x1f: {  	s9 =	smul.u32 $0xF7A, s1;
	s8 =	simm.s32 @!p0 $0x1BF5;
	p2 =	por !p2, p0  }
0x20: {  	[sflag:s8] =	ssyncset.s32 @!p0 $0xFFFFF086;
	s6 =	sadd.s32 @!p0 s3, s7;
	s7 =	simm.s32 @!p0 $0x108  }
0x21: {  	s3 =	sadd.s32 s3, s9;
	s6 =	sadd.s32 @!p0 $0x88, s6;
	s7 =	simm.s32 @p2 $0x1082  }
0x22: {  	[simem:s7], [sflag:s8] =	dma.local @!p0 [hbm:s6], $0xF7A  }
0x23: {  	s9 =	sor.u32 $0xD0000000, s2;
	s6 =	simm.s32 $0x108;
	_ =	swait.ge @!p0 [sflag:s8], $0x0  }
0x24: {  	s3 =	sadd.s32 $0x88, s3;
	s6 =	simm.s32 @!p1 $0x1082;
	[sflag:s4] =	ssyncset.s32 $0xFFFFF086  }
0x25: {  	[simem:s6], [sflag:s4] =	dma.local [hbm:s3], $0xF7A  }
0x26: {  	[smem:$0x3F9C] =	sst s1;
	(tag) =	ssettag s2;
	_ =	strace s9  }
0x27: {  	s1 =	sld [smem:$0x3FAC]  }
0x28: {  	s2 =	sld [smem:$0x3FAD]  }
0x29: {  	s4 =	sld [smem:$0x3FAF]  }
0x2a: {  	p0 =	seq.s32 s5, $0x0;
	s5 =	sld [smem:$0x3FB0]  }
0x2b: {  	s6 =	sld [smem:$0x3FB1]  }
0x2c: {  	s7 =	sld [smem:$0x3FB2]  }
0x2d: {  	s3 =	simm.s32 $0x108;
	s8 =	sld [smem:$0x3FB3]  }
0x2e: {  	s3 =	simm.s32 @!p0 $0x1082;
	s9 =	sld [smem:$0x3FB4]  }
0x2f: {  	lr =	sadd.s32 s0, s3;
	s0 =	sld [smem:$0x3FAB]  }
0x30: {  	s3 =	sld [smem:$0x3FAE]  }
0x31: {  	[smem:$0x3FB7] =	sst s10  }
0x32: {  	s10 =	sld [smem:$0x3FB5];
	_ =	sdelay $0x3  }
0x33: {  	p0 =	seq.s32 s10, $0x1;
	s10 =	sld [smem:$0x3FB7];
	_ =	sdelay $0x3  }
0x34: {  	[smem:$0x3FB7] =	sst s10  }
0x35: {  	s10 =	sld [smem:$0x3FB6];
	_ =	sdelay $0x3  }
0x36: {  	p1 =	seq.s32 s10, $0x1;
	s10 =	sld [smem:$0x3FB7];
	_ =	sdelay $0x3  }
0x37: {  	[smem:$0x3FB7] =	sst s10  }
0x38: {  	s10 =	sld [smem:$0x3FB8]  }
0x39: {  	_ = 	snop;
	(pc) =	sbr.ind lr, $3  }
0x3a: {  	_ = 	snop  }
0x3b: {  	_ = 	snop  }
0x3c: {  	p2 =	seq.s32 s10, $0x1;
	s10 =	sld [smem:$0x3FB7]  }
0x3d: {  	_ =	shalt  }
0x3e: {  	_ =	shalt  }
0x3f: {  	_ =	shalt  }
0x40: {  	_ =	shalt  }
0x41: {  	_ =	shalt  }
0x42: {  	_ =	shalt  }
0x43: {  	_ =	shalt  }
0x44: {  	_ =	shalt  }
0x45: {  	_ =	shalt  }
0x46: {  	_ =	shalt  }
0x47: {  	_ =	shalt  }
0x48: {  	_ =	shalt  }
0x49: {  	_ =	shalt  }
0x4a: {  	_ =	shalt  }
0x4b: {  	_ =	shalt  }
0x4c: {  	_ =	shalt  }
0x4d: {  	_ =	shalt  }
0x4e: {  	_ =	shalt  }
0x4f: {  	_ =	shalt  }
0x50: {  	_ =	shalt  }
0x51: {  	_ =	shalt  }
0x52: {  	_ =	shalt  }
0x53: {  	_ =	shalt  }
0x54: {  	_ =	shalt  }
0x55: {  	_ =	shalt  }
0x56: {  	_ =	shalt  }
0x57: {  	_ =	shalt  }
0x58: {  	_ =	shalt  }
0x59: {  	_ =	shalt  }
0x5a: {  	_ =	shalt  }
0x5b: {  	_ =	shalt  }
0x5c: {  	_ =	shalt  }
0x5d: {  	_ =	shalt  }
0x5e: {  	_ =	shalt  }
0x5f: {  	_ =	shalt  }
0x60: {  	_ =	shalt  }
0x61: {  	_ =	shalt  }
0x62: {  	_ =	shalt  }
0x63: {  	_ =	shalt  }
0x64: {  	_ =	shalt  }
0x65: {  	_ =	shalt  }
0x66: {  	_ =	shalt  }
0x67: {  	_ =	shalt  }
0x68: {  	_ =	shalt  }
0x69: {  	_ =	shalt  }
0x6a: {  	_ =	shalt  }
0x6b: {  	_ =	shalt  }
0x6c: {  	_ =	shalt  }
0x6d: {  	_ =	shalt  }
0x6e: {  	_ =	shalt  }
0x6f: {  	_ =	shalt  }
0x70: {  	_ =	shalt  }
0x71: {  	_ =	shalt  }
0x72: {  	_ =	shalt  }
0x73: {  	_ =	shalt  }
0x74: {  	_ =	shalt  }
0x75: {  	_ =	shalt  }
0x76: {  	_ =	shalt  }
0x77: {  	_ =	shalt  }
0x78: {  	_ =	shalt  }
0x79: {  	_ =	shalt  }
0x7a: {  	_ =	shalt  }
0x7b: {  	_ =	shalt  }
0x7c: {  	_ =	shalt  }
0x7d: {  	_ =	shalt  }
0x7e: {  	_ =	shalt  }
0x7f: {  	_ =	shalt  }
0x80: {  	_ =	shalt  }
0x81: {  	_ =	shalt  }
0x82: {  	_ =	shalt  }
0x83: {  	_ =	shalt  }
0x84: {  	_ =	shalt  }
0x85: {  	_ =	shalt  }
0x86: {  	_ =	shalt  }
0x87: {  	_ =	shalt  }
.Lfunc_end0:
.L_simem_size_0:
called_computation.1_lowered:
.L_overlay_start_0:
0x88: {  	s2 =	sld [smem:$0x3FD9]  }
0x89: {  	s3 =	sld [smem:$0x3FFE];
	_ =	sdelay $0x1  }
0x8a: {  	s1 =	srdreg.scid  }
0x8b: {  	s0 =	sand.u32 $0x1, s1  }
0x8c: {  	s17 =	sshll.u32 s0, $0xA;
	s2 =	sadd.s32 s3, s2  }
0x8d: {  	s2 =	sadd.s32 s2, s17  }
0x8e: {  	[smem:$0x3FC3] =	sst s2  }
0x8f: {  	_ = 	snop  }
0x90: {  	s2 =	sld [smem:$0x3FC7]  }
0x91: {  	s18 =	sld [smem:$0x3FD0];
	(tm) =	ssettm $0x1  }
0x92: {  	s4 =	sld [smem:$0x3FFB];
	_ =	sdelay $0x3  }
0x93: {  	_ =	strace s4  }
0x94: {  	s4 =	sld [smem:$0x3FFC];
	_ =	sdelay $0x3  }
0x95: {  	_ =	strace s4  }
0x96: {  	s4 =	sld [smem:$0x3FFD];
	_ =	sdelay $0x3  }
0x97: {  	_ =	strace s4  }
0x98: {  	_ =	strace $0x8FFFFFFF  }
0x99: {  	s19 =	sld [smem:$0x3FDB];
	_ =	sdelay $0x1  }
0x9a: {  	s5 =	simm.s32 $_scs_section_size  }
0x9b: {  	s6 =	simm.s32 $_size__tile_overlayer_lowered;
	s7 =	simm.s32 $_tile_overlayer_lowered  }
0x9c: {  	s22 =	simm.s32 $0x1BFF;
	s21 =	sshll.u32 s7, $0x1;
	s4 =	sadd.s32 s5, s19  }
0x9d: {  	s8 =	simm.s32 $0x0;
	s20 =	sshll.u32 s6, $0x1;
	s6 =	sadd.s32 s21, s4  }
0x9e: {  	[timem:s8], [sflag:s22] =	dma.local [hbm:s6], s20  }
0x9f: {  	_ =	swait.ge [sflag:s22], s20  }
0xa0: {  	s5 =	ssub.s32 $0x0, s20;
	[sflag:s22] =	ssyncset.done $0x0  }
0xa1: {  	[sflag:s22] =	ssyncadd.s32 s5;
	_ =	sdelay $0x1  }
0xa2: {  	s23 =	simm.s32 $0x1B8B  }
0xa3: {  	_ =	swait.ge [sflag:s23], $0x1  }
0xa4: {  	[sflag:s23] =	ssyncset.done $0x0  }
0xa5: {  	s25 =	simm.s32 $0x1B8E;
	s24 =	sld [smem:$0x3FFE];
	[sflag:s23] =	ssyncadd.s32 $0xFFFFFFFF  }
0xa6: {  	s26 =	simm.s32 $execute0_lowered;
	[smem:$0x3FD2] =	sst s25  }
0xa7: {  	s6 =	sshll.u32 s26, $0x1;
	_ =	strace $0x80000049;
	[dreg:$0x1] =	wrdreg $0xFFFFFFFF  }
0xa8: {  	s28 =	simm.s32 $_size_execute0_lowered;
	s4 =	sadd.s32 s4, s6;
	[dreg:$0x0] =	wrdreg $0x0  }
0xa9: {  	s6 =	sshll.u32 s28, $0x1;
	[dreg:$0x2] =	wrdreg s4  }
0xaa: {  	[dreg:$0x3] =	wrdreg s6  }
0xab: {  	[dreg:$0x4] =	wrdreg $0xC0  }
0xac: {  	_ =	task [dreg:s8], $0x5FFFF  }
0xad: {  	[dreg:$0x1] =	wrdreg $0xFFFFFFFF  }
0xae: {  	[dreg:$0x0] =	wrdreg $0x60  }
0xaf: {  	[dreg:$0x2] =	wrdreg s24  }
0xb0: {  	[dreg:$0x3] =	wrdreg s2  }
0xb1: {  	[dreg:$0x4] =	wrdreg s18  }
0xb2: {  	[dreg:$0x5] =	wrdreg $0x9  }
0xb3: {  	_ =	task.clear_ibuf [dreg:s8], $0x6FFFF;
	_ =	strace $0x90000049  }
0xb4: {  	s29 =	simm.s32 $0x9;
	_ =	strace $0x8000004B  }
0xb5: {  	_ =	swait.ge [sflag:s29], $0x1  }
0xb6: {  	[sflag:s29] =	ssyncadd.s32 $0xFFFFFFFF  }
0xb7: {  	_ =	strace $0x9000004B  }
0xb8: {  	_ =	sfence  }
0xb9: {  	s30 =	sld [smem:$0x0];
	_ =	sdelay $0x2  }
0xba: {  	s31 =	sshll.u32 s1, $0xD;
	s1 =	sshrl.u32 s1, $0x2  }
0xbb: {  	s3 =	sand.u32 $0x4000, s31;
	s1 =	sadd.s32 s1, s30  }
0xbc: {  	s0 =	sor.u32 s3, s0;
	s1 =	sshll.u32 s1, $0x11  }
0xbd: {  	s0 =	sor.u32 s1, s0  }
0xbe: {  	s0 =	sadd.s32 $0x8F2B, s0  }
0xbf: {  	[sflag:s0] =	ssyncadd.remote.s32 $0x1  }
0xc0: {  	_ =	sfence.sel $0xFFFF  }
0xc1: {  	[dreg:$0x0] =	wrdreg $0xFFFFFFFF;
	(pc) =	sbr.abs _section_cstart, $3  }
0xc2: {  	[dreg:$0x1] =	wrdreg $0xFFFFFFFF  }
0xc3: {  	_ =	task.clear_ibuf [dreg:s8], $0x2FFFF;
	_ =	strace $0x9FFFFFFF  }
0xc4: {  	(tm) =	ssettm $0x7FFFFFFF  }
0xc5: {  	_ =	shalt  }
tec
execute0_lowered:
.L_overlay_start_1:
0x0: {  	(tag) =	ssettag $0x1  }
0x1: {  	s5 =	rddreg [dreg:$0x0]  }
0x2: {  	s6 =	rddreg [dreg:$0x1]  }
0x3: {  	s7 =	rddreg [dreg:$0x2]  }
0x4: {  	s0 =	rddreg [dreg:$0x3]  }
0x5: {  	s2 =	simm.s32 $0x0;
	s3 =	srdreg.scid;
	s1 =	stileid.u32;
	vm7 =	vmmov $0x1;
	vm0 =	vmmov $0x3;
	v0 =	vimm.s32 $0x0  }
0x6: {  	vm4 =	vmmov $0x7;
	v59 =	vimm.s32 $0x0;
	vm9 =	vmmov $0x1f;
	s12 =	simm.s32 $0x3600;
	s13 =	simm.s32 $0x7600;
	s14 =	simm.s32 $0x1  }
0x7: {  	vm6 =	vmmov $0x3f;
	s15 =	simm.s32 $0xB600;
	s16 =	simm.s32 $0x0;
	[smem:$0x7FF] =	sst s2;
	v0 =	vsel vm0, $0xFFFFFFFF, v0;
	vm0 =	vmmov $0xf  }
0x8: {  	vm13 =	vmmov $0x1fff;
	v60 =	vimm.s32 $0x0;
	s8 =	sand.u32 $0x1, s3;
	s3 =	sadd.s32 $0xE00, s5;
	_ =	strace $0x8000004A;
	[tilespmem:$0x1FFA0] =	vst v0;
	v0 =	vsel vm0, $0xFFFFFFFF, v59  }
0x9: {  	vm3 =	vmmov $0x7ff;
	v61 =	vimm.s32 $0x0;
	s9 =	sshll.u32 s1, $0xA;
	s4 =	sadd.s32 $0x41200, s5;
	s10 =	sshll.u32 s8, $0x9;
	[tilespmem:$0x1FFB0] =	vst v0;
	v0 =	vsel vm13, $0xFFFFFFFF, v60  }
0xa: {  	vm2 =	vmmov $0x1ff;
	v62 =	vimm.s32 $0x0;
	s5 =	sadd.s32 $0x81600, s5;
	s8 =	ssub.s32 $0x2, s8;
	s11 =	sor.u32 s10, s9;
	[tilespmem:$0x1FFC0] =	vst v0;
	v0 =	vsel vm3, $0xFFFFFFFF, v61  }
0xb: {  	vm5 =	vmmov $0x3fff;
	v63 =	vimm.s32 $0x0;
	s31 =	sshrl.u32 s8, $0x1;
	s9 =	simm.s32 $0x2;
	s10 =	sshrl.u32 s11, $0x3;
	[tilespmem:$0x1FFD0] =	vst v0;
	v0 =	vsel vm2, $0xFFFFFFFF, v62  }
0xc: {  	vm1 =	vmmov $0x7f;
	vm8 =	vmmov $0xff;
	s8 =	ssub.s32 s8, s31;
	s11 =	sshll.u32 s11, $0x4;
	s6 =	sadd.s32 s6, s10;
	[tilespmem:$0x1FFE0] =	vst v0;
	v0 =	vsel vm5, $0xFFFFFFFF, v63  }
0xd: {  	vm10 =	vmmov $0x3ff;
	vm12 =	vmmov $0xfff;
	vm15 =	vmmov $0x7fff;
	s7 =	sadd.s32 s7, s10;
	s8 =	smax.u32 s8, $0x1;
	s10 =	simm.s32 $0x200;
	[tilespmem:$0x1FFF0] =	vst v0  }
.LBB2_1:
0xe: {  	[tilespmem:s2], [sflag:$0x2] =	stream.linear.gather [hbm4b:s6+s2], $0x200, $0x38;
	[tilespmem:$0xB800] =	vst v63  }
0xf: {  	_ =	swait.ge [sflag:s9], $0x200  }
0x10: {  	[sflag:s9] =	ssyncset.done $0x0  }
0x11: {  	[sflag:s9] =	ssyncadd.s32 $0xFFFFFE00  }
0x12: {  	[tilespmem:s10], [sflag:$0x2] =	stream.linear.gather [hbm4b:s5+s2], $0x3200, $0x38;
	[tilespmem:$0xB800] =	vst v63  }
0x13: {  	_ =	swait.ge [sflag:s9], $0x3200  }
0x14: {  	s17 =	simm.s32 $0xB600;
	[sflag:s9] =	ssyncset.done $0x0  }
0x15: {  	s18 =	simm.s32 $0x0;
	s19 =	simm.s32 $0x0;
	[sflag:s9] =	ssyncadd.s32 $0xFFFFCE00  }
.LBB2_2:
0x16: {  	s20 =	sshll.u32 s19, $0xB  }
0x17: {  	s21 =	sor.u32 s11, s20  }
0x18: {  	s20 =	simm.s32 $0x0;
	s22 =	sadd.s32 s3, s21  }
0x19: {  	[tilespmem:s12], [sflag:$0x1] =	stream.linear.gather [hbm4b:s22+s20], $0x4000, $0x38;
	[tilespmem:$0xB800] =	vst v63  }
0x1a: {  	s21 =	sadd.s32 s4, s21  }
0x1b: {  	[tilespmem:s13], [sflag:$0x1] =	stream.linear.gather [hbm4b:s21+s20], $0x4000, $0x38;
	[tilespmem:$0xB800] =	vst v63  }
0x1c: {  	_ =	swait.ge [sflag:s14], $0x4000  }
0x1d: {  	[sflag:s14] =	ssyncset.done $0x0  }
0x1e: {  	[sflag:s14] =	ssyncadd.s32 $0xFFFFC000  }
0x1f: {  	v0 =	vmov s18;
	_ =	swait.ge [sflag:s14], $0x4000  }
0x20: {  	v63 =	vmov s17;
	[sflag:s14] =	ssyncset.done $0x0;
	[tilespmem:$0x1FF80] =	vst v0  }
0x21: {  	s22 =	simm.s32 $0x7A00;
	s21 =	simm.s32 $0x3A00;
	[tilespmem:$0x1FF90] =	vst v63;
	[sflag:s14] =	ssyncadd.s32 $0xFFFFC000  }
.LBB2_3:
0x22: {  	v0 =	vld [tilespmem:$0x1FF80]  }
0x23: {  	v1 =	vld [tilespmem:s21+$0xFFFFFC00]  }
0x24: {  	v4 =	vld [tilespmem:s21+$0xFFFFFC10]  }
0x25: {  	v3 =	vld [tilespmem:s22+$0xFFFFFC10]  }
0x26: {  	v10 =	vld [tilespmem:s21+$0xFFFFFC20]  }
0x27: {  	v7 =	vld [tilespmem:s22+$0xFFFFFC20]  }
0x28: {  	v42 =	vld [tilespmem:s21+$0xFFFFFC30]  }
0x29: {  	v22 =	vld [tilespmem:s22+$0xFFFFFC30]  }
0x2a: {  	s23 =	sshra.s32 s20, $0x2;
	v6 =	vld [tilespmem:s21+$0xFFFFFC80]  }
0x2b: {  	v0 =	vld.idx.msk [tilespmem:v0+s23+$0x0 ss:$0x1], $0xffff  }
0x2c: {  	v5 =	vld [tilespmem:s22+$0xFFFFFC80]  }
0x2d: {  	v9 =	vld [tilespmem:s21+$0xFFFFFC90]  }
0x2e: {  	v8 =	vld [tilespmem:s22+$0xFFFFFC90]  }
0x2f: {  	v23 =	vld [tilespmem:s21+$0xFFFFFCA0]  }
0x30: {  	v20 =	vld [tilespmem:s22+$0xFFFFFCA0];
	v0 =	vshll.u32 v0, $0x9  }
0x31: {  	v44 =	vld [tilespmem:s21+$0xFFFFFCB0];
	v2 =	vshra.s32 v0, $0x2  }
0x32: {  	v43 =	vld [tilespmem:s22+$0xFFFFFCB0];
	(v2sf) =	vpush v2, $0x0  }
0x33: {  	v14 =	vld [tilespmem:s21+$0xFFFFFD00];
	(v2sf) =	vpush v2, $0x1  }
0x34: {  	v24 =	vld [tilespmem:s21+$0xFFFFFD10]  }
0x35: {  	v21 =	vld [tilespmem:s22+$0xFFFFFD10]  }
0x36: {  	v28 =	vld [tilespmem:s21+$0xFFFFFD20]  }
0x37: {  	v27 =	vld [tilespmem:s22+$0xFFFFFD20]  }
0x38: {  	v54 =	vld [tilespmem:s21+$0xFFFFFD30]  }
0x39: {  	v49 =	vld [tilespmem:s22+$0xFFFFFD30]  }
0x3a: {  	v18 =	vld [tilespmem:s21+$0xFFFFFD80]  }
0x3b: {  	v15 =	vld [tilespmem:s22+$0xFFFFFD80]  }
0x3c: {  	v26 =	vld [tilespmem:s21+$0xFFFFFD90]  }
0x3d: {  	v25 =	vld [tilespmem:s22+$0xFFFFFD90]  }
0x3e: {  	v38 =	vld [tilespmem:s21+$0xFFFFFDA0]  }
0x3f: {  	v37 =	vld [tilespmem:s22+$0xFFFFFDA0]  }
0x40: {  	v59 =	vld [tilespmem:s21+$0xFFFFFDB0]  }
0x41: {  	v58 =	vld [tilespmem:s22+$0xFFFFFDB0];
	s24 =	spop (v2sf);
	(v2sf) =	vpush v2, $0x2  }
0x42: {  	v31 =	vld [tilespmem:s21+$0xFFFFFE00];
	s29 =	spop (v2sf);
	(v2sf) =	vpush v2, $0x3  }
0x43: {  	v40 =	vld [tilespmem:s21+$0xFFFFFE10]  }
0x44: {  	v39 =	vld [tilespmem:s22+$0xFFFFFE10]  }
0x45: {  	v52 =	vld [tilespmem:s21+$0xFFFFFE20]  }
0x46: {  	v0 =	vld [tilespmem:s22+$0xFFFFFC00]  }
0x47: {  	v48 =	vld [tilespmem:s22+$0xFFFFFE20]  }
0x48: {  	v60 =	vld [tilespmem:s22+$0xFFFFFE30]  }
0x49: {  	v57 =	vld [tilespmem:s21+$0xFFFFFE30]  }
0x4a: {  	v47 =	vld [tilespmem:s22+$0xFFFFFE80]  }
0x4b: {  	v0 =	vmul.f32 v0, v1;
	v1 =	vld [tilespmem:s21+$0x30]  }
0x4c: {  	v46 =	vld [tilespmem:s21+$0xFFFFFF00]  }
0x4d: {  	[tilespmem:$0x1FC30] =	vst v60;
	v60 =	vld [tilespmem:s21+$0xFFFFFE90]  }
0x4e: {  	[tilespmem:$0x1FC20] =	vst v57;
	v57 =	vld [tilespmem:s22+$0xFFFFFE90]  }
0x4f: {  	v18 =	vmul.f32 v15, v18;
	v15 =	vld [tilespmem:s21+$0x100]  }
0x50: {  	[tilespmem:$0x1FEC0] =	vst v1;
	v1 =	vld [tilespmem:s22+$0x30];
	s30 =	spop (v2sf);
	(v2sf) =	vpush v2, $0x4  }
0x51: {  	v13 =	vld [tilespmem:s24+$0x200];
	s31 =	spop (v2sf);
	(v2sf) =	vpush v2, $0x5  }
0x52: {  	v11 =	vld [tilespmem:s24+$0x210]  }
0x53: {  	v16 =	vld [tilespmem:s24+$0x220]  }
0x54: {  	v12 =	vld [tilespmem:s29+$0x230]  }
0x55: {  	v33 =	vld [tilespmem:s24+$0x230]  }
0x56: {  	v17 =	vld [tilespmem:s29+$0x210]  }
0x57: {  	vm5 =	vmmov vm15;
	vm15 =	vgt.f32 v13, $0.0e+00;
	v13 =	vld [tilespmem:s21+$0x80]  }
0x58: {  	vm0 =	vgt.f32 v11, $0.0e+00;
	v11 =	vld [tilespmem:s22+$0x80]  }
0x59: {  	[tilespmem:$0x1FBF0] =	vst v12;
	v12 =	vld [tilespmem:s22+$0xFFFFFD00]  }
0x5a: {  	v0 =	vadd.f32 $0.0e+00, v0;
	v19 =	vld [tilespmem:s29+$0x200]  }
0x5b: {  	v34 =	vld [tilespmem:s29+$0x220]  }
0x5c: {  	[tilespmem:$0x1FED0] =	vst v1;
	v1 =	vmul.f32 v3, v4;
	v0 =	vnsel vm15, $0x0, v0;
	vm15 =	vgt.f32 v17, $0.0e+00;
	v17 =	vld [tilespmem:s21+$0x1A0]  }
0x5d: {  	vm13 =	vmmov vm1;
	vm1 =	vgt.f32 v33, $0.0e+00;
	[tilespmem:$0x1FEB0] =	vst v11;
	v11 =	vmul.f32 v8, v9;
	v8 =	vld [tilespmem:s21+$0xB0]  }
0x5e: {  	v1 =	vnsel vm0, $0x0, v1;
	[tilespmem:$0x1FEA0] =	vst v13;
	v13 =	vmul.f32 v5, v6;
	v33 =	vmul.f32 v12, v14;
	v14 =	vld [tilespmem:s21+$0x120]  }
0x5f: {  	v0 =	vadd.f32 v1, v0;
	v12 =	vld [tilespmem:s21+$0x190];
	s25 =	spop (v2sf);
	(v2sf) =	vpush v2, $0x6  }
0x60: {  	v1 =	vadd.f32 $0.0e+00, v13;
	v13 =	vld [tilespmem:s22+$0x90];
	s26 =	spop (v2sf);
	(v2sf) =	vpush v2, $0x7  }
0x61: {  	v30 =	vld [tilespmem:s30+$0x200]  }
0x62: {  	v53 =	vld [tilespmem:s30+$0x210]  }
0x63: {  	v36 =	vld [tilespmem:s30+$0x220]  }
0x64: {  	v50 =	vld [tilespmem:s30+$0x230]  }
0x65: {  	v63 =	vld [tilespmem:s26+$0x220]  }
0x66: {  	v35 =	vld [tilespmem:s31+$0x200]  }
0x67: {  	v29 =	vld [tilespmem:s31+$0x230]  }
0x68: {  	[tilespmem:$0x1FF00] =	vst v13;
	v13 =	vld [tilespmem:s22+$0x120]  }
0x69: {  	v32 =	vld [tilespmem:s31+$0x210]  }
0x6a: {  	[tilespmem:$0x1FC70] =	vst v63;
	v63 =	vld [tilespmem:s26+$0x230]  }
0x6b: {  	v41 =	vld [tilespmem:s31+$0x220]  }
0x6c: {  	[tilespmem:$0x1FC00] =	vst v29;
	v29 =	vld [tilespmem:s22+$0xFFFFFE00]  }
0x6d: {  	v13 =	vmul.f32 v13, v14;
	v14 =	vld [tilespmem:s21+$0x2B0]  }
0x6e: {  	v61 =	vld [tilespmem:s26+$0x200];
	s28 =	spop (v2sf);
	(v2sf) =	vpush v2, $0x8  }
0x6f: {  	[tilespmem:$0x1FD10] =	vst v63;
	v63 =	vld [tilespmem:s28+$0x200];
	s29 =	spop (v2sf);
	(v2sf) =	vpush v2, $0x9  }
0x70: {  	v56 =	vld [tilespmem:s25+$0x200]  }
0x71: {  	v62 =	vld [tilespmem:s26+$0x210]  }
0x72: {  	v55 =	vld [tilespmem:s25+$0x210]  }
0x73: {  	[tilespmem:$0x1FC40] =	vst v61;
	v61 =	vld [tilespmem:s21+$0xFFFFFEA0]  }
0x74: {  	[tilespmem:$0x1FCA0] =	vst v63;
	v63 =	vld [tilespmem:s28+$0x220]  }
0x75: {  	v51 =	vld [tilespmem:s25+$0x230]  }
0x76: {  	[tilespmem:$0x1FC50] =	vst v62;
	v62 =	vld [tilespmem:s22+$0xFFFFFEA0]  }
0x77: {  	v45 =	vld [tilespmem:s25+$0x220]  }
0x78: {  	[tilespmem:$0x1FC80] =	vst v61;
	v61 =	vld [tilespmem:s21+$0xFFFFFEB0]  }
0x79: {  	[tilespmem:$0x1FCE0] =	vst v63;
	v63 =	vld [tilespmem:s21+$0xFFFFFF20]  }
0x7a: {  	[tilespmem:$0x1FC60] =	vst v51;
	v51 =	vld [tilespmem:s21+$0xFFFFFE80]  }
0x7b: {  	[tilespmem:$0x1FC90] =	vst v62;
	v62 =	vld [tilespmem:s22+$0xFFFFFEB0]  }
0x7c: {  	[tilespmem:$0x1FC10] =	vst v45;
	v45 =	vld [tilespmem:s22+$0xFFFFFF00]  }
0x7d: {  	[tilespmem:$0x1FCF0] =	vst v61;
	v61 =	vld [tilespmem:s28+$0x210];
	s30 =	spop (v2sf)  }
0x7e: {  	[tilespmem:$0x1FCD0] =	vst v63;
	v63 =	vld [tilespmem:s22+$0xFFFFFF20];
	s31 =	spop (v2sf)  }
0x7f: {  	v3 =	vld [tilespmem:s31+$0x200]  }
0x80: {  	[tilespmem:$0x1FD00] =	vst v62;
	v62 =	vld [tilespmem:s21+$0xFFFFFF10]  }
0x81: {  	vm0 =	vgt.f32 v16, $0.0e+00;
	v16 =	vld [tilespmem:s31+$0x210]  }
0x82: {  	v10 =	vmul.f32 v7, v10;
	[tilespmem:$0x1FCB0] =	vst v61;
	v61 =	vld [tilespmem:s22+$0xFFFFFF10]  }
0x83: {  	[tilespmem:$0x1FCC0] =	vst v63;
	v63 =	vld [tilespmem:s28+$0x230]  }
0x84: {  	[tilespmem:$0x1FEE0] =	vst v3;
	v3 =	vnsel vm0, $0x0, v10;
	v10 =	vld [tilespmem:s21+$0x90]  }
0x85: {  	vm0 =	vgt.f32 v19, $0.0e+00;
	v19 =	vld [tilespmem:s31+$0x220]  }
0x86: {  	[tilespmem:$0x1FF10] =	vst v16;
	v16 =	vmul.f32 v22, v42;
	v22 =	vld [tilespmem:s21+$0xA0]  }
0x87: {  	v42 =	vld [tilespmem:s22+$0xA0]  }
0x88: {  	v23 =	vmul.f32 v20, v23;
	[tilespmem:$0x1FD60] =	vst v63;
	v63 =	vld [tilespmem:s21+$0xFFFFFF30]  }
0x89: {  	v0 =	vadd.f32 v3, v0;
	v1 =	vnsel vm0, $0x0, v1;
	vm0 =	vgt.f32 v34, $0.0e+00;
	v34 =	vld [tilespmem:s31+$0x230]  }
0x8a: {  	v3 =	vnsel vm15, $0x0, v11;
	v11 =	vmul.f32 v27, v28;
	v27 =	vmul.f32 v37, v38;
	v37 =	vld [tilespmem:$0x1FC10]  }
0x8b: {  	v38 =	vmul.f32 v47, v51;
	v47 =	vld [tilespmem:$0x1FC50]  }
0x8c: {  	v7 =	vnsel vm0, $0x0, v23;
	v23 =	vld [tilespmem:$0x1FBF0]  }
0x8d: {  	[tilespmem:$0x1FD20] =	vst v63;
	v63 =	vld [tilespmem:s22+$0xFFFFFF30]  }
0x8e: {  	vm0 =	vgt.f32 v30, $0.0e+00;
	v30 =	vmul.f32 v39, v40;
	v39 =	vld [tilespmem:$0x1FC20]  }
0x8f: {  	v40 =	vld [tilespmem:$0x1FC30]  }
0x90: {  	v4 =	vnsel vm1, $0x0, v16;
	v16 =	vld [tilespmem:s22+$0x190]  }
0x91: {  	[tilespmem:$0x1FEF0] =	vst v10;
	v10 =	vadd.f32 $0.0e+00, v33;
	v33 =	vld [tilespmem:s21+$0x110]  }
0x92: {  	v9 =	vmul.f32 v21, v24;
	[tilespmem:$0x1FD30] =	vst v63;
	v63 =	vld [tilespmem:s29+$0x200]  }
0x93: {  	(v2sf) =	vpush v2, $0xA;
	v0 =	vadd.f32 v4, v0;
	[tilespmem:$0x1FF30] =	vst v19;
	v19 =	vmul.f32 v43, v44;
	v44 =	vld [tilespmem:$0x1FC40]  }
0x94: {  	vm1 =	vgt.f32 v53, $0.0e+00;
	[tilespmem:$0x1FF20] =	vst v22;
	v22 =	vmul.f32 v25, v26;
	v26 =	vmul.f32 v49, v54;
	v49 =	vld [tilespmem:$0x1FC60]  }
0x95: {  	[tilespmem:$0x1FF60] =	vst v0;
	v0 =	vnsel vm1, $0x0, v9;
	vm1 =	vgt.f32 v32, $0.0e+00;
	v32 =	vmul.f32 v58, v59;
	v59 =	vld [tilespmem:$0x1FCA0]  }
0x96: {  	v58 =	vmul.f32 v61, v62;
	v61 =	vld [tilespmem:$0x1FCC0]  }
0x97: {  	[tilespmem:$0x1FD90] =	vst v63;
	v63 =	vld [tilespmem:s21+$0xFFFFFF80]  }
0x98: {  	v62 =	vld [tilespmem:$0x1FCD0]  }
0x99: {  	v43 =	vadd.f32 $0.0e+00, v38;
	v38 =	vld [tilespmem:$0x1FCE0]  }
0x9a: {  	(v2sf) =	vpush v2, $0xB;
	[tilespmem:$0x1FF50] =	vst v34;
	v34 =	vld [tilespmem:s22+$0xB0]  }
0x9b: {  	v25 =	vnsel vm1, $0x0, v22;
	v22 =	vld [tilespmem:s22+$0x110]  }
0x9c: {  	[tilespmem:$0x1FD40] =	vst v63;
	v63 =	vld [tilespmem:s22+$0xFFFFFF80]  }
0x9d: {  	v1 =	vadd.f32 v3, v1;
	v3 =	vnsel vm0, $0x0, v10;
	vm0 =	vgt.f32 v36, $0.0e+00;
	v36 =	vld [tilespmem:$0x1FC00]  }
0x9e: {  	vm15 =	vgt.f32 v23, $0.0e+00;
	v23 =	vld [tilespmem:s22+$0x1A0]  }
0x9f: {  	vm1 =	vgt.f32 v41, $0.0e+00;
	v41 =	vmul.f32 v57, v60;
	v60 =	vld [tilespmem:$0x1FCB0]  }
0xa0: {  	v3 =	vadd.f32 v0, v3;
	v0 =	vld [tilespmem:s22+$0x100]  }
0xa1: {  	[tilespmem:$0x1FD50] =	vst v63;
	v63 =	vld [tilespmem:s29+$0x210]  }
0xa2: {  	v6 =	vnsel vm15, $0x0, v19;
	v19 =	vld [tilespmem:s22+$0x180]  }
0xa3: {  	v4 =	vnsel vm0, $0x0, v11;
	vm0 =	vgt.f32 v35, $0.0e+00;
	v35 =	vmul.f32 v48, v52;
	v52 =	vld [tilespmem:$0x1FC70]  }
0xa4: {  	v28 =	vmul.f32 v29, v31;
	s25 =	spop (v2sf);
	v29 =	vnsel vm1, $0x0, v27;
	vm1 =	vgt.f32 v55, $0.0e+00;
	v55 =	vld [tilespmem:$0x1FC80]  }
0xa5: {  	v53 =	vld [tilespmem:s25+$0x200]  }
0xa6: {  	[tilespmem:$0x1FDA0] =	vst v63;
	v63 =	vld [tilespmem:s21+$0xFFFFFF90]  }
0xa7: {  	v11 =	vld [tilespmem:s25+$0x210]  }
0xa8: {  	v5 =	vadd.f32 $0.0e+00, v18;
	v21 =	vld [tilespmem:s25+$0x220]  }
0xa9: {  	v1 =	vadd.f32 v7, v1;
	s26 =	spop (v2sf);
	v3 =	vadd.f32 v4, v3;
	v4 =	vld [tilespmem:s25+$0x230]  }
0xaa: {  	v24 =	vnsel vm0, $0x0, v5;
	v9 =	vld [tilespmem:s26+$0x200]  }
0xab: {  	vm0 =	vgt.f32 v50, $0.0e+00;
	v1 =	vadd.f32 v6, v1;
	v6 =	vnsel vm1, $0x0, v30;
	[tilespmem:$0x1FD70] =	vst v63;
	v63 =	vld [tilespmem:s22+$0xFFFFFF90]  }
0xac: {  	vm1 =	vgt.f32 v37, $0.0e+00;
	v7 =	vnsel vm0, $0x0, v26;
	vm0 =	vgt.f32 v56, $0.0e+00;
	v56 =	vld [tilespmem:$0x1FC90]  }
0xad: {  	v10 =	vnsel vm1, $0x0, v35;
	v35 =	vld [tilespmem:$0x1FFA0]  }
0xae: {  	v5 =	vadd.f32 v25, v24;
	v24 =	vmul.f32 v40, v39;
	v39 =	vld [tilespmem:$0x1FCF0]  }
0xaf: {  	v40 =	vld [tilespmem:$0x1FD00]  }
0xb0: {  	[tilespmem:$0x1FD80] =	vst v63;
	v63 =	vld [tilespmem:s29+$0x220]  }
0xb1: {  	vm15 =	vgt.f32 v49, $0.0e+00;
	v49 =	vld [tilespmem:$0x1FD60]  }
0xb2: {  	v31 =	vadd.f32 $0.0e+00, v28;
	[tilespmem:$0x1FF70] =	vst v1;
	v1 =	vld [tilespmem:s21+$0x130]  }
0xb3: {  	v54 =	vadd.f32 v7, v3;
	v3 =	vld [tilespmem:s22+$0x130]  }
0xb4: {  	v7 =	vnsel vm0, $0x0, v31;
	vm0 =	vgt.f32 v36, $0.0e+00;
	v36 =	vld [tilespmem:$0x1FFB0]  }
0xb5: {  	[tilespmem:$0x1FDF0] =	vst v63;
	v63 =	vld [tilespmem:s21+$0xFFFFFFA0]  }
0xb6: {  	v5 =	vadd.f32 v29, v5;
	v22 =	vmul.f32 v22, v33;
	v33 =	vld [tilespmem:s21+$0x2A0]  }
0xb7: {  	[tilespmem:$0x1FF40] =	vst v8;
	v7 =	vadd.f32 v6, v7;
	v6 =	vld [tilespmem:s21+$0x180];
	v8 =	vnsel vm0, $0x0, v32  }
0xb8: {  	vm0 =	vgt.f32 v44, $0.0e+00;
	v18 =	vadd.f32 v8, v5;
	v5 =	vld [tilespmem:s26+$0x210]  }
0xb9: {  	v50 =	vnsel vm0, $0x0, v43;
	v43 =	vld [tilespmem:$0x1FD20]  }
0xba: {  	[tilespmem:$0x1FDB0] =	vst v63;
	v63 =	vld [tilespmem:s22+$0xFFFFFFA0]  }
0xbb: {  	vm1 =	vgt.f32 v47, $0.0e+00;
	v8 =	vadd.f32 v10, v7;
	v10 =	vld [tilespmem:s26+$0x220]  }
0xbc: {  	v7 =	vnsel vm1, $0x0, v41;
	v41 =	vld [tilespmem:$0x1FD10]  }
0xbd: {  	v48 =	vmul.f32 v45, v46;
	v44 =	vld [tilespmem:$0x1FD30]  }
0xbe: {  	v29 =	vmul.f32 v40, v39;
	v40 =	vld [tilespmem:s21+$0x220]  }
0xbf: {  	(v2sf) =	vpush v2, $0xC;
	v20 =	vadd.f32 $0.0e+00, v48;
	[tilespmem:$0x1FDC0] =	vst v63;
	v63 =	vld [tilespmem:s29+$0x230]  }
0xc0: {  	vm2 =	vgt.f32 v60, $0.0e+00;
	vm1 =	vgt.f32 v59, $0.0e+00;
	v51 =	vadd.f32 v7, v50;
	v7 =	vld [tilespmem:s26+$0x230]  }
0xc1: {  	v27 =	vnsel vm2, $0x0, v58;
	v32 =	vnsel vm1, $0x0, v20;
	v20 =	vld [tilespmem:s21+$0x1B0]  }
0xc2: {  	vm14 =	vmmov vm12;
	vm12 =	vmmov vm10;
	v37 =	vadd.f32 v27, v32;
	v27 =	vld [tilespmem:s22+$0x1B0]  }
0xc3: {  	vm10 =	vmmov vm8;
	vm8 =	vmmov vm6;
	vm6 =	vnez.u8 v36;
	v36 =	vld [tilespmem:s21+$0x200]  }
0xc4: {  	v28 =	vmul.f32 v61, v62;
	v57 =	vmul.f32 v56, v55;
	[tilespmem:$0x1FE60] =	vst v63;
	v63 =	vld [tilespmem:s21+$0xFFFFFFB0]  }
0xc5: {  	vm3 =	vgt.f32 v52, $0.0e+00;
	vm0 =	vgt.f32 v38, $0.0e+00;
	v32 =	vld [tilespmem:s21+$0x210]  }
0xc6: {  	v28 =	vnsel vm0, $0x0, v28;
	v26 =	vnsel vm3, $0x0, v57;
	v6 =	vmul.f32 v19, v6;
	v19 =	vld [tilespmem:s22+$0x2B0]  }
0xc7: {  	v25 =	vadd.f32 v26, v51;
	v26 =	vadd.f32 v28, v37;
	v37 =	vld [tilespmem:s22+$0x210]  }
0xc8: {  	v57 =	vld [tilespmem:$0x1FD90]  }
0xc9: {  	[tilespmem:$0x1FE40] =	vst v63;
	v63 =	vld [tilespmem:s22+$0xFFFFFFB0]  }
0xca: {  	vm1 =	vgt.f32 v41, $0.0e+00;
	v45 =	vmul.f32 v44, v43;
	v41 =	vld [tilespmem:s22+$0x220]  }
0xcb: {  	vm0 =	vgt.f32 v49, $0.0e+00;
	v50 =	vnsel vm1, $0x0, v29;
	v29 =	vld [tilespmem:s22+$0x200]  }
0xcc: {  	v24 =	vnsel vm15, $0x0, v24;
	v28 =	vadd.f32 v50, v25;
	v51 =	vnsel vm0, $0x0, v45;
	v50 =	vld [tilespmem:$0x1FFE0]  }
0xcd: {  	v30 =	vadd.f32 v24, v8;
	v24 =	vadd.f32 v51, v26;
	v51 =	vld [tilespmem:$0x1FFD0]  }
0xce: {  	s28 =	spop (v2sf);
	[tilespmem:$0x1FE50] =	vst v63;
	v63 =	vld [tilespmem:s30+$0x200]  }
0xcf: {  	v31 =	vld [tilespmem:s28+$0x200]  }
0xd0: {  	(v2sf) =	vpush v2, $0xD;
	v25 =	vld [tilespmem:s28+$0x210]  }
0xd1: {  	v39 =	vld [tilespmem:s28+$0x220]  }
0xd2: {  	v46 =	vld [tilespmem:$0x1FD40]  }
0xd3: {  	[tilespmem:$0x1FE20] =	vst v63;
	v63 =	vld [tilespmem:s21+$0x0]  }
0xd4: {  	vm3 =	vnez.u8 v51;
	v51 =	vld [tilespmem:s21+$0x290]  }
0xd5: {  	v52 =	vld [tilespmem:$0x1FD70]  }
0xd6: {  	v55 =	vld [tilespmem:$0x1FD80]  }
0xd7: {  	v47 =	vld [tilespmem:$0x1FD50]  }
0xd8: {  	[tilespmem:$0x1FDD0] =	vst v63;
	v63 =	vld [tilespmem:s22+$0x0]  }
0xd9: {  	v58 =	vld [tilespmem:$0x1FDA0]  }
0xda: {  	v43 =	vld [tilespmem:$0x1FDF0]  }
0xdb: {  	v8 =	vmul.f32 v55, v52;
	v52 =	vld [tilespmem:$0x1FFC0]  }
0xdc: {  	v59 =	vld [tilespmem:$0x1FDB0]  }
0xdd: {  	[tilespmem:$0x1FDE0] =	vst v63;
	v63 =	vld [tilespmem:s30+$0x210]  }
0xde: {  	(v2sf) =	vpush v2, $0xE;
	v60 =	vld [tilespmem:$0x1FDC0]  }
0xdf: {  	s29 =	spop (v2sf);
	(v2sf) =	vpush v2, $0xF;
	v2 =	vld [tilespmem:s22+$0x2A0]  }
0xe0: {  	vm2 =	vnez.u8 v50;
	v50 =	vld [tilespmem:s29+$0x210]  }
0xe1: {  	v55 =	vld [tilespmem:$0x1FE60]  }
0xe2: {  	vm11 =	vmmov vm9;
	[tilespmem:$0x1FE30] =	vst v63;
	v63 =	vld [tilespmem:s21+$0x10]  }
0xe3: {  	vm9 =	vmmov vm4;
	vm4 =	vnez.u8 v35;
	v35 =	vmul.f32 v60, v59;
	v59 =	vld [tilespmem:$0x1FEA0]  }
0xe4: {  	v48 =	vmul.f32 v47, v46;
	v60 =	vld [tilespmem:$0x1FEB0]  }
0xe5: {  	v46 =	vld [tilespmem:$0x1FE20]  }
0xe6: {  	v56 =	vadd.f32 $0.0e+00, v48;
	v48 =	vld [tilespmem:$0x1FE40]  }
0xe7: {  	[tilespmem:$0x1FE00] =	vst v63;
	v63 =	vld [tilespmem:s22+$0x10]  }
0xe8: {  	vm0 =	vgt.f32 v57, $0.0e+00;
	vm1 =	vgt.f32 v58, $0.0e+00;
	v49 =	vld [tilespmem:$0x1FE50]  }
0xe9: {  	v26 =	vnsel vm0, $0x0, v56;
	v8 =	vnsel vm1, $0x0, v8;
	vm0 =	vgt.f32 v43, $0.0e+00;
	v61 =	vld [tilespmem:$0x1FDD0]  }
0xea: {  	v35 =	vnsel vm0, $0x0, v35;
	vm0 =	vgt.f32 v46, $0.0e+00;
	v46 =	vmul.f32 v60, v59;
	v59 =	vld [tilespmem:$0x1FF20]  }
0xeb: {  	v8 =	vadd.f32 v8, v26;
	v62 =	vld [tilespmem:$0x1FDE0]  }
0xec: {  	[tilespmem:$0x1FE10] =	vst v63;
	v63 =	vld [tilespmem:s30+$0x220]  }
0xed: {  	v8 =	vadd.f32 v35, v8;
	v35 =	vld [tilespmem:s28+$0x230]  }
0xee: {  	v43 =	vmul.f32 v49, v48;
	v48 =	vld [tilespmem:s21+$0x280]  }
0xef: {  	v60 =	vld [tilespmem:$0x1FF30]  }
0xf0: {  	v42 =	vmul.f32 v42, v59;
	v59 =	vld [tilespmem:s22+$0x310]  }
0xf1: {  	v38 =	vmul.f32 v62, v61;
	[tilespmem:$0x1FE90] =	vst v63;
	v63 =	vld [tilespmem:s21+$0x20]  }
0xf2: {  	v47 =	vld [tilespmem:$0x1FE30]  }
0xf3: {  	v61 =	vld [tilespmem:$0x1FEC0];
	v38 =	vadd.f32 $0.0e+00, v38  }
0xf4: {  	v62 =	vld [tilespmem:$0x1FED0]  }
0xf5: {  	v38 =	vnsel vm0, $0x0, v38;
	vm0 =	vgt.f32 v55, $0.0e+00;
	v55 =	vld [tilespmem:$0x1FEF0]  }
0xf6: {  	[tilespmem:$0x1FE70] =	vst v63;
	v63 =	vld [tilespmem:s22+$0x20]  }
0xf7: {  	v44 =	vld [tilespmem:$0x1FE00]  }
0xf8: {  	v45 =	vld [tilespmem:$0x1FE10]  }
0xf9: {  	vm1 =	vgt.f32 v47, $0.0e+00;
	v43 =	vnsel vm0, $0x0, v43;
	v47 =	vld [tilespmem:s29+$0x200]  }
0xfa: {  	v8 =	vadd.f32 v43, v8;
	v43 =	vmul.f32 v62, v61;
	v62 =	vld [tilespmem:$0x1FF40]  }
0xfb: {  	v56 =	vld [tilespmem:$0x1FE70];
	[tilespmem:$0x1FE80] =	vst v63  }
0xfc: {  	v57 =	vld [tilespmem:$0x1FE80]  }
0xfd: {  	v26 =	vmul.f32 v45, v44;
	v44 =	vld [tilespmem:s21+$0x230]  }
0xfe: {  	v58 =	vld [tilespmem:$0x1FE90]  }
0xff: {  	v15 =	vmul.f32 v0, v15;
	v63 =	vld [tilespmem:s30+$0x230]  }
0x100: {  	v26 =	vnsel vm1, $0x0, v26;
	vm1 =	vmmov vm13;
	vm13 =	vnez.u8 v52;
	v52 =	vld [tilespmem:$0x1FEE0]  }
0x101: {  	v26 =	vadd.f32 v26, v38;
	v38 =	vmul.f32 v57, v56;
	v56 =	vld [tilespmem:$0x1FF00]  }
0x102: {  	v15 =	vadd.f32 $0.0e+00, v15;
	v1 =	vmul.f32 v3, v1;
	v57 =	vld [tilespmem:$0x1FF10]  }
0x103: {  	v20 =	vmul.f32 v27, v20;
	v14 =	vmul.f32 v19, v14;
	v45 =	vld [tilespmem:s22+$0x230];
	vm0 =	vgt.f32 v58, $0.0e+00;
	s30 =	spop (v2sf)  }
0x104: {  	v3 =	vld [tilespmem:s30+$0x200];
	v38 =	vnsel vm0, $0x0, v38;
	vm0 =	vgt.f32 v63, $0.0e+00;
	v63 =	vadd.f32 $0.0e+00, v46  }
0x105: {  	v46 =	vld [tilespmem:s22+$0x280];
	v26 =	vadd.f32 v38, v26;
	v43 =	vnsel vm0, $0x0, v43;
	vm0 =	vgt.f32 v52, $0.0e+00  }
0x106: {  	v2 =	vmul.f32 v2, v33;
	v52 =	vld [tilespmem:s21+$0x300];
	v38 =	vnsel vm0, $0x0, v63;
	v49 =	vmul.f32 v56, v55  }
0x107: {  	v63 =	vld [tilespmem:$0x1FF50];
	vm0 =	vgt.f32 v57, $0.0e+00;
	v0 =	vadd.f32 v43, v26;
	v56 =	vmul.f32 v29, v36  }
0x108: {  	v43 =	vld [tilespmem:s22+$0x290];
	v57 =	vmul.f32 v23, v17;
	v36 =	vmul.f32 v41, v40;
	v58 =	vnsel vm0, $0x0, v49  }
0x109: {  	v55 =	vld [tilespmem:s22+$0x300];
	vm0 =	vgt.f32 v60, $0.0e+00;
	v49 =	vadd.f32 $0.0e+00, v6;
	v60 =	vmul.f32 v37, v32  }
0x10a: {  	v17 =	vld [tilespmem:s30+$0x220];
	v26 =	vadd.f32 v58, v38;
	v42 =	vnsel vm0, $0x0, v42;
	vm0 =	vgt.f32 v53, $0.0e+00  }
0x10b: {  	v41 =	vld [tilespmem:s21+$0x330];
	v40 =	vmul.f32 v46, v48;
	v53 =	vmul.f32 v16, v12;
	v15 =	vnsel vm0, $0x0, v15  }
0x10c: {  	v37 =	vld [tilespmem:s30+$0x230];
	vm0 =	vgt.f32 v11, $0.0e+00;
	v61 =	vadd.f32 v42, v26;
	v26 =	vmul.f32 v34, v62  }
0x10d: {  	v38 =	vld [tilespmem:s29+$0x220];
	v46 =	vadd.f32 $0.0e+00, v40;
	v22 =	vnsel vm0, $0x0, v22;
	vm0 =	vgt.f32 v63, $0.0e+00  }
0x10e: {  	v58 =	vld [tilespmem:s21+$0x310];
	v6 =	vmul.f32 v55, v52;
	v42 =	vnsel vm0, $0x0, v26;
	vm0 =	vgt.f32 v21, $0.0e+00  }
0x10f: {  	v34 =	vld [tilespmem:s29+$0x230];
	v15 =	vadd.f32 v22, v15;
	v13 =	vnsel vm0, $0x0, v13;
	vm0 =	vgt.f32 v4, $0.0e+00  }
0x110: {  	v63 =	vld [tilespmem:s22+$0x320];
	v6 =	vadd.f32 $0.0e+00, v6;
	v1 =	vnsel vm0, $0x0, v1;
	vm0 =	vgt.f32 v9, $0.0e+00  }
0x111: {  	v52 =	vld [tilespmem:s22+$0x380];
	v11 =	vadd.f32 v42, v61;
	v13 =	vadd.f32 v13, v15;
	v4 =	vnsel vm0, $0x0, v49  }
0x112: {  	v61 =	vld [tilespmem:s21+$0x320];
	vm0 =	vgt.f32 v5, $0.0e+00;
	v5 =	vadd.f32 $0.0e+00, v56;
	v49 =	vmul.f32 v43, v51  }
0x113: {  	v51 =	vld [tilespmem:s21+$0x380];
	v1 =	vadd.f32 v1, v13;
	v9 =	vnsel vm0, $0x0, v53;
	vm0 =	vgt.f32 v10, $0.0e+00  }
0x114: {  	v15 =	vld [tilespmem:s30+$0x210];
	v4 =	vadd.f32 v9, v4;
	v10 =	vnsel vm0, $0x0, v57;
	vm0 =	vgt.f32 v31, $0.0e+00  }
0x115: {  	v53 =	vld [tilespmem:$0x1FF60];
	v57 =	vmul.f32 v59, v58;
	v5 =	vnsel vm0, $0x0, v5;
	vm0 =	vgt.f32 v25, $0.0e+00  }
0x116: {  	v56 =	vld [tilespmem:$0x1FF70];
	v4 =	vadd.f32 v10, v4;
	v62 =	vnsel vm0, $0x0, v60;
	vm0 =	vgt.f32 v7, $0.0e+00  }
0x117: {  	v58 =	vld [tilespmem:s21+$0x390];
	v7 =	vmul.f32 v63, v61;
	v5 =	vadd.f32 v62, v5;
	v32 =	vnsel vm0, $0x0, v20  }
0x118: {  	v60 =	vld [tilespmem:s22+$0x390];
	vm0 =	vgt.f32 v39, $0.0e+00;
	v39 =	vmul.f32 v45, v44;
	v12 =	vmul.f32 v52, v51  }
0x119: {  	v63 =	vld [tilespmem:s22+$0x3A0];
	v4 =	vadd.f32 v32, v4;
	v42 =	vnsel vm0, $0x0, v36;
	vm0 =	vgt.f32 v35, $0.0e+00  }
0x11a: {  	v62 =	vld [tilespmem:s21+$0x3A0];
	(xrf2) =	vadd.scan.msk.f32 $0xffff, v53;
	v5 =	vadd.f32 v42, v5;
	v45 =	vnsel vm0, $0x0, v39;
	vm0 =	vgt.f32 v47, $0.0e+00  }
0x11b: {  	s31 =	spop (v2sf);
	v44 =	vld [tilespmem:s22+$0x330];
	(xrf2) =	vadd.scan.msk.f32 $0xffff, v56;
	v12 =	vadd.f32 $0.0e+00, v12;
	v22 =	vnsel vm0, $0x0, v46;
	vm0 =	vgt.f32 v50, $0.0e+00  }
0x11c: {  	v48 =	vld [tilespmem:s31+$0x200];
	(xrf2) =	vadd.scan.msk.f32 $0xffff, v54;
	v26 =	vnsel vm0, $0x0, v49;
	vm0 =	vgt.f32 v38, $0.0e+00;
	v5 =	vadd.f32 v45, v5  }
0x11d: {  	v55 =	vld [tilespmem:s31+$0x210];
	(xrf2) =	vadd.scan.msk.f32 $0xffff, v18;
	v23 =	vmul.f32 v60, v58;
	v2 =	vnsel vm0, $0x0, v2;
	vm0 =	vgt.f32 v3, $0.0e+00  }
0x11e: {  	v21 =	vld [tilespmem:s22+$0x3B0];
	v59 =	vadd.f32 v26, v22;
	(xrf2) =	vadd.scan.msk.f32 $0xffff, v30;
	v6 =	vnsel vm0, $0x0, v6;
	vm0 =	vgt.f32 v15, $0.0e+00  }
0x11f: {  	v18 =	vld [tilespmem:s21+$0x3B0];
	(xrf2) =	vadd.scan.msk.f32 $0xffff, v28;
	v28 =	vmul.f32 v63, v62;
	v3 =	vnsel vm0, $0x0, v57;
	vm0 =	vgt.f32 v17, $0.0e+00  }
0x120: {  	v61 =	vld [tilespmem:s31+$0x220];
	(xrf2) =	vadd.scan.msk.f32 $0xffff, v24;
	v17 =	vmul.f32 v44, v41;
	v7 =	vnsel vm0, $0x0, v7;
	vm0 =	vgt.f32 v34, $0.0e+00  }
0x121: {  	v3 =	vadd.f32 v3, v6;
	(xrf2) =	vadd.scan.msk.f32 $0xffff, v8;
	v19 =	vnsel vm0, $0x0, v14;
	vm0 =	vgt.f32 v37, $0.0e+00  }
0x122: {  	v2 =	vadd.f32 v2, v59;
	v24 =	vld [tilespmem:s31+$0x230];
	(xrf2) =	vadd.scan.msk.f32 $0xffff, v0;
	v22 =	vnsel vm0, $0x0, v17;
	vm0 =	vgt.f32 v48, $0.0e+00  }
0x123: {  	v3 =	vadd.f32 v7, v3;
	(xrf2) =	vadd.scan.msk.f32 $0xffff, v11;
	v25 =	vnsel vm0, $0x0, v12;
	vm0 =	vgt.f32 v55, $0.0e+00  }
0x124: {  	v33 =	vmul.f32 v21, v18;
	v2 =	vadd.f32 v19, v2;
	v26, _, _ =	vpop (xrf2);
	(xrf2) =	vadd.scan.msk.f32 $0xffff, v1;
	v27 =	vnsel vm0, $0x0, v23  }
0x125: {  	v0 =	vadd.f32 v22, v3;
	v29, _, _ =	vpop (xrf2);
	(xrf2) =	vadd.scan.msk.f32 $0xffff, v4;
	vm0 =	vgt.f32 v61, $0.0e+00;
	v1 =	vadd.f32 v27, v25  }
0x126: {  	v30 =	vbroadcast v26, $0xF;
	v31, _, _ =	vpop (xrf2);
	(xrf2) =	vadd.scan.msk.f32 $0xffff, v5;
	v3 =	vnsel vm0, $0x0, v28;
	v32 =	vbroadcast v29, $0xF  }
0x127: {  	vm0 =	vgt.f32 v24, $0.0e+00;
	v34, _, _ =	vpop (xrf2);
	(xrf2) =	vadd.scan.msk.f32 $0xffff, v2;
	v35 =	vbroadcast v31, $0xF;
	v1 =	vadd.f32 v3, v1  }
0x128: {  	v39 =	vnsel vm0, $0x0, v33;
	v36 =	vsel vm7, v30, v32;
	v37, _, _ =	vpop (xrf2);
	(xrf2) =	vadd.scan.msk.f32 $0xffff, v0;
	v38 =	vbroadcast v34, $0xF  }
0x129: {  	v40, _, _ =	vpop (xrf2);
	v2 =	vsel vm4, v36, v35;
	v41 =	vbroadcast v37, $0xF;
	v1 =	vadd.f32 v39, v1  }
0x12a: {  	v42, _, _ =	vpop (xrf2);
	v0 =	vsel vm9, v2, v38;
	v43 =	vbroadcast v40, $0xF  }
0x12b: {  	v0 =	vsel vm6, v0, v41;
	v44 =	vbroadcast v42, $0xF;
	v45, _, _ =	vpop (xrf2);
	(xrf2) =	vadd.scan.msk.f32 $0xffff, v1  }
0x12c: {  	v46, _, _ =	vpop (xrf2);
	v0 =	vsel vm11, v0, v43;
	v47 =	vbroadcast v45, $0xF  }
0x12d: {  	v48, _, _ =	vpop (xrf2);
	v0 =	vsel vm8, v0, v44;
	v1 =	vbroadcast v46, $0xF  }
0x12e: {  	v49, _, _ =	vpop (xrf2);
	v0 =	vsel vm1, v0, v47;
	v50 =	vbroadcast v48, $0xF  }
0x12f: {  	v60 =	vld [tilespmem:$0x1FFF0];
	v51, _, _ =	vpop (xrf2);
	v0 =	vsel vm10, v0, v1;
	v52 =	vbroadcast v49, $0xF  }
0x130: {  	v53, _, _ =	vpop (xrf2);
	v0 =	vsel vm2, v0, v50;
	v54 =	vbroadcast v51, $0xF  }
0x131: {  	v55, _, _ =	vpop (xrf2);
	v0 =	vsel vm12, v0, v52;
	v56 =	vbroadcast v53, $0xF  }
0x132: {  	v57, _, _ =	vpop (xrf2);
	v0 =	vsel vm3, v0, v54;
	v58 =	vbroadcast v55, $0xF  }
0x133: {  	v0 =	vsel vm14, v0, v56;
	v59 =	vbroadcast v57, $0xF  }
0x134: {  	vm0 =	vnez.u8 v60;
	v0 =	vsel vm13, v0, v58  }
0x135: {  	v0 =	vsel vm0, v0, v59;
	v61, _, _ =	vpop (xrf2)  }
0x136: {  	v0 =	vsel vm5, v0, v61  }
0x137: {  	v1 =	vand.u32 $0x7FFFFFFF, v0  }
0x138: {  	v1 =	vsub.f32 $0.0e+00, v1;
	_ =	sdelay $0x1  }
0x139: {  	v1 =	vmul.f32 $1.442695020e+00, v1;
	_ =	sdelay $0x1  }
0x13a: {  	(erf) = vpow2.f32 v1;
	_ =	sdelay $0x8  }
0x13b: {  	v1 =	vpop (erf)  }
0x13c: {  	v62 =	vadd.f32 $1.000000000e+00, v1;
	_ =	sdelay $0x1  }
0x13d: {  	(erf) = vrcp.f32 v62;
	_ =	sdelay $0x4  }
0x13e: {  	v63 =	vld [tilespmem:$0x1FF90];
	_ =	sdelay $0x2  }
0x13f: {  	p0 =	sne.s32 s20, $0x1C0  }
.Ltmp0:
0x140: {  	v2 =	vpop (erf);
	(pc) =	sbr.rel @p0 .LBB2_3-.Ltmp0, $4  }
0x141: {  	v1 =	vmul.f32 v2, v1  }
0x142: {  	vm15 =	vmmov vm5;
	vm4 =	vmmov vm9;
	vm0 =	vge.f32 v0, $0.0e+00  }
0x143: {  	vm9 =	vmmov vm11;
	vm6 =	vmmov vm8;
	v0 =	vsel vm0, v2, v1  }
0x144: {  	s20 =	sadd.s32 $0x40, s20;
	s22 =	sadd.s32 $0x800, s22;
	s21 =	sadd.s32 $0x800, s21;
	vm8 =	vmmov vm10;
	vm10 =	vmmov vm12;
	vm12 =	vmmov vm14;
	[tilespmem:v63+s23+$0x0 ss:$0x1] =	vst.idx.msk $0xffff, v0  }
0x145: {  	s19 =	sadd.s32 $0x1, s19  }
0x146: {  	p0 =	sne.s32 s19, $0x4  }
.Ltmp1:
0x147: {  	_ = 	snop;
	(pc) =	sbr.rel @p0 .LBB2_2-.Ltmp1, $2  }
0x148: {  	_ =	sdelay $0x2  }
0x149: {  	s18 =	sadd.s32 $0x80, s18;
	s17 =	sadd.s32 $0x80, s17  }
0x14a: {  	s16 =	sadd.s32 $0x1, s16  }
0x14b: {  	p0 =	sne.s32 s16, s8  }
.Ltmp2:
0x14c: {  	_ = 	snop;
	(pc) =	sbr.rel @p0 .LBB2_1-.Ltmp2, $4  }
0x14d: {  	[hbm4b:s7+s2] =	stream.linear.scatter [tilespmem:s15], [sflag:$0x2], $0x200, $0x38;
	[tilespmem:$0xB800] =	vst v63  }
0x14e: {  	_ =	swait.ge [sflag:s9], $0x200  }
0x14f: {  	[sflag:s9] =	ssyncset.done $0x0  }
0x150: {  	[sflag:s9] =	ssyncadd.s32 $0xFFFFFE00  }
0x151: {  	_ =	sfence.sel $0x180000  }
0x152: {  	[bflag:$0x0] =	sbarrier.arrive $0xFFFF  }
0x153: {  	p0 =	sne.s32 s1, $0x0;
	_ =	strace $0x9000004A  }
0x154: {  	s0 =	sadd.s32 @!p0 $0x100000, s0;
	[bflag:$0x2] =	sbarrier.arrive $0xFFFF  }
0x155: {  	[sflag:s0] =	ssyncadd.tile.s32 @!p0 $0x1;
	_ =	shalt  }
.Lfunc_end2:
_tile_overlayer_lowered:
.L_overlay_start_2:
0x156: {  	(tag) =	ssettag $0x2  }
0x157: {  	s0 =	rddreg [dreg:$0x0];
	s2 =	stileid.u32  }
0x158: {  	s1 =	rddreg [dreg:$0x1];
	p0 =	sne.s32 s2, $0x0  }
0x159: {  	s3 =	rddreg [dreg:$0x2];
	[bflag:$0x3] =	sbarrier.arrive $0xFFFF;
	s2 =	simm.s32 @!p0 $0x1C02  }
0x15a: {  	[timem:s3], [sflag:s2] =	dma.local @!p0 [hbm:s0], s1  }
0x15b: {  	s0 =	simm.s32 @!p0 $0x2  }
0x15c: {  	_ =	swait.ge @!p0 [sflag:s0], s1  }
0x15d: {  	s1 =	ssub.s32 @!p0 $0x0, s1;
	[sflag:s0] =	ssyncset.done @!p0 $0x0  }
0x15e: {  	[sflag:s0] =	ssyncadd.s32 @!p0 s1  }
0x15f: {  	[bflag:$0x3] =	sbarrier.arrive $0xFFFF  }
0x160: {  	_ =	shalt  }

</sc_bundles>
